<compile_context>
chip_gen: v7x
topology: tpu7x:2x2x1
jax: 0.10.2.dev20260603
libtpu: 0.0.44.dev20260713+nightly
codegen_flags: <defaults>
</compile_context>

<pallas_src>
import functools

import jax
import jax.numpy as jnp
from jax import lax
from jax.experimental import pallas as pl
from jax.experimental.pallas import tpu as pltpu
from jax.experimental.pallas import tpu_sc as plsc

_NUM_GRAPHS = 16
_EPS = 1e-5
_NC = 2
_NS = 16
_CHUNK = 128


def _mm_body(z_ref, w_ref, h_ref):
    h_ref[0] = jnp.maximum(
        lax.dot_general(z_ref[...], w_ref[0], (((1,), (0,)), ((), ())),
                        preferred_element_type=jnp.float32),
        0.0)


def _relu_mm(zin, W, bm):
    npad, d = zin.shape
    num_rel, _, hid = W.shape
    return pl.pallas_call(
        _mm_body,
        grid=(npad // bm, num_rel),
        in_specs=[
            pl.BlockSpec((bm, d), lambda i, r: (i, 0)),
            pl.BlockSpec((1, d, hid), lambda i, r: (r, 0, 0)),
        ],
        out_specs=pl.BlockSpec((1, bm, hid), lambda i, r: (r, i, 0)),
        out_shape=jax.ShapeDtypeStruct((num_rel, npad, hid), jnp.float32),
    )(zin, W)


def _make_edge_kernel(npad, hid, chunks_per_worker, nrows_tab):
    rows_per_tile = npad // _NS

    mesh = plsc.VectorSubcoreMesh(core_axis_name="c", subcore_axis_name="s")

    half = chunks_per_worker // 2

    @functools.partial(
        pl.kernel, mesh=mesh,
        out_type=jax.ShapeDtypeStruct((_NC, npad, hid), jnp.float32),
        scratch_types=[
            pltpu.VMEM((half, _CHUNK), jnp.int32),
            pltpu.VMEM((half, _CHUNK), jnp.int32),
            pltpu.VMEM((_CHUNK, hid), jnp.float32),
            pltpu.VMEM((_CHUNK, hid), jnp.float32),
            pltpu.VMEM_SHARED((npad, hid), jnp.float32),
            pltpu.SemaphoreType.DMA,
            pltpu.SemaphoreType.DMA,
            pltpu.SemaphoreType.DMA,
            pltpu.SemaphoreType.DMA,
        ],
    )
    def edge_kernel(h_hbm, gidx_hbm, src_hbm, out_hbm, gidx_v, src_v, rows_a,
                    rows_b, acc_sh, sem0, sem1, asem0, asem1):
        c = lax.axis_index("c")
        s = lax.axis_index("s")
        wid = c * _NS + s
        row_base = wid * chunks_per_worker

        def _zero_body(i, carry):
            r = i // (hid // 16)
            col = (i % (hid // 16)) * 16
            rows_a[r, pl.ds(col, 16)] = jnp.zeros((16,), jnp.float32)
            return carry
        lax.fori_loop(0, _CHUNK * (hid // 16), _zero_body, 0)
        for t in range(rows_per_tile // _CHUNK):
            pltpu.sync_copy(
                rows_a,
                acc_sh.at[pl.ds(s * rows_per_tile + t * _CHUNK, _CHUNK)])
        plsc.subcore_barrier()

        for h in range(2):
            pltpu.sync_copy(
                gidx_hbm.at[pl.ds(row_base + h * half, half)], gidx_v)
            pltpu.sync_copy(
                src_hbm.at[pl.ds(row_base + h * half, half)], src_v)
            pltpu.async_copy(h_hbm.at[gidx_v.at[0]], rows_a, sem0)
            pltpu.make_async_copy(
                h_hbm.at[pl.ds(0, _CHUNK)], rows_a, sem0).wait()
            pltpu.async_copy(rows_a, acc_sh.at[src_v.at[0]], asem0,
                             add=True)
            pltpu.async_copy(h_hbm.at[gidx_v.at[1]], rows_b, sem1)

            def _body(i, carry):
                k0 = 2 * i + 1
                pltpu.make_async_copy(
                    h_hbm.at[pl.ds(0, _CHUNK)], rows_b, sem1).wait()
                pltpu.async_copy(rows_b, acc_sh.at[src_v.at[k0]], asem1,
                                 add=True)
                pltpu.make_async_copy(
                    rows_a, acc_sh.at[pl.ds(0, _CHUNK)], asem0).wait()
                pltpu.async_copy(h_hbm.at[gidx_v.at[k0 + 1]], rows_a, sem0)
                pltpu.make_async_copy(
                    h_hbm.at[pl.ds(0, _CHUNK)], rows_a, sem0).wait()
                pltpu.async_copy(rows_a, acc_sh.at[src_v.at[k0 + 1]], asem0,
                                 add=True)
                pltpu.make_async_copy(
                    rows_b, acc_sh.at[pl.ds(0, _CHUNK)], asem1).wait()
                pltpu.async_copy(h_hbm.at[gidx_v.at[k0 + 2]], rows_b, sem1)
                return carry
            lax.fori_loop(0, half // 2 - 1, _body, 0)
            pltpu.make_async_copy(
                h_hbm.at[pl.ds(0, _CHUNK)], rows_b, sem1).wait()
            pltpu.async_copy(rows_b, acc_sh.at[src_v.at[half - 1]], asem1,
                             add=True)
            pltpu.make_async_copy(
                rows_a, acc_sh.at[pl.ds(0, _CHUNK)], asem0).wait()
            pltpu.make_async_copy(
                rows_b, acc_sh.at[pl.ds(0, _CHUNK)], asem1).wait()
        plsc.subcore_barrier()

        for t in range(rows_per_tile // _CHUNK):
            off = s * rows_per_tile + t * _CHUNK
            pltpu.sync_copy(acc_sh.at[pl.ds(off, _CHUNK)], rows_a)
            pltpu.sync_copy(rows_a, out_hbm.at[c, pl.ds(off, _CHUNK)])

    return edge_kernel


def _make_bn(n, npad, hid):
    def _bn_body(p_ref, g_ref, b_ref, z_ref):
        o = p_ref[0, :n, :] + p_ref[1, :n, :]
        mean = jnp.mean(o, axis=0, keepdims=True)
        d = o - mean
        var = jnp.mean(d * d, axis=0, keepdims=True)
        zn = d * lax.rsqrt(var + _EPS) * g_ref[...] + b_ref[...]
        z_ref[:n, :] = jnp.maximum(zn, 0.0)
        z_ref[n:, :] = jnp.zeros((npad - n, hid), jnp.float32)

    return pl.pallas_call(
        _bn_body,
        out_shape=jax.ShapeDtypeStruct((npad, hid), jnp.float32),
    )


def _make_seg(n, dim):
    def _seg_body(b_ref, z_ref, g_ref):
        ids = jnp.broadcast_to(b_ref[...], (_NUM_GRAPHS, n))
        onehot = (ids == lax.broadcasted_iota(jnp.int32, (_NUM_GRAPHS, n), 0)
                  ).astype(jnp.float32)
        g_ref[...] = lax.dot_general(
            onehot, z_ref[...], (((1,), (0,)), ((), ())),
            preferred_element_type=jnp.float32)

    return pl.pallas_call(
        _seg_body,
        out_shape=jax.ShapeDtypeStruct((_NUM_GRAPHS, dim), jnp.float32),
    )


def kernel(x, edge_index, edge_type, batch, W0, W1, W2, g0, b0, g1, b1, g2,
           b2):
    n, in_dim = x.shape
    ne = edge_index.shape[1]
    num_rel, _, hid = W0.shape
    id_dim = W1.shape[1] - hid

    nw = _NC * _NS
    npad = ((n + 2047) // 2048) * 2048
    epw = ((ne + nw * _CHUNK * 8 - 1) // (nw * _CHUNK * 8)) * _CHUNK * 8
    ne_pad = epw * nw
    chunks_per_worker = epw // _CHUNK

    src = edge_index[0].astype(jnp.int32)
    dst = edge_index[1].astype(jnp.int32)
    et = edge_type.astype(jnp.int32)
    pad = ne_pad - ne
    gidx = jnp.concatenate(
        [et * npad + dst, jnp.zeros((pad,), jnp.int32)]).reshape(-1, _CHUNK)
    srcp = jnp.concatenate(
        [src, jnp.full((pad,), npad - 1, jnp.int32)]).reshape(-1, _CHUNK)

    x_pad = jnp.pad(x, ((0, npad - n), (0, 0)))
    edge_call = _make_edge_kernel(npad, hid, chunks_per_worker,
                                  num_rel * npad)
    bn_call = _make_bn(n, npad, hid)

    Ws = (W0, W1, W2)
    gs = (g0, g1, g2)
    bs = (b0, b1, b2)
    zin = x_pad
    zs = []
    for l in range(3):
        H = _relu_mm(zin, Ws[l], bm=1024)
        parts = edge_call(H.reshape(num_rel * npad, hid), gidx, srcp)
        z = bn_call(parts, gs[l].reshape(1, hid), bs[l].reshape(1, hid))
        zs.append(z[:n])
        if l < 2:
            zin = jnp.concatenate([x_pad[:, :id_dim], z], axis=1)

    z_cat = jnp.concatenate(zs, axis=1)
    g_cat = _make_seg(n, 3 * hid)(
        batch.reshape(1, n).astype(jnp.int32), z_cat)
    return (z_cat, g_cat)

# --- scband reference (transcript-rebuilt; emitter-appended) ---
"""Pipeline reference for scband-graph-rgsn-6571299963188 (READ-ONLY COPY).

The authoritative reference and input builder live on the scoring server;
editing this copy changes nothing except your own understanding.
"""

import jax, jax.numpy as jnp
import numpy as np

N_NODES = 10000
N_EDGES = 320000
IN_DIM = 128
HID = 128
ID_DIM = 64
NUM_REL = 8
NUM_LAYERS = 3
NUM_GRAPHS = 16
EPS = 1e-5


def _xavier(key, shape):
    fan_in, fan_out = shape[-2], shape[-1]
    a = float(np.sqrt(6.0 / (fan_in + fan_out)))
    return jax.random.uniform(key, shape, jnp.float32, minval=-a, maxval=a)


def setup_inputs(seed: int = 0) -> dict:
    key = jax.random.key(seed)
    ks = jax.random.split(key, 10)
    x = jax.random.normal(ks[0], (N_NODES, IN_DIM), jnp.float32)
    edge_index = jax.random.randint(ks[1], (2, N_EDGES), 0, N_NODES)
    edge_type = jax.random.randint(ks[2], (N_EDGES,), 0, NUM_REL)
    batch = jnp.sort(jax.random.randint(ks[3], (N_NODES,), 0, NUM_GRAPHS))
    # per-layer per-relation weights: layer0 (IN_DIM, HID); layers 1,2 (HID+ID_DIM, HID)
    W0 = _xavier(ks[4], (NUM_REL, IN_DIM, HID))
    W1 = _xavier(ks[5], (NUM_REL, HID + ID_DIM, HID))
    W2 = _xavier(ks[6], (NUM_REL, HID + ID_DIM, HID))
    g0 = jnp.ones((HID,), jnp.float32); b0 = jnp.zeros((HID,), jnp.float32)
    g1 = jnp.ones((HID,), jnp.float32); b1 = jnp.zeros((HID,), jnp.float32)
    g2 = jnp.ones((HID,), jnp.float32); b2 = jnp.zeros((HID,), jnp.float32)
    return {"x": x, "edge_index": edge_index, "edge_type": edge_type, "batch": batch,
            "W0": W0, "W1": W1, "W2": W2,
            "g0": g0, "b0": b0, "g1": g1, "b1": b1, "g2": g2, "b2": b2}


def reference(x, edge_index, edge_type, batch, W0, W1, W2, g0, b0, g1, b1, g2, b2):
    Ws = [W0, W1, W2]
    gammas = [g0, g1, g2]
    betas = [b0, b1, b2]
    n = x.shape[0]
    src_all = edge_index[0]
    dst_all = edge_index[1]
    rel_masks = [(edge_type == r).astype(x.dtype) for r in range(NUM_REL)]
    z = x
    zs = []
    for l in range(NUM_LAYERS):
        if l != 0:
            z = jnp.concatenate([x[:, :ID_DIM], z], axis=1)
        out = jnp.zeros((n, HID), x.dtype)
        for r in range(NUM_REL):
            msg = jax.nn.relu(z[dst_all] @ Ws[l][r]) * rel_masks[r][:, None]
            out = out.at[src_all].add(msg)
        # BatchNorm1d, training mode (biased batch stats)
        mean = out.mean(axis=0)
        var = out.var(axis=0)
        zn = (out - mean) / jnp.sqrt(var + EPS) * gammas[l] + betas[l]
        z = jax.nn.relu(zn)
        zs.append(z)
    gs = [jax.ops.segment_sum(zz, batch, num_segments=NUM_GRAPHS) for zz in zs]
    z_cat = jnp.concatenate(zs, axis=1)
    g_cat = jnp.concatenate(gs, axis=1)
    return (z_cat, g_cat)

if __name__ == "__main__":
    import jax
    _d = setup_inputs()
    print(jax.jit(kernel)(*tuple(_d.values())))

</pallas_src>

<mosaic_0001>
#map = affine_map<(d0, d1) -> (0, 0)>
#map1 = affine_map<(d0, d1) -> (0, 0, 0)>
module attributes {stable_mosaic.version = 14 : i64} {
  func.func @edge_kernel(%arg0: i32, %arg1: i32, %arg2: memref<81920x128xf32, #tpu.memory_space<hbm>>, %arg3: memref<2560x128xi32, #tpu.memory_space<hbm>>, %arg4: memref<2560x128xi32, #tpu.memory_space<hbm>>, %arg5: memref<2x10240x128xf32, #tpu.memory_space<hbm>>, %arg6: memref<40x128xi32, #tpu.memory_space<vmem>>, %arg7: memref<40x128xi32, #tpu.memory_space<vmem>>, %arg8: memref<128x128xf32, #tpu.memory_space<vmem>>, %arg9: memref<128x128xf32, #tpu.memory_space<vmem>>, %arg10: memref<10240x128xf32, #tpu.memory_space<vmem_shared>>, %arg11: memref<!tpu.dma_semaphore, #tpu.memory_space<semaphore_mem>>, %arg12: memref<!tpu.dma_semaphore, #tpu.memory_space<semaphore_mem>>, %arg13: memref<!tpu.dma_semaphore, #tpu.memory_space<semaphore_mem>>, %arg14: memref<!tpu.dma_semaphore, #tpu.memory_space<semaphore_mem>>) attributes {dimension_semantics = [#tpu.dimension_semantics<core_parallel>, #tpu.dimension_semantics<subcore_parallel>], iteration_bounds = array<i64: 2, 16>, scalar_prefetch = 0 : i64, scratch_operands = 9 : i64, tpu.core_type = #tpu.core_type<sc_vector_subcore>, window_params = [{transform_indices = #map}, {transform_indices = #map}, {transform_indices = #map}, {transform_indices = #map1}]} {
    %mul3A = arith.constant 16 : i32
    %mul3A_0 = arith.muli %arg0, %mul3A : i32
    %add3A = arith.addi %mul3A_0, %arg1 : i32
    %mul3A_1 = arith.constant 80 : i32
    %mul3A_2 = arith.muli %add3A, %mul3A_1 : i32
    %scan3A = arith.constant 0 : i32
    %scan3A_3 = arith.constant 0 : i32
    %scan3A_4 = arith.constant 1024 : i32
    %scan3A_5 = arith.addi %scan3A_3, %scan3A_4 : i32
    %scan3A_6 = arith.constant 1 : i32
    scf.for %scan3A_171 = %scan3A_3 to %scan3A_5 step %scan3A_6  : i32 {
      %jit3A = arith.constant 8 : i32
      %div3A = arith.divsi %scan3A_171, %jit3A : i32
      %sign3A = arith.constant 0 : i32
      %sign3A_172 = arith.cmpi sgt, %scan3A_171, %sign3A : i32
      %sign3A_173 = arith.extui %sign3A_172 : i1 to i32
      %sign3A_174 = arith.constant 0 : i32
      %sign3A_175 = arith.cmpi slt, %scan3A_171, %sign3A_174 : i32
      %sign3A_176 = arith.extui %sign3A_175 : i1 to i32
      %sign3A_177 = arith.subi %sign3A_173, %sign3A_176 : i32
      %sign3A_178 = arith.constant 0 : i32
      %sign3A_179 = arith.cmpi sgt, %jit3A, %sign3A_178 : i32
      %sign3A_180 = arith.extui %sign3A_179 : i1 to i32
      %sign3A_181 = arith.constant 0 : i32
      %sign3A_182 = arith.cmpi slt, %jit3A, %sign3A_181 : i32
      %sign3A_183 = arith.extui %sign3A_182 : i1 to i32
      %sign3A_184 = arith.subi %sign3A_180, %sign3A_183 : i32
      %ne3A = arith.cmpi ne, %sign3A_177, %sign3A_184 : i32
      %rem3A = arith.remsi %scan3A_171, %jit3A : i32
      %ne3A_185 = arith.constant 0 : i32
      %ne3A_186 = arith.cmpi ne, %rem3A, %ne3A_185 : i32
      %and3A = arith.andi %ne3A, %ne3A_186 : i1
      %sub3A = arith.constant 1 : i32
      %sub3A_187 = arith.subi %div3A, %sub3A : i32
      %select_n3A = arith.select %and3A, %sub3A_187, %div3A : i32
      %jit3A_188 = arith.constant 8 : i32
      %eq3A = arith.constant 0 : i32
      %eq3A_189 = arith.cmpi eq, %jit3A_188, %eq3A : i32
      %jit3A_190 = arith.constant 1 : i32
      %select_n3A_191 = arith.select %eq3A_189, %jit3A_190, %jit3A_188 : i32
      %rem3A_192 = arith.remsi %scan3A_171, %select_n3A_191 : i32
      %ne3A_193 = arith.constant 0 : i32
      %ne3A_194 = arith.cmpi ne, %rem3A_192, %ne3A_193 : i32
      %lt3A = arith.constant 0 : i32
      %lt3A_195 = arith.cmpi slt, %rem3A_192, %lt3A : i32
      %lt3A_196 = arith.constant 0 : i32
      %lt3A_197 = arith.cmpi slt, %select_n3A_191, %lt3A_196 : i32
      %ne3A_198 = arith.xori %lt3A_195, %lt3A_197 : i1
      %and3A_199 = arith.andi %ne3A_198, %ne3A_194 : i1
      %add3A_200 = arith.addi %rem3A_192, %select_n3A_191 : i32
      %select_n3A_201 = arith.select %and3A_199, %add3A_200, %rem3A_192 : i32
      %mul3A_202 = arith.constant 16 : i32
      %mul3A_203 = arith.muli %select_n3A_201, %mul3A_202 : i32
      %broadcast_in_dim3A = arith.constant 0.000000e+00 : f32
      %broadcast_in_dim3A_204 = vector.broadcast %broadcast_in_dim3A : f32 to vector<16xf32>
      %swap3A = arith.index_cast %select_n3A : i32 to index
      %swap3A_205 = arith.index_cast %mul3A_203 : i32 to index
      %swap3A_206 = tpu.vector_load %arg8[%swap3A, %swap3A_205] {strides = array<i32>} : memref<128x128xf32, #tpu.memory_space<vmem>>, vector<1x16xf32>,
      %swap3A_207 = vector.shape_cast %swap3A_206 : vector<1x16xf32> to vector<16xf32>
      %swap3A_208 = vector.shape_cast %broadcast_in_dim3A_204 : vector<16xf32> to vector<1x16xf32>
      tpu.vector_store %arg8[%swap3A, %swap3A_205], %swap3A_208 {strides = array<i32>} : memref<128x128xf32, #tpu.memory_space<vmem>>, vector<1x16xf32>,
    }
    %scan3A_7 = arith.constant 1024 : i32
    %mul3A_8 = arith.constant 640 : i32
    %mul3A_9 = arith.muli %arg1, %mul3A_8 : i32
    %add3A_10 = arith.constant 0 : i32
    %add3A_11 = arith.addi %mul3A_9, %add3A_10 : i32
    "tpu.region"() ({
      %run_scoped3A = tpu.sem_alloc : memref<!tpu.dma_semaphore, #tpu.memory_space<semaphore_mem>>
      %dma_start3A_171 = arith.constant 0 : i32
      %dma_start3A_172 = tpu.memref_slice %arg10[%add3A_11, %dma_start3A_171] : memref<10240x128xf32, #tpu.memory_space<vmem_shared>> -> memref<128x128xf32, #tpu.memory_space<vmem_shared>>
      %dma_start3A_173 = arith.constant 0 : i32
      %dma_start3A_174 = tpu.memref_slice %arg10[%add3A_11, %dma_start3A_173] : memref<10240x128xf32, #tpu.memory_space<vmem_shared>> -> memref<128x128xf32, #tpu.memory_space<vmem_shared>>
      tpu.enqueue_dma source(%arg8 : memref<128x128xf32, #tpu.memory_space<vmem>>) target(%dma_start3A_174 : memref<128x128xf32, #tpu.memory_space<vmem_shared>>) target_semaphore(%run_scoped3A : memref<!tpu.dma_semaphore, #tpu.memory_space<semaphore_mem>>)
      %dma_wait3A_175 = arith.constant 0 : i32
      %dma_wait3A_176 = tpu.memref_slice %arg10[%add3A_11, %dma_wait3A_175] : memref<10240x128xf32, #tpu.memory_space<vmem_shared>> -> memref<128x128xf32, #tpu.memory_space<vmem_shared>>
      %dma_wait3A_177 = arith.constant 0 : i32
      %dma_wait3A_178 = tpu.memref_slice %arg10[%add3A_11, %dma_wait3A_177] : memref<10240x128xf32, #tpu.memory_space<vmem_shared>> -> memref<128x128xf32, #tpu.memory_space<vmem_shared>>
      tpu.wait_dma2 semaphore(%run_scoped3A : memref<!tpu.dma_semaphore, #tpu.memory_space<semaphore_mem>>) src(%arg8 : memref<128x128xf32, #tpu.memory_space<vmem>>) dst(%dma_wait3A_178 : memref<128x128xf32, #tpu.memory_space<vmem_shared>>)
      tpu.yield
    }) : () -> ()
    %mul3A_12 = arith.constant 640 : i32
    %mul3A_13 = arith.muli %arg1, %mul3A_12 : i32
    %add3A_14 = arith.constant 128 : i32
    %add3A_15 = arith.addi %mul3A_13, %add3A_14 : i32
    "tpu.region"() ({
      %run_scoped3A = tpu.sem_alloc : memref<!tpu.dma_semaphore, #tpu.memory_space<semaphore_mem>>
      %dma_start3A_171 = arith.constant 0 : i32
      %dma_start3A_172 = tpu.memref_slice %arg10[%add3A_15, %dma_start3A_171] : memref<10240x128xf32, #tpu.memory_space<vmem_shared>> -> memref<128x128xf32, #tpu.memory_space<vmem_shared>>
      %dma_start3A_173 = arith.constant 0 : i32
      %dma_start3A_174 = tpu.memref_slice %arg10[%add3A_15, %dma_start3A_173] : memref<10240x128xf32, #tpu.memory_space<vmem_shared>> -> memref<128x128xf32, #tpu.memory_space<vmem_shared>>
      tpu.enqueue_dma source(%arg8 : memref<128x128xf32, #tpu.memory_space<vmem>>) target(%dma_start3A_174 : memref<128x128xf32, #tpu.memory_space<vmem_shared>>) target_semaphore(%run_scoped3A : memref<!tpu.dma_semaphore, #tpu.memory_space<semaphore_mem>>)
      %dma_wait3A_175 = arith.constant 0 : i32
      %dma_wait3A_176 = tpu.memref_slice %arg10[%add3A_15, %dma_wait3A_175] : memref<10240x128xf32, #tpu.memory_space<vmem_shared>> -> memref<128x128xf32, #tpu.memory_space<vmem_shared>>
      %dma_wait3A_177 = arith.constant 0 : i32
      %dma_wait3A_178 = tpu.memref_slice %arg10[%add3A_15, %dma_wait3A_177] : memref<10240x128xf32, #tpu.memory_space<vmem_shared>> -> memref<128x128xf32, #tpu.memory_space<vmem_shared>>
      tpu.wait_dma2 semaphore(%run_scoped3A : memref<!tpu.dma_semaphore, #tpu.memory_space<semaphore_mem>>) src(%arg8 : memref<128x128xf32, #tpu.memory_space<vmem>>) dst(%dma_wait3A_178 : memref<128x128xf32, #tpu.memory_space<vmem_shared>>)
      tpu.yield
    }) : () -> ()
    %mul3A_16 = arith.constant 640 : i32
    %mul3A_17 = arith.muli %arg1, %mul3A_16 : i32
    %add3A_18 = arith.constant 256 : i32
    %add3A_19 = arith.addi %mul3A_17, %add3A_18 : i32
    "tpu.region"() ({
      %run_scoped3A = tpu.sem_alloc : memref<!tpu.dma_semaphore, #tpu.memory_space<semaphore_mem>>
      %dma_start3A_171 = arith.constant 0 : i32
      %dma_start3A_172 = tpu.memref_slice %arg10[%add3A_19, %dma_start3A_171] : memref<10240x128xf32, #tpu.memory_space<vmem_shared>> -> memref<128x128xf32, #tpu.memory_space<vmem_shared>>
      %dma_start3A_173 = arith.constant 0 : i32
      %dma_start3A_174 = tpu.memref_slice %arg10[%add3A_19, %dma_start3A_173] : memref<10240x128xf32, #tpu.memory_space<vmem_shared>> -> memref<128x128xf32, #tpu.memory_space<vmem_shared>>
      tpu.enqueue_dma source(%arg8 : memref<128x128xf32, #tpu.memory_space<vmem>>) target(%dma_start3A_174 : memref<128x128xf32, #tpu.memory_space<vmem_shared>>) target_semaphore(%run_scoped3A : memref<!tpu.dma_semaphore, #tpu.memory_space<semaphore_mem>>)
      %dma_wait3A_175 = arith.constant 0 : i32
      %dma_wait3A_176 = tpu.memref_slice %arg10[%add3A_19, %dma_wait3A_175] : memref<10240x128xf32, #tpu.memory_space<vmem_shared>> -> memref<128x128xf32, #tpu.memory_space<vmem_shared>>
      %dma_wait3A_177 = arith.constant 0 : i32
      %dma_wait3A_178 = tpu.memref_slice %arg10[%add3A_19, %dma_wait3A_177] : memref<10240x128xf32, #tpu.memory_space<vmem_shared>> -> memref<128x128xf32, #tpu.memory_space<vmem_shared>>
      tpu.wait_dma2 semaphore(%run_scoped3A : memref<!tpu.dma_semaphore, #tpu.memory_space<semaphore_mem>>) src(%arg8 : memref<128x128xf32, #tpu.memory_space<vmem>>) dst(%dma_wait3A_178 : memref<128x128xf32, #tpu.memory_space<vmem_shared>>)
      tpu.yield
    }) : () -> ()
    %mul3A_20 = arith.constant 640 : i32
    %mul3A_21 = arith.muli %arg1, %mul3A_20 : i32
    %add3A_22 = arith.constant 384 : i32
    %add3A_23 = arith.addi %mul3A_21, %add3A_22 : i32
    "tpu.region"() ({
      %run_scoped3A = tpu.sem_alloc : memref<!tpu.dma_semaphore, #tpu.memory_space<semaphore_mem>>
      %dma_start3A_171 = arith.constant 0 : i32
      %dma_start3A_172 = tpu.memref_slice %arg10[%add3A_23, %dma_start3A_171] : memref<10240x128xf32, #tpu.memory_space<vmem_shared>> -> memref<128x128xf32, #tpu.memory_space<vmem_shared>>
      %dma_start3A_173 = arith.constant 0 : i32
      %dma_start3A_174 = tpu.memref_slice %arg10[%add3A_23, %dma_start3A_173] : memref<10240x128xf32, #tpu.memory_space<vmem_shared>> -> memref<128x128xf32, #tpu.memory_space<vmem_shared>>
      tpu.enqueue_dma source(%arg8 : memref<128x128xf32, #tpu.memory_space<vmem>>) target(%dma_start3A_174 : memref<128x128xf32, #tpu.memory_space<vmem_shared>>) target_semaphore(%run_scoped3A : memref<!tpu.dma_semaphore, #tpu.memory_space<semaphore_mem>>)
      %dma_wait3A_175 = arith.constant 0 : i32
      %dma_wait3A_176 = tpu.memref_slice %arg10[%add3A_23, %dma_wait3A_175] : memref<10240x128xf32, #tpu.memory_space<vmem_shared>> -> memref<128x128xf32, #tpu.memory_space<vmem_shared>>
      %dma_wait3A_177 = arith.constant 0 : i32
      %dma_wait3A_178 = tpu.memref_slice %arg10[%add3A_23, %dma_wait3A_177] : memref<10240x128xf32, #tpu.memory_space<vmem_shared>> -> memref<128x128xf32, #tpu.memory_space<vmem_shared>>
      tpu.wait_dma2 semaphore(%run_scoped3A : memref<!tpu.dma_semaphore, #tpu.memory_space<semaphore_mem>>) src(%arg8 : memref<128x128xf32, #tpu.memory_space<vmem>>) dst(%dma_wait3A_178 : memref<128x128xf32, #tpu.memory_space<vmem_shared>>)
      tpu.yield
    }) : () -> ()
    %mul3A_24 = arith.constant 640 : i32
    %mul3A_25 = arith.muli %arg1, %mul3A_24 : i32
    %add3A_26 = arith.constant 512 : i32
    %add3A_27 = arith.addi %mul3A_25, %add3A_26 : i32
    "tpu.region"() ({
      %run_scoped3A = tpu.sem_alloc : memref<!tpu.dma_semaphore, #tpu.memory_space<semaphore_mem>>
      %dma_start3A_171 = arith.constant 0 : i32
      %dma_start3A_172 = tpu.memref_slice %arg10[%add3A_27, %dma_start3A_171] : memref<10240x128xf32, #tpu.memory_space<vmem_shared>> -> memref<128x128xf32, #tpu.memory_space<vmem_shared>>
      %dma_start3A_173 = arith.constant 0 : i32
      %dma_start3A_174 = tpu.memref_slice %arg10[%add3A_27, %dma_start3A_173] : memref<10240x128xf32, #tpu.memory_space<vmem_shared>> -> memref<128x128xf32, #tpu.memory_space<vmem_shared>>
      tpu.enqueue_dma source(%arg8 : memref<128x128xf32, #tpu.memory_space<vmem>>) target(%dma_start3A_174 : memref<128x128xf32, #tpu.memory_space<vmem_shared>>) target_semaphore(%run_scoped3A : memref<!tpu.dma_semaphore, #tpu.memory_space<semaphore_mem>>)
      %dma_wait3A_175 = arith.constant 0 : i32
      %dma_wait3A_176 = tpu.memref_slice %arg10[%add3A_27, %dma_wait3A_175] : memref<10240x128xf32, #tpu.memory_space<vmem_shared>> -> memref<128x128xf32, #tpu.memory_space<vmem_shared>>
      %dma_wait3A_177 = arith.constant 0 : i32
      %dma_wait3A_178 = tpu.memref_slice %arg10[%add3A_27, %dma_wait3A_177] : memref<10240x128xf32, #tpu.memory_space<vmem_shared>> -> memref<128x128xf32, #tpu.memory_space<vmem_shared>>
      tpu.wait_dma2 semaphore(%run_scoped3A : memref<!tpu.dma_semaphore, #tpu.memory_space<semaphore_mem>>) src(%arg8 : memref<128x128xf32, #tpu.memory_space<vmem>>) dst(%dma_wait3A_178 : memref<128x128xf32, #tpu.memory_space<vmem_shared>>)
      tpu.yield
    }) : () -> ()
    %barrier3A = arith.constant 0 : index
    tpu.barrier barrier_id(%barrier3A)
    %add3A_28 = arith.constant 0 : i32
    %add3A_29 = arith.addi %mul3A_2, %add3A_28 : i32
    "tpu.region"() ({
      %run_scoped3A = tpu.sem_alloc : memref<!tpu.dma_semaphore, #tpu.memory_space<semaphore_mem>>
      %dma_start3A_171 = arith.constant 0 : i32
      %dma_start3A_172 = tpu.memref_slice %arg3[%add3A_29, %dma_start3A_171] : memref<2560x128xi32, #tpu.memory_space<hbm>> -> memref<40x128xi32, #tpu.memory_space<hbm>>
      %dma_start3A_173 = arith.constant 0 : i32
      %dma_start3A_174 = tpu.memref_slice %arg3[%add3A_29, %dma_start3A_173] : memref<2560x128xi32, #tpu.memory_space<hbm>> -> memref<40x128xi32, #tpu.memory_space<hbm>>
      tpu.enqueue_dma source(%dma_start3A_174 : memref<40x128xi32, #tpu.memory_space<hbm>>) target(%arg6 : memref<40x128xi32, #tpu.memory_space<vmem>>) target_semaphore(%run_scoped3A : memref<!tpu.dma_semaphore, #tpu.memory_space<semaphore_mem>>)
      %dma_wait3A_175 = arith.constant 0 : i32
      %dma_wait3A_176 = tpu.memref_slice %arg3[%add3A_29, %dma_wait3A_175] : memref<2560x128xi32, #tpu.memory_space<hbm>> -> memref<40x128xi32, #tpu.memory_space<hbm>>
      %dma_wait3A_177 = arith.constant 0 : i32
      %dma_wait3A_178 = tpu.memref_slice %arg3[%add3A_29, %dma_wait3A_177] : memref<2560x128xi32, #tpu.memory_space<hbm>> -> memref<40x128xi32, #tpu.memory_space<hbm>>
      tpu.wait_dma2 semaphore(%run_scoped3A : memref<!tpu.dma_semaphore, #tpu.memory_space<semaphore_mem>>) src(%dma_wait3A_178 : memref<40x128xi32, #tpu.memory_space<hbm>>) dst(%arg6 : memref<40x128xi32, #tpu.memory_space<vmem>>)
      tpu.yield
    }) : () -> ()
    %add3A_30 = arith.constant 0 : i32
    %add3A_31 = arith.addi %mul3A_2, %add3A_30 : i32
    "tpu.region"() ({
      %run_scoped3A = tpu.sem_alloc : memref<!tpu.dma_semaphore, #tpu.memory_space<semaphore_mem>>
      %dma_start3A_171 = arith.constant 0 : i32
      %dma_start3A_172 = tpu.memref_slice %arg4[%add3A_31, %dma_start3A_171] : memref<2560x128xi32, #tpu.memory_space<hbm>> -> memref<40x128xi32, #tpu.memory_space<hbm>>
      %dma_start3A_173 = arith.constant 0 : i32
      %dma_start3A_174 = tpu.memref_slice %arg4[%add3A_31, %dma_start3A_173] : memref<2560x128xi32, #tpu.memory_space<hbm>> -> memref<40x128xi32, #tpu.memory_space<hbm>>
      tpu.enqueue_dma source(%dma_start3A_174 : memref<40x128xi32, #tpu.memory_space<hbm>>) target(%arg7 : memref<40x128xi32, #tpu.memory_space<vmem>>) target_semaphore(%run_scoped3A : memref<!tpu.dma_semaphore, #tpu.memory_space<semaphore_mem>>)
      %dma_wait3A_175 = arith.constant 0 : i32
      %dma_wait3A_176 = tpu.memref_slice %arg4[%add3A_31, %dma_wait3A_175] : memref<2560x128xi32, #tpu.memory_space<hbm>> -> memref<40x128xi32, #tpu.memory_space<hbm>>
      %dma_wait3A_177 = arith.constant 0 : i32
      %dma_wait3A_178 = tpu.memref_slice %arg4[%add3A_31, %dma_wait3A_177] : memref<2560x128xi32, #tpu.memory_space<hbm>> -> memref<40x128xi32, #tpu.memory_space<hbm>>
      tpu.wait_dma2 semaphore(%run_scoped3A : memref<!tpu.dma_semaphore, #tpu.memory_space<semaphore_mem>>) src(%dma_wait3A_178 : memref<40x128xi32, #tpu.memory_space<hbm>>) dst(%arg7 : memref<40x128xi32, #tpu.memory_space<vmem>>)
      tpu.yield
    }) : () -> ()
    %dma_start3A = arith.constant 0 : i32
    %dma_start3A_32 = arith.constant 0 : i32
    %dma_start3A_33 = tpu.memref_slice %arg6[%dma_start3A, %dma_start3A_32] : memref<40x128xi32, #tpu.memory_space<vmem>> -> memref<1x128xi32, #tpu.memory_space<vmem>>
    %dma_start3A_34 = tpu.memref_squeeze %dma_start3A_33 : memref<1x128xi32, #tpu.memory_space<vmem>> -> memref<128xi32, #tpu.memory_space<vmem>>
    %dma_start3A_35 = arith.constant 0 : i32
    %dma_start3A_36 = arith.constant 0 : i32
    %dma_start3A_37 = tpu.memref_slice %arg2[%dma_start3A_35, %dma_start3A_36] : memref<81920x128xf32, #tpu.memory_space<hbm>> -> memref<81920x128xf32, #tpu.memory_space<hbm>>
    tpu.enqueue_indirect_dma source(%dma_start3A_37 : memref<81920x128xf32, #tpu.memory_space<hbm>>) target(%arg8 : memref<128x128xf32, #tpu.memory_space<vmem>>) offsets(%dma_start3A_34 : memref<128xi32, #tpu.memory_space<vmem>>) semaphore(%arg11 : memref<!tpu.dma_semaphore, #tpu.memory_space<semaphore_mem>>)
    %dma_wait3A = arith.constant 0 : i32
    %dma_wait3A_38 = arith.constant 0 : i32
    %dma_wait3A_39 = tpu.memref_slice %arg2[%dma_wait3A, %dma_wait3A_38] : memref<81920x128xf32, #tpu.memory_space<hbm>> -> memref<128x128xf32, #tpu.memory_space<hbm>>
    %dma_wait3A_40 = arith.constant 0 : i32
    %dma_wait3A_41 = arith.constant 0 : i32
    %dma_wait3A_42 = tpu.memref_slice %arg2[%dma_wait3A_40, %dma_wait3A_41] : memref<81920x128xf32, #tpu.memory_space<hbm>> -> memref<128x128xf32, #tpu.memory_space<hbm>>
    tpu.wait_dma2 semaphore(%arg11 : memref<!tpu.dma_semaphore, #tpu.memory_space<semaphore_mem>>) src(%dma_wait3A_42 : memref<128x128xf32, #tpu.memory_space<hbm>>) dst(%arg8 : memref<128x128xf32, #tpu.memory_space<vmem>>)
    %dma_start3A_43 = arith.constant 0 : i32
    %dma_start3A_44 = arith.constant 0 : i32
    %dma_start3A_45 = tpu.memref_slice %arg7[%dma_start3A_43, %dma_start3A_44] : memref<40x128xi32, #tpu.memory_space<vmem>> -> memref<1x128xi32, #tpu.memory_space<vmem>>
    %dma_start3A_46 = tpu.memref_squeeze %dma_start3A_45 : memref<1x128xi32, #tpu.memory_space<vmem>> -> memref<128xi32, #tpu.memory_space<vmem>>
    %dma_start3A_47 = arith.constant 0 : i32
    %dma_start3A_48 = arith.constant 0 : i32
    %dma_start3A_49 = tpu.memref_slice %arg10[%dma_start3A_47, %dma_start3A_48] : memref<10240x128xf32, #tpu.memory_space<vmem_shared>> -> memref<10240x128xf32, #tpu.memory_space<vmem_shared>>
    tpu.enqueue_indirect_dma source(%arg8 : memref<128x128xf32, #tpu.memory_space<vmem>>) target(%dma_start3A_49 : memref<10240x128xf32, #tpu.memory_space<vmem_shared>>) offsets(%dma_start3A_46 : memref<128xi32, #tpu.memory_space<vmem>>) semaphore(%arg13 : memref<!tpu.dma_semaphore, #tpu.memory_space<semaphore_mem>>) {add = true}
    %dma_start3A_50 = arith.constant 1 : i32
    %dma_start3A_51 = arith.constant 0 : i32
    %dma_start3A_52 = tpu.memref_slice %arg6[%dma_start3A_50, %dma_start3A_51] : memref<40x128xi32, #tpu.memory_space<vmem>> -> memref<1x128xi32, #tpu.memory_space<vmem>>
    %dma_start3A_53 = tpu.memref_squeeze %dma_start3A_52 : memref<1x128xi32, #tpu.memory_space<vmem>> -> memref<128xi32, #tpu.memory_space<vmem>>
    %dma_start3A_54 = arith.constant 0 : i32
    %dma_start3A_55 = arith.constant 0 : i32
    %dma_start3A_56 = tpu.memref_slice %arg2[%dma_start3A_54, %dma_start3A_55] : memref<81920x128xf32, #tpu.memory_space<hbm>> -> memref<81920x128xf32, #tpu.memory_space<hbm>>
    tpu.enqueue_indirect_dma source(%dma_start3A_56 : memref<81920x128xf32, #tpu.memory_space<hbm>>) target(%arg9 : memref<128x128xf32, #tpu.memory_space<vmem>>) offsets(%dma_start3A_53 : memref<128xi32, #tpu.memory_space<vmem>>) semaphore(%arg12 : memref<!tpu.dma_semaphore, #tpu.memory_space<semaphore_mem>>)
    %scan3A_57 = arith.constant 0 : i32
    %scan3A_58 = arith.constant 0 : i32
    %scan3A_59 = arith.constant 19 : i32
    %scan3A_60 = arith.addi %scan3A_58, %scan3A_59 : i32
    %scan3A_61 = arith.constant 1 : i32
    scf.for %scan3A_171 = %scan3A_58 to %scan3A_60 step %scan3A_61  : i32 {
      %mul3A_172 = arith.constant 2 : i32
      %mul3A_173 = arith.muli %mul3A_172, %scan3A_171 : i32
      %add3A_174 = arith.constant 1 : i32
      %add3A_175 = arith.addi %mul3A_173, %add3A_174 : i32
      %dma_wait3A_176 = arith.constant 0 : i32
      %dma_wait3A_177 = arith.constant 0 : i32
      %dma_wait3A_178 = tpu.memref_slice %arg2[%dma_wait3A_176, %dma_wait3A_177] : memref<81920x128xf32, #tpu.memory_space<hbm>> -> memref<128x128xf32, #tpu.memory_space<hbm>>
      %dma_wait3A_179 = arith.constant 0 : i32
      %dma_wait3A_180 = arith.constant 0 : i32
      %dma_wait3A_181 = tpu.memref_slice %arg2[%dma_wait3A_179, %dma_wait3A_180] : memref<81920x128xf32, #tpu.memory_space<hbm>> -> memref<128x128xf32, #tpu.memory_space<hbm>>
      tpu.wait_dma2 semaphore(%arg12 : memref<!tpu.dma_semaphore, #tpu.memory_space<semaphore_mem>>) src(%dma_wait3A_181 : memref<128x128xf32, #tpu.memory_space<hbm>>) dst(%arg9 : memref<128x128xf32, #tpu.memory_space<vmem>>)
      %dma_start3A_182 = arith.constant 0 : i32
      %dma_start3A_183 = tpu.memref_slice %arg7[%add3A_175, %dma_start3A_182] : memref<40x128xi32, #tpu.memory_space<vmem>> -> memref<1x128xi32, #tpu.memory_space<vmem>>
      %dma_start3A_184 = tpu.memref_squeeze %dma_start3A_183 : memref<1x128xi32, #tpu.memory_space<vmem>> -> memref<128xi32, #tpu.memory_space<vmem>>
      %dma_start3A_185 = arith.constant 0 : i32
      %dma_start3A_186 = arith.constant 0 : i32
      %dma_start3A_187 = tpu.memref_slice %arg10[%dma_start3A_185, %dma_start3A_186] : memref<10240x128xf32, #tpu.memory_space<vmem_shared>> -> memref<10240x128xf32, #tpu.memory_space<vmem_shared>>
      tpu.enqueue_indirect_dma source(%arg9 : memref<128x128xf32, #tpu.memory_space<vmem>>) target(%dma_start3A_187 : memref<10240x128xf32, #tpu.memory_space<vmem_shared>>) offsets(%dma_start3A_184 : memref<128xi32, #tpu.memory_space<vmem>>) semaphore(%arg14 : memref<!tpu.dma_semaphore, #tpu.memory_space<semaphore_mem>>) {add = true}
      %dma_wait3A_188 = arith.constant 0 : i32
      %dma_wait3A_189 = arith.constant 0 : i32
      %dma_wait3A_190 = tpu.memref_slice %arg10[%dma_wait3A_188, %dma_wait3A_189] : memref<10240x128xf32, #tpu.memory_space<vmem_shared>> -> memref<128x128xf32, #tpu.memory_space<vmem_shared>>
      %dma_wait3A_191 = arith.constant 0 : i32
      %dma_wait3A_192 = arith.constant 0 : i32
      %dma_wait3A_193 = tpu.memref_slice %arg10[%dma_wait3A_191, %dma_wait3A_192] : memref<10240x128xf32, #tpu.memory_space<vmem_shared>> -> memref<128x128xf32, #tpu.memory_space<vmem_shared>>
      tpu.wait_dma2 semaphore(%arg13 : memref<!tpu.dma_semaphore, #tpu.memory_space<semaphore_mem>>) src(%arg8 : memref<128x128xf32, #tpu.memory_space<vmem>>) dst(%dma_wait3A_193 : memref<128x128xf32, #tpu.memory_space<vmem_shared>>)
      %add3A_194 = arith.constant 1 : i32
      %add3A_195 = arith.addi %add3A_175, %add3A_194 : i32
      %dma_start3A_196 = arith.constant 0 : i32
      %dma_start3A_197 = tpu.memref_slice %arg6[%add3A_195, %dma_start3A_196] : memref<40x128xi32, #tpu.memory_space<vmem>> -> memref<1x128xi32, #tpu.memory_space<vmem>>
      %dma_start3A_198 = tpu.memref_squeeze %dma_start3A_197 : memref<1x128xi32, #tpu.memory_space<vmem>> -> memref<128xi32, #tpu.memory_space<vmem>>
      %dma_start3A_199 = arith.constant 0 : i32
      %dma_start3A_200 = arith.constant 0 : i32
      %dma_start3A_201 = tpu.memref_slice %arg2[%dma_start3A_199, %dma_start3A_200] : memref<81920x128xf32, #tpu.memory_space<hbm>> -> memref<81920x128xf32, #tpu.memory_space<hbm>>
      tpu.enqueue_indirect_dma source(%dma_start3A_201 : memref<81920x128xf32, #tpu.memory_space<hbm>>) target(%arg8 : memref<128x128xf32, #tpu.memory_space<vmem>>) offsets(%dma_start3A_198 : memref<128xi32, #tpu.memory_space<vmem>>) semaphore(%arg11 : memref<!tpu.dma_semaphore, #tpu.memory_space<semaphore_mem>>)
      %dma_wait3A_202 = arith.constant 0 : i32
      %dma_wait3A_203 = arith.constant 0 : i32
      %dma_wait3A_204 = tpu.memref_slice %arg2[%dma_wait3A_202, %dma_wait3A_203] : memref<81920x128xf32, #tpu.memory_space<hbm>> -> memref<128x128xf32, #tpu.memory_space<hbm>>
      %dma_wait3A_205 = arith.constant 0 : i32
      %dma_wait3A_206 = arith.constant 0 : i32
      %dma_wait3A_207 = tpu.memref_slice %arg2[%dma_wait3A_205, %dma_wait3A_206] : memref<81920x128xf32, #tpu.memory_space<hbm>> -> memref<128x128xf32, #tpu.memory_space<hbm>>
      tpu.wait_dma2 semaphore(%arg11 : memref<!tpu.dma_semaphore, #tpu.memory_space<semaphore_mem>>) src(%dma_wait3A_207 : memref<128x128xf32, #tpu.memory_space<hbm>>) dst(%arg8 : memref<128x128xf32, #tpu.memory_space<vmem>>)
      %add3A_208 = arith.constant 1 : i32
      %add3A_209 = arith.addi %add3A_175, %add3A_208 : i32
      %dma_start3A_210 = arith.constant 0 : i32
      %dma_start3A_211 = tpu.memref_slice %arg7[%add3A_209, %dma_start3A_210] : memref<40x128xi32, #tpu.memory_space<vmem>> -> memref<1x128xi32, #tpu.memory_space<vmem>>
      %dma_start3A_212 = tpu.memref_squeeze %dma_start3A_211 : memref<1x128xi32, #tpu.memory_space<vmem>> -> memref<128xi32, #tpu.memory_space<vmem>>
      %dma_start3A_213 = arith.constant 0 : i32
      %dma_start3A_214 = arith.constant 0 : i32
      %dma_start3A_215 = tpu.memref_slice %arg10[%dma_start3A_213, %dma_start3A_214] : memref<10240x128xf32, #tpu.memory_space<vmem_shared>> -> memref<10240x128xf32, #tpu.memory_space<vmem_shared>>
      tpu.enqueue_indirect_dma source(%arg8 : memref<128x128xf32, #tpu.memory_space<vmem>>) target(%dma_start3A_215 : memref<10240x128xf32, #tpu.memory_space<vmem_shared>>) offsets(%dma_start3A_212 : memref<128xi32, #tpu.memory_space<vmem>>) semaphore(%arg13 : memref<!tpu.dma_semaphore, #tpu.memory_space<semaphore_mem>>) {add = true}
      %dma_wait3A_216 = arith.constant 0 : i32
      %dma_wait3A_217 = arith.constant 0 : i32
      %dma_wait3A_218 = tpu.memref_slice %arg10[%dma_wait3A_216, %dma_wait3A_217] : memref<10240x128xf32, #tpu.memory_space<vmem_shared>> -> memref<128x128xf32, #tpu.memory_space<vmem_shared>>
      %dma_wait3A_219 = arith.constant 0 : i32
      %dma_wait3A_220 = arith.constant 0 : i32
      %dma_wait3A_221 = tpu.memref_slice %arg10[%dma_wait3A_219, %dma_wait3A_220] : memref<10240x128xf32, #tpu.memory_space<vmem_shared>> -> memref<128x128xf32, #tpu.memory_space<vmem_shared>>
      tpu.wait_dma2 semaphore(%arg14 : memref<!tpu.dma_semaphore, #tpu.memory_space<semaphore_mem>>) src(%arg9 : memref<128x128xf32, #tpu.memory_space<vmem>>) dst(%dma_wait3A_221 : memref<128x128xf32, #tpu.memory_space<vmem_shared>>)
      %add3A_222 = arith.constant 2 : i32
      %add3A_223 = arith.addi %add3A_175, %add3A_222 : i32
      %dma_start3A_224 = arith.constant 0 : i32
      %dma_start3A_225 = tpu.memref_slice %arg6[%add3A_223, %dma_start3A_224] : memref<40x128xi32, #tpu.memory_space<vmem>> -> memref<1x128xi32, #tpu.memory_space<vmem>>
      %dma_start3A_226 = tpu.memref_squeeze %dma_start3A_225 : memref<1x128xi32, #tpu.memory_space<vmem>> -> memref<128xi32, #tpu.memory_space<vmem>>
      %dma_start3A_227 = arith.constant 0 : i32
      %dma_start3A_228 = arith.constant 0 : i32
      %dma_start3A_229 = tpu.memref_slice %arg2[%dma_start3A_227, %dma_start3A_228] : memref<81920x128xf32, #tpu.memory_space<hbm>> -> memref<81920x128xf32, #tpu.memory_space<hbm>>
      tpu.enqueue_indirect_dma source(%dma_start3A_229 : memref<81920x128xf32, #tpu.memory_space<hbm>>) target(%arg9 : memref<128x128xf32, #tpu.memory_space<vmem>>) offsets(%dma_start3A_226 : memref<128xi32, #tpu.memory_space<vmem>>) semaphore(%arg12 : memref<!tpu.dma_semaphore, #tpu.memory_space<semaphore_mem>>)
    }
    %scan3A_62 = arith.constant 19 : i32
    %dma_wait3A_63 = arith.constant 0 : i32
    %dma_wait3A_64 = arith.constant 0 : i32
    %dma_wait3A_65 = tpu.memref_slice %arg2[%dma_wait3A_63, %dma_wait3A_64] : memref<81920x128xf32, #tpu.memory_space<hbm>> -> memref<128x128xf32, #tpu.memory_space<hbm>>
    %dma_wait3A_66 = arith.constant 0 : i32
    %dma_wait3A_67 = arith.constant 0 : i32
    %dma_wait3A_68 = tpu.memref_slice %arg2[%dma_wait3A_66, %dma_wait3A_67] : memref<81920x128xf32, #tpu.memory_space<hbm>> -> memref<128x128xf32, #tpu.memory_space<hbm>>
    tpu.wait_dma2 semaphore(%arg12 : memref<!tpu.dma_semaphore, #tpu.memory_space<semaphore_mem>>) src(%dma_wait3A_68 : memref<128x128xf32, #tpu.memory_space<hbm>>) dst(%arg9 : memref<128x128xf32, #tpu.memory_space<vmem>>)
    %dma_start3A_69 = arith.constant 39 : i32
    %dma_start3A_70 = arith.constant 0 : i32
    %dma_start3A_71 = tpu.memref_slice %arg7[%dma_start3A_69, %dma_start3A_70] : memref<40x128xi32, #tpu.memory_space<vmem>> -> memref<1x128xi32, #tpu.memory_space<vmem>>
    %dma_start3A_72 = tpu.memref_squeeze %dma_start3A_71 : memref<1x128xi32, #tpu.memory_space<vmem>> -> memref<128xi32, #tpu.memory_space<vmem>>
    %dma_start3A_73 = arith.constant 0 : i32
    %dma_start3A_74 = arith.constant 0 : i32
    %dma_start3A_75 = tpu.memref_slice %arg10[%dma_start3A_73, %dma_start3A_74] : memref<10240x128xf32, #tpu.memory_space<vmem_shared>> -> memref<10240x128xf32, #tpu.memory_space<vmem_shared>>
    tpu.enqueue_indirect_dma source(%arg9 : memref<128x128xf32, #tpu.memory_space<vmem>>) target(%dma_start3A_75 : memref<10240x128xf32, #tpu.memory_space<vmem_shared>>) offsets(%dma_start3A_72 : memref<128xi32, #tpu.memory_space<vmem>>) semaphore(%arg14 : memref<!tpu.dma_semaphore, #tpu.memory_space<semaphore_mem>>) {add = true}
    %dma_wait3A_76 = arith.constant 0 : i32
    %dma_wait3A_77 = arith.constant 0 : i32
    %dma_wait3A_78 = tpu.memref_slice %arg10[%dma_wait3A_76, %dma_wait3A_77] : memref<10240x128xf32, #tpu.memory_space<vmem_shared>> -> memref<128x128xf32, #tpu.memory_space<vmem_shared>>
    %dma_wait3A_79 = arith.constant 0 : i32
    %dma_wait3A_80 = arith.constant 0 : i32
    %dma_wait3A_81 = tpu.memref_slice %arg10[%dma_wait3A_79, %dma_wait3A_80] : memref<10240x128xf32, #tpu.memory_space<vmem_shared>> -> memref<128x128xf32, #tpu.memory_space<vmem_shared>>
    tpu.wait_dma2 semaphore(%arg13 : memref<!tpu.dma_semaphore, #tpu.memory_space<semaphore_mem>>) src(%arg8 : memref<128x128xf32, #tpu.memory_space<vmem>>) dst(%dma_wait3A_81 : memref<128x128xf32, #tpu.memory_space<vmem_shared>>)
    %dma_wait3A_82 = arith.constant 0 : i32
    %dma_wait3A_83 = arith.constant 0 : i32
    %dma_wait3A_84 = tpu.memref_slice %arg10[%dma_wait3A_82, %dma_wait3A_83] : memref<10240x128xf32, #tpu.memory_space<vmem_shared>> -> memref<128x128xf32, #tpu.memory_space<vmem_shared>>
    %dma_wait3A_85 = arith.constant 0 : i32
    %dma_wait3A_86 = arith.constant 0 : i32
    %dma_wait3A_87 = tpu.memref_slice %arg10[%dma_wait3A_85, %dma_wait3A_86] : memref<10240x128xf32, #tpu.memory_space<vmem_shared>> -> memref<128x128xf32, #tpu.memory_space<vmem_shared>>
    tpu.wait_dma2 semaphore(%arg14 : memref<!tpu.dma_semaphore, #tpu.memory_space<semaphore_mem>>) src(%arg9 : memref<128x128xf32, #tpu.memory_space<vmem>>) dst(%dma_wait3A_87 : memref<128x128xf32, #tpu.memory_space<vmem_shared>>)
    %add3A_88 = arith.constant 40 : i32
    %add3A_89 = arith.addi %mul3A_2, %add3A_88 : i32
    "tpu.region"() ({
      %run_scoped3A = tpu.sem_alloc : memref<!tpu.dma_semaphore, #tpu.memory_space<semaphore_mem>>
      %dma_start3A_171 = arith.constant 0 : i32
      %dma_start3A_172 = tpu.memref_slice %arg3[%add3A_89, %dma_start3A_171] : memref<2560x128xi32, #tpu.memory_space<hbm>> -> memref<40x128xi32, #tpu.memory_space<hbm>>
      %dma_start3A_173 = arith.constant 0 : i32
      %dma_start3A_174 = tpu.memref_slice %arg3[%add3A_89, %dma_start3A_173] : memref<2560x128xi32, #tpu.memory_space<hbm>> -> memref<40x128xi32, #tpu.memory_space<hbm>>
      tpu.enqueue_dma source(%dma_start3A_174 : memref<40x128xi32, #tpu.memory_space<hbm>>) target(%arg6 : memref<40x128xi32, #tpu.memory_space<vmem>>) target_semaphore(%run_scoped3A : memref<!tpu.dma_semaphore, #tpu.memory_space<semaphore_mem>>)
      %dma_wait3A_175 = arith.constant 0 : i32
      %dma_wait3A_176 = tpu.memref_slice %arg3[%add3A_89, %dma_wait3A_175] : memref<2560x128xi32, #tpu.memory_space<hbm>> -> memref<40x128xi32, #tpu.memory_space<hbm>>
      %dma_wait3A_177 = arith.constant 0 : i32
      %dma_wait3A_178 = tpu.memref_slice %arg3[%add3A_89, %dma_wait3A_177] : memref<2560x128xi32, #tpu.memory_space<hbm>> -> memref<40x128xi32, #tpu.memory_space<hbm>>
      tpu.wait_dma2 semaphore(%run_scoped3A : memref<!tpu.dma_semaphore, #tpu.memory_space<semaphore_mem>>) src(%dma_wait3A_178 : memref<40x128xi32, #tpu.memory_space<hbm>>) dst(%arg6 : memref<40x128xi32, #tpu.memory_space<vmem>>)
      tpu.yield
    }) : () -> ()
    %add3A_90 = arith.constant 40 : i32
    %add3A_91 = arith.addi %mul3A_2, %add3A_90 : i32
    "tpu.region"() ({
      %run_scoped3A = tpu.sem_alloc : memref<!tpu.dma_semaphore, #tpu.memory_space<semaphore_mem>>
      %dma_start3A_171 = arith.constant 0 : i32
      %dma_start3A_172 = tpu.memref_slice %arg4[%add3A_91, %dma_start3A_171] : memref<2560x128xi32, #tpu.memory_space<hbm>> -> memref<40x128xi32, #tpu.memory_space<hbm>>
      %dma_start3A_173 = arith.constant 0 : i32
      %dma_start3A_174 = tpu.memref_slice %arg4[%add3A_91, %dma_start3A_173] : memref<2560x128xi32, #tpu.memory_space<hbm>> -> memref<40x128xi32, #tpu.memory_space<hbm>>
      tpu.enqueue_dma source(%dma_start3A_174 : memref<40x128xi32, #tpu.memory_space<hbm>>) target(%arg7 : memref<40x128xi32, #tpu.memory_space<vmem>>) target_semaphore(%run_scoped3A : memref<!tpu.dma_semaphore, #tpu.memory_space<semaphore_mem>>)
      %dma_wait3A_175 = arith.constant 0 : i32
      %dma_wait3A_176 = tpu.memref_slice %arg4[%add3A_91, %dma_wait3A_175] : memref<2560x128xi32, #tpu.memory_space<hbm>> -> memref<40x128xi32, #tpu.memory_space<hbm>>
      %dma_wait3A_177 = arith.constant 0 : i32
      %dma_wait3A_178 = tpu.memref_slice %arg4[%add3A_91, %dma_wait3A_177] : memref<2560x128xi32, #tpu.memory_space<hbm>> -> memref<40x128xi32, #tpu.memory_space<hbm>>
      tpu.wait_dma2 semaphore(%run_scoped3A : memref<!tpu.dma_semaphore, #tpu.memory_space<semaphore_mem>>) src(%dma_wait3A_178 : memref<40x128xi32, #tpu.memory_space<hbm>>) dst(%arg7 : memref<40x128xi32, #tpu.memory_space<vmem>>)
      tpu.yield
    }) : () -> ()
    %dma_start3A_92 = arith.constant 0 : i32
    %dma_start3A_93 = arith.constant 0 : i32
    %dma_start3A_94 = tpu.memref_slice %arg6[%dma_start3A_92, %dma_start3A_93] : memref<40x128xi32, #tpu.memory_space<vmem>> -> memref<1x128xi32, #tpu.memory_space<vmem>>
    %dma_start3A_95 = tpu.memref_squeeze %dma_start3A_94 : memref<1x128xi32, #tpu.memory_space<vmem>> -> memref<128xi32, #tpu.memory_space<vmem>>
    %dma_start3A_96 = arith.constant 0 : i32
    %dma_start3A_97 = arith.constant 0 : i32
    %dma_start3A_98 = tpu.memref_slice %arg2[%dma_start3A_96, %dma_start3A_97] : memref<81920x128xf32, #tpu.memory_space<hbm>> -> memref<81920x128xf32, #tpu.memory_space<hbm>>
    tpu.enqueue_indirect_dma source(%dma_start3A_98 : memref<81920x128xf32, #tpu.memory_space<hbm>>) target(%arg8 : memref<128x128xf32, #tpu.memory_space<vmem>>) offsets(%dma_start3A_95 : memref<128xi32, #tpu.memory_space<vmem>>) semaphore(%arg11 : memref<!tpu.dma_semaphore, #tpu.memory_space<semaphore_mem>>)
    %dma_wait3A_99 = arith.constant 0 : i32
    %dma_wait3A_100 = arith.constant 0 : i32
    %dma_wait3A_101 = tpu.memref_slice %arg2[%dma_wait3A_99, %dma_wait3A_100] : memref<81920x128xf32, #tpu.memory_space<hbm>> -> memref<128x128xf32, #tpu.memory_space<hbm>>
    %dma_wait3A_102 = arith.constant 0 : i32
    %dma_wait3A_103 = arith.constant 0 : i32
    %dma_wait3A_104 = tpu.memref_slice %arg2[%dma_wait3A_102, %dma_wait3A_103] : memref<81920x128xf32, #tpu.memory_space<hbm>> -> memref<128x128xf32, #tpu.memory_space<hbm>>
    tpu.wait_dma2 semaphore(%arg11 : memref<!tpu.dma_semaphore, #tpu.memory_space<semaphore_mem>>) src(%dma_wait3A_104 : memref<128x128xf32, #tpu.memory_space<hbm>>) dst(%arg8 : memref<128x128xf32, #tpu.memory_space<vmem>>)
    %dma_start3A_105 = arith.constant 0 : i32
    %dma_start3A_106 = arith.constant 0 : i32
    %dma_start3A_107 = tpu.memref_slice %arg7[%dma_start3A_105, %dma_start3A_106] : memref<40x128xi32, #tpu.memory_space<vmem>> -> memref<1x128xi32, #tpu.memory_space<vmem>>
    %dma_start3A_108 = tpu.memref_squeeze %dma_start3A_107 : memref<1x128xi32, #tpu.memory_space<vmem>> -> memref<128xi32, #tpu.memory_space<vmem>>
    %dma_start3A_109 = arith.constant 0 : i32
    %dma_start3A_110 = arith.constant 0 : i32
    %dma_start3A_111 = tpu.memref_slice %arg10[%dma_start3A_109, %dma_start3A_110] : memref<10240x128xf32, #tpu.memory_space<vmem_shared>> -> memref<10240x128xf32, #tpu.memory_space<vmem_shared>>
    tpu.enqueue_indirect_dma source(%arg8 : memref<128x128xf32, #tpu.memory_space<vmem>>) target(%dma_start3A_111 : memref<10240x128xf32, #tpu.memory_space<vmem_shared>>) offsets(%dma_start3A_108 : memref<128xi32, #tpu.memory_space<vmem>>) semaphore(%arg13 : memref<!tpu.dma_semaphore, #tpu.memory_space<semaphore_mem>>) {add = true}
    %dma_start3A_112 = arith.constant 1 : i32
    %dma_start3A_113 = arith.constant 0 : i32
    %dma_start3A_114 = tpu.memref_slice %arg6[%dma_start3A_112, %dma_start3A_113] : memref<40x128xi32, #tpu.memory_space<vmem>> -> memref<1x128xi32, #tpu.memory_space<vmem>>
    %dma_start3A_115 = tpu.memref_squeeze %dma_start3A_114 : memref<1x128xi32, #tpu.memory_space<vmem>> -> memref<128xi32, #tpu.memory_space<vmem>>
    %dma_start3A_116 = arith.constant 0 : i32
    %dma_start3A_117 = arith.constant 0 : i32
    %dma_start3A_118 = tpu.memref_slice %arg2[%dma_start3A_116, %dma_start3A_117] : memref<81920x128xf32, #tpu.memory_space<hbm>> -> memref<81920x128xf32, #tpu.memory_space<hbm>>
    tpu.enqueue_indirect_dma source(%dma_start3A_118 : memref<81920x128xf32, #tpu.memory_space<hbm>>) target(%arg9 : memref<128x128xf32, #tpu.memory_space<vmem>>) offsets(%dma_start3A_115 : memref<128xi32, #tpu.memory_space<vmem>>) semaphore(%arg12 : memref<!tpu.dma_semaphore, #tpu.memory_space<semaphore_mem>>)
    %scan3A_119 = arith.constant 0 : i32
    %scan3A_120 = arith.constant 0 : i32
    %scan3A_121 = arith.constant 19 : i32
    %scan3A_122 = arith.addi %scan3A_120, %scan3A_121 : i32
    %scan3A_123 = arith.constant 1 : i32
    scf.for %scan3A_171 = %scan3A_120 to %scan3A_122 step %scan3A_123  : i32 {
      %mul3A_172 = arith.constant 2 : i32
      %mul3A_173 = arith.muli %mul3A_172, %scan3A_171 : i32
      %add3A_174 = arith.constant 1 : i32
      %add3A_175 = arith.addi %mul3A_173, %add3A_174 : i32
      %dma_wait3A_176 = arith.constant 0 : i32
      %dma_wait3A_177 = arith.constant 0 : i32
      %dma_wait3A_178 = tpu.memref_slice %arg2[%dma_wait3A_176, %dma_wait3A_177] : memref<81920x128xf32, #tpu.memory_space<hbm>> -> memref<128x128xf32, #tpu.memory_space<hbm>>
      %dma_wait3A_179 = arith.constant 0 : i32
      %dma_wait3A_180 = arith.constant 0 : i32
      %dma_wait3A_181 = tpu.memref_slice %arg2[%dma_wait3A_179, %dma_wait3A_180] : memref<81920x128xf32, #tpu.memory_space<hbm>> -> memref<128x128xf32, #tpu.memory_space<hbm>>
      tpu.wait_dma2 semaphore(%arg12 : memref<!tpu.dma_semaphore, #tpu.memory_space<semaphore_mem>>) src(%dma_wait3A_181 : memref<128x128xf32, #tpu.memory_space<hbm>>) dst(%arg9 : memref<128x128xf32, #tpu.memory_space<vmem>>)
      %dma_start3A_182 = arith.constant 0 : i32
      %dma_start3A_183 = tpu.memref_slice %arg7[%add3A_175, %dma_start3A_182] : memref<40x128xi32, #tpu.memory_space<vmem>> -> memref<1x128xi32, #tpu.memory_space<vmem>>
      %dma_start3A_184 = tpu.memref_squeeze %dma_start3A_183 : memref<1x128xi32, #tpu.memory_space<vmem>> -> memref<128xi32, #tpu.memory_space<vmem>>
      %dma_start3A_185 = arith.constant 0 : i32
      %dma_start3A_186 = arith.constant 0 : i32
      %dma_start3A_187 = tpu.memref_slice %arg10[%dma_start3A_185, %dma_start3A_186] : memref<10240x128xf32, #tpu.memory_space<vmem_shared>> -> memref<10240x128xf32, #tpu.memory_space<vmem_shared>>
      tpu.enqueue_indirect_dma source(%arg9 : memref<128x128xf32, #tpu.memory_space<vmem>>) target(%dma_start3A_187 : memref<10240x128xf32, #tpu.memory_space<vmem_shared>>) offsets(%dma_start3A_184 : memref<128xi32, #tpu.memory_space<vmem>>) semaphore(%arg14 : memref<!tpu.dma_semaphore, #tpu.memory_space<semaphore_mem>>) {add = true}
      %dma_wait3A_188 = arith.constant 0 : i32
      %dma_wait3A_189 = arith.constant 0 : i32
      %dma_wait3A_190 = tpu.memref_slice %arg10[%dma_wait3A_188, %dma_wait3A_189] : memref<10240x128xf32, #tpu.memory_space<vmem_shared>> -> memref<128x128xf32, #tpu.memory_space<vmem_shared>>
      %dma_wait3A_191 = arith.constant 0 : i32
      %dma_wait3A_192 = arith.constant 0 : i32
      %dma_wait3A_193 = tpu.memref_slice %arg10[%dma_wait3A_191, %dma_wait3A_192] : memref<10240x128xf32, #tpu.memory_space<vmem_shared>> -> memref<128x128xf32, #tpu.memory_space<vmem_shared>>
      tpu.wait_dma2 semaphore(%arg13 : memref<!tpu.dma_semaphore, #tpu.memory_space<semaphore_mem>>) src(%arg8 : memref<128x128xf32, #tpu.memory_space<vmem>>) dst(%dma_wait3A_193 : memref<128x128xf32, #tpu.memory_space<vmem_shared>>)
      %add3A_194 = arith.constant 1 : i32
      %add3A_195 = arith.addi %add3A_175, %add3A_194 : i32
      %dma_start3A_196 = arith.constant 0 : i32
      %dma_start3A_197 = tpu.memref_slice %arg6[%add3A_195, %dma_start3A_196] : memref<40x128xi32, #tpu.memory_space<vmem>> -> memref<1x128xi32, #tpu.memory_space<vmem>>
      %dma_start3A_198 = tpu.memref_squeeze %dma_start3A_197 : memref<1x128xi32, #tpu.memory_space<vmem>> -> memref<128xi32, #tpu.memory_space<vmem>>
      %dma_start3A_199 = arith.constant 0 : i32
      %dma_start3A_200 = arith.constant 0 : i32
      %dma_start3A_201 = tpu.memref_slice %arg2[%dma_start3A_199, %dma_start3A_200] : memref<81920x128xf32, #tpu.memory_space<hbm>> -> memref<81920x128xf32, #tpu.memory_space<hbm>>
      tpu.enqueue_indirect_dma source(%dma_start3A_201 : memref<81920x128xf32, #tpu.memory_space<hbm>>) target(%arg8 : memref<128x128xf32, #tpu.memory_space<vmem>>) offsets(%dma_start3A_198 : memref<128xi32, #tpu.memory_space<vmem>>) semaphore(%arg11 : memref<!tpu.dma_semaphore, #tpu.memory_space<semaphore_mem>>)
      %dma_wait3A_202 = arith.constant 0 : i32
      %dma_wait3A_203 = arith.constant 0 : i32
      %dma_wait3A_204 = tpu.memref_slice %arg2[%dma_wait3A_202, %dma_wait3A_203] : memref<81920x128xf32, #tpu.memory_space<hbm>> -> memref<128x128xf32, #tpu.memory_space<hbm>>
      %dma_wait3A_205 = arith.constant 0 : i32
      %dma_wait3A_206 = arith.constant 0 : i32
      %dma_wait3A_207 = tpu.memref_slice %arg2[%dma_wait3A_205, %dma_wait3A_206] : memref<81920x128xf32, #tpu.memory_space<hbm>> -> memref<128x128xf32, #tpu.memory_space<hbm>>
      tpu.wait_dma2 semaphore(%arg11 : memref<!tpu.dma_semaphore, #tpu.memory_space<semaphore_mem>>) src(%dma_wait3A_207 : memref<128x128xf32, #tpu.memory_space<hbm>>) dst(%arg8 : memref<128x128xf32, #tpu.memory_space<vmem>>)
      %add3A_208 = arith.constant 1 : i32
      %add3A_209 = arith.addi %add3A_175, %add3A_208 : i32
      %dma_start3A_210 = arith.constant 0 : i32
      %dma_start3A_211 = tpu.memref_slice %arg7[%add3A_209, %dma_start3A_210] : memref<40x128xi32, #tpu.memory_space<vmem>> -> memref<1x128xi32, #tpu.memory_space<vmem>>
      %dma_start3A_212 = tpu.memref_squeeze %dma_start3A_211 : memref<1x128xi32, #tpu.memory_space<vmem>> -> memref<128xi32, #tpu.memory_space<vmem>>
      %dma_start3A_213 = arith.constant 0 : i32
      %dma_start3A_214 = arith.constant 0 : i32
      %dma_start3A_215 = tpu.memref_slice %arg10[%dma_start3A_213, %dma_start3A_214] : memref<10240x128xf32, #tpu.memory_space<vmem_shared>> -> memref<10240x128xf32, #tpu.memory_space<vmem_shared>>
      tpu.enqueue_indirect_dma source(%arg8 : memref<128x128xf32, #tpu.memory_space<vmem>>) target(%dma_start3A_215 : memref<10240x128xf32, #tpu.memory_space<vmem_shared>>) offsets(%dma_start3A_212 : memref<128xi32, #tpu.memory_space<vmem>>) semaphore(%arg13 : memref<!tpu.dma_semaphore, #tpu.memory_space<semaphore_mem>>) {add = true}
      %dma_wait3A_216 = arith.constant 0 : i32
      %dma_wait3A_217 = arith.constant 0 : i32
      %dma_wait3A_218 = tpu.memref_slice %arg10[%dma_wait3A_216, %dma_wait3A_217] : memref<10240x128xf32, #tpu.memory_space<vmem_shared>> -> memref<128x128xf32, #tpu.memory_space<vmem_shared>>
      %dma_wait3A_219 = arith.constant 0 : i32
      %dma_wait3A_220 = arith.constant 0 : i32
      %dma_wait3A_221 = tpu.memref_slice %arg10[%dma_wait3A_219, %dma_wait3A_220] : memref<10240x128xf32, #tpu.memory_space<vmem_shared>> -> memref<128x128xf32, #tpu.memory_space<vmem_shared>>
      tpu.wait_dma2 semaphore(%arg14 : memref<!tpu.dma_semaphore, #tpu.memory_space<semaphore_mem>>) src(%arg9 : memref<128x128xf32, #tpu.memory_space<vmem>>) dst(%dma_wait3A_221 : memref<128x128xf32, #tpu.memory_space<vmem_shared>>)
      %add3A_222 = arith.constant 2 : i32
      %add3A_223 = arith.addi %add3A_175, %add3A_222 : i32
      %dma_start3A_224 = arith.constant 0 : i32
      %dma_start3A_225 = tpu.memref_slice %arg6[%add3A_223, %dma_start3A_224] : memref<40x128xi32, #tpu.memory_space<vmem>> -> memref<1x128xi32, #tpu.memory_space<vmem>>
      %dma_start3A_226 = tpu.memref_squeeze %dma_start3A_225 : memref<1x128xi32, #tpu.memory_space<vmem>> -> memref<128xi32, #tpu.memory_space<vmem>>
      %dma_start3A_227 = arith.constant 0 : i32
      %dma_start3A_228 = arith.constant 0 : i32
      %dma_start3A_229 = tpu.memref_slice %arg2[%dma_start3A_227, %dma_start3A_228] : memref<81920x128xf32, #tpu.memory_space<hbm>> -> memref<81920x128xf32, #tpu.memory_space<hbm>>
      tpu.enqueue_indirect_dma source(%dma_start3A_229 : memref<81920x128xf32, #tpu.memory_space<hbm>>) target(%arg9 : memref<128x128xf32, #tpu.memory_space<vmem>>) offsets(%dma_start3A_226 : memref<128xi32, #tpu.memory_space<vmem>>) semaphore(%arg12 : memref<!tpu.dma_semaphore, #tpu.memory_space<semaphore_mem>>)
    }
    %scan3A_124 = arith.constant 19 : i32
    %dma_wait3A_125 = arith.constant 0 : i32
    %dma_wait3A_126 = arith.constant 0 : i32
    %dma_wait3A_127 = tpu.memref_slice %arg2[%dma_wait3A_125, %dma_wait3A_126] : memref<81920x128xf32, #tpu.memory_space<hbm>> -> memref<128x128xf32, #tpu.memory_space<hbm>>
    %dma_wait3A_128 = arith.constant 0 : i32
    %dma_wait3A_129 = arith.constant 0 : i32
    %dma_wait3A_130 = tpu.memref_slice %arg2[%dma_wait3A_128, %dma_wait3A_129] : memref<81920x128xf32, #tpu.memory_space<hbm>> -> memref<128x128xf32, #tpu.memory_space<hbm>>
    tpu.wait_dma2 semaphore(%arg12 : memref<!tpu.dma_semaphore, #tpu.memory_space<semaphore_mem>>) src(%dma_wait3A_130 : memref<128x128xf32, #tpu.memory_space<hbm>>) dst(%arg9 : memref<128x128xf32, #tpu.memory_space<vmem>>)
    %dma_start3A_131 = arith.constant 39 : i32
    %dma_start3A_132 = arith.constant 0 : i32
    %dma_start3A_133 = tpu.memref_slice %arg7[%dma_start3A_131, %dma_start3A_132] : memref<40x128xi32, #tpu.memory_space<vmem>> -> memref<1x128xi32, #tpu.memory_space<vmem>>
    %dma_start3A_134 = tpu.memref_squeeze %dma_start3A_133 : memref<1x128xi32, #tpu.memory_space<vmem>> -> memref<128xi32, #tpu.memory_space<vmem>>
    %dma_start3A_135 = arith.constant 0 : i32
    %dma_start3A_136 = arith.constant 0 : i32
    %dma_start3A_137 = tpu.memref_slice %arg10[%dma_start3A_135, %dma_start3A_136] : memref<10240x128xf32, #tpu.memory_space<vmem_shared>> -> memref<10240x128xf32, #tpu.memory_space<vmem_shared>>
    tpu.enqueue_indirect_dma source(%arg9 : memref<128x128xf32, #tpu.memory_space<vmem>>) target(%dma_start3A_137 : memref<10240x128xf32, #tpu.memory_space<vmem_shared>>) offsets(%dma_start3A_134 : memref<128xi32, #tpu.memory_space<vmem>>) semaphore(%arg14 : memref<!tpu.dma_semaphore, #tpu.memory_space<semaphore_mem>>) {add = true}
    %dma_wait3A_138 = arith.constant 0 : i32
    %dma_wait3A_139 = arith.constant 0 : i32
    %dma_wait3A_140 = tpu.memref_slice %arg10[%dma_wait3A_138, %dma_wait3A_139] : memref<10240x128xf32, #tpu.memory_space<vmem_shared>> -> memref<128x128xf32, #tpu.memory_space<vmem_shared>>
    %dma_wait3A_141 = arith.constant 0 : i32
    %dma_wait3A_142 = arith.constant 0 : i32
    %dma_wait3A_143 = tpu.memref_slice %arg10[%dma_wait3A_141, %dma_wait3A_142] : memref<10240x128xf32, #tpu.memory_space<vmem_shared>> -> memref<128x128xf32, #tpu.memory_space<vmem_shared>>
    tpu.wait_dma2 semaphore(%arg13 : memref<!tpu.dma_semaphore, #tpu.memory_space<semaphore_mem>>) src(%arg8 : memref<128x128xf32, #tpu.memory_space<vmem>>) dst(%dma_wait3A_143 : memref<128x128xf32, #tpu.memory_space<vmem_shared>>)
    %dma_wait3A_144 = arith.constant 0 : i32
    %dma_wait3A_145 = arith.constant 0 : i32
    %dma_wait3A_146 = tpu.memref_slice %arg10[%dma_wait3A_144, %dma_wait3A_145] : memref<10240x128xf32, #tpu.memory_space<vmem_shared>> -> memref<128x128xf32, #tpu.memory_space<vmem_shared>>
    %dma_wait3A_147 = arith.constant 0 : i32
    %dma_wait3A_148 = arith.constant 0 : i32
    %dma_wait3A_149 = tpu.memref_slice %arg10[%dma_wait3A_147, %dma_wait3A_148] : memref<10240x128xf32, #tpu.memory_space<vmem_shared>> -> memref<128x128xf32, #tpu.memory_space<vmem_shared>>
    tpu.wait_dma2 semaphore(%arg14 : memref<!tpu.dma_semaphore, #tpu.memory_space<semaphore_mem>>) src(%arg9 : memref<128x128xf32, #tpu.memory_space<vmem>>) dst(%dma_wait3A_149 : memref<128x128xf32, #tpu.memory_space<vmem_shared>>)
    %barrier3A_150 = arith.constant 0 : index
    tpu.barrier barrier_id(%barrier3A_150)
    %mul3A_151 = arith.constant 640 : i32
    %mul3A_152 = arith.muli %arg1, %mul3A_151 : i32
    %add3A_153 = arith.constant 0 : i32
    %add3A_154 = arith.addi %mul3A_152, %add3A_153 : i32
    "tpu.region"() ({
      %run_scoped3A = tpu.sem_alloc : memref<!tpu.dma_semaphore, #tpu.memory_space<semaphore_mem>>
      %dma_start3A_171 = arith.constant 0 : i32
      %dma_start3A_172 = tpu.memref_slice %arg10[%add3A_154, %dma_start3A_171] : memref<10240x128xf32, #tpu.memory_space<vmem_shared>> -> memref<128x128xf32, #tpu.memory_space<vmem_shared>>
      %dma_start3A_173 = arith.constant 0 : i32
      %dma_start3A_174 = tpu.memref_slice %arg10[%add3A_154, %dma_start3A_173] : memref<10240x128xf32, #tpu.memory_space<vmem_shared>> -> memref<128x128xf32, #tpu.memory_space<vmem_shared>>
      tpu.enqueue_dma source(%dma_start3A_174 : memref<128x128xf32, #tpu.memory_space<vmem_shared>>) target(%arg8 : memref<128x128xf32, #tpu.memory_space<vmem>>) target_semaphore(%run_scoped3A : memref<!tpu.dma_semaphore, #tpu.memory_space<semaphore_mem>>)
      %dma_wait3A_175 = arith.constant 0 : i32
      %dma_wait3A_176 = tpu.memref_slice %arg10[%add3A_154, %dma_wait3A_175] : memref<10240x128xf32, #tpu.memory_space<vmem_shared>> -> memref<128x128xf32, #tpu.memory_space<vmem_shared>>
      %dma_wait3A_177 = arith.constant 0 : i32
      %dma_wait3A_178 = tpu.memref_slice %arg10[%add3A_154, %dma_wait3A_177] : memref<10240x128xf32, #tpu.memory_space<vmem_shared>> -> memref<128x128xf32, #tpu.memory_space<vmem_shared>>
      tpu.wait_dma2 semaphore(%run_scoped3A : memref<!tpu.dma_semaphore, #tpu.memory_space<semaphore_mem>>) src(%dma_wait3A_178 : memref<128x128xf32, #tpu.memory_space<vmem_shared>>) dst(%arg8 : memref<128x128xf32, #tpu.memory_space<vmem>>)
      tpu.yield
    }) : () -> ()
    "tpu.region"() ({
      %run_scoped3A = tpu.sem_alloc : memref<!tpu.dma_semaphore, #tpu.memory_space<semaphore_mem>>
      %dma_start3A_171 = arith.constant 0 : i32
      %dma_start3A_172 = tpu.memref_slice %arg5[%arg0, %add3A_154, %dma_start3A_171] : memref<2x10240x128xf32, #tpu.memory_space<hbm>> -> memref<1x128x128xf32, #tpu.memory_space<hbm>>
      %dma_start3A_173 = tpu.memref_squeeze %dma_start3A_172 : memref<1x128x128xf32, #tpu.memory_space<hbm>> -> memref<128x128xf32, #tpu.memory_space<hbm>>
      %dma_start3A_174 = arith.constant 0 : i32
      %dma_start3A_175 = tpu.memref_slice %arg5[%arg0, %add3A_154, %dma_start3A_174] : memref<2x10240x128xf32, #tpu.memory_space<hbm>> -> memref<1x128x128xf32, #tpu.memory_space<hbm>>
      %dma_start3A_176 = tpu.memref_squeeze %dma_start3A_175 : memref<1x128x128xf32, #tpu.memory_space<hbm>> -> memref<128x128xf32, #tpu.memory_space<hbm>>
      tpu.enqueue_dma source(%arg8 : memref<128x128xf32, #tpu.memory_space<vmem>>) target(%dma_start3A_176 : memref<128x128xf32, #tpu.memory_space<hbm>>) target_semaphore(%run_scoped3A : memref<!tpu.dma_semaphore, #tpu.memory_space<semaphore_mem>>)
      %dma_wait3A_177 = arith.constant 0 : i32
      %dma_wait3A_178 = tpu.memref_slice %arg5[%arg0, %add3A_154, %dma_wait3A_177] : memref<2x10240x128xf32, #tpu.memory_space<hbm>> -> memref<1x128x128xf32, #tpu.memory_space<hbm>>
      %dma_wait3A_179 = tpu.memref_squeeze %dma_wait3A_178 : memref<1x128x128xf32, #tpu.memory_space<hbm>> -> memref<128x128xf32, #tpu.memory_space<hbm>>
      %dma_wait3A_180 = arith.constant 0 : i32
      %dma_wait3A_181 = tpu.memref_slice %arg5[%arg0, %add3A_154, %dma_wait3A_180] : memref<2x10240x128xf32, #tpu.memory_space<hbm>> -> memref<1x128x128xf32, #tpu.memory_space<hbm>>
      %dma_wait3A_182 = tpu.memref_squeeze %dma_wait3A_181 : memref<1x128x128xf32, #tpu.memory_space<hbm>> -> memref<128x128xf32, #tpu.memory_space<hbm>>
      tpu.wait_dma2 semaphore(%run_scoped3A : memref<!tpu.dma_semaphore, #tpu.memory_space<semaphore_mem>>) src(%arg8 : memref<128x128xf32, #tpu.memory_space<vmem>>) dst(%dma_wait3A_182 : memref<128x128xf32, #tpu.memory_space<hbm>>)
      tpu.yield
    }) : () -> ()
    %mul3A_155 = arith.constant 640 : i32
    %mul3A_156 = arith.muli %arg1, %mul3A_155 : i32
    %add3A_157 = arith.constant 128 : i32
    %add3A_158 = arith.addi %mul3A_156, %add3A_157 : i32
    "tpu.region"() ({
      %run_scoped3A = tpu.sem_alloc : memref<!tpu.dma_semaphore, #tpu.memory_space<semaphore_mem>>
      %dma_start3A_171 = arith.constant 0 : i32
      %dma_start3A_172 = tpu.memref_slice %arg10[%add3A_158, %dma_start3A_171] : memref<10240x128xf32, #tpu.memory_space<vmem_shared>> -> memref<128x128xf32, #tpu.memory_space<vmem_shared>>
      %dma_start3A_173 = arith.constant 0 : i32
      %dma_start3A_174 = tpu.memref_slice %arg10[%add3A_158, %dma_start3A_173] : memref<10240x128xf32, #tpu.memory_space<vmem_shared>> -> memref<128x128xf32, #tpu.memory_space<vmem_shared>>
      tpu.enqueue_dma source(%dma_start3A_174 : memref<128x128xf32, #tpu.memory_space<vmem_shared>>) target(%arg8 : memref<128x128xf32, #tpu.memory_space<vmem>>) target_semaphore(%run_scoped3A : memref<!tpu.dma_semaphore, #tpu.memory_space<semaphore_mem>>)
      %dma_wait3A_175 = arith.constant 0 : i32
      %dma_wait3A_176 = tpu.memref_slice %arg10[%add3A_158, %dma_wait3A_175] : memref<10240x128xf32, #tpu.memory_space<vmem_shared>> -> memref<128x128xf32, #tpu.memory_space<vmem_shared>>
      %dma_wait3A_177 = arith.constant 0 : i32
      %dma_wait3A_178 = tpu.memref_slice %arg10[%add3A_158, %dma_wait3A_177] : memref<10240x128xf32, #tpu.memory_space<vmem_shared>> -> memref<128x128xf32, #tpu.memory_space<vmem_shared>>
      tpu.wait_dma2 semaphore(%run_scoped3A : memref<!tpu.dma_semaphore, #tpu.memory_space<semaphore_mem>>) src(%dma_wait3A_178 : memref<128x128xf32, #tpu.memory_space<vmem_shared>>) dst(%arg8 : memref<128x128xf32, #tpu.memory_space<vmem>>)
      tpu.yield
    }) : () -> ()
    "tpu.region"() ({
      %run_scoped3A = tpu.sem_alloc : memref<!tpu.dma_semaphore, #tpu.memory_space<semaphore_mem>>
      %dma_start3A_171 = arith.constant 0 : i32
      %dma_start3A_172 = tpu.memref_slice %arg5[%arg0, %add3A_158, %dma_start3A_171] : memref<2x10240x128xf32, #tpu.memory_space<hbm>> -> memref<1x128x128xf32, #tpu.memory_space<hbm>>
      %dma_start3A_173 = tpu.memref_squeeze %dma_start3A_172 : memref<1x128x128xf32, #tpu.memory_space<hbm>> -> memref<128x128xf32, #tpu.memory_space<hbm>>
      %dma_start3A_174 = arith.constant 0 : i32
      %dma_start3A_175 = tpu.memref_slice %arg5[%arg0, %add3A_158, %dma_start3A_174] : memref<2x10240x128xf32, #tpu.memory_space<hbm>> -> memref<1x128x128xf32, #tpu.memory_space<hbm>>
      %dma_start3A_176 = tpu.memref_squeeze %dma_start3A_175 : memref<1x128x128xf32, #tpu.memory_space<hbm>> -> memref<128x128xf32, #tpu.memory_space<hbm>>
      tpu.enqueue_dma source(%arg8 : memref<128x128xf32, #tpu.memory_space<vmem>>) target(%dma_start3A_176 : memref<128x128xf32, #tpu.memory_space<hbm>>) target_semaphore(%run_scoped3A : memref<!tpu.dma_semaphore, #tpu.memory_space<semaphore_mem>>)
      %dma_wait3A_177 = arith.constant 0 : i32
      %dma_wait3A_178 = tpu.memref_slice %arg5[%arg0, %add3A_158, %dma_wait3A_177] : memref<2x10240x128xf32, #tpu.memory_space<hbm>> -> memref<1x128x128xf32, #tpu.memory_space<hbm>>
      %dma_wait3A_179 = tpu.memref_squeeze %dma_wait3A_178 : memref<1x128x128xf32, #tpu.memory_space<hbm>> -> memref<128x128xf32, #tpu.memory_space<hbm>>
      %dma_wait3A_180 = arith.constant 0 : i32
      %dma_wait3A_181 = tpu.memref_slice %arg5[%arg0, %add3A_158, %dma_wait3A_180] : memref<2x10240x128xf32, #tpu.memory_space<hbm>> -> memref<1x128x128xf32, #tpu.memory_space<hbm>>
      %dma_wait3A_182 = tpu.memref_squeeze %dma_wait3A_181 : memref<1x128x128xf32, #tpu.memory_space<hbm>> -> memref<128x128xf32, #tpu.memory_space<hbm>>
      tpu.wait_dma2 semaphore(%run_scoped3A : memref<!tpu.dma_semaphore, #tpu.memory_space<semaphore_mem>>) src(%arg8 : memref<128x128xf32, #tpu.memory_space<vmem>>) dst(%dma_wait3A_182 : memref<128x128xf32, #tpu.memory_space<hbm>>)
      tpu.yield
    }) : () -> ()
    %mul3A_159 = arith.constant 640 : i32
    %mul3A_160 = arith.muli %arg1, %mul3A_159 : i32
    %add3A_161 = arith.constant 256 : i32
    %add3A_162 = arith.addi %mul3A_160, %add3A_161 : i32
    "tpu.region"() ({
      %run_scoped3A = tpu.sem_alloc : memref<!tpu.dma_semaphore, #tpu.memory_space<semaphore_mem>>
      %dma_start3A_171 = arith.constant 0 : i32
      %dma_start3A_172 = tpu.memref_slice %arg10[%add3A_162, %dma_start3A_171] : memref<10240x128xf32, #tpu.memory_space<vmem_shared>> -> memref<128x128xf32, #tpu.memory_space<vmem_shared>>
      %dma_start3A_173 = arith.constant 0 : i32
      %dma_start3A_174 = tpu.memref_slice %arg10[%add3A_162, %dma_start3A_173] : memref<10240x128xf32, #tpu.memory_space<vmem_shared>> -> memref<128x128xf32, #tpu.memory_space<vmem_shared>>
      tpu.enqueue_dma source(%dma_start3A_174 : memref<128x128xf32, #tpu.memory_space<vmem_shared>>) target(%arg8 : memref<128x128xf32, #tpu.memory_space<vmem>>) target_semaphore(%run_scoped3A : memref<!tpu.dma_semaphore, #tpu.memory_space<semaphore_mem>>)
      %dma_wait3A_175 = arith.constant 0 : i32
      %dma_wait3A_176 = tpu.memref_slice %arg10[%add3A_162, %dma_wait3A_175] : memref<10240x128xf32, #tpu.memory_space<vmem_shared>> -> memref<128x128xf32, #tpu.memory_space<vmem_shared>>
      %dma_wait3A_177 = arith.constant 0 : i32
      %dma_wait3A_178 = tpu.memref_slice %arg10[%add3A_162, %dma_wait3A_177] : memref<10240x128xf32, #tpu.memory_space<vmem_shared>> -> memref<128x128xf32, #tpu.memory_space<vmem_shared>>
      tpu.wait_dma2 semaphore(%run_scoped3A : memref<!tpu.dma_semaphore, #tpu.memory_space<semaphore_mem>>) src(%dma_wait3A_178 : memref<128x128xf32, #tpu.memory_space<vmem_shared>>) dst(%arg8 : memref<128x128xf32, #tpu.memory_space<vmem>>)
      tpu.yield
    }) : () -> ()
    "tpu.region"() ({
      %run_scoped3A = tpu.sem_alloc : memref<!tpu.dma_semaphore, #tpu.memory_space<semaphore_mem>>
      %dma_start3A_171 = arith.constant 0 : i32
      %dma_start3A_172 = tpu.memref_slice %arg5[%arg0, %add3A_162, %dma_start3A_171] : memref<2x10240x128xf32, #tpu.memory_space<hbm>> -> memref<1x128x128xf32, #tpu.memory_space<hbm>>
      %dma_start3A_173 = tpu.memref_squeeze %dma_start3A_172 : memref<1x128x128xf32, #tpu.memory_space<hbm>> -> memref<128x128xf32, #tpu.memory_space<hbm>>
      %dma_start3A_174 = arith.constant 0 : i32
      %dma_start3A_175 = tpu.memref_slice %arg5[%arg0, %add3A_162, %dma_start3A_174] : memref<2x10240x128xf32, #tpu.memory_space<hbm>> -> memref<1x128x128xf32, #tpu.memory_space<hbm>>
      %dma_start3A_176 = tpu.memref_squeeze %dma_start3A_175 : memref<1x128x128xf32, #tpu.memory_space<hbm>> -> memref<128x128xf32, #tpu.memory_space<hbm>>
      tpu.enqueue_dma source(%arg8 : memref<128x128xf32, #tpu.memory_space<vmem>>) target(%dma_start3A_176 : memref<128x128xf32, #tpu.memory_space<hbm>>) target_semaphore(%run_scoped3A : memref<!tpu.dma_semaphore, #tpu.memory_space<semaphore_mem>>)
      %dma_wait3A_177 = arith.constant 0 : i32
      %dma_wait3A_178 = tpu.memref_slice %arg5[%arg0, %add3A_162, %dma_wait3A_177] : memref<2x10240x128xf32, #tpu.memory_space<hbm>> -> memref<1x128x128xf32, #tpu.memory_space<hbm>>
      %dma_wait3A_179 = tpu.memref_squeeze %dma_wait3A_178 : memref<1x128x128xf32, #tpu.memory_space<hbm>> -> memref<128x128xf32, #tpu.memory_space<hbm>>
      %dma_wait3A_180 = arith.constant 0 : i32
      %dma_wait3A_181 = tpu.memref_slice %arg5[%arg0, %add3A_162, %dma_wait3A_180] : memref<2x10240x128xf32, #tpu.memory_space<hbm>> -> memref<1x128x128xf32, #tpu.memory_space<hbm>>
      %dma_wait3A_182 = tpu.memref_squeeze %dma_wait3A_181 : memref<1x128x128xf32, #tpu.memory_space<hbm>> -> memref<128x128xf32, #tpu.memory_space<hbm>>
      tpu.wait_dma2 semaphore(%run_scoped3A : memref<!tpu.dma_semaphore, #tpu.memory_space<semaphore_mem>>) src(%arg8 : memref<128x128xf32, #tpu.memory_space<vmem>>) dst(%dma_wait3A_182 : memref<128x128xf32, #tpu.memory_space<hbm>>)
      tpu.yield
    }) : () -> ()
    %mul3A_163 = arith.constant 640 : i32
    %mul3A_164 = arith.muli %arg1, %mul3A_163 : i32
    %add3A_165 = arith.constant 384 : i32
    %add3A_166 = arith.addi %mul3A_164, %add3A_165 : i32
    "tpu.region"() ({
      %run_scoped3A = tpu.sem_alloc : memref<!tpu.dma_semaphore, #tpu.memory_space<semaphore_mem>>
      %dma_start3A_171 = arith.constant 0 : i32
      %dma_start3A_172 = tpu.memref_slice %arg10[%add3A_166, %dma_start3A_171] : memref<10240x128xf32, #tpu.memory_space<vmem_shared>> -> memref<128x128xf32, #tpu.memory_space<vmem_shared>>
      %dma_start3A_173 = arith.constant 0 : i32
      %dma_start3A_174 = tpu.memref_slice %arg10[%add3A_166, %dma_start3A_173] : memref<10240x128xf32, #tpu.memory_space<vmem_shared>> -> memref<128x128xf32, #tpu.memory_space<vmem_shared>>
      tpu.enqueue_dma source(%dma_start3A_174 : memref<128x128xf32, #tpu.memory_space<vmem_shared>>) target(%arg8 : memref<128x128xf32, #tpu.memory_space<vmem>>) target_semaphore(%run_scoped3A : memref<!tpu.dma_semaphore, #tpu.memory_space<semaphore_mem>>)
      %dma_wait3A_175 = arith.constant 0 : i32
      %dma_wait3A_176 = tpu.memref_slice %arg10[%add3A_166, %dma_wait3A_175] : memref<10240x128xf32, #tpu.memory_space<vmem_shared>> -> memref<128x128xf32, #tpu.memory_space<vmem_shared>>
      %dma_wait3A_177 = arith.constant 0 : i32
      %dma_wait3A_178 = tpu.memref_slice %arg10[%add3A_166, %dma_wait3A_177] : memref<10240x128xf32, #tpu.memory_space<vmem_shared>> -> memref<128x128xf32, #tpu.memory_space<vmem_shared>>
      tpu.wait_dma2 semaphore(%run_scoped3A : memref<!tpu.dma_semaphore, #tpu.memory_space<semaphore_mem>>) src(%dma_wait3A_178 : memref<128x128xf32, #tpu.memory_space<vmem_shared>>) dst(%arg8 : memref<128x128xf32, #tpu.memory_space<vmem>>)
      tpu.yield
    }) : () -> ()
    "tpu.region"() ({
      %run_scoped3A = tpu.sem_alloc : memref<!tpu.dma_semaphore, #tpu.memory_space<semaphore_mem>>
      %dma_start3A_171 = arith.constant 0 : i32
      %dma_start3A_172 = tpu.memref_slice %arg5[%arg0, %add3A_166, %dma_start3A_171] : memref<2x10240x128xf32, #tpu.memory_space<hbm>> -> memref<1x128x128xf32, #tpu.memory_space<hbm>>
      %dma_start3A_173 = tpu.memref_squeeze %dma_start3A_172 : memref<1x128x128xf32, #tpu.memory_space<hbm>> -> memref<128x128xf32, #tpu.memory_space<hbm>>
      %dma_start3A_174 = arith.constant 0 : i32
      %dma_start3A_175 = tpu.memref_slice %arg5[%arg0, %add3A_166, %dma_start3A_174] : memref<2x10240x128xf32, #tpu.memory_space<hbm>> -> memref<1x128x128xf32, #tpu.memory_space<hbm>>
      %dma_start3A_176 = tpu.memref_squeeze %dma_start3A_175 : memref<1x128x128xf32, #tpu.memory_space<hbm>> -> memref<128x128xf32, #tpu.memory_space<hbm>>
      tpu.enqueue_dma source(%arg8 : memref<128x128xf32, #tpu.memory_space<vmem>>) target(%dma_start3A_176 : memref<128x128xf32, #tpu.memory_space<hbm>>) target_semaphore(%run_scoped3A : memref<!tpu.dma_semaphore, #tpu.memory_space<semaphore_mem>>)
      %dma_wait3A_177 = arith.constant 0 : i32
      %dma_wait3A_178 = tpu.memref_slice %arg5[%arg0, %add3A_166, %dma_wait3A_177] : memref<2x10240x128xf32, #tpu.memory_space<hbm>> -> memref<1x128x128xf32, #tpu.memory_space<hbm>>
      %dma_wait3A_179 = tpu.memref_squeeze %dma_wait3A_178 : memref<1x128x128xf32, #tpu.memory_space<hbm>> -> memref<128x128xf32, #tpu.memory_space<hbm>>
      %dma_wait3A_180 = arith.constant 0 : i32
      %dma_wait3A_181 = tpu.memref_slice %arg5[%arg0, %add3A_166, %dma_wait3A_180] : memref<2x10240x128xf32, #tpu.memory_space<hbm>> -> memref<1x128x128xf32, #tpu.memory_space<hbm>>
      %dma_wait3A_182 = tpu.memref_squeeze %dma_wait3A_181 : memref<1x128x128xf32, #tpu.memory_space<hbm>> -> memref<128x128xf32, #tpu.memory_space<hbm>>
      tpu.wait_dma2 semaphore(%run_scoped3A : memref<!tpu.dma_semaphore, #tpu.memory_space<semaphore_mem>>) src(%arg8 : memref<128x128xf32, #tpu.memory_space<vmem>>) dst(%dma_wait3A_182 : memref<128x128xf32, #tpu.memory_space<hbm>>)
      tpu.yield
    }) : () -> ()
    %mul3A_167 = arith.constant 640 : i32
    %mul3A_168 = arith.muli %arg1, %mul3A_167 : i32
    %add3A_169 = arith.constant 512 : i32
    %add3A_170 = arith.addi %mul3A_168, %add3A_169 : i32
    "tpu.region"() ({
      %run_scoped3A = tpu.sem_alloc : memref<!tpu.dma_semaphore, #tpu.memory_space<semaphore_mem>>
      %dma_start3A_171 = arith.constant 0 : i32
      %dma_start3A_172 = tpu.memref_slice %arg10[%add3A_170, %dma_start3A_171] : memref<10240x128xf32, #tpu.memory_space<vmem_shared>> -> memref<128x128xf32, #tpu.memory_space<vmem_shared>>
      %dma_start3A_173 = arith.constant 0 : i32
      %dma_start3A_174 = tpu.memref_slice %arg10[%add3A_170, %dma_start3A_173] : memref<10240x128xf32, #tpu.memory_space<vmem_shared>> -> memref<128x128xf32, #tpu.memory_space<vmem_shared>>
      tpu.enqueue_dma source(%dma_start3A_174 : memref<128x128xf32, #tpu.memory_space<vmem_shared>>) target(%arg8 : memref<128x128xf32, #tpu.memory_space<vmem>>) target_semaphore(%run_scoped3A : memref<!tpu.dma_semaphore, #tpu.memory_space<semaphore_mem>>)
      %dma_wait3A_175 = arith.constant 0 : i32
      %dma_wait3A_176 = tpu.memref_slice %arg10[%add3A_170, %dma_wait3A_175] : memref<10240x128xf32, #tpu.memory_space<vmem_shared>> -> memref<128x128xf32, #tpu.memory_space<vmem_shared>>
      %dma_wait3A_177 = arith.constant 0 : i32
      %dma_wait3A_178 = tpu.memref_slice %arg10[%add3A_170, %dma_wait3A_177] : memref<10240x128xf32, #tpu.memory_space<vmem_shared>> -> memref<128x128xf32, #tpu.memory_space<vmem_shared>>
      tpu.wait_dma2 semaphore(%run_scoped3A : memref<!tpu.dma_semaphore, #tpu.memory_space<semaphore_mem>>) src(%dma_wait3A_178 : memref<128x128xf32, #tpu.memory_space<vmem_shared>>) dst(%arg8 : memref<128x128xf32, #tpu.memory_space<vmem>>)
      tpu.yield
    }) : () -> ()
    "tpu.region"() ({
      %run_scoped3A = tpu.sem_alloc : memref<!tpu.dma_semaphore, #tpu.memory_space<semaphore_mem>>
      %dma_start3A_171 = arith.constant 0 : i32
      %dma_start3A_172 = tpu.memref_slice %arg5[%arg0, %add3A_170, %dma_start3A_171] : memref<2x10240x128xf32, #tpu.memory_space<hbm>> -> memref<1x128x128xf32, #tpu.memory_space<hbm>>
      %dma_start3A_173 = tpu.memref_squeeze %dma_start3A_172 : memref<1x128x128xf32, #tpu.memory_space<hbm>> -> memref<128x128xf32, #tpu.memory_space<hbm>>
      %dma_start3A_174 = arith.constant 0 : i32
      %dma_start3A_175 = tpu.memref_slice %arg5[%arg0, %add3A_170, %dma_start3A_174] : memref<2x10240x128xf32, #tpu.memory_space<hbm>> -> memref<1x128x128xf32, #tpu.memory_space<hbm>>
      %dma_start3A_176 = tpu.memref_squeeze %dma_start3A_175 : memref<1x128x128xf32, #tpu.memory_space<hbm>> -> memref<128x128xf32, #tpu.memory_space<hbm>>
      tpu.enqueue_dma source(%arg8 : memref<128x128xf32, #tpu.memory_space<vmem>>) target(%dma_start3A_176 : memref<128x128xf32, #tpu.memory_space<hbm>>) target_semaphore(%run_scoped3A : memref<!tpu.dma_semaphore, #tpu.memory_space<semaphore_mem>>)
      %dma_wait3A_177 = arith.constant 0 : i32
      %dma_wait3A_178 = tpu.memref_slice %arg5[%arg0, %add3A_170, %dma_wait3A_177] : memref<2x10240x128xf32, #tpu.memory_space<hbm>> -> memref<1x128x128xf32, #tpu.memory_space<hbm>>
      %dma_wait3A_179 = tpu.memref_squeeze %dma_wait3A_178 : memref<1x128x128xf32, #tpu.memory_space<hbm>> -> memref<128x128xf32, #tpu.memory_space<hbm>>
      %dma_wait3A_180 = arith.constant 0 : i32
      %dma_wait3A_181 = tpu.memref_slice %arg5[%arg0, %add3A_170, %dma_wait3A_180] : memref<2x10240x128xf32, #tpu.memory_space<hbm>> -> memref<1x128x128xf32, #tpu.memory_space<hbm>>
      %dma_wait3A_182 = tpu.memref_squeeze %dma_wait3A_181 : memref<1x128x128xf32, #tpu.memory_space<hbm>> -> memref<128x128xf32, #tpu.memory_space<hbm>>
      tpu.wait_dma2 semaphore(%run_scoped3A : memref<!tpu.dma_semaphore, #tpu.memory_space<semaphore_mem>>) src(%arg8 : memref<128x128xf32, #tpu.memory_space<vmem>>) dst(%dma_wait3A_182 : memref<128x128xf32, #tpu.memory_space<hbm>>)
      tpu.yield
    }) : () -> ()
    return
  }
}

#map = affine_map<(d0, d1) -> (0, 0)>
#map1 = affine_map<(d0, d1) -> (0, 0, 0)>
module attributes {stable_mosaic.version = 14 : i64} {
  func.func @edge_kernel(%arg0: i32, %arg1: i32, %arg2: memref<81920x128xf32, #tpu.memory_space<hbm>>, %arg3: memref<2560x128xi32, #tpu.memory_space<hbm>>, %arg4: memref<2560x128xi32, #tpu.memory_space<hbm>>, %arg5: memref<2x10240x128xf32, #tpu.memory_space<hbm>>, %arg6: memref<40x128xi32, #tpu.memory_space<vmem>>, %arg7: memref<40x128xi32, #tpu.memory_space<vmem>>, %arg8: memref<128x128xf32, #tpu.memory_space<vmem>>, %arg9: memref<128x128xf32, #tpu.memory_space<vmem>>, %arg10: memref<10240x128xf32, #tpu.memory_space<vmem_shared>>, %arg11: memref<!tpu.dma_semaphore, #tpu.memory_space<semaphore_mem>>, %arg12: memref<!tpu.dma_semaphore, #tpu.memory_space<semaphore_mem>>, %arg13: memref<!tpu.dma_semaphore, #tpu.memory_space<semaphore_mem>>, %arg14: memref<!tpu.dma_semaphore, #tpu.memory_space<semaphore_mem>>) attributes {dimension_semantics = [#tpu.dimension_semantics<core_parallel>, #tpu.dimension_semantics<subcore_parallel>], iteration_bounds = array<i64: 2, 16>, scalar_prefetch = 0 : i64, scratch_operands = 9 : i64, tpu.core_type = #tpu.core_type<sc_vector_subcore>, window_params = [{transform_indices = #map}, {transform_indices = #map}, {transform_indices = #map}, {transform_indices = #map1}]} {
    %mul3A = arith.constant 16 : i32
    %mul3A_0 = arith.muli %arg0, %mul3A : i32
    %add3A = arith.addi %mul3A_0, %arg1 : i32
    %mul3A_1 = arith.constant 80 : i32
    %mul3A_2 = arith.muli %add3A, %mul3A_1 : i32
    %scan3A = arith.constant 0 : i32
    %scan3A_3 = arith.constant 0 : i32
    %scan3A_4 = arith.constant 1024 : i32
    %scan3A_5 = arith.addi %scan3A_3, %scan3A_4 : i32
    %scan3A_6 = arith.constant 1 : i32
    scf.for %scan3A_171 = %scan3A_3 to %scan3A_5 step %scan3A_6  : i32 {
      %jit3A = arith.constant 8 : i32
      %div3A = arith.divsi %scan3A_171, %jit3A : i32
      %sign3A = arith.constant 0 : i32
      %sign3A_172 = arith.cmpi sgt, %scan3A_171, %sign3A : i32
      %sign3A_173 = arith.extui %sign3A_172 : i1 to i32
      %sign3A_174 = arith.constant 0 : i32
      %sign3A_175 = arith.cmpi slt, %scan3A_171, %sign3A_174 : i32
      %sign3A_176 = arith.extui %sign3A_175 : i1 to i32
      %sign3A_177 = arith.subi %sign3A_173, %sign3A_176 : i32
      %sign3A_178 = arith.constant 0 : i32
      %sign3A_179 = arith.cmpi sgt, %jit3A, %sign3A_178 : i32
      %sign3A_180 = arith.extui %sign3A_179 : i1 to i32
      %sign3A_181 = arith.constant 0 : i32
      %sign3A_182 = arith.cmpi slt, %jit3A, %sign3A_181 : i32
      %sign3A_183 = arith.extui %sign3A_182 : i1 to i32
      %sign3A_184 = arith.subi %sign3A_180, %sign3A_183 : i32
      %ne3A = arith.cmpi ne, %sign3A_177, %sign3A_184 : i32
      %rem3A = arith.remsi %scan3A_171, %jit3A : i32
      %ne3A_185 = arith.constant 0 : i32
      %ne3A_186 = arith.cmpi ne, %rem3A, %ne3A_185 : i32
      %and3A = arith.andi %ne3A, %ne3A_186 : i1
      %sub3A = arith.constant 1 : i32
      %sub3A_187 = arith.subi %div3A, %sub3A : i32
      %select_n3A = arith.select %and3A, %sub3A_187, %div3A : i32
      %jit3A_188 = arith.constant 8 : i32
      %eq3A = arith.constant 0 : i32
      %eq3A_189 = arith.cmpi eq, %jit3A_188, %eq3A : i32
      %jit3A_190 = arith.constant 1 : i32
      %select_n3A_191 = arith.select %eq3A_189, %jit3A_190, %jit3A_188 : i32
      %rem3A_192 = arith.remsi %scan3A_171, %select_n3A_191 : i32
      %ne3A_193 = arith.constant 0 : i32
      %ne3A_194 = arith.cmpi ne, %rem3A_192, %ne3A_193 : i32
      %lt3A = arith.constant 0 : i32
      %lt3A_195 = arith.cmpi slt, %rem3A_192, %lt3A : i32
      %lt3A_196 = arith.constant 0 : i32
      %lt3A_197 = arith.cmpi slt, %select_n3A_191, %lt3A_196 : i32
      %ne3A_198 = arith.xori %lt3A_195, %lt3A_197 : i1
      %and3A_199 = arith.andi %ne3A_198, %ne3A_194 : i1
      %add3A_200 = arith.addi %rem3A_192, %select_n3A_191 : i32
      %select_n3A_201 = arith.select %and3A_199, %add3A_200, %rem3A_192 : i32
      %mul3A_202 = arith.constant 16 : i32
      %mul3A_203 = arith.muli %select_n3A_201, %mul3A_202 : i32
      %broadcast_in_dim3A = arith.constant 0.000000e+00 : f32
      %broadcast_in_dim3A_204 = vector.broadcast %broadcast_in_dim3A : f32 to vector<16xf32>
      %swap3A = arith.index_cast %select_n3A : i32 to index
      %swap3A_205 = arith.index_cast %mul3A_203 : i32 to index
      %swap3A_206 = tpu.vector_load %arg8[%swap3A, %swap3A_205] {strides = array<i32>} : memref<128x128xf32, #tpu.memory_space<vmem>>, vector<1x16xf32>,
      %swap3A_207 = vector.shape_cast %swap3A_206 : vector<1x16xf32> to vector<16xf32>
      %swap3A_208 = vector.shape_cast %broadcast_in_dim3A_204 : vector<16xf32> to vector<1x16xf32>
      tpu.vector_store %arg8[%swap3A, %swap3A_205], %swap3A_208 {strides = array<i32>} : memref<128x128xf32, #tpu.memory_space<vmem>>, vector<1x16xf32>,
    }
    %scan3A_7 = arith.constant 1024 : i32
    %mul3A_8 = arith.constant 640 : i32
    %mul3A_9 = arith.muli %arg1, %mul3A_8 : i32
    %add3A_10 = arith.constant 0 : i32
    %add3A_11 = arith.addi %mul3A_9, %add3A_10 : i32
    "tpu.region"() ({
      %run_scoped3A = tpu.sem_alloc : memref<!tpu.dma_semaphore, #tpu.memory_space<semaphore_mem>>
      %dma_start3A_171 = arith.constant 0 : i32
      %dma_start3A_172 = tpu.memref_slice %arg10[%add3A_11, %dma_start3A_171] : memref<10240x128xf32, #tpu.memory_space<vmem_shared>> -> memref<128x128xf32, #tpu.memory_space<vmem_shared>>
      %dma_start3A_173 = arith.constant 0 : i32
      %dma_start3A_174 = tpu.memref_slice %arg10[%add3A_11, %dma_start3A_173] : memref<10240x128xf32, #tpu.memory_space<vmem_shared>> -> memref<128x128xf32, #tpu.memory_space<vmem_shared>>
      tpu.enqueue_dma source(%arg8 : memref<128x128xf32, #tpu.memory_space<vmem>>) target(%dma_start3A_174 : memref<128x128xf32, #tpu.memory_space<vmem_shared>>) target_semaphore(%run_scoped3A : memref<!tpu.dma_semaphore, #tpu.memory_space<semaphore_mem>>)
      %dma_wait3A_175 = arith.constant 0 : i32
      %dma_wait3A_176 = tpu.memref_slice %arg10[%add3A_11, %dma_wait3A_175] : memref<10240x128xf32, #tpu.memory_space<vmem_shared>> -> memref<128x128xf32, #tpu.memory_space<vmem_shared>>
      %dma_wait3A_177 = arith.constant 0 : i32
      %dma_wait3A_178 = tpu.memref_slice %arg10[%add3A_11, %dma_wait3A_177] : memref<10240x128xf32, #tpu.memory_space<vmem_shared>> -> memref<128x128xf32, #tpu.memory_space<vmem_shared>>
      tpu.wait_dma2 semaphore(%run_scoped3A : memref<!tpu.dma_semaphore, #tpu.memory_space<semaphore_mem>>) src(%arg8 : memref<128x128xf32, #tpu.memory_space<vmem>>) dst(%dma_wait3A_178 : memref<128x128xf32, #tpu.memory_space<vmem_shared>>)
      tpu.yield
    }) : () -> ()
    %mul3A_12 = arith.constant 640 : i32
    %mul3A_13 = arith.muli %arg1, %mul3A_12 : i32
    %add3A_14 = arith.constant 128 : i32
    %add3A_15 = arith.addi %mul3A_13, %add3A_14 : i32
    "tpu.region"() ({
      %run_scoped3A = tpu.sem_alloc : memref<!tpu.dma_semaphore, #tpu.memory_space<semaphore_mem>>
      %dma_start3A_171 = arith.constant 0 : i32
      %dma_start3A_172 = tpu.memref_slice %arg10[%add3A_15, %dma_start3A_171] : memref<10240x128xf32, #tpu.memory_space<vmem_shared>> -> memref<128x128xf32, #tpu.memory_space<vmem_shared>>
      %dma_start3A_173 = arith.constant 0 : i32
      %dma_start3A_174 = tpu.memref_slice %arg10[%add3A_15, %dma_start3A_173] : memref<10240x128xf32, #tpu.memory_space<vmem_shared>> -> memref<128x128xf32, #tpu.memory_space<vmem_shared>>
      tpu.enqueue_dma source(%arg8 : memref<128x128xf32, #tpu.memory_space<vmem>>) target(%dma_start3A_174 : memref<128x128xf32, #tpu.memory_space<vmem_shared>>) target_semaphore(%run_scoped3A : memref<!tpu.dma_semaphore, #tpu.memory_space<semaphore_mem>>)
      %dma_wait3A_175 = arith.constant 0 : i32
      %dma_wait3A_176 = tpu.memref_slice %arg10[%add3A_15, %dma_wait3A_175] : memref<10240x128xf32, #tpu.memory_space<vmem_shared>> -> memref<128x128xf32, #tpu.memory_space<vmem_shared>>
      %dma_wait3A_177 = arith.constant 0 : i32
      %dma_wait3A_178 = tpu.memref_slice %arg10[%add3A_15, %dma_wait3A_177] : memref<10240x128xf32, #tpu.memory_space<vmem_shared>> -> memref<128x128xf32, #tpu.memory_space<vmem_shared>>
      tpu.wait_dma2 semaphore(%run_scoped3A : memref<!tpu.dma_semaphore, #tpu.memory_space<semaphore_mem>>) src(%arg8 : memref<128x128xf32, #tpu.memory_space<vmem>>) dst(%dma_wait3A_178 : memref<128x128xf32, #tpu.memory_space<vmem_shared>>)
      tpu.yield
    }) : () -> ()
    %mul3A_16 = arith.constant 640 : i32
    %mul3A_17 = arith.muli %arg1, %mul3A_16 : i32
    %add3A_18 = arith.constant 256 : i32
    %add3A_19 = arith.addi %mul3A_17, %add3A_18 : i32
    "tpu.region"() ({
      %run_scoped3A = tpu.sem_alloc : memref<!tpu.dma_semaphore, #tpu.memory_space<semaphore_mem>>
      %dma_start3A_171 = arith.constant 0 : i32
      %dma_start3A_172 = tpu.memref_slice %arg10[%add3A_19, %dma_start3A_171] : memref<10240x128xf32, #tpu.memory_space<vmem_shared>> -> memref<128x128xf32, #tpu.memory_space<vmem_shared>>
      %dma_start3A_173 = arith.constant 0 : i32
      %dma_start3A_174 = tpu.memref_slice %arg10[%add3A_19, %dma_start3A_173] : memref<10240x128xf32, #tpu.memory_space<vmem_shared>> -> memref<128x128xf32, #tpu.memory_space<vmem_shared>>
      tpu.enqueue_dma source(%arg8 : memref<128x128xf32, #tpu.memory_space<vmem>>) target(%dma_start3A_174 : memref<128x128xf32, #tpu.memory_space<vmem_shared>>) target_semaphore(%run_scoped3A : memref<!tpu.dma_semaphore, #tpu.memory_space<semaphore_mem>>)
      %dma_wait3A_175 = arith.constant 0 : i32
      %dma_wait3A_176 = tpu.memref_slice %arg10[%add3A_19, %dma_wait3A_175] : memref<10240x128xf32, #tpu.memory_space<vmem_shared>> -> memref<128x128xf32, #tpu.memory_space<vmem_shared>>
      %dma_wait3A_177 = arith.constant 0 : i32
      %dma_wait3A_178 = tpu.memref_slice %arg10[%add3A_19, %dma_wait3A_177] : memref<10240x128xf32, #tpu.memory_space<vmem_shared>> -> memref<128x128xf32, #tpu.memory_space<vmem_shared>>
      tpu.wait_dma2 semaphore(%run_scoped3A : memref<!tpu.dma_semaphore, #tpu.memory_space<semaphore_mem>>) src(%arg8 : memref<128x128xf32, #tpu.memory_space<vmem>>) dst(%dma_wait3A_178 : memref<128x128xf32, #tpu.memory_space<vmem_shared>>)
      tpu.yield
    }) : () -> ()
    %mul3A_20 = arith.constant 640 : i32
    %mul3A_21 = arith.muli %arg1, %mul3A_20 : i32
    %add3A_22 = arith.constant 384 : i32
    %add3A_23 = arith.addi %mul3A_21, %add3A_22 : i32
    "tpu.region"() ({
      %run_scoped3A = tpu.sem_alloc : memref<!tpu.dma_semaphore, #tpu.memory_space<semaphore_mem>>
      %dma_start3A_171 = arith.constant 0 : i32
      %dma_start3A_172 = tpu.memref_slice %arg10[%add3A_23, %dma_start3A_171] : memref<10240x128xf32, #tpu.memory_space<vmem_shared>> -> memref<128x128xf32, #tpu.memory_space<vmem_shared>>
      %dma_start3A_173 = arith.constant 0 : i32
      %dma_start3A_174 = tpu.memref_slice %arg10[%add3A_23, %dma_start3A_173] : memref<10240x128xf32, #tpu.memory_space<vmem_shared>> -> memref<128x128xf32, #tpu.memory_space<vmem_shared>>
      tpu.enqueue_dma source(%arg8 : memref<128x128xf32, #tpu.memory_space<vmem>>) target(%dma_start3A_174 : memref<128x128xf32, #tpu.memory_space<vmem_shared>>) target_semaphore(%run_scoped3A : memref<!tpu.dma_semaphore, #tpu.memory_space<semaphore_mem>>)
      %dma_wait3A_175 = arith.constant 0 : i32
      %dma_wait3A_176 = tpu.memref_slice %arg10[%add3A_23, %dma_wait3A_175] : memref<10240x128xf32, #tpu.memory_space<vmem_shared>> -> memref<128x128xf32, #tpu.memory_space<vmem_shared>>
      %dma_wait3A_177 = arith.constant 0 : i32
      %dma_wait3A_178 = tpu.memref_slice %arg10[%add3A_23, %dma_wait3A_177] : memref<10240x128xf32, #tpu.memory_space<vmem_shared>> -> memref<128x128xf32, #tpu.memory_space<vmem_shared>>
      tpu.wait_dma2 semaphore(%run_scoped3A : memref<!tpu.dma_semaphore, #tpu.memory_space<semaphore_mem>>) src(%arg8 : memref<128x128xf32, #tpu.memory_space<vmem>>) dst(%dma_wait3A_178 : memref<128x128xf32, #tpu.memory_space<vmem_shared>>)
      tpu.yield
    }) : () -> ()
    %mul3A_24 = arith.constant 640 : i32
    %mul3A_25 = arith.muli %arg1, %mul3A_24 : i32
    %add3A_26 = arith.constant 512 : i32
    %add3A_27 = arith.addi %mul3A_25, %add3A_26 : i32
    "tpu.region"() ({
      %run_scoped3A = tpu.sem_alloc : memref<!tpu.dma_semaphore, #tpu.memory_space<semaphore_mem>>
      %dma_start3A_171 = arith.constant 0 : i32
      %dma_start3A_172 = tpu.memref_slice %arg10[%add3A_27, %dma_start3A_171] : memref<10240x128xf32, #tpu.memory_space<vmem_shared>> -> memref<128x128xf32, #tpu.memory_space<vmem_shared>>
      %dma_start3A_173 = arith.constant 0 : i32
      %dma_start3A_174 = tpu.memref_slice %arg10[%add3A_27, %dma_start3A_173] : memref<10240x128xf32, #tpu.memory_space<vmem_shared>> -> memref<128x128xf32, #tpu.memory_space<vmem_shared>>
      tpu.enqueue_dma source(%arg8 : memref<128x128xf32, #tpu.memory_space<vmem>>) target(%dma_start3A_174 : memref<128x128xf32, #tpu.memory_space<vmem_shared>>) target_semaphore(%run_scoped3A : memref<!tpu.dma_semaphore, #tpu.memory_space<semaphore_mem>>)
      %dma_wait3A_175 = arith.constant 0 : i32
      %dma_wait3A_176 = tpu.memref_slice %arg10[%add3A_27, %dma_wait3A_175] : memref<10240x128xf32, #tpu.memory_space<vmem_shared>> -> memref<128x128xf32, #tpu.memory_space<vmem_shared>>
      %dma_wait3A_177 = arith.constant 0 : i32
      %dma_wait3A_178 = tpu.memref_slice %arg10[%add3A_27, %dma_wait3A_177] : memref<10240x128xf32, #tpu.memory_space<vmem_shared>> -> memref<128x128xf32, #tpu.memory_space<vmem_shared>>
      tpu.wait_dma2 semaphore(%run_scoped3A : memref<!tpu.dma_semaphore, #tpu.memory_space<semaphore_mem>>) src(%arg8 : memref<128x128xf32, #tpu.memory_space<vmem>>) dst(%dma_wait3A_178 : memref<128x128xf32, #tpu.memory_space<vmem_shared>>)
      tpu.yield
    }) : () -> ()
    %barrier3A = arith.constant 0 : index
    tpu.barrier barrier_id(%barrier3A)
    %add3A_28 = arith.constant 0 : i32
    %add3A_29 = arith.addi %mul3A_2, %add3A_28 : i32
    "tpu.region"() ({
      %run_scoped3A = tpu.sem_alloc : memref<!tpu.dma_semaphore, #tpu.memory_space<semaphore_mem>>
      %dma_start3A_171 = arith.constant 0 : i32
      %dma_start3A_172 = tpu.memref_slice %arg3[%add3A_29, %dma_start3A_171] : memref<2560x128xi32, #tpu.memory_space<hbm>> -> memref<40x128xi32, #tpu.memory_space<hbm>>
      %dma_start3A_173 = arith.constant 0 : i32
      %dma_start3A_174 = tpu.memref_slice %arg3[%add3A_29, %dma_start3A_173] : memref<2560x128xi32, #tpu.memory_space<hbm>> -> memref<40x128xi32, #tpu.memory_space<hbm>>
      tpu.enqueue_dma source(%dma_start3A_174 : memref<40x128xi32, #tpu.memory_space<hbm>>) target(%arg6 : memref<40x128xi32, #tpu.memory_space<vmem>>) target_semaphore(%run_scoped3A : memref<!tpu.dma_semaphore, #tpu.memory_space<semaphore_mem>>)
      %dma_wait3A_175 = arith.constant 0 : i32
      %dma_wait3A_176 = tpu.memref_slice %arg3[%add3A_29, %dma_wait3A_175] : memref<2560x128xi32, #tpu.memory_space<hbm>> -> memref<40x128xi32, #tpu.memory_space<hbm>>
      %dma_wait3A_177 = arith.constant 0 : i32
      %dma_wait3A_178 = tpu.memref_slice %arg3[%add3A_29, %dma_wait3A_177] : memref<2560x128xi32, #tpu.memory_space<hbm>> -> memref<40x128xi32, #tpu.memory_space<hbm>>
      tpu.wait_dma2 semaphore(%run_scoped3A : memref<!tpu.dma_semaphore, #tpu.memory_space<semaphore_mem>>) src(%dma_wait3A_178 : memref<40x128xi32, #tpu.memory_space<hbm>>) dst(%arg6 : memref<40x128xi32, #tpu.memory_space<vmem>>)
      tpu.yield
    }) : () -> ()
    %add3A_30 = arith.constant 0 : i32
    %add3A_31 = arith.addi %mul3A_2, %add3A_30 : i32
    "tpu.region"() ({
      %run_scoped3A = tpu.sem_alloc : memref<!tpu.dma_semaphore, #tpu.memory_space<semaphore_mem>>
      %dma_start3A_171 = arith.constant 0 : i32
      %dma_start3A_172 = tpu.memref_slice %arg4[%add3A_31, %dma_start3A_171] : memref<2560x128xi32, #tpu.memory_space<hbm>> -> memref<40x128xi32, #tpu.memory_space<hbm>>
      %dma_start3A_173 = arith.constant 0 : i32
      %dma_start3A_174 = tpu.memref_slice %arg4[%add3A_31, %dma_start3A_173] : memref<2560x128xi32, #tpu.memory_space<hbm>> -> memref<40x128xi32, #tpu.memory_space<hbm>>
      tpu.enqueue_dma source(%dma_start3A_174 : memref<40x128xi32, #tpu.memory_space<hbm>>) target(%arg7 : memref<40x128xi32, #tpu.memory_space<vmem>>) target_semaphore(%run_scoped3A : memref<!tpu.dma_semaphore, #tpu.memory_space<semaphore_mem>>)
      %dma_wait3A_175 = arith.constant 0 : i32
      %dma_wait3A_176 = tpu.memref_slice %arg4[%add3A_31, %dma_wait3A_175] : memref<2560x128xi32, #tpu.memory_space<hbm>> -> memref<40x128xi32, #tpu.memory_space<hbm>>
      %dma_wait3A_177 = arith.constant 0 : i32
      %dma_wait3A_178 = tpu.memref_slice %arg4[%add3A_31, %dma_wait3A_177] : memref<2560x128xi32, #tpu.memory_space<hbm>> -> memref<40x128xi32, #tpu.memory_space<hbm>>
      tpu.wait_dma2 semaphore(%run_scoped3A : memref<!tpu.dma_semaphore, #tpu.memory_space<semaphore_mem>>) src(%dma_wait3A_178 : memref<40x128xi32, #tpu.memory_space<hbm>>) dst(%arg7 : memref<40x128xi32, #tpu.memory_space<vmem>>)
      tpu.yield
    }) : () -> ()
    %dma_start3A = arith.constant 0 : i32
    %dma_start3A_32 = arith.constant 0 : i32
    %dma_start3A_33 = tpu.memref_slice %arg6[%dma_start3A, %dma_start3A_32] : memref<40x128xi32, #tpu.memory_space<vmem>> -> memref<1x128xi32, #tpu.memory_space<vmem>>
    %dma_start3A_34 = tpu.memref_squeeze %dma_start3A_33 : memref<1x128xi32, #tpu.memory_space<vmem>> -> memref<128xi32, #tpu.memory_space<vmem>>
    %dma_start3A_35 = arith.constant 0 : i32
    %dma_start3A_36 = arith.constant 0 : i32
    %dma_start3A_37 = tpu.memref_slice %arg2[%dma_start3A_35, %dma_start3A_36] : memref<81920x128xf32, #tpu.memory_space<hbm>> -> memref<81920x128xf32, #tpu.memory_space<hbm>>
    tpu.enqueue_indirect_dma source(%dma_start3A_37 : memref<81920x128xf32, #tpu.memory_space<hbm>>) target(%arg8 : memref<128x128xf32, #tpu.memory_space<vmem>>) offsets(%dma_start3A_34 : memref<128xi32, #tpu.memory_space<vmem>>) semaphore(%arg11 : memref<!tpu.dma_semaphore, #tpu.memory_space<semaphore_mem>>)
    %dma_wait3A = arith.constant 0 : i32
    %dma_wait3A_38 = arith.constant 0 : i32
    %dma_wait3A_39 = tpu.memref_slice %arg2[%dma_wait3A, %dma_wait3A_38] : memref<81920x128xf32, #tpu.memory_space<hbm>> -> memref<128x128xf32, #tpu.memory_space<hbm>>
    %dma_wait3A_40 = arith.constant 0 : i32
    %dma_wait3A_41 = arith.constant 0 : i32
    %dma_wait3A_42 = tpu.memref_slice %arg2[%dma_wait3A_40, %dma_wait3A_41] : memref<81920x128xf32, #tpu.memory_space<hbm>> -> memref<128x128xf32, #tpu.memory_space<hbm>>
    tpu.wait_dma2 semaphore(%arg11 : memref<!tpu.dma_semaphore, #tpu.memory_space<semaphore_mem>>) src(%dma_wait3A_42 : memref<128x128xf32, #tpu.memory_space<hbm>>) dst(%arg8 : memref<128x128xf32, #tpu.memory_space<vmem>>)
    %dma_start3A_43 = arith.constant 0 : i32
    %dma_start3A_44 = arith.constant 0 : i32
    %dma_start3A_45 = tpu.memref_slice %arg7[%dma_start3A_43, %dma_start3A_44] : memref<40x128xi32, #tpu.memory_space<vmem>> -> memref<1x128xi32, #tpu.memory_space<vmem>>
    %dma_start3A_46 = tpu.memref_squeeze %dma_start3A_45 : memref<1x128xi32, #tpu.memory_space<vmem>> -> memref<128xi32, #tpu.memory_space<vmem>>
    %dma_start3A_47 = arith.constant 0 : i32
    %dma_start3A_48 = arith.constant 0 : i32
    %dma_start3A_49 = tpu.memref_slice %arg10[%dma_start3A_47, %dma_start3A_48] : memref<10240x128xf32, #tpu.memory_space<vmem_shared>> -> memref<10240x128xf32, #tpu.memory_space<vmem_shared>>
    tpu.enqueue_indirect_dma source(%arg8 : memref<128x128xf32, #tpu.memory_space<vmem>>) target(%dma_start3A_49 : memref<10240x128xf32, #tpu.memory_space<vmem_shared>>) offsets(%dma_start3A_46 : memref<128xi32, #tpu.memory_space<vmem>>) semaphore(%arg13 : memref<!tpu.dma_semaphore, #tpu.memory_space<semaphore_mem>>) {add = true}
    %dma_start3A_50 = arith.constant 1 : i32
    %dma_start3A_51 = arith.constant 0 : i32
    %dma_start3A_52 = tpu.memref_slice %arg6[%dma_start3A_50, %dma_start3A_51] : memref<40x128xi32, #tpu.memory_space<vmem>> -> memref<1x128xi32, #tpu.memory_space<vmem>>
    %dma_start3A_53 = tpu.memref_squeeze %dma_start3A_52 : memref<1x128xi32, #tpu.memory_space<vmem>> -> memref<128xi32, #tpu.memory_space<vmem>>
    %dma_start3A_54 = arith.constant 0 : i32
    %dma_start3A_55 = arith.constant 0 : i32
    %dma_start3A_56 = tpu.memref_slice %arg2[%dma_start3A_54, %dma_start3A_55] : memref<81920x128xf32, #tpu.memory_space<hbm>> -> memref<81920x128xf32, #tpu.memory_space<hbm>>
    tpu.enqueue_indirect_dma source(%dma_start3A_56 : memref<81920x128xf32, #tpu.memory_space<hbm>>) target(%arg9 : memref<128x128xf32, #tpu.memory_space<vmem>>) offsets(%dma_start3A_53 : memref<128xi32, #tpu.memory_space<vmem>>) semaphore(%arg12 : memref<!tpu.dma_semaphore, #tpu.memory_space<semaphore_mem>>)
    %scan3A_57 = arith.constant 0 : i32
    %scan3A_58 = arith.constant 0 : i32
    %scan3A_59 = arith.constant 19 : i32
    %scan3A_60 = arith.addi %scan3A_58, %scan3A_59 : i32
    %scan3A_61 = arith.constant 1 : i32
    scf.for %scan3A_171 = %scan3A_58 to %scan3A_60 step %scan3A_61  : i32 {
      %mul3A_172 = arith.constant 2 : i32
      %mul3A_173 = arith.muli %mul3A_172, %scan3A_171 : i32
      %add3A_174 = arith.constant 1 : i32
      %add3A_175 = arith.addi %mul3A_173, %add3A_174 : i32
      %dma_wait3A_176 = arith.constant 0 : i32
      %dma_wait3A_177 = arith.constant 0 : i32
      %dma_wait3A_178 = tpu.memref_slice %arg2[%dma_wait3A_176, %dma_wait3A_177] : memref<81920x128xf32, #tpu.memory_space<hbm>> -> memref<128x128xf32, #tpu.memory_space<hbm>>
      %dma_wait3A_179 = arith.constant 0 : i32
      %dma_wait3A_180 = arith.constant 0 : i32
      %dma_wait3A_181 = tpu.memref_slice %arg2[%dma_wait3A_179, %dma_wait3A_180] : memref<81920x128xf32, #tpu.memory_space<hbm>> -> memref<128x128xf32, #tpu.memory_space<hbm>>
      tpu.wait_dma2 semaphore(%arg12 : memref<!tpu.dma_semaphore, #tpu.memory_space<semaphore_mem>>) src(%dma_wait3A_181 : memref<128x128xf32, #tpu.memory_space<hbm>>) dst(%arg9 : memref<128x128xf32, #tpu.memory_space<vmem>>)
      %dma_start3A_182 = arith.constant 0 : i32
      %dma_start3A_183 = tpu.memref_slice %arg7[%add3A_175, %dma_start3A_182] : memref<40x128xi32, #tpu.memory_space<vmem>> -> memref<1x128xi32, #tpu.memory_space<vmem>>
      %dma_start3A_184 = tpu.memref_squeeze %dma_start3A_183 : memref<1x128xi32, #tpu.memory_space<vmem>> -> memref<128xi32, #tpu.memory_space<vmem>>
      %dma_start3A_185 = arith.constant 0 : i32
      %dma_start3A_186 = arith.constant 0 : i32
      %dma_start3A_187 = tpu.memref_slice %arg10[%dma_start3A_185, %dma_start3A_186] : memref<10240x128xf32, #tpu.memory_space<vmem_shared>> -> memref<10240x128xf32, #tpu.memory_space<vmem_shared>>
      tpu.enqueue_indirect_dma source(%arg9 : memref<128x128xf32, #tpu.memory_space<vmem>>) target(%dma_start3A_187 : memref<10240x128xf32, #tpu.memory_space<vmem_shared>>) offsets(%dma_start3A_184 : memref<128xi32, #tpu.memory_space<vmem>>) semaphore(%arg14 : memref<!tpu.dma_semaphore, #tpu.memory_space<semaphore_mem>>) {add = true}
      %dma_wait3A_188 = arith.constant 0 : i32
      %dma_wait3A_189 = arith.constant 0 : i32
      %dma_wait3A_190 = tpu.memref_slice %arg10[%dma_wait3A_188, %dma_wait3A_189] : memref<10240x128xf32, #tpu.memory_space<vmem_shared>> -> memref<128x128xf32, #tpu.memory_space<vmem_shared>>
      %dma_wait3A_191 = arith.constant 0 : i32
      %dma_wait3A_192 = arith.constant 0 : i32
      %dma_wait3A_193 = tpu.memref_slice %arg10[%dma_wait3A_191, %dma_wait3A_192] : memref<10240x128xf32, #tpu.memory_space<vmem_shared>> -> memref<128x128xf32, #tpu.memory_space<vmem_shared>>
      tpu.wait_dma2 semaphore(%arg13 : memref<!tpu.dma_semaphore, #tpu.memory_space<semaphore_mem>>) src(%arg8 : memref<128x128xf32, #tpu.memory_space<vmem>>) dst(%dma_wait3A_193 : memref<128x128xf32, #tpu.memory_space<vmem_shared>>)
      %add3A_194 = arith.constant 1 : i32
      %add3A_195 = arith.addi %add3A_175, %add3A_194 : i32
      %dma_start3A_196 = arith.constant 0 : i32
      %dma_start3A_197 = tpu.memref_slice %arg6[%add3A_195, %dma_start3A_196] : memref<40x128xi32, #tpu.memory_space<vmem>> -> memref<1x128xi32, #tpu.memory_space<vmem>>
      %dma_start3A_198 = tpu.memref_squeeze %dma_start3A_197 : memref<1x128xi32, #tpu.memory_space<vmem>> -> memref<128xi32, #tpu.memory_space<vmem>>
      %dma_start3A_199 = arith.constant 0 : i32
      %dma_start3A_200 = arith.constant 0 : i32
      %dma_start3A_201 = tpu.memref_slice %arg2[%dma_start3A_199, %dma_start3A_200] : memref<81920x128xf32, #tpu.memory_space<hbm>> -> memref<81920x128xf32, #tpu.memory_space<hbm>>
      tpu.enqueue_indirect_dma source(%dma_start3A_201 : memref<81920x128xf32, #tpu.memory_space<hbm>>) target(%arg8 : memref<128x128xf32, #tpu.memory_space<vmem>>) offsets(%dma_start3A_198 : memref<128xi32, #tpu.memory_space<vmem>>) semaphore(%arg11 : memref<!tpu.dma_semaphore, #tpu.memory_space<semaphore_mem>>)
      %dma_wait3A_202 = arith.constant 0 : i32
      %dma_wait3A_203 = arith.constant 0 : i32
      %dma_wait3A_204 = tpu.memref_slice %arg2[%dma_wait3A_202, %dma_wait3A_203] : memref<81920x128xf32, #tpu.memory_space<hbm>> -> memref<128x128xf32, #tpu.memory_space<hbm>>
      %dma_wait3A_205 = arith.constant 0 : i32
      %dma_wait3A_206 = arith.constant 0 : i32
      %dma_wait3A_207 = tpu.memref_slice %arg2[%dma_wait3A_205, %dma_wait3A_206] : memref<81920x128xf32, #tpu.memory_space<hbm>> -> memref<128x128xf32, #tpu.memory_space<hbm>>
      tpu.wait_dma2 semaphore(%arg11 : memref<!tpu.dma_semaphore, #tpu.memory_space<semaphore_mem>>) src(%dma_wait3A_207 : memref<128x128xf32, #tpu.memory_space<hbm>>) dst(%arg8 : memref<128x128xf32, #tpu.memory_space<vmem>>)
      %add3A_208 = arith.constant 1 : i32
      %add3A_209 = arith.addi %add3A_175, %add3A_208 : i32
      %dma_start3A_210 = arith.constant 0 : i32
      %dma_start3A_211 = tpu.memref_slice %arg7[%add3A_209, %dma_start3A_210] : memref<40x128xi32, #tpu.memory_space<vmem>> -> memref<1x128xi32, #tpu.memory_space<vmem>>
      %dma_start3A_212 = tpu.memref_squeeze %dma_start3A_211 : memref<1x128xi32, #tpu.memory_space<vmem>> -> memref<128xi32, #tpu.memory_space<vmem>>
      %dma_start3A_213 = arith.constant 0 : i32
      %dma_start3A_214 = arith.constant 0 : i32
      %dma_start3A_215 = tpu.memref_slice %arg10[%dma_start3A_213, %dma_start3A_214] : memref<10240x128xf32, #tpu.memory_space<vmem_shared>> -> memref<10240x128xf32, #tpu.memory_space<vmem_shared>>
      tpu.enqueue_indirect_dma source(%arg8 : memref<128x128xf32, #tpu.memory_space<vmem>>) target(%dma_start3A_215 : memref<10240x128xf32, #tpu.memory_space<vmem_shared>>) offsets(%dma_start3A_212 : memref<128xi32, #tpu.memory_space<vmem>>) semaphore(%arg13 : memref<!tpu.dma_semaphore, #tpu.memory_space<semaphore_mem>>) {add = true}
      %dma_wait3A_216 = arith.constant 0 : i32
      %dma_wait3A_217 = arith.constant 0 : i32
      %dma_wait3A_218 = tpu.memref_slice %arg10[%dma_wait3A_216, %dma_wait3A_217] : memref<10240x128xf32, #tpu.memory_space<vmem_shared>> -> memref<128x128xf32, #tpu.memory_space<vmem_shared>>
      %dma_wait3A_219 = arith.constant 0 : i32
      %dma_wait3A_220 = arith.constant 0 : i32
      %dma_wait3A_221 = tpu.memref_slice %arg10[%dma_wait3A_219, %dma_wait3A_220] : memref<10240x128xf32, #tpu.memory_space<vmem_shared>> -> memref<128x128xf32, #tpu.memory_space<vmem_shared>>
      tpu.wait_dma2 semaphore(%arg14 : memref<!tpu.dma_semaphore, #tpu.memory_space<semaphore_mem>>) src(%arg9 : memref<128x128xf32, #tpu.memory_space<vmem>>) dst(%dma_wait3A_221 : memref<128x128xf32, #tpu.memory_space<vmem_shared>>)
      %add3A_222 = arith.constant 2 : i32
      %add3A_223 = arith.addi %add3A_175, %add3A_222 : i32
      %dma_start3A_224 = arith.constant 0 : i32
      %dma_start3A_225 = tpu.memref_slice %arg6[%add3A_223, %dma_start3A_224] : memref<40x128xi32, #tpu.memory_space<vmem>> -> memref<1x128xi32, #tpu.memory_space<vmem>>
      %dma_start3A_226 = tpu.memref_squeeze %dma_start3A_225 : memref<1x128xi32, #tpu.memory_space<vmem>> -> memref<128xi32, #tpu.memory_space<vmem>>
      %dma_start3A_227 = arith.constant 0 : i32
      %dma_start3A_228 = arith.constant 0 : i32
      %dma_start3A_229 = tpu.memref_slice %arg2[%dma_start3A_227, %dma_start3A_228] : memref<81920x128xf32, #tpu.memory_space<hbm>> -> memref<81920x128xf32, #tpu.memory_space<hbm>>
      tpu.enqueue_indirect_dma source(%dma_start3A_229 : memref<81920x128xf32, #tpu.memory_space<hbm>>) target(%arg9 : memref<128x128xf32, #tpu.memory_space<vmem>>) offsets(%dma_start3A_226 : memref<128xi32, #tpu.memory_space<vmem>>) semaphore(%arg12 : memref<!tpu.dma_semaphore, #tpu.memory_space<semaphore_mem>>)
    }
    %scan3A_62 = arith.constant 19 : i32
    %dma_wait3A_63 = arith.constant 0 : i32
    %dma_wait3A_64 = arith.constant 0 : i32
    %dma_wait3A_65 = tpu.memref_slice %arg2[%dma_wait3A_63, %dma_wait3A_64] : memref<81920x128xf32, #tpu.memory_space<hbm>> -> memref<128x128xf32, #tpu.memory_space<hbm>>
    %dma_wait3A_66 = arith.constant 0 : i32
    %dma_wait3A_67 = arith.constant 0 : i32
    %dma_wait3A_68 = tpu.memref_slice %arg2[%dma_wait3A_66, %dma_wait3A_67] : memref<81920x128xf32, #tpu.memory_space<hbm>> -> memref<128x128xf32, #tpu.memory_space<hbm>>
    tpu.wait_dma2 semaphore(%arg12 : memref<!tpu.dma_semaphore, #tpu.memory_space<semaphore_mem>>) src(%dma_wait3A_68 : memref<128x128xf32, #tpu.memory_space<hbm>>) dst(%arg9 : memref<128x128xf32, #tpu.memory_space<vmem>>)
    %dma_start3A_69 = arith.constant 39 : i32
    %dma_start3A_70 = arith.constant 0 : i32
    %dma_start3A_71 = tpu.memref_slice %arg7[%dma_start3A_69, %dma_start3A_70] : memref<40x128xi32, #tpu.memory_space<vmem>> -> memref<1x128xi32, #tpu.memory_space<vmem>>
    %dma_start3A_72 = tpu.memref_squeeze %dma_start3A_71 : memref<1x128xi32, #tpu.memory_space<vmem>> -> memref<128xi32, #tpu.memory_space<vmem>>
    %dma_start3A_73 = arith.constant 0 : i32
    %dma_start3A_74 = arith.constant 0 : i32
    %dma_start3A_75 = tpu.memref_slice %arg10[%dma_start3A_73, %dma_start3A_74] : memref<10240x128xf32, #tpu.memory_space<vmem_shared>> -> memref<10240x128xf32, #tpu.memory_space<vmem_shared>>
    tpu.enqueue_indirect_dma source(%arg9 : memref<128x128xf32, #tpu.memory_space<vmem>>) target(%dma_start3A_75 : memref<10240x128xf32, #tpu.memory_space<vmem_shared>>) offsets(%dma_start3A_72 : memref<128xi32, #tpu.memory_space<vmem>>) semaphore(%arg14 : memref<!tpu.dma_semaphore, #tpu.memory_space<semaphore_mem>>) {add = true}
    %dma_wait3A_76 = arith.constant 0 : i32
    %dma_wait3A_77 = arith.constant 0 : i32
    %dma_wait3A_78 = tpu.memref_slice %arg10[%dma_wait3A_76, %dma_wait3A_77] : memref<10240x128xf32, #tpu.memory_space<vmem_shared>> -> memref<128x128xf32, #tpu.memory_space<vmem_shared>>
    %dma_wait3A_79 = arith.constant 0 : i32
    %dma_wait3A_80 = arith.constant 0 : i32
    %dma_wait3A_81 = tpu.memref_slice %arg10[%dma_wait3A_79, %dma_wait3A_80] : memref<10240x128xf32, #tpu.memory_space<vmem_shared>> -> memref<128x128xf32, #tpu.memory_space<vmem_shared>>
    tpu.wait_dma2 semaphore(%arg13 : memref<!tpu.dma_semaphore, #tpu.memory_space<semaphore_mem>>) src(%arg8 : memref<128x128xf32, #tpu.memory_space<vmem>>) dst(%dma_wait3A_81 : memref<128x128xf32, #tpu.memory_space<vmem_shared>>)
    %dma_wait3A_82 = arith.constant 0 : i32
    %dma_wait3A_83 = arith.constant 0 : i32
    %dma_wait3A_84 = tpu.memref_slice %arg10[%dma_wait3A_82, %dma_wait3A_83] : memref<10240x128xf32, #tpu.memory_space<vmem_shared>> -> memref<128x128xf32, #tpu.memory_space<vmem_shared>>
    %dma_wait3A_85 = arith.constant 0 : i32
    %dma_wait3A_86 = arith.constant 0 : i32
    %dma_wait3A_87 = tpu.memref_slice %arg10[%dma_wait3A_85, %dma_wait3A_86] : memref<10240x128xf32, #tpu.memory_space<vmem_shared>> -> memref<128x128xf32, #tpu.memory_space<vmem_shared>>
    tpu.wait_dma2 semaphore(%arg14 : memref<!tpu.dma_semaphore, #tpu.memory_space<semaphore_mem>>) src(%arg9 : memref<128x128xf32, #tpu.memory_space<vmem>>) dst(%dma_wait3A_87 : memref<128x128xf32, #tpu.memory_space<vmem_shared>>)
    %add3A_88 = arith.constant 40 : i32
    %add3A_89 = arith.addi %mul3A_2, %add3A_88 : i32
    "tpu.region"() ({
      %run_scoped3A = tpu.sem_alloc : memref<!tpu.dma_semaphore, #tpu.memory_space<semaphore_mem>>
      %dma_start3A_171 = arith.constant 0 : i32
      %dma_start3A_172 = tpu.memref_slice %arg3[%add3A_89, %dma_start3A_171] : memref<2560x128xi32, #tpu.memory_space<hbm>> -> memref<40x128xi32, #tpu.memory_space<hbm>>
      %dma_start3A_173 = arith.constant 0 : i32
      %dma_start3A_174 = tpu.memref_slice %arg3[%add3A_89, %dma_start3A_173] : memref<2560x128xi32, #tpu.memory_space<hbm>> -> memref<40x128xi32, #tpu.memory_space<hbm>>
      tpu.enqueue_dma source(%dma_start3A_174 : memref<40x128xi32, #tpu.memory_space<hbm>>) target(%arg6 : memref<40x128xi32, #tpu.memory_space<vmem>>) target_semaphore(%run_scoped3A : memref<!tpu.dma_semaphore, #tpu.memory_space<semaphore_mem>>)
      %dma_wait3A_175 = arith.constant 0 : i32
      %dma_wait3A_176 = tpu.memref_slice %arg3[%add3A_89, %dma_wait3A_175] : memref<2560x128xi32, #tpu.memory_space<hbm>> -> memref<40x128xi32, #tpu.memory_space<hbm>>
      %dma_wait3A_177 = arith.constant 0 : i32
      %dma_wait3A_178 = tpu.memref_slice %arg3[%add3A_89, %dma_wait3A_177] : memref<2560x128xi32, #tpu.memory_space<hbm>> -> memref<40x128xi32, #tpu.memory_space<hbm>>
      tpu.wait_dma2 semaphore(%run_scoped3A : memref<!tpu.dma_semaphore, #tpu.memory_space<semaphore_mem>>) src(%dma_wait3A_178 : memref<40x128xi32, #tpu.memory_space<hbm>>) dst(%arg6 : memref<40x128xi32, #tpu.memory_space<vmem>>)
      tpu.yield
    }) : () -> ()
    %add3A_90 = arith.constant 40 : i32
    %add3A_91 = arith.addi %mul3A_2, %add3A_90 : i32
    "tpu.region"() ({
      %run_scoped3A = tpu.sem_alloc : memref<!tpu.dma_semaphore, #tpu.memory_space<semaphore_mem>>
      %dma_start3A_171 = arith.constant 0 : i32
      %dma_start3A_172 = tpu.memref_slice %arg4[%add3A_91, %dma_start3A_171] : memref<2560x128xi32, #tpu.memory_space<hbm>> -> memref<40x128xi32, #tpu.memory_space<hbm>>
      %dma_start3A_173 = arith.constant 0 : i32
      %dma_start3A_174 = tpu.memref_slice %arg4[%add3A_91, %dma_start3A_173] : memref<2560x128xi32, #tpu.memory_space<hbm>> -> memref<40x128xi32, #tpu.memory_space<hbm>>
      tpu.enqueue_dma source(%dma_start3A_174 : memref<40x128xi32, #tpu.memory_space<hbm>>) target(%arg7 : memref<40x128xi32, #tpu.memory_space<vmem>>) target_semaphore(%run_scoped3A : memref<!tpu.dma_semaphore, #tpu.memory_space<semaphore_mem>>)
      %dma_wait3A_175 = arith.constant 0 : i32
      %dma_wait3A_176 = tpu.memref_slice %arg4[%add3A_91, %dma_wait3A_175] : memref<2560x128xi32, #tpu.memory_space<hbm>> -> memref<40x128xi32, #tpu.memory_space<hbm>>
      %dma_wait3A_177 = arith.constant 0 : i32
      %dma_wait3A_178 = tpu.memref_slice %arg4[%add3A_91, %dma_wait3A_177] : memref<2560x128xi32, #tpu.memory_space<hbm>> -> memref<40x128xi32, #tpu.memory_space<hbm>>
      tpu.wait_dma2 semaphore(%run_scoped3A : memref<!tpu.dma_semaphore, #tpu.memory_space<semaphore_mem>>) src(%dma_wait3A_178 : memref<40x128xi32, #tpu.memory_space<hbm>>) dst(%arg7 : memref<40x128xi32, #tpu.memory_space<vmem>>)
      tpu.yield
    }) : () -> ()
    %dma_start3A_92 = arith.constant 0 : i32
    %dma_start3A_93 = arith.constant 0 : i32
    %dma_start3A_94 = tpu.memref_slice %arg6[%dma_start3A_92, %dma_start3A_93] : memref<40x128xi32, #tpu.memory_space<vmem>> -> memref<1x128xi32, #tpu.memory_space<vmem>>
    %dma_start3A_95 = tpu.memref_squeeze %dma_start3A_94 : memref<1x128xi32, #tpu.memory_space<vmem>> -> memref<128xi32, #tpu.memory_space<vmem>>
    %dma_start3A_96 = arith.constant 0 : i32
    %dma_start3A_97 = arith.constant 0 : i32
    %dma_start3A_98 = tpu.memref_slice %arg2[%dma_start3A_96, %dma_start3A_97] : memref<81920x128xf32, #tpu.memory_space<hbm>> -> memref<81920x128xf32, #tpu.memory_space<hbm>>
    tpu.enqueue_indirect_dma source(%dma_start3A_98 : memref<81920x128xf32, #tpu.memory_space<hbm>>) target(%arg8 : memref<128x128xf32, #tpu.memory_space<vmem>>) offsets(%dma_start3A_95 : memref<128xi32, #tpu.memory_space<vmem>>) semaphore(%arg11 : memref<!tpu.dma_semaphore, #tpu.memory_space<semaphore_mem>>)
    %dma_wait3A_99 = arith.constant 0 : i32
    %dma_wait3A_100 = arith.constant 0 : i32
    %dma_wait3A_101 = tpu.memref_slice %arg2[%dma_wait3A_99, %dma_wait3A_100] : memref<81920x128xf32, #tpu.memory_space<hbm>> -> memref<128x128xf32, #tpu.memory_space<hbm>>
    %dma_wait3A_102 = arith.constant 0 : i32
    %dma_wait3A_103 = arith.constant 0 : i32
    %dma_wait3A_104 = tpu.memref_slice %arg2[%dma_wait3A_102, %dma_wait3A_103] : memref<81920x128xf32, #tpu.memory_space<hbm>> -> memref<128x128xf32, #tpu.memory_space<hbm>>
    tpu.wait_dma2 semaphore(%arg11 : memref<!tpu.dma_semaphore, #tpu.memory_space<semaphore_mem>>) src(%dma_wait3A_104 : memref<128x128xf32, #tpu.memory_space<hbm>>) dst(%arg8 : memref<128x128xf32, #tpu.memory_space<vmem>>)
    %dma_start3A_105 = arith.constant 0 : i32
    %dma_start3A_106 = arith.constant 0 : i32
    %dma_start3A_107 = tpu.memref_slice %arg7[%dma_start3A_105, %dma_start3A_106] : memref<40x128xi32, #tpu.memory_space<vmem>> -> memref<1x128xi32, #tpu.memory_space<vmem>>
    %dma_start3A_108 = tpu.memref_squeeze %dma_start3A_107 : memref<1x128xi32, #tpu.memory_space<vmem>> -> memref<128xi32, #tpu.memory_space<vmem>>
    %dma_start3A_109 = arith.constant 0 : i32
    %dma_start3A_110 = arith.constant 0 : i32
    %dma_start3A_111 = tpu.memref_slice %arg10[%dma_start3A_109, %dma_start3A_110] : memref<10240x128xf32, #tpu.memory_space<vmem_shared>> -> memref<10240x128xf32, #tpu.memory_space<vmem_shared>>
    tpu.enqueue_indirect_dma source(%arg8 : memref<128x128xf32, #tpu.memory_space<vmem>>) target(%dma_start3A_111 : memref<10240x128xf32, #tpu.memory_space<vmem_shared>>) offsets(%dma_start3A_108 : memref<128xi32, #tpu.memory_space<vmem>>) semaphore(%arg13 : memref<!tpu.dma_semaphore, #tpu.memory_space<semaphore_mem>>) {add = true}
    %dma_start3A_112 = arith.constant 1 : i32
    %dma_start3A_113 = arith.constant 0 : i32
    %dma_start3A_114 = tpu.memref_slice %arg6[%dma_start3A_112, %dma_start3A_113] : memref<40x128xi32, #tpu.memory_space<vmem>> -> memref<1x128xi32, #tpu.memory_space<vmem>>
    %dma_start3A_115 = tpu.memref_squeeze %dma_start3A_114 : memref<1x128xi32, #tpu.memory_space<vmem>> -> memref<128xi32, #tpu.memory_space<vmem>>
    %dma_start3A_116 = arith.constant 0 : i32
    %dma_start3A_117 = arith.constant 0 : i32
    %dma_start3A_118 = tpu.memref_slice %arg2[%dma_start3A_116, %dma_start3A_117] : memref<81920x128xf32, #tpu.memory_space<hbm>> -> memref<81920x128xf32, #tpu.memory_space<hbm>>
    tpu.enqueue_indirect_dma source(%dma_start3A_118 : memref<81920x128xf32, #tpu.memory_space<hbm>>) target(%arg9 : memref<128x128xf32, #tpu.memory_space<vmem>>) offsets(%dma_start3A_115 : memref<128xi32, #tpu.memory_space<vmem>>) semaphore(%arg12 : memref<!tpu.dma_semaphore, #tpu.memory_space<semaphore_mem>>)
    %scan3A_119 = arith.constant 0 : i32
    %scan3A_120 = arith.constant 0 : i32
    %scan3A_121 = arith.constant 19 : i32
    %scan3A_122 = arith.addi %scan3A_120, %scan3A_121 : i32
    %scan3A_123 = arith.constant 1 : i32
    scf.for %scan3A_171 = %scan3A_120 to %scan3A_122 step %scan3A_123  : i32 {
      %mul3A_172 = arith.constant 2 : i32
      %mul3A_173 = arith.muli %mul3A_172, %scan3A_171 : i32
      %add3A_174 = arith.constant 1 : i32
      %add3A_175 = arith.addi %mul3A_173, %add3A_174 : i32
      %dma_wait3A_176 = arith.constant 0 : i32
      %dma_wait3A_177 = arith.constant 0 : i32
      %dma_wait3A_178 = tpu.memref_slice %arg2[%dma_wait3A_176, %dma_wait3A_177] : memref<81920x128xf32, #tpu.memory_space<hbm>> -> memref<128x128xf32, #tpu.memory_space<hbm>>
      %dma_wait3A_179 = arith.constant 0 : i32
      %dma_wait3A_180 = arith.constant 0 : i32
      %dma_wait3A_181 = tpu.memref_slice %arg2[%dma_wait3A_179, %dma_wait3A_180] : memref<81920x128xf32, #tpu.memory_space<hbm>> -> memref<128x128xf32, #tpu.memory_space<hbm>>
      tpu.wait_dma2 semaphore(%arg12 : memref<!tpu.dma_semaphore, #tpu.memory_space<semaphore_mem>>) src(%dma_wait3A_181 : memref<128x128xf32, #tpu.memory_space<hbm>>) dst(%arg9 : memref<128x128xf32, #tpu.memory_space<vmem>>)
      %dma_start3A_182 = arith.constant 0 : i32
      %dma_start3A_183 = tpu.memref_slice %arg7[%add3A_175, %dma_start3A_182] : memref<40x128xi32, #tpu.memory_space<vmem>> -> memref<1x128xi32, #tpu.memory_space<vmem>>
      %dma_start3A_184 = tpu.memref_squeeze %dma_start3A_183 : memref<1x128xi32, #tpu.memory_space<vmem>> -> memref<128xi32, #tpu.memory_space<vmem>>
      %dma_start3A_185 = arith.constant 0 : i32
      %dma_start3A_186 = arith.constant 0 : i32
      %dma_start3A_187 = tpu.memref_slice %arg10[%dma_start3A_185, %dma_start3A_186] : memref<10240x128xf32, #tpu.memory_space<vmem_shared>> -> memref<10240x128xf32, #tpu.memory_space<vmem_shared>>
      tpu.enqueue_indirect_dma source(%arg9 : memref<128x128xf32, #tpu.memory_space<vmem>>) target(%dma_start3A_187 : memref<10240x128xf32, #tpu.memory_space<vmem_shared>>) offsets(%dma_start3A_184 : memref<128xi32, #tpu.memory_space<vmem>>) semaphore(%arg14 : memref<!tpu.dma_semaphore, #tpu.memory_space<semaphore_mem>>) {add = true}
      %dma_wait3A_188 = arith.constant 0 : i32
      %dma_wait3A_189 = arith.constant 0 : i32
      %dma_wait3A_190 = tpu.memref_slice %arg10[%dma_wait3A_188, %dma_wait3A_189] : memref<10240x128xf32, #tpu.memory_space<vmem_shared>> -> memref<128x128xf32, #tpu.memory_space<vmem_shared>>
      %dma_wait3A_191 = arith.constant 0 : i32
      %dma_wait3A_192 = arith.constant 0 : i32
      %dma_wait3A_193 = tpu.memref_slice %arg10[%dma_wait3A_191, %dma_wait3A_192] : memref<10240x128xf32, #tpu.memory_space<vmem_shared>> -> memref<128x128xf32, #tpu.memory_space<vmem_shared>>
      tpu.wait_dma2 semaphore(%arg13 : memref<!tpu.dma_semaphore, #tpu.memory_space<semaphore_mem>>) src(%arg8 : memref<128x128xf32, #tpu.memory_space<vmem>>) dst(%dma_wait3A_193 : memref<128x128xf32, #tpu.memory_space<vmem_shared>>)
      %add3A_194 = arith.constant 1 : i32
      %add3A_195 = arith.addi %add3A_175, %add3A_194 : i32
      %dma_start3A_196 = arith.constant 0 : i32
      %dma_start3A_197 = tpu.memref_slice %arg6[%add3A_195, %dma_start3A_196] : memref<40x128xi32, #tpu.memory_space<vmem>> -> memref<1x128xi32, #tpu.memory_space<vmem>>
      %dma_start3A_198 = tpu.memref_squeeze %dma_start3A_197 : memref<1x128xi32, #tpu.memory_space<vmem>> -> memref<128xi32, #tpu.memory_space<vmem>>
      %dma_start3A_199 = arith.constant 0 : i32
      %dma_start3A_200 = arith.constant 0 : i32
      %dma_start3A_201 = tpu.memref_slice %arg2[%dma_start3A_199, %dma_start3A_200] : memref<81920x128xf32, #tpu.memory_space<hbm>> -> memref<81920x128xf32, #tpu.memory_space<hbm>>
      tpu.enqueue_indirect_dma source(%dma_start3A_201 : memref<81920x128xf32, #tpu.memory_space<hbm>>) target(%arg8 : memref<128x128xf32, #tpu.memory_space<vmem>>) offsets(%dma_start3A_198 : memref<128xi32, #tpu.memory_space<vmem>>) semaphore(%arg11 : memref<!tpu.dma_semaphore, #tpu.memory_space<semaphore_mem>>)
      %dma_wait3A_202 = arith.constant 0 : i32
      %dma_wait3A_203 = arith.constant 0 : i32
      %dma_wait3A_204 = tpu.memref_slice %arg2[%dma_wait3A_202, %dma_wait3A_203] : memref<81920x128xf32, #tpu.memory_space<hbm>> -> memref<128x128xf32, #tpu.memory_space<hbm>>
      %dma_wait3A_205 = arith.constant 0 : i32
      %dma_wait3A_206 = arith.constant 0 : i32
      %dma_wait3A_207 = tpu.memref_slice %arg2[%dma_wait3A_205, %dma_wait3A_206] : memref<81920x128xf32, #tpu.memory_space<hbm>> -> memref<128x128xf32, #tpu.memory_space<hbm>>
      tpu.wait_dma2 semaphore(%arg11 : memref<!tpu.dma_semaphore, #tpu.memory_space<semaphore_mem>>) src(%dma_wait3A_207 : memref<128x128xf32, #tpu.memory_space<hbm>>) dst(%arg8 : memref<128x128xf32, #tpu.memory_space<vmem>>)
      %add3A_208 = arith.constant 1 : i32
      %add3A_209 = arith.addi %add3A_175, %add3A_208 : i32
      %dma_start3A_210 = arith.constant 0 : i32
      %dma_start3A_211 = tpu.memref_slice %arg7[%add3A_209, %dma_start3A_210] : memref<40x128xi32, #tpu.memory_space<vmem>> -> memref<1x128xi32, #tpu.memory_space<vmem>>
      %dma_start3A_212 = tpu.memref_squeeze %dma_start3A_211 : memref<1x128xi32, #tpu.memory_space<vmem>> -> memref<128xi32, #tpu.memory_space<vmem>>
      %dma_start3A_213 = arith.constant 0 : i32
      %dma_start3A_214 = arith.constant 0 : i32
      %dma_start3A_215 = tpu.memref_slice %arg10[%dma_start3A_213, %dma_start3A_214] : memref<10240x128xf32, #tpu.memory_space<vmem_shared>> -> memref<10240x128xf32, #tpu.memory_space<vmem_shared>>
      tpu.enqueue_indirect_dma source(%arg8 : memref<128x128xf32, #tpu.memory_space<vmem>>) target(%dma_start3A_215 : memref<10240x128xf32, #tpu.memory_space<vmem_shared>>) offsets(%dma_start3A_212 : memref<128xi32, #tpu.memory_space<vmem>>) semaphore(%arg13 : memref<!tpu.dma_semaphore, #tpu.memory_space<semaphore_mem>>) {add = true}
      %dma_wait3A_216 = arith.constant 0 : i32
      %dma_wait3A_217 = arith.constant 0 : i32
      %dma_wait3A_218 = tpu.memref_slice %arg10[%dma_wait3A_216, %dma_wait3A_217] : memref<10240x128xf32, #tpu.memory_space<vmem_shared>> -> memref<128x128xf32, #tpu.memory_space<vmem_shared>>
      %dma_wait3A_219 = arith.constant 0 : i32
      %dma_wait3A_220 = arith.constant 0 : i32
      %dma_wait3A_221 = tpu.memref_slice %arg10[%dma_wait3A_219, %dma_wait3A_220] : memref<10240x128xf32, #tpu.memory_space<vmem_shared>> -> memref<128x128xf32, #tpu.memory_space<vmem_shared>>
      tpu.wait_dma2 semaphore(%arg14 : memref<!tpu.dma_semaphore, #tpu.memory_space<semaphore_mem>>) src(%arg9 : memref<128x128xf32, #tpu.memory_space<vmem>>) dst(%dma_wait3A_221 : memref<128x128xf32, #tpu.memory_space<vmem_shared>>)
      %add3A_222 = arith.constant 2 : i32
      %add3A_223 = arith.addi %add3A_175, %add3A_222 : i32
      %dma_start3A_224 = arith.constant 0 : i32
      %dma_start3A_225 = tpu.memref_slice %arg6[%add3A_223, %dma_start3A_224] : memref<40x128xi32, #tpu.memory_space<vmem>> -> memref<1x128xi32, #tpu.memory_space<vmem>>
      %dma_start3A_226 = tpu.memref_squeeze %dma_start3A_225 : memref<1x128xi32, #tpu.memory_space<vmem>> -> memref<128xi32, #tpu.memory_space<vmem>>
      %dma_start3A_227 = arith.constant 0 : i32
      %dma_start3A_228 = arith.constant 0 : i32
      %dma_start3A_229 = tpu.memref_slice %arg2[%dma_start3A_227, %dma_start3A_228] : memref<81920x128xf32, #tpu.memory_space<hbm>> -> memref<81920x128xf32, #tpu.memory_space<hbm>>
      tpu.enqueue_indirect_dma source(%dma_start3A_229 : memref<81920x128xf32, #tpu.memory_space<hbm>>) target(%arg9 : memref<128x128xf32, #tpu.memory_space<vmem>>) offsets(%dma_start3A_226 : memref<128xi32, #tpu.memory_space<vmem>>) semaphore(%arg12 : memref<!tpu.dma_semaphore, #tpu.memory_space<semaphore_mem>>)
    }
    %scan3A_124 = arith.constant 19 : i32
    %dma_wait3A_125 = arith.constant 0 : i32
    %dma_wait3A_126 = arith.constant 0 : i32
    %dma_wait3A_127 = tpu.memref_slice %arg2[%dma_wait3A_125, %dma_wait3A_126] : memref<81920x128xf32, #tpu.memory_space<hbm>> -> memref<128x128xf32, #tpu.memory_space<hbm>>
    %dma_wait3A_128 = arith.constant 0 : i32
    %dma_wait3A_129 = arith.constant 0 : i32
    %dma_wait3A_130 = tpu.memref_slice %arg2[%dma_wait3A_128, %dma_wait3A_129] : memref<81920x128xf32, #tpu.memory_space<hbm>> -> memref<128x128xf32, #tpu.memory_space<hbm>>
    tpu.wait_dma2 semaphore(%arg12 : memref<!tpu.dma_semaphore, #tpu.memory_space<semaphore_mem>>) src(%dma_wait3A_130 : memref<128x128xf32, #tpu.memory_space<hbm>>) dst(%arg9 : memref<128x128xf32, #tpu.memory_space<vmem>>)
    %dma_start3A_131 = arith.constant 39 : i32
    %dma_start3A_132 = arith.constant 0 : i32
    %dma_start3A_133 = tpu.memref_slice %arg7[%dma_start3A_131, %dma_start3A_132] : memref<40x128xi32, #tpu.memory_space<vmem>> -> memref<1x128xi32, #tpu.memory_space<vmem>>
    %dma_start3A_134 = tpu.memref_squeeze %dma_start3A_133 : memref<1x128xi32, #tpu.memory_space<vmem>> -> memref<128xi32, #tpu.memory_space<vmem>>
    %dma_start3A_135 = arith.constant 0 : i32
    %dma_start3A_136 = arith.constant 0 : i32
    %dma_start3A_137 = tpu.memref_slice %arg10[%dma_start3A_135, %dma_start3A_136] : memref<10240x128xf32, #tpu.memory_space<vmem_shared>> -> memref<10240x128xf32, #tpu.memory_space<vmem_shared>>
    tpu.enqueue_indirect_dma source(%arg9 : memref<128x128xf32, #tpu.memory_space<vmem>>) target(%dma_start3A_137 : memref<10240x128xf32, #tpu.memory_space<vmem_shared>>) offsets(%dma_start3A_134 : memref<128xi32, #tpu.memory_space<vmem>>) semaphore(%arg14 : memref<!tpu.dma_semaphore, #tpu.memory_space<semaphore_mem>>) {add = true}
    %dma_wait3A_138 = arith.constant 0 : i32
    %dma_wait3A_139 = arith.constant 0 : i32
    %dma_wait3A_140 = tpu.memref_slice %arg10[%dma_wait3A_138, %dma_wait3A_139] : memref<10240x128xf32, #tpu.memory_space<vmem_shared>> -> memref<128x128xf32, #tpu.memory_space<vmem_shared>>
    %dma_wait3A_141 = arith.constant 0 : i32
    %dma_wait3A_142 = arith.constant 0 : i32
    %dma_wait3A_143 = tpu.memref_slice %arg10[%dma_wait3A_141, %dma_wait3A_142] : memref<10240x128xf32, #tpu.memory_space<vmem_shared>> -> memref<128x128xf32, #tpu.memory_space<vmem_shared>>
    tpu.wait_dma2 semaphore(%arg13 : memref<!tpu.dma_semaphore, #tpu.memory_space<semaphore_mem>>) src(%arg8 : memref<128x128xf32, #tpu.memory_space<vmem>>) dst(%dma_wait3A_143 : memref<128x128xf32, #tpu.memory_space<vmem_shared>>)
    %dma_wait3A_144 = arith.constant 0 : i32
    %dma_wait3A_145 = arith.constant 0 : i32
    %dma_wait3A_146 = tpu.memref_slice %arg10[%dma_wait3A_144, %dma_wait3A_145] : memref<10240x128xf32, #tpu.memory_space<vmem_shared>> -> memref<128x128xf32, #tpu.memory_space<vmem_shared>>
    %dma_wait3A_147 = arith.constant 0 : i32
    %dma_wait3A_148 = arith.constant 0 : i32
    %dma_wait3A_149 = tpu.memref_slice %arg10[%dma_wait3A_147, %dma_wait3A_148] : memref<10240x128xf32, #tpu.memory_space<vmem_shared>> -> memref<128x128xf32, #tpu.memory_space<vmem_shared>>
    tpu.wait_dma2 semaphore(%arg14 : memref<!tpu.dma_semaphore, #tpu.memory_space<semaphore_mem>>) src(%arg9 : memref<128x128xf32, #tpu.memory_space<vmem>>) dst(%dma_wait3A_149 : memref<128x128xf32, #tpu.memory_space<vmem_shared>>)
    %barrier3A_150 = arith.constant 0 : index
    tpu.barrier barrier_id(%barrier3A_150)
    %mul3A_151 = arith.constant 640 : i32
    %mul3A_152 = arith.muli %arg1, %mul3A_151 : i32
    %add3A_153 = arith.constant 0 : i32
    %add3A_154 = arith.addi %mul3A_152, %add3A_153 : i32
    "tpu.region"() ({
      %run_scoped3A = tpu.sem_alloc : memref<!tpu.dma_semaphore, #tpu.memory_space<semaphore_mem>>
      %dma_start3A_171 = arith.constant 0 : i32
      %dma_start3A_172 = tpu.memref_slice %arg10[%add3A_154, %dma_start3A_171] : memref<10240x128xf32, #tpu.memory_space<vmem_shared>> -> memref<128x128xf32, #tpu.memory_space<vmem_shared>>
      %dma_start3A_173 = arith.constant 0 : i32
      %dma_start3A_174 = tpu.memref_slice %arg10[%add3A_154, %dma_start3A_173] : memref<10240x128xf32, #tpu.memory_space<vmem_shared>> -> memref<128x128xf32, #tpu.memory_space<vmem_shared>>
      tpu.enqueue_dma source(%dma_start3A_174 : memref<128x128xf32, #tpu.memory_space<vmem_shared>>) target(%arg8 : memref<128x128xf32, #tpu.memory_space<vmem>>) target_semaphore(%run_scoped3A : memref<!tpu.dma_semaphore, #tpu.memory_space<semaphore_mem>>)
      %dma_wait3A_175 = arith.constant 0 : i32
      %dma_wait3A_176 = tpu.memref_slice %arg10[%add3A_154, %dma_wait3A_175] : memref<10240x128xf32, #tpu.memory_space<vmem_shared>> -> memref<128x128xf32, #tpu.memory_space<vmem_shared>>
      %dma_wait3A_177 = arith.constant 0 : i32
      %dma_wait3A_178 = tpu.memref_slice %arg10[%add3A_154, %dma_wait3A_177] : memref<10240x128xf32, #tpu.memory_space<vmem_shared>> -> memref<128x128xf32, #tpu.memory_space<vmem_shared>>
      tpu.wait_dma2 semaphore(%run_scoped3A : memref<!tpu.dma_semaphore, #tpu.memory_space<semaphore_mem>>) src(%dma_wait3A_178 : memref<128x128xf32, #tpu.memory_space<vmem_shared>>) dst(%arg8 : memref<128x128xf32, #tpu.memory_space<vmem>>)
      tpu.yield
    }) : () -> ()
    "tpu.region"() ({
      %run_scoped3A = tpu.sem_alloc : memref<!tpu.dma_semaphore, #tpu.memory_space<semaphore_mem>>
      %dma_start3A_171 = arith.constant 0 : i32
      %dma_start3A_172 = tpu.memref_slice %arg5[%arg0, %add3A_154, %dma_start3A_171] : memref<2x10240x128xf32, #tpu.memory_space<hbm>> -> memref<1x128x128xf32, #tpu.memory_space<hbm>>
      %dma_start3A_173 = tpu.memref_squeeze %dma_start3A_172 : memref<1x128x128xf32, #tpu.memory_space<hbm>> -> memref<128x128xf32, #tpu.memory_space<hbm>>
      %dma_start3A_174 = arith.constant 0 : i32
      %dma_start3A_175 = tpu.memref_slice %arg5[%arg0, %add3A_154, %dma_start3A_174] : memref<2x10240x128xf32, #tpu.memory_space<hbm>> -> memref<1x128x128xf32, #tpu.memory_space<hbm>>
      %dma_start3A_176 = tpu.memref_squeeze %dma_start3A_175 : memref<1x128x128xf32, #tpu.memory_space<hbm>> -> memref<128x128xf32, #tpu.memory_space<hbm>>
      tpu.enqueue_dma source(%arg8 : memref<128x128xf32, #tpu.memory_space<vmem>>) target(%dma_start3A_176 : memref<128x128xf32, #tpu.memory_space<hbm>>) target_semaphore(%run_scoped3A : memref<!tpu.dma_semaphore, #tpu.memory_space<semaphore_mem>>)
      %dma_wait3A_177 = arith.constant 0 : i32
      %dma_wait3A_178 = tpu.memref_slice %arg5[%arg0, %add3A_154, %dma_wait3A_177] : memref<2x10240x128xf32, #tpu.memory_space<hbm>> -> memref<1x128x128xf32, #tpu.memory_space<hbm>>
      %dma_wait3A_179 = tpu.memref_squeeze %dma_wait3A_178 : memref<1x128x128xf32, #tpu.memory_space<hbm>> -> memref<128x128xf32, #tpu.memory_space<hbm>>
      %dma_wait3A_180 = arith.constant 0 : i32
      %dma_wait3A_181 = tpu.memref_slice %arg5[%arg0, %add3A_154, %dma_wait3A_180] : memref<2x10240x128xf32, #tpu.memory_space<hbm>> -> memref<1x128x128xf32, #tpu.memory_space<hbm>>
      %dma_wait3A_182 = tpu.memref_squeeze %dma_wait3A_181 : memref<1x128x128xf32, #tpu.memory_space<hbm>> -> memref<128x128xf32, #tpu.memory_space<hbm>>
      tpu.wait_dma2 semaphore(%run_scoped3A : memref<!tpu.dma_semaphore, #tpu.memory_space<semaphore_mem>>) src(%arg8 : memref<128x128xf32, #tpu.memory_space<vmem>>) dst(%dma_wait3A_182 : memref<128x128xf32, #tpu.memory_space<hbm>>)
      tpu.yield
    }) : () -> ()
    %mul3A_155 = arith.constant 640 : i32
    %mul3A_156 = arith.muli %arg1, %mul3A_155 : i32
    %add3A_157 = arith.constant 128 : i32
    %add3A_158 = arith.addi %mul3A_156, %add3A_157 : i32
    "tpu.region"() ({
      %run_scoped3A = tpu.sem_alloc : memref<!tpu.dma_semaphore, #tpu.memory_space<semaphore_mem>>
      %dma_start3A_171 = arith.constant 0 : i32
      %dma_start3A_172 = tpu.memref_slice %arg10[%add3A_158, %dma_start3A_171] : memref<10240x128xf32, #tpu.memory_space<vmem_shared>> -> memref<128x128xf32, #tpu.memory_space<vmem_shared>>
      %dma_start3A_173 = arith.constant 0 : i32
      %dma_start3A_174 = tpu.memref_slice %arg10[%add3A_158, %dma_start3A_173] : memref<10240x128xf32, #tpu.memory_space<vmem_shared>> -> memref<128x128xf32, #tpu.memory_space<vmem_shared>>
      tpu.enqueue_dma source(%dma_start3A_174 : memref<128x128xf32, #tpu.memory_space<vmem_shared>>) target(%arg8 : memref<128x128xf32, #tpu.memory_space<vmem>>) target_semaphore(%run_scoped3A : memref<!tpu.dma_semaphore, #tpu.memory_space<semaphore_mem>>)
      %dma_wait3A_175 = arith.constant 0 : i32
      %dma_wait3A_176 = tpu.memref_slice %arg10[%add3A_158, %dma_wait3A_175] : memref<10240x128xf32, #tpu.memory_space<vmem_shared>> -> memref<128x128xf32, #tpu.memory_space<vmem_shared>>
      %dma_wait3A_177 = arith.constant 0 : i32
      %dma_wait3A_178 = tpu.memref_slice %arg10[%add3A_158, %dma_wait3A_177] : memref<10240x128xf32, #tpu.memory_space<vmem_shared>> -> memref<128x128xf32, #tpu.memory_space<vmem_shared>>
      tpu.wait_dma2 semaphore(%run_scoped3A : memref<!tpu.dma_semaphore, #tpu.memory_space<semaphore_mem>>) src(%dma_wait3A_178 : memref<128x128xf32, #tpu.memory_space<vmem_shared>>) dst(%arg8 : memref<128x128xf32, #tpu.memory_space<vmem>>)
      tpu.yield
    }) : () -> ()
    "tpu.region"() ({
      %run_scoped3A = tpu.sem_alloc : memref<!tpu.dma_semaphore, #tpu.memory_space<semaphore_mem>>
      %dma_start3A_171 = arith.constant 0 : i32
      %dma_start3A_172 = tpu.memref_slice %arg5[%arg0, %add3A_158, %dma_start3A_171] : memref<2x10240x128xf32, #tpu.memory_space<hbm>> -> memref<1x128x128xf32, #tpu.memory_space<hbm>>
      %dma_start3A_173 = tpu.memref_squeeze %dma_start3A_172 : memref<1x128x128xf32, #tpu.memory_space<hbm>> -> memref<128x128xf32, #tpu.memory_space<hbm>>
      %dma_start3A_174 = arith.constant 0 : i32
      %dma_start3A_175 = tpu.memref_slice %arg5[%arg0, %add3A_158, %dma_start3A_174] : memref<2x10240x128xf32, #tpu.memory_space<hbm>> -> memref<1x128x128xf32, #tpu.memory_space<hbm>>
      %dma_start3A_176 = tpu.memref_squeeze %dma_start3A_175 : memref<1x128x128xf32, #tpu.memory_space<hbm>> -> memref<128x128xf32, #tpu.memory_space<hbm>>
      tpu.enqueue_dma source(%arg8 : memref<128x128xf32, #tpu.memory_space<vmem>>) target(%dma_start3A_176 : memref<128x128xf32, #tpu.memory_space<hbm>>) target_semaphore(%run_scoped3A : memref<!tpu.dma_semaphore, #tpu.memory_space<semaphore_mem>>)
      %dma_wait3A_177 = arith.constant 0 : i32
      %dma_wait3A_178 = tpu.memref_slice %arg5[%arg0, %add3A_158, %dma_wait3A_177] : memref<2x10240x128xf32, #tpu.memory_space<hbm>> -> memref<1x128x128xf32, #tpu.memory_space<hbm>>
      %dma_wait3A_179 = tpu.memref_squeeze %dma_wait3A_178 : memref<1x128x128xf32, #tpu.memory_space<hbm>> -> memref<128x128xf32, #tpu.memory_space<hbm>>
      %dma_wait3A_180 = arith.constant 0 : i32
      %dma_wait3A_181 = tpu.memref_slice %arg5[%arg0, %add3A_158, %dma_wait3A_180] : memref<2x10240x128xf32, #tpu.memory_space<hbm>> -> memref<1x128x128xf32, #tpu.memory_space<hbm>>
      %dma_wait3A_182 = tpu.memref_squeeze %dma_wait3A_181 : memref<1x128x128xf32, #tpu.memory_space<hbm>> -> memref<128x128xf32, #tpu.memory_space<hbm>>
      tpu.wait_dma2 semaphore(%run_scoped3A : memref<!tpu.dma_semaphore, #tpu.memory_space<semaphore_mem>>) src(%arg8 : memref<128x128xf32, #tpu.memory_space<vmem>>) dst(%dma_wait3A_182 : memref<128x128xf32, #tpu.memory_space<hbm>>)
      tpu.yield
    }) : () -> ()
    %mul3A_159 = arith.constant 640 : i32
    %mul3A_160 = arith.muli %arg1, %mul3A_159 : i32
    %add3A_161 = arith.constant 256 : i32
    %add3A_162 = arith.addi %mul3A_160, %add3A_161 : i32
    "tpu.region"() ({
      %run_scoped3A = tpu.sem_alloc : memref<!tpu.dma_semaphore, #tpu.memory_space<semaphore_mem>>
      %dma_start3A_171 = arith.constant 0 : i32
      %dma_start3A_172 = tpu.memref_slice %arg10[%add3A_162, %dma_start3A_171] : memref<10240x128xf32, #tpu.memory_space<vmem_shared>> -> memref<128x128xf32, #tpu.memory_space<vmem_shared>>
      %dma_start3A_173 = arith.constant 0 : i32
      %dma_start3A_174 = tpu.memref_slice %arg10[%add3A_162, %dma_start3A_173] : memref<10240x128xf32, #tpu.memory_space<vmem_shared>> -> memref<128x128xf32, #tpu.memory_space<vmem_shared>>
      tpu.enqueue_dma source(%dma_start3A_174 : memref<128x128xf32, #tpu.memory_space<vmem_shared>>) target(%arg8 : memref<128x128xf32, #tpu.memory_space<vmem>>) target_semaphore(%run_scoped3A : memref<!tpu.dma_semaphore, #tpu.memory_space<semaphore_mem>>)
      %dma_wait3A_175 = arith.constant 0 : i32
      %dma_wait3A_176 = tpu.memref_slice %arg10[%add3A_162, %dma_wait3A_175] : memref<10240x128xf32, #tpu.memory_space<vmem_shared>> -> memref<128x128xf32, #tpu.memory_space<vmem_shared>>
      %dma_wait3A_177 = arith.constant 0 : i32
      %dma_wait3A_178 = tpu.memref_slice %arg10[%add3A_162, %dma_wait3A_177] : memref<10240x128xf32, #tpu.memory_space<vmem_shared>> -> memref<128x128xf32, #tpu.memory_space<vmem_shared>>
      tpu.wait_dma2 semaphore(%run_scoped3A : memref<!tpu.dma_semaphore, #tpu.memory_space<semaphore_mem>>) src(%dma_wait3A_178 : memref<128x128xf32, #tpu.memory_space<vmem_shared>>) dst(%arg8 : memref<128x128xf32, #tpu.memory_space<vmem>>)
      tpu.yield
    }) : () -> ()
    "tpu.region"() ({
      %run_scoped3A = tpu.sem_alloc : memref<!tpu.dma_semaphore, #tpu.memory_space<semaphore_mem>>
      %dma_start3A_171 = arith.constant 0 : i32
      %dma_start3A_172 = tpu.memref_slice %arg5[%arg0, %add3A_162, %dma_start3A_171] : memref<2x10240x128xf32, #tpu.memory_space<hbm>> -> memref<1x128x128xf32, #tpu.memory_space<hbm>>
      %dma_start3A_173 = tpu.memref_squeeze %dma_start3A_172 : memref<1x128x128xf32, #tpu.memory_space<hbm>> -> memref<128x128xf32, #tpu.memory_space<hbm>>
      %dma_start3A_174 = arith.constant 0 : i32
      %dma_start3A_175 = tpu.memref_slice %arg5[%arg0, %add3A_162, %dma_start3A_174] : memref<2x10240x128xf32, #tpu.memory_space<hbm>> -> memref<1x128x128xf32, #tpu.memory_space<hbm>>
      %dma_start3A_176 = tpu.memref_squeeze %dma_start3A_175 : memref<1x128x128xf32, #tpu.memory_space<hbm>> -> memref<128x128xf32, #tpu.memory_space<hbm>>
      tpu.enqueue_dma source(%arg8 : memref<128x128xf32, #tpu.memory_space<vmem>>) target(%dma_start3A_176 : memref<128x128xf32, #tpu.memory_space<hbm>>) target_semaphore(%run_scoped3A : memref<!tpu.dma_semaphore, #tpu.memory_space<semaphore_mem>>)
      %dma_wait3A_177 = arith.constant 0 : i32
      %dma_wait3A_178 = tpu.memref_slice %arg5[%arg0, %add3A_162, %dma_wait3A_177] : memref<2x10240x128xf32, #tpu.memory_space<hbm>> -> memref<1x128x128xf32, #tpu.memory_space<hbm>>
      %dma_wait3A_179 = tpu.memref_squeeze %dma_wait3A_178 : memref<1x128x128xf32, #tpu.memory_space<hbm>> -> memref<128x128xf32, #tpu.memory_space<hbm>>
      %dma_wait3A_180 = arith.constant 0 : i32
      %dma_wait3A_181 = tpu.memref_slice %arg5[%arg0, %add3A_162, %dma_wait3A_180] : memref<2x10240x128xf32, #tpu.memory_space<hbm>> -> memref<1x128x128xf32, #tpu.memory_space<hbm>>
      %dma_wait3A_182 = tpu.memref_squeeze %dma_wait3A_181 : memref<1x128x128xf32, #tpu.memory_space<hbm>> -> memref<128x128xf32, #tpu.memory_space<hbm>>
      tpu.wait_dma2 semaphore(%run_scoped3A : memref<!tpu.dma_semaphore, #tpu.memory_space<semaphore_mem>>) src(%arg8 : memref<128x128xf32, #tpu.memory_space<vmem>>) dst(%dma_wait3A_182 : memref<128x128xf32, #tpu.memory_space<hbm>>)
      tpu.yield
    }) : () -> ()
    %mul3A_163 = arith.constant 640 : i32
    %mul3A_164 = arith.muli %arg1, %mul3A_163 : i32
    %add3A_165 = arith.constant 384 : i32
    %add3A_166 = arith.addi %mul3A_164, %add3A_165 : i32
    "tpu.region"() ({
      %run_scoped3A = tpu.sem_alloc : memref<!tpu.dma_semaphore, #tpu.memory_space<semaphore_mem>>
      %dma_start3A_171 = arith.constant 0 : i32
      %dma_start3A_172 = tpu.memref_slice %arg10[%add3A_166, %dma_start3A_171] : memref<10240x128xf32, #tpu.memory_space<vmem_shared>> -> memref<128x128xf32, #tpu.memory_space<vmem_shared>>
      %dma_start3A_173 = arith.constant 0 : i32
      %dma_start3A_174 = tpu.memref_slice %arg10[%add3A_166, %dma_start3A_173] : memref<10240x128xf32, #tpu.memory_space<vmem_shared>> -> memref<128x128xf32, #tpu.memory_space<vmem_shared>>
      tpu.enqueue_dma source(%dma_start3A_174 : memref<128x128xf32, #tpu.memory_space<vmem_shared>>) target(%arg8 : memref<128x128xf32, #tpu.memory_space<vmem>>) target_semaphore(%run_scoped3A : memref<!tpu.dma_semaphore, #tpu.memory_space<semaphore_mem>>)
      %dma_wait3A_175 = arith.constant 0 : i32
      %dma_wait3A_176 = tpu.memref_slice %arg10[%add3A_166, %dma_wait3A_175] : memref<10240x128xf32, #tpu.memory_space<vmem_shared>> -> memref<128x128xf32, #tpu.memory_space<vmem_shared>>
      %dma_wait3A_177 = arith.constant 0 : i32
      %dma_wait3A_178 = tpu.memref_slice %arg10[%add3A_166, %dma_wait3A_177] : memref<10240x128xf32, #tpu.memory_space<vmem_shared>> -> memref<128x128xf32, #tpu.memory_space<vmem_shared>>
      tpu.wait_dma2 semaphore(%run_scoped3A : memref<!tpu.dma_semaphore, #tpu.memory_space<semaphore_mem>>) src(%dma_wait3A_178 : memref<128x128xf32, #tpu.memory_space<vmem_shared>>) dst(%arg8 : memref<128x128xf32, #tpu.memory_space<vmem>>)
      tpu.yield
    }) : () -> ()
    "tpu.region"() ({
      %run_scoped3A = tpu.sem_alloc : memref<!tpu.dma_semaphore, #tpu.memory_space<semaphore_mem>>
      %dma_start3A_171 = arith.constant 0 : i32
      %dma_start3A_172 = tpu.memref_slice %arg5[%arg0, %add3A_166, %dma_start3A_171] : memref<2x10240x128xf32, #tpu.memory_space<hbm>> -> memref<1x128x128xf32, #tpu.memory_space<hbm>>
      %dma_start3A_173 = tpu.memref_squeeze %dma_start3A_172 : memref<1x128x128xf32, #tpu.memory_space<hbm>> -> memref<128x128xf32, #tpu.memory_space<hbm>>
      %dma_start3A_174 = arith.constant 0 : i32
      %dma_start3A_175 = tpu.memref_slice %arg5[%arg0, %add3A_166, %dma_start3A_174] : memref<2x10240x128xf32, #tpu.memory_space<hbm>> -> memref<1x128x128xf32, #tpu.memory_space<hbm>>
      %dma_start3A_176 = tpu.memref_squeeze %dma_start3A_175 : memref<1x128x128xf32, #tpu.memory_space<hbm>> -> memref<128x128xf32, #tpu.memory_space<hbm>>
      tpu.enqueue_dma source(%arg8 : memref<128x128xf32, #tpu.memory_space<vmem>>) target(%dma_start3A_176 : memref<128x128xf32, #tpu.memory_space<hbm>>) target_semaphore(%run_scoped3A : memref<!tpu.dma_semaphore, #tpu.memory_space<semaphore_mem>>)
      %dma_wait3A_177 = arith.constant 0 : i32
      %dma_wait3A_178 = tpu.memref_slice %arg5[%arg0, %add3A_166, %dma_wait3A_177] : memref<2x10240x128xf32, #tpu.memory_space<hbm>> -> memref<1x128x128xf32, #tpu.memory_space<hbm>>
      %dma_wait3A_179 = tpu.memref_squeeze %dma_wait3A_178 : memref<1x128x128xf32, #tpu.memory_space<hbm>> -> memref<128x128xf32, #tpu.memory_space<hbm>>
      %dma_wait3A_180 = arith.constant 0 : i32
      %dma_wait3A_181 = tpu.memref_slice %arg5[%arg0, %add3A_166, %dma_wait3A_180] : memref<2x10240x128xf32, #tpu.memory_space<hbm>> -> memref<1x128x128xf32, #tpu.memory_space<hbm>>
      %dma_wait3A_182 = tpu.memref_squeeze %dma_wait3A_181 : memref<1x128x128xf32, #tpu.memory_space<hbm>> -> memref<128x128xf32, #tpu.memory_space<hbm>>
      tpu.wait_dma2 semaphore(%run_scoped3A : memref<!tpu.dma_semaphore, #tpu.memory_space<semaphore_mem>>) src(%arg8 : memref<128x128xf32, #tpu.memory_space<vmem>>) dst(%dma_wait3A_182 : memref<128x128xf32, #tpu.memory_space<hbm>>)
      tpu.yield
    }) : () -> ()
    %mul3A_167 = arith.constant 640 : i32
    %mul3A_168 = arith.muli %arg1, %mul3A_167 : i32
    %add3A_169 = arith.constant 512 : i32
    %add3A_170 = arith.addi %mul3A_168, %add3A_169 : i32
    "tpu.region"() ({
      %run_scoped3A = tpu.sem_alloc : memref<!tpu.dma_semaphore, #tpu.memory_space<semaphore_mem>>
      %dma_start3A_171 = arith.constant 0 : i32
      %dma_start3A_172 = tpu.memref_slice %arg10[%add3A_170, %dma_start3A_171] : memref<10240x128xf32, #tpu.memory_space<vmem_shared>> -> memref<128x128xf32, #tpu.memory_space<vmem_shared>>
      %dma_start3A_173 = arith.constant 0 : i32
      %dma_start3A_174 = tpu.memref_slice %arg10[%add3A_170, %dma_start3A_173] : memref<10240x128xf32, #tpu.memory_space<vmem_shared>> -> memref<128x128xf32, #tpu.memory_space<vmem_shared>>
      tpu.enqueue_dma source(%dma_start3A_174 : memref<128x128xf32, #tpu.memory_space<vmem_shared>>) target(%arg8 : memref<128x128xf32, #tpu.memory_space<vmem>>) target_semaphore(%run_scoped3A : memref<!tpu.dma_semaphore, #tpu.memory_space<semaphore_mem>>)
      %dma_wait3A_175 = arith.constant 0 : i32
      %dma_wait3A_176 = tpu.memref_slice %arg10[%add3A_170, %dma_wait3A_175] : memref<10240x128xf32, #tpu.memory_space<vmem_shared>> -> memref<128x128xf32, #tpu.memory_space<vmem_shared>>
      %dma_wait3A_177 = arith.constant 0 : i32
      %dma_wait3A_178 = tpu.memref_slice %arg10[%add3A_170, %dma_wait3A_177] : memref<10240x128xf32, #tpu.memory_space<vmem_shared>> -> memref<128x128xf32, #tpu.memory_space<vmem_shared>>
      tpu.wait_dma2 semaphore(%run_scoped3A : memref<!tpu.dma_semaphore, #tpu.memory_space<semaphore_mem>>) src(%dma_wait3A_178 : memref<128x128xf32, #tpu.memory_space<vmem_shared>>) dst(%arg8 : memref<128x128xf32, #tpu.memory_space<vmem>>)
      tpu.yield
    }) : () -> ()
    "tpu.region"() ({
      %run_scoped3A = tpu.sem_alloc : memref<!tpu.dma_semaphore, #tpu.memory_space<semaphore_mem>>
      %dma_start3A_171 = arith.constant 0 : i32
      %dma_start3A_172 = tpu.memref_slice %arg5[%arg0, %add3A_170, %dma_start3A_171] : memref<2x10240x128xf32, #tpu.memory_space<hbm>> -> memref<1x128x128xf32, #tpu.memory_space<hbm>>
      %dma_start3A_173 = tpu.memref_squeeze %dma_start3A_172 : memref<1x128x128xf32, #tpu.memory_space<hbm>> -> memref<128x128xf32, #tpu.memory_space<hbm>>
      %dma_start3A_174 = arith.constant 0 : i32
      %dma_start3A_175 = tpu.memref_slice %arg5[%arg0, %add3A_170, %dma_start3A_174] : memref<2x10240x128xf32, #tpu.memory_space<hbm>> -> memref<1x128x128xf32, #tpu.memory_space<hbm>>
      %dma_start3A_176 = tpu.memref_squeeze %dma_start3A_175 : memref<1x128x128xf32, #tpu.memory_space<hbm>> -> memref<128x128xf32, #tpu.memory_space<hbm>>
      tpu.enqueue_dma source(%arg8 : memref<128x128xf32, #tpu.memory_space<vmem>>) target(%dma_start3A_176 : memref<128x128xf32, #tpu.memory_space<hbm>>) target_semaphore(%run_scoped3A : memref<!tpu.dma_semaphore, #tpu.memory_space<semaphore_mem>>)
      %dma_wait3A_177 = arith.constant 0 : i32
      %dma_wait3A_178 = tpu.memref_slice %arg5[%arg0, %add3A_170, %dma_wait3A_177] : memref<2x10240x128xf32, #tpu.memory_space<hbm>> -> memref<1x128x128xf32, #tpu.memory_space<hbm>>
      %dma_wait3A_179 = tpu.memref_squeeze %dma_wait3A_178 : memref<1x128x128xf32, #tpu.memory_space<hbm>> -> memref<128x128xf32, #tpu.memory_space<hbm>>
      %dma_wait3A_180 = arith.constant 0 : i32
      %dma_wait3A_181 = tpu.memref_slice %arg5[%arg0, %add3A_170, %dma_wait3A_180] : memref<2x10240x128xf32, #tpu.memory_space<hbm>> -> memref<1x128x128xf32, #tpu.memory_space<hbm>>
      %dma_wait3A_182 = tpu.memref_squeeze %dma_wait3A_181 : memref<1x128x128xf32, #tpu.memory_space<hbm>> -> memref<128x128xf32, #tpu.memory_space<hbm>>
      tpu.wait_dma2 semaphore(%run_scoped3A : memref<!tpu.dma_semaphore, #tpu.memory_space<semaphore_mem>>) src(%arg8 : memref<128x128xf32, #tpu.memory_space<vmem>>) dst(%dma_wait3A_182 : memref<128x128xf32, #tpu.memory_space<hbm>>)
      tpu.yield
    }) : () -> ()
    return
  }
}

#map = affine_map<(d0, d1) -> (0, 0)>
#map1 = affine_map<(d0, d1) -> (0, 0, 0)>
module attributes {stable_mosaic.version = 14 : i64} {
  func.func @edge_kernel(%arg0: i32, %arg1: i32, %arg2: memref<81920x128xf32, #tpu.memory_space<hbm>>, %arg3: memref<2560x128xi32, #tpu.memory_space<hbm>>, %arg4: memref<2560x128xi32, #tpu.memory_space<hbm>>, %arg5: memref<2x10240x128xf32, #tpu.memory_space<hbm>>, %arg6: memref<40x128xi32, #tpu.memory_space<vmem>>, %arg7: memref<40x128xi32, #tpu.memory_space<vmem>>, %arg8: memref<128x128xf32, #tpu.memory_space<vmem>>, %arg9: memref<128x128xf32, #tpu.memory_space<vmem>>, %arg10: memref<10240x128xf32, #tpu.memory_space<vmem_shared>>, %arg11: memref<!tpu.dma_semaphore, #tpu.memory_space<semaphore_mem>>, %arg12: memref<!tpu.dma_semaphore, #tpu.memory_space<semaphore_mem>>, %arg13: memref<!tpu.dma_semaphore, #tpu.memory_space<semaphore_mem>>, %arg14: memref<!tpu.dma_semaphore, #tpu.memory_space<semaphore_mem>>) attributes {dimension_semantics = [#tpu.dimension_semantics<core_parallel>, #tpu.dimension_semantics<subcore_parallel>], iteration_bounds = array<i64: 2, 16>, scalar_prefetch = 0 : i64, scratch_operands = 9 : i64, tpu.core_type = #tpu.core_type<sc_vector_subcore>, window_params = [{transform_indices = #map}, {transform_indices = #map}, {transform_indices = #map}, {transform_indices = #map1}]} {
    %mul3A = arith.constant 16 : i32
    %mul3A_0 = arith.muli %arg0, %mul3A : i32
    %add3A = arith.addi %mul3A_0, %arg1 : i32
    %mul3A_1 = arith.constant 80 : i32
    %mul3A_2 = arith.muli %add3A, %mul3A_1 : i32
    %scan3A = arith.constant 0 : i32
    %scan3A_3 = arith.constant 0 : i32
    %scan3A_4 = arith.constant 1024 : i32
    %scan3A_5 = arith.addi %scan3A_3, %scan3A_4 : i32
    %scan3A_6 = arith.constant 1 : i32
    scf.for %scan3A_171 = %scan3A_3 to %scan3A_5 step %scan3A_6  : i32 {
      %jit3A = arith.constant 8 : i32
      %div3A = arith.divsi %scan3A_171, %jit3A : i32
      %sign3A = arith.constant 0 : i32
      %sign3A_172 = arith.cmpi sgt, %scan3A_171, %sign3A : i32
      %sign3A_173 = arith.extui %sign3A_172 : i1 to i32
      %sign3A_174 = arith.constant 0 : i32
      %sign3A_175 = arith.cmpi slt, %scan3A_171, %sign3A_174 : i32
      %sign3A_176 = arith.extui %sign3A_175 : i1 to i32
      %sign3A_177 = arith.subi %sign3A_173, %sign3A_176 : i32
      %sign3A_178 = arith.constant 0 : i32
      %sign3A_179 = arith.cmpi sgt, %jit3A, %sign3A_178 : i32
      %sign3A_180 = arith.extui %sign3A_179 : i1 to i32
      %sign3A_181 = arith.constant 0 : i32
      %sign3A_182 = arith.cmpi slt, %jit3A, %sign3A_181 : i32
      %sign3A_183 = arith.extui %sign3A_182 : i1 to i32
      %sign3A_184 = arith.subi %sign3A_180, %sign3A_183 : i32
      %ne3A = arith.cmpi ne, %sign3A_177, %sign3A_184 : i32
      %rem3A = arith.remsi %scan3A_171, %jit3A : i32
      %ne3A_185 = arith.constant 0 : i32
      %ne3A_186 = arith.cmpi ne, %rem3A, %ne3A_185 : i32
      %and3A = arith.andi %ne3A, %ne3A_186 : i1
      %sub3A = arith.constant 1 : i32
      %sub3A_187 = arith.subi %div3A, %sub3A : i32
      %select_n3A = arith.select %and3A, %sub3A_187, %div3A : i32
      %jit3A_188 = arith.constant 8 : i32
      %eq3A = arith.constant 0 : i32
      %eq3A_189 = arith.cmpi eq, %jit3A_188, %eq3A : i32
      %jit3A_190 = arith.constant 1 : i32
      %select_n3A_191 = arith.select %eq3A_189, %jit3A_190, %jit3A_188 : i32
      %rem3A_192 = arith.remsi %scan3A_171, %select_n3A_191 : i32
      %ne3A_193 = arith.constant 0 : i32
      %ne3A_194 = arith.cmpi ne, %rem3A_192, %ne3A_193 : i32
      %lt3A = arith.constant 0 : i32
      %lt3A_195 = arith.cmpi slt, %rem3A_192, %lt3A : i32
      %lt3A_196 = arith.constant 0 : i32
      %lt3A_197 = arith.cmpi slt, %select_n3A_191, %lt3A_196 : i32
      %ne3A_198 = arith.xori %lt3A_195, %lt3A_197 : i1
      %and3A_199 = arith.andi %ne3A_198, %ne3A_194 : i1
      %add3A_200 = arith.addi %rem3A_192, %select_n3A_191 : i32
      %select_n3A_201 = arith.select %and3A_199, %add3A_200, %rem3A_192 : i32
      %mul3A_202 = arith.constant 16 : i32
      %mul3A_203 = arith.muli %select_n3A_201, %mul3A_202 : i32
      %broadcast_in_dim3A = arith.constant 0.000000e+00 : f32
      %broadcast_in_dim3A_204 = vector.broadcast %broadcast_in_dim3A : f32 to vector<16xf32>
      %swap3A = arith.index_cast %select_n3A : i32 to index
      %swap3A_205 = arith.index_cast %mul3A_203 : i32 to index
      %swap3A_206 = tpu.vector_load %arg8[%swap3A, %swap3A_205] {strides = array<i32>} : memref<128x128xf32, #tpu.memory_space<vmem>>, vector<1x16xf32>,
      %swap3A_207 = vector.shape_cast %swap3A_206 : vector<1x16xf32> to vector<16xf32>
      %swap3A_208 = vector.shape_cast %broadcast_in_dim3A_204 : vector<16xf32> to vector<1x16xf32>
      tpu.vector_store %arg8[%swap3A, %swap3A_205], %swap3A_208 {strides = array<i32>} : memref<128x128xf32, #tpu.memory_space<vmem>>, vector<1x16xf32>,
    }
    %scan3A_7 = arith.constant 1024 : i32
    %mul3A_8 = arith.constant 640 : i32
    %mul3A_9 = arith.muli %arg1, %mul3A_8 : i32
    %add3A_10 = arith.constant 0 : i32
    %add3A_11 = arith.addi %mul3A_9, %add3A_10 : i32
    "tpu.region"() ({
      %run_scoped3A = tpu.sem_alloc : memref<!tpu.dma_semaphore, #tpu.memory_space<semaphore_mem>>
      %dma_start3A_171 = arith.constant 0 : i32
      %dma_start3A_172 = tpu.memref_slice %arg10[%add3A_11, %dma_start3A_171] : memref<10240x128xf32, #tpu.memory_space<vmem_shared>> -> memref<128x128xf32, #tpu.memory_space<vmem_shared>>
      %dma_start3A_173 = arith.constant 0 : i32
      %dma_start3A_174 = tpu.memref_slice %arg10[%add3A_11, %dma_start3A_173] : memref<10240x128xf32, #tpu.memory_space<vmem_shared>> -> memref<128x128xf32, #tpu.memory_space<vmem_shared>>
      tpu.enqueue_dma source(%arg8 : memref<128x128xf32, #tpu.memory_space<vmem>>) target(%dma_start3A_174 : memref<128x128xf32, #tpu.memory_space<vmem_shared>>) target_semaphore(%run_scoped3A : memref<!tpu.dma_semaphore, #tpu.memory_space<semaphore_mem>>)
      %dma_wait3A_175 = arith.constant 0 : i32
      %dma_wait3A_176 = tpu.memref_slice %arg10[%add3A_11, %dma_wait3A_175] : memref<10240x128xf32, #tpu.memory_space<vmem_shared>> -> memref<128x128xf32, #tpu.memory_space<vmem_shared>>
      %dma_wait3A_177 = arith.constant 0 : i32
      %dma_wait3A_178 = tpu.memref_slice %arg10[%add3A_11, %dma_wait3A_177] : memref<10240x128xf32, #tpu.memory_space<vmem_shared>> -> memref<128x128xf32, #tpu.memory_space<vmem_shared>>
      tpu.wait_dma2 semaphore(%run_scoped3A : memref<!tpu.dma_semaphore, #tpu.memory_space<semaphore_mem>>) src(%arg8 : memref<128x128xf32, #tpu.memory_space<vmem>>) dst(%dma_wait3A_178 : memref<128x128xf32, #tpu.memory_space<vmem_shared>>)
      tpu.yield
    }) : () -> ()
    %mul3A_12 = arith.constant 640 : i32
    %mul3A_13 = arith.muli %arg1, %mul3A_12 : i32
    %add3A_14 = arith.constant 128 : i32
    %add3A_15 = arith.addi %mul3A_13, %add3A_14 : i32
    "tpu.region"() ({
      %run_scoped3A = tpu.sem_alloc : memref<!tpu.dma_semaphore, #tpu.memory_space<semaphore_mem>>
      %dma_start3A_171 = arith.constant 0 : i32
      %dma_start3A_172 = tpu.memref_slice %arg10[%add3A_15, %dma_start3A_171] : memref<10240x128xf32, #tpu.memory_space<vmem_shared>> -> memref<128x128xf32, #tpu.memory_space<vmem_shared>>
      %dma_start3A_173 = arith.constant 0 : i32
      %dma_start3A_174 = tpu.memref_slice %arg10[%add3A_15, %dma_start3A_173] : memref<10240x128xf32, #tpu.memory_space<vmem_shared>> -> memref<128x128xf32, #tpu.memory_space<vmem_shared>>
      tpu.enqueue_dma source(%arg8 : memref<128x128xf32, #tpu.memory_space<vmem>>) target(%dma_start3A_174 : memref<128x128xf32, #tpu.memory_space<vmem_shared>>) target_semaphore(%run_scoped3A : memref<!tpu.dma_semaphore, #tpu.memory_space<semaphore_mem>>)
      %dma_wait3A_175 = arith.constant 0 : i32
      %dma_wait3A_176 = tpu.memref_slice %arg10[%add3A_15, %dma_wait3A_175] : memref<10240x128xf32, #tpu.memory_space<vmem_shared>> -> memref<128x128xf32, #tpu.memory_space<vmem_shared>>
      %dma_wait3A_177 = arith.constant 0 : i32
      %dma_wait3A_178 = tpu.memref_slice %arg10[%add3A_15, %dma_wait3A_177] : memref<10240x128xf32, #tpu.memory_space<vmem_shared>> -> memref<128x128xf32, #tpu.memory_space<vmem_shared>>
      tpu.wait_dma2 semaphore(%run_scoped3A : memref<!tpu.dma_semaphore, #tpu.memory_space<semaphore_mem>>) src(%arg8 : memref<128x128xf32, #tpu.memory_space<vmem>>) dst(%dma_wait3A_178 : memref<128x128xf32, #tpu.memory_space<vmem_shared>>)
      tpu.yield
    }) : () -> ()
    %mul3A_16 = arith.constant 640 : i32
    %mul3A_17 = arith.muli %arg1, %mul3A_16 : i32
    %add3A_18 = arith.constant 256 : i32
    %add3A_19 = arith.addi %mul3A_17, %add3A_18 : i32
    "tpu.region"() ({
      %run_scoped3A = tpu.sem_alloc : memref<!tpu.dma_semaphore, #tpu.memory_space<semaphore_mem>>
      %dma_start3A_171 = arith.constant 0 : i32
      %dma_start3A_172 = tpu.memref_slice %arg10[%add3A_19, %dma_start3A_171] : memref<10240x128xf32, #tpu.memory_space<vmem_shared>> -> memref<128x128xf32, #tpu.memory_space<vmem_shared>>
      %dma_start3A_173 = arith.constant 0 : i32
      %dma_start3A_174 = tpu.memref_slice %arg10[%add3A_19, %dma_start3A_173] : memref<10240x128xf32, #tpu.memory_space<vmem_shared>> -> memref<128x128xf32, #tpu.memory_space<vmem_shared>>
      tpu.enqueue_dma source(%arg8 : memref<128x128xf32, #tpu.memory_space<vmem>>) target(%dma_start3A_174 : memref<128x128xf32, #tpu.memory_space<vmem_shared>>) target_semaphore(%run_scoped3A : memref<!tpu.dma_semaphore, #tpu.memory_space<semaphore_mem>>)
      %dma_wait3A_175 = arith.constant 0 : i32
      %dma_wait3A_176 = tpu.memref_slice %arg10[%add3A_19, %dma_wait3A_175] : memref<10240x128xf32, #tpu.memory_space<vmem_shared>> -> memref<128x128xf32, #tpu.memory_space<vmem_shared>>
      %dma_wait3A_177 = arith.constant 0 : i32
      %dma_wait3A_178 = tpu.memref_slice %arg10[%add3A_19, %dma_wait3A_177] : memref<10240x128xf32, #tpu.memory_space<vmem_shared>> -> memref<128x128xf32, #tpu.memory_space<vmem_shared>>
      tpu.wait_dma2 semaphore(%run_scoped3A : memref<!tpu.dma_semaphore, #tpu.memory_space<semaphore_mem>>) src(%arg8 : memref<128x128xf32, #tpu.memory_space<vmem>>) dst(%dma_wait3A_178 : memref<128x128xf32, #tpu.memory_space<vmem_shared>>)
      tpu.yield
    }) : () -> ()
    %mul3A_20 = arith.constant 640 : i32
    %mul3A_21 = arith.muli %arg1, %mul3A_20 : i32
    %add3A_22 = arith.constant 384 : i32
    %add3A_23 = arith.addi %mul3A_21, %add3A_22 : i32
    "tpu.region"() ({
      %run_scoped3A = tpu.sem_alloc : memref<!tpu.dma_semaphore, #tpu.memory_space<semaphore_mem>>
      %dma_start3A_171 = arith.constant 0 : i32
      %dma_start3A_172 = tpu.memref_slice %arg10[%add3A_23, %dma_start3A_171] : memref<10240x128xf32, #tpu.memory_space<vmem_shared>> -> memref<128x128xf32, #tpu.memory_space<vmem_shared>>
      %dma_start3A_173 = arith.constant 0 : i32
      %dma_start3A_174 = tpu.memref_slice %arg10[%add3A_23, %dma_start3A_173] : memref<10240x128xf32, #tpu.memory_space<vmem_shared>> -> memref<128x128xf32, #tpu.memory_space<vmem_shared>>
      tpu.enqueue_dma source(%arg8 : memref<128x128xf32, #tpu.memory_space<vmem>>) target(%dma_start3A_174 : memref<128x128xf32, #tpu.memory_space<vmem_shared>>) target_semaphore(%run_scoped3A : memref<!tpu.dma_semaphore, #tpu.memory_space<semaphore_mem>>)
      %dma_wait3A_175 = arith.constant 0 : i32
      %dma_wait3A_176 = tpu.memref_slice %arg10[%add3A_23, %dma_wait3A_175] : memref<10240x128xf32, #tpu.memory_space<vmem_shared>> -> memref<128x128xf32, #tpu.memory_space<vmem_shared>>
      %dma_wait3A_177 = arith.constant 0 : i32
      %dma_wait3A_178 = tpu.memref_slice %arg10[%add3A_23, %dma_wait3A_177] : memref<10240x128xf32, #tpu.memory_space<vmem_shared>> -> memref<128x128xf32, #tpu.memory_space<vmem_shared>>
      tpu.wait_dma2 semaphore(%run_scoped3A : memref<!tpu.dma_semaphore, #tpu.memory_space<semaphore_mem>>) src(%arg8 : memref<128x128xf32, #tpu.memory_space<vmem>>) dst(%dma_wait3A_178 : memref<128x128xf32, #tpu.memory_space<vmem_shared>>)
      tpu.yield
    }) : () -> ()
    %mul3A_24 = arith.constant 640 : i32
    %mul3A_25 = arith.muli %arg1, %mul3A_24 : i32
    %add3A_26 = arith.constant 512 : i32
    %add3A_27 = arith.addi %mul3A_25, %add3A_26 : i32
    "tpu.region"() ({
      %run_scoped3A = tpu.sem_alloc : memref<!tpu.dma_semaphore, #tpu.memory_space<semaphore_mem>>
      %dma_start3A_171 = arith.constant 0 : i32
      %dma_start3A_172 = tpu.memref_slice %arg10[%add3A_27, %dma_start3A_171] : memref<10240x128xf32, #tpu.memory_space<vmem_shared>> -> memref<128x128xf32, #tpu.memory_space<vmem_shared>>
      %dma_start3A_173 = arith.constant 0 : i32
      %dma_start3A_174 = tpu.memref_slice %arg10[%add3A_27, %dma_start3A_173] : memref<10240x128xf32, #tpu.memory_space<vmem_shared>> -> memref<128x128xf32, #tpu.memory_space<vmem_shared>>
      tpu.enqueue_dma source(%arg8 : memref<128x128xf32, #tpu.memory_space<vmem>>) target(%dma_start3A_174 : memref<128x128xf32, #tpu.memory_space<vmem_shared>>) target_semaphore(%run_scoped3A : memref<!tpu.dma_semaphore, #tpu.memory_space<semaphore_mem>>)
      %dma_wait3A_175 = arith.constant 0 : i32
      %dma_wait3A_176 = tpu.memref_slice %arg10[%add3A_27, %dma_wait3A_175] : memref<10240x128xf32, #tpu.memory_space<vmem_shared>> -> memref<128x128xf32, #tpu.memory_space<vmem_shared>>
      %dma_wait3A_177 = arith.constant 0 : i32
      %dma_wait3A_178 = tpu.memref_slice %arg10[%add3A_27, %dma_wait3A_177] : memref<10240x128xf32, #tpu.memory_space<vmem_shared>> -> memref<128x128xf32, #tpu.memory_space<vmem_shared>>
      tpu.wait_dma2 semaphore(%run_scoped3A : memref<!tpu.dma_semaphore, #tpu.memory_space<semaphore_mem>>) src(%arg8 : memref<128x128xf32, #tpu.memory_space<vmem>>) dst(%dma_wait3A_178 : memref<128x128xf32, #tpu.memory_space<vmem_shared>>)
      tpu.yield
    }) : () -> ()
    %barrier3A = arith.constant 0 : index
    tpu.barrier barrier_id(%barrier3A)
    %add3A_28 = arith.constant 0 : i32
    %add3A_29 = arith.addi %mul3A_2, %add3A_28 : i32
    "tpu.region"() ({
      %run_scoped3A = tpu.sem_alloc : memref<!tpu.dma_semaphore, #tpu.memory_space<semaphore_mem>>
      %dma_start3A_171 = arith.constant 0 : i32
      %dma_start3A_172 = tpu.memref_slice %arg3[%add3A_29, %dma_start3A_171] : memref<2560x128xi32, #tpu.memory_space<hbm>> -> memref<40x128xi32, #tpu.memory_space<hbm>>
      %dma_start3A_173 = arith.constant 0 : i32
      %dma_start3A_174 = tpu.memref_slice %arg3[%add3A_29, %dma_start3A_173] : memref<2560x128xi32, #tpu.memory_space<hbm>> -> memref<40x128xi32, #tpu.memory_space<hbm>>
      tpu.enqueue_dma source(%dma_start3A_174 : memref<40x128xi32, #tpu.memory_space<hbm>>) target(%arg6 : memref<40x128xi32, #tpu.memory_space<vmem>>) target_semaphore(%run_scoped3A : memref<!tpu.dma_semaphore, #tpu.memory_space<semaphore_mem>>)
      %dma_wait3A_175 = arith.constant 0 : i32
      %dma_wait3A_176 = tpu.memref_slice %arg3[%add3A_29, %dma_wait3A_175] : memref<2560x128xi32, #tpu.memory_space<hbm>> -> memref<40x128xi32, #tpu.memory_space<hbm>>
      %dma_wait3A_177 = arith.constant 0 : i32
      %dma_wait3A_178 = tpu.memref_slice %arg3[%add3A_29, %dma_wait3A_177] : memref<2560x128xi32, #tpu.memory_space<hbm>> -> memref<40x128xi32, #tpu.memory_space<hbm>>
      tpu.wait_dma2 semaphore(%run_scoped3A : memref<!tpu.dma_semaphore, #tpu.memory_space<semaphore_mem>>) src(%dma_wait3A_178 : memref<40x128xi32, #tpu.memory_space<hbm>>) dst(%arg6 : memref<40x128xi32, #tpu.memory_space<vmem>>)
      tpu.yield
    }) : () -> ()
    %add3A_30 = arith.constant 0 : i32
    %add3A_31 = arith.addi %mul3A_2, %add3A_30 : i32
    "tpu.region"() ({
      %run_scoped3A = tpu.sem_alloc : memref<!tpu.dma_semaphore, #tpu.memory_space<semaphore_mem>>
      %dma_start3A_171 = arith.constant 0 : i32
      %dma_start3A_172 = tpu.memref_slice %arg4[%add3A_31, %dma_start3A_171] : memref<2560x128xi32, #tpu.memory_space<hbm>> -> memref<40x128xi32, #tpu.memory_space<hbm>>
      %dma_start3A_173 = arith.constant 0 : i32
      %dma_start3A_174 = tpu.memref_slice %arg4[%add3A_31, %dma_start3A_173] : memref<2560x128xi32, #tpu.memory_space<hbm>> -> memref<40x128xi32, #tpu.memory_space<hbm>>
      tpu.enqueue_dma source(%dma_start3A_174 : memref<40x128xi32, #tpu.memory_space<hbm>>) target(%arg7 : memref<40x128xi32, #tpu.memory_space<vmem>>) target_semaphore(%run_scoped3A : memref<!tpu.dma_semaphore, #tpu.memory_space<semaphore_mem>>)
      %dma_wait3A_175 = arith.constant 0 : i32
      %dma_wait3A_176 = tpu.memref_slice %arg4[%add3A_31, %dma_wait3A_175] : memref<2560x128xi32, #tpu.memory_space<hbm>> -> memref<40x128xi32, #tpu.memory_space<hbm>>
      %dma_wait3A_177 = arith.constant 0 : i32
      %dma_wait3A_178 = tpu.memref_slice %arg4[%add3A_31, %dma_wait3A_177] : memref<2560x128xi32, #tpu.memory_space<hbm>> -> memref<40x128xi32, #tpu.memory_space<hbm>>
      tpu.wait_dma2 semaphore(%run_scoped3A : memref<!tpu.dma_semaphore, #tpu.memory_space<semaphore_mem>>) src(%dma_wait3A_178 : memref<40x128xi32, #tpu.memory_space<hbm>>) dst(%arg7 : memref<40x128xi32, #tpu.memory_space<vmem>>)
      tpu.yield
    }) : () -> ()
    %dma_start3A = arith.constant 0 : i32
    %dma_start3A_32 = arith.constant 0 : i32
    %dma_start3A_33 = tpu.memref_slice %arg6[%dma_start3A, %dma_start3A_32] : memref<40x128xi32, #tpu.memory_space<vmem>> -> memref<1x128xi32, #tpu.memory_space<vmem>>
    %dma_start3A_34 = tpu.memref_squeeze %dma_start3A_33 : memref<1x128xi32, #tpu.memory_space<vmem>> -> memref<128xi32, #tpu.memory_space<vmem>>
    %dma_start3A_35 = arith.constant 0 : i32
    %dma_start3A_36 = arith.constant 0 : i32
    %dma_start3A_37 = tpu.memref_slice %arg2[%dma_start3A_35, %dma_start3A_36] : memref<81920x128xf32, #tpu.memory_space<hbm>> -> memref<81920x128xf32, #tpu.memory_space<hbm>>
    tpu.enqueue_indirect_dma source(%dma_start3A_37 : memref<81920x128xf32, #tpu.memory_space<hbm>>) target(%arg8 : memref<128x128xf32, #tpu.memory_space<vmem>>) offsets(%dma_start3A_34 : memref<128xi32, #tpu.memory_space<vmem>>) semaphore(%arg11 : memref<!tpu.dma_semaphore, #tpu.memory_space<semaphore_mem>>)
    %dma_wait3A = arith.constant 0 : i32
    %dma_wait3A_38 = arith.constant 0 : i32
    %dma_wait3A_39 = tpu.memref_slice %arg2[%dma_wait3A, %dma_wait3A_38] : memref<81920x128xf32, #tpu.memory_space<hbm>> -> memref<128x128xf32, #tpu.memory_space<hbm>>
    %dma_wait3A_40 = arith.constant 0 : i32
    %dma_wait3A_41 = arith.constant 0 : i32
    %dma_wait3A_42 = tpu.memref_slice %arg2[%dma_wait3A_40, %dma_wait3A_41] : memref<81920x128xf32, #tpu.memory_space<hbm>> -> memref<128x128xf32, #tpu.memory_space<hbm>>
    tpu.wait_dma2 semaphore(%arg11 : memref<!tpu.dma_semaphore, #tpu.memory_space<semaphore_mem>>) src(%dma_wait3A_42 : memref<128x128xf32, #tpu.memory_space<hbm>>) dst(%arg8 : memref<128x128xf32, #tpu.memory_space<vmem>>)
    %dma_start3A_43 = arith.constant 0 : i32
    %dma_start3A_44 = arith.constant 0 : i32
    %dma_start3A_45 = tpu.memref_slice %arg7[%dma_start3A_43, %dma_start3A_44] : memref<40x128xi32, #tpu.memory_space<vmem>> -> memref<1x128xi32, #tpu.memory_space<vmem>>
    %dma_start3A_46 = tpu.memref_squeeze %dma_start3A_45 : memref<1x128xi32, #tpu.memory_space<vmem>> -> memref<128xi32, #tpu.memory_space<vmem>>
    %dma_start3A_47 = arith.constant 0 : i32
    %dma_start3A_48 = arith.constant 0 : i32
    %dma_start3A_49 = tpu.memref_slice %arg10[%dma_start3A_47, %dma_start3A_48] : memref<10240x128xf32, #tpu.memory_space<vmem_shared>> -> memref<10240x128xf32, #tpu.memory_space<vmem_shared>>
    tpu.enqueue_indirect_dma source(%arg8 : memref<128x128xf32, #tpu.memory_space<vmem>>) target(%dma_start3A_49 : memref<10240x128xf32, #tpu.memory_space<vmem_shared>>) offsets(%dma_start3A_46 : memref<128xi32, #tpu.memory_space<vmem>>) semaphore(%arg13 : memref<!tpu.dma_semaphore, #tpu.memory_space<semaphore_mem>>) {add = true}
    %dma_start3A_50 = arith.constant 1 : i32
    %dma_start3A_51 = arith.constant 0 : i32
    %dma_start3A_52 = tpu.memref_slice %arg6[%dma_start3A_50, %dma_start3A_51] : memref<40x128xi32, #tpu.memory_space<vmem>> -> memref<1x128xi32, #tpu.memory_space<vmem>>
    %dma_start3A_53 = tpu.memref_squeeze %dma_start3A_52 : memref<1x128xi32, #tpu.memory_space<vmem>> -> memref<128xi32, #tpu.memory_space<vmem>>
    %dma_start3A_54 = arith.constant 0 : i32
    %dma_start3A_55 = arith.constant 0 : i32
    %dma_start3A_56 = tpu.memref_slice %arg2[%dma_start3A_54, %dma_start3A_55] : memref<81920x128xf32, #tpu.memory_space<hbm>> -> memref<81920x128xf32, #tpu.memory_space<hbm>>
    tpu.enqueue_indirect_dma source(%dma_start3A_56 : memref<81920x128xf32, #tpu.memory_space<hbm>>) target(%arg9 : memref<128x128xf32, #tpu.memory_space<vmem>>) offsets(%dma_start3A_53 : memref<128xi32, #tpu.memory_space<vmem>>) semaphore(%arg12 : memref<!tpu.dma_semaphore, #tpu.memory_space<semaphore_mem>>)
    %scan3A_57 = arith.constant 0 : i32
    %scan3A_58 = arith.constant 0 : i32
    %scan3A_59 = arith.constant 19 : i32
    %scan3A_60 = arith.addi %scan3A_58, %scan3A_59 : i32
    %scan3A_61 = arith.constant 1 : i32
    scf.for %scan3A_171 = %scan3A_58 to %scan3A_60 step %scan3A_61  : i32 {
      %mul3A_172 = arith.constant 2 : i32
      %mul3A_173 = arith.muli %mul3A_172, %scan3A_171 : i32
      %add3A_174 = arith.constant 1 : i32
      %add3A_175 = arith.addi %mul3A_173, %add3A_174 : i32
      %dma_wait3A_176 = arith.constant 0 : i32
      %dma_wait3A_177 = arith.constant 0 : i32
      %dma_wait3A_178 = tpu.memref_slice %arg2[%dma_wait3A_176, %dma_wait3A_177] : memref<81920x128xf32, #tpu.memory_space<hbm>> -> memref<128x128xf32, #tpu.memory_space<hbm>>
      %dma_wait3A_179 = arith.constant 0 : i32
      %dma_wait3A_180 = arith.constant 0 : i32
      %dma_wait3A_181 = tpu.memref_slice %arg2[%dma_wait3A_179, %dma_wait3A_180] : memref<81920x128xf32, #tpu.memory_space<hbm>> -> memref<128x128xf32, #tpu.memory_space<hbm>>
      tpu.wait_dma2 semaphore(%arg12 : memref<!tpu.dma_semaphore, #tpu.memory_space<semaphore_mem>>) src(%dma_wait3A_181 : memref<128x128xf32, #tpu.memory_space<hbm>>) dst(%arg9 : memref<128x128xf32, #tpu.memory_space<vmem>>)
      %dma_start3A_182 = arith.constant 0 : i32
      %dma_start3A_183 = tpu.memref_slice %arg7[%add3A_175, %dma_start3A_182] : memref<40x128xi32, #tpu.memory_space<vmem>> -> memref<1x128xi32, #tpu.memory_space<vmem>>
      %dma_start3A_184 = tpu.memref_squeeze %dma_start3A_183 : memref<1x128xi32, #tpu.memory_space<vmem>> -> memref<128xi32, #tpu.memory_space<vmem>>
      %dma_start3A_185 = arith.constant 0 : i32
      %dma_start3A_186 = arith.constant 0 : i32
      %dma_start3A_187 = tpu.memref_slice %arg10[%dma_start3A_185, %dma_start3A_186] : memref<10240x128xf32, #tpu.memory_space<vmem_shared>> -> memref<10240x128xf32, #tpu.memory_space<vmem_shared>>
      tpu.enqueue_indirect_dma source(%arg9 : memref<128x128xf32, #tpu.memory_space<vmem>>) target(%dma_start3A_187 : memref<10240x128xf32, #tpu.memory_space<vmem_shared>>) offsets(%dma_start3A_184 : memref<128xi32, #tpu.memory_space<vmem>>) semaphore(%arg14 : memref<!tpu.dma_semaphore, #tpu.memory_space<semaphore_mem>>) {add = true}
      %dma_wait3A_188 = arith.constant 0 : i32
      %dma_wait3A_189 = arith.constant 0 : i32
      %dma_wait3A_190 = tpu.memref_slice %arg10[%dma_wait3A_188, %dma_wait3A_189] : memref<10240x128xf32, #tpu.memory_space<vmem_shared>> -> memref<128x128xf32, #tpu.memory_space<vmem_shared>>
      %dma_wait3A_191 = arith.constant 0 : i32
      %dma_wait3A_192 = arith.constant 0 : i32
      %dma_wait3A_193 = tpu.memref_slice %arg10[%dma_wait3A_191, %dma_wait3A_192] : memref<10240x128xf32, #tpu.memory_space<vmem_shared>> -> memref<128x128xf32, #tpu.memory_space<vmem_shared>>
      tpu.wait_dma2 semaphore(%arg13 : memref<!tpu.dma_semaphore, #tpu.memory_space<semaphore_mem>>) src(%arg8 : memref<128x128xf32, #tpu.memory_space<vmem>>) dst(%dma_wait3A_193 : memref<128x128xf32, #tpu.memory_space<vmem_shared>>)
      %add3A_194 = arith.constant 1 : i32
      %add3A_195 = arith.addi %add3A_175, %add3A_194 : i32
      %dma_start3A_196 = arith.constant 0 : i32
      %dma_start3A_197 = tpu.memref_slice %arg6[%add3A_195, %dma_start3A_196] : memref<40x128xi32, #tpu.memory_space<vmem>> -> memref<1x128xi32, #tpu.memory_space<vmem>>
      %dma_start3A_198 = tpu.memref_squeeze %dma_start3A_197 : memref<1x128xi32, #tpu.memory_space<vmem>> -> memref<128xi32, #tpu.memory_space<vmem>>
      %dma_start3A_199 = arith.constant 0 : i32
      %dma_start3A_200 = arith.constant 0 : i32
      %dma_start3A_201 = tpu.memref_slice %arg2[%dma_start3A_199, %dma_start3A_200] : memref<81920x128xf32, #tpu.memory_space<hbm>> -> memref<81920x128xf32, #tpu.memory_space<hbm>>
      tpu.enqueue_indirect_dma source(%dma_start3A_201 : memref<81920x128xf32, #tpu.memory_space<hbm>>) target(%arg8 : memref<128x128xf32, #tpu.memory_space<vmem>>) offsets(%dma_start3A_198 : memref<128xi32, #tpu.memory_space<vmem>>) semaphore(%arg11 : memref<!tpu.dma_semaphore, #tpu.memory_space<semaphore_mem>>)
      %dma_wait3A_202 = arith.constant 0 : i32
      %dma_wait3A_203 = arith.constant 0 : i32
      %dma_wait3A_204 = tpu.memref_slice %arg2[%dma_wait3A_202, %dma_wait3A_203] : memref<81920x128xf32, #tpu.memory_space<hbm>> -> memref<128x128xf32, #tpu.memory_space<hbm>>
      %dma_wait3A_205 = arith.constant 0 : i32
      %dma_wait3A_206 = arith.constant 0 : i32
      %dma_wait3A_207 = tpu.memref_slice %arg2[%dma_wait3A_205, %dma_wait3A_206] : memref<81920x128xf32, #tpu.memory_space<hbm>> -> memref<128x128xf32, #tpu.memory_space<hbm>>
      tpu.wait_dma2 semaphore(%arg11 : memref<!tpu.dma_semaphore, #tpu.memory_space<semaphore_mem>>) src(%dma_wait3A_207 : memref<128x128xf32, #tpu.memory_space<hbm>>) dst(%arg8 : memref<128x128xf32, #tpu.memory_space<vmem>>)
      %add3A_208 = arith.constant 1 : i32
      %add3A_209 = arith.addi %add3A_175, %add3A_208 : i32
      %dma_start3A_210 = arith.constant 0 : i32
      %dma_start3A_211 = tpu.memref_slice %arg7[%add3A_209, %dma_start3A_210] : memref<40x128xi32, #tpu.memory_space<vmem>> -> memref<1x128xi32, #tpu.memory_space<vmem>>
      %dma_start3A_212 = tpu.memref_squeeze %dma_start3A_211 : memref<1x128xi32, #tpu.memory_space<vmem>> -> memref<128xi32, #tpu.memory_space<vmem>>
      %dma_start3A_213 = arith.constant 0 : i32
      %dma_start3A_214 = arith.constant 0 : i32
      %dma_start3A_215 = tpu.memref_slice %arg10[%dma_start3A_213, %dma_start3A_214] : memref<10240x128xf32, #tpu.memory_space<vmem_shared>> -> memref<10240x128xf32, #tpu.memory_space<vmem_shared>>
      tpu.enqueue_indirect_dma source(%arg8 : memref<128x128xf32, #tpu.memory_space<vmem>>) target(%dma_start3A_215 : memref<10240x128xf32, #tpu.memory_space<vmem_shared>>) offsets(%dma_start3A_212 : memref<128xi32, #tpu.memory_space<vmem>>) semaphore(%arg13 : memref<!tpu.dma_semaphore, #tpu.memory_space<semaphore_mem>>) {add = true}
      %dma_wait3A_216 = arith.constant 0 : i32
      %dma_wait3A_217 = arith.constant 0 : i32
      %dma_wait3A_218 = tpu.memref_slice %arg10[%dma_wait3A_216, %dma_wait3A_217] : memref<10240x128xf32, #tpu.memory_space<vmem_shared>> -> memref<128x128xf32, #tpu.memory_space<vmem_shared>>
      %dma_wait3A_219 = arith.constant 0 : i32
      %dma_wait3A_220 = arith.constant 0 : i32
      %dma_wait3A_221 = tpu.memref_slice %arg10[%dma_wait3A_219, %dma_wait3A_220] : memref<10240x128xf32, #tpu.memory_space<vmem_shared>> -> memref<128x128xf32, #tpu.memory_space<vmem_shared>>
      tpu.wait_dma2 semaphore(%arg14 : memref<!tpu.dma_semaphore, #tpu.memory_space<semaphore_mem>>) src(%arg9 : memref<128x128xf32, #tpu.memory_space<vmem>>) dst(%dma_wait3A_221 : memref<128x128xf32, #tpu.memory_space<vmem_shared>>)
      %add3A_222 = arith.constant 2 : i32
      %add3A_223 = arith.addi %add3A_175, %add3A_222 : i32
      %dma_start3A_224 = arith.constant 0 : i32
      %dma_start3A_225 = tpu.memref_slice %arg6[%add3A_223, %dma_start3A_224] : memref<40x128xi32, #tpu.memory_space<vmem>> -> memref<1x128xi32, #tpu.memory_space<vmem>>
      %dma_start3A_226 = tpu.memref_squeeze %dma_start3A_225 : memref<1x128xi32, #tpu.memory_space<vmem>> -> memref<128xi32, #tpu.memory_space<vmem>>
      %dma_start3A_227 = arith.constant 0 : i32
      %dma_start3A_228 = arith.constant 0 : i32
      %dma_start3A_229 = tpu.memref_slice %arg2[%dma_start3A_227, %dma_start3A_228] : memref<81920x128xf32, #tpu.memory_space<hbm>> -> memref<81920x128xf32, #tpu.memory_space<hbm>>
      tpu.enqueue_indirect_dma source(%dma_start3A_229 : memref<81920x128xf32, #tpu.memory_space<hbm>>) target(%arg9 : memref<128x128xf32, #tpu.memory_space<vmem>>) offsets(%dma_start3A_226 : memref<128xi32, #tpu.memory_space<vmem>>) semaphore(%arg12 : memref<!tpu.dma_semaphore, #tpu.memory_space<semaphore_mem>>)
    }
    %scan3A_62 = arith.constant 19 : i32
    %dma_wait3A_63 = arith.constant 0 : i32
    %dma_wait3A_64 = arith.constant 0 : i32
    %dma_wait3A_65 = tpu.memref_slice %arg2[%dma_wait3A_63, %dma_wait3A_64] : memref<81920x128xf32, #tpu.memory_space<hbm>> -> memref<128x128xf32, #tpu.memory_space<hbm>>
    %dma_wait3A_66 = arith.constant 0 : i32
    %dma_wait3A_67 = arith.constant 0 : i32
    %dma_wait3A_68 = tpu.memref_slice %arg2[%dma_wait3A_66, %dma_wait3A_67] : memref<81920x128xf32, #tpu.memory_space<hbm>> -> memref<128x128xf32, #tpu.memory_space<hbm>>
    tpu.wait_dma2 semaphore(%arg12 : memref<!tpu.dma_semaphore, #tpu.memory_space<semaphore_mem>>) src(%dma_wait3A_68 : memref<128x128xf32, #tpu.memory_space<hbm>>) dst(%arg9 : memref<128x128xf32, #tpu.memory_space<vmem>>)
    %dma_start3A_69 = arith.constant 39 : i32
    %dma_start3A_70 = arith.constant 0 : i32
    %dma_start3A_71 = tpu.memref_slice %arg7[%dma_start3A_69, %dma_start3A_70] : memref<40x128xi32, #tpu.memory_space<vmem>> -> memref<1x128xi32, #tpu.memory_space<vmem>>
    %dma_start3A_72 = tpu.memref_squeeze %dma_start3A_71 : memref<1x128xi32, #tpu.memory_space<vmem>> -> memref<128xi32, #tpu.memory_space<vmem>>
    %dma_start3A_73 = arith.constant 0 : i32
    %dma_start3A_74 = arith.constant 0 : i32
    %dma_start3A_75 = tpu.memref_slice %arg10[%dma_start3A_73, %dma_start3A_74] : memref<10240x128xf32, #tpu.memory_space<vmem_shared>> -> memref<10240x128xf32, #tpu.memory_space<vmem_shared>>
    tpu.enqueue_indirect_dma source(%arg9 : memref<128x128xf32, #tpu.memory_space<vmem>>) target(%dma_start3A_75 : memref<10240x128xf32, #tpu.memory_space<vmem_shared>>) offsets(%dma_start3A_72 : memref<128xi32, #tpu.memory_space<vmem>>) semaphore(%arg14 : memref<!tpu.dma_semaphore, #tpu.memory_space<semaphore_mem>>) {add = true}
    %dma_wait3A_76 = arith.constant 0 : i32
    %dma_wait3A_77 = arith.constant 0 : i32
    %dma_wait3A_78 = tpu.memref_slice %arg10[%dma_wait3A_76, %dma_wait3A_77] : memref<10240x128xf32, #tpu.memory_space<vmem_shared>> -> memref<128x128xf32, #tpu.memory_space<vmem_shared>>
    %dma_wait3A_79 = arith.constant 0 : i32
    %dma_wait3A_80 = arith.constant 0 : i32
    %dma_wait3A_81 = tpu.memref_slice %arg10[%dma_wait3A_79, %dma_wait3A_80] : memref<10240x128xf32, #tpu.memory_space<vmem_shared>> -> memref<128x128xf32, #tpu.memory_space<vmem_shared>>
    tpu.wait_dma2 semaphore(%arg13 : memref<!tpu.dma_semaphore, #tpu.memory_space<semaphore_mem>>) src(%arg8 : memref<128x128xf32, #tpu.memory_space<vmem>>) dst(%dma_wait3A_81 : memref<128x128xf32, #tpu.memory_space<vmem_shared>>)
    %dma_wait3A_82 = arith.constant 0 : i32
    %dma_wait3A_83 = arith.constant 0 : i32
    %dma_wait3A_84 = tpu.memref_slice %arg10[%dma_wait3A_82, %dma_wait3A_83] : memref<10240x128xf32, #tpu.memory_space<vmem_shared>> -> memref<128x128xf32, #tpu.memory_space<vmem_shared>>
    %dma_wait3A_85 = arith.constant 0 : i32
    %dma_wait3A_86 = arith.constant 0 : i32
    %dma_wait3A_87 = tpu.memref_slice %arg10[%dma_wait3A_85, %dma_wait3A_86] : memref<10240x128xf32, #tpu.memory_space<vmem_shared>> -> memref<128x128xf32, #tpu.memory_space<vmem_shared>>
    tpu.wait_dma2 semaphore(%arg14 : memref<!tpu.dma_semaphore, #tpu.memory_space<semaphore_mem>>) src(%arg9 : memref<128x128xf32, #tpu.memory_space<vmem>>) dst(%dma_wait3A_87 : memref<128x128xf32, #tpu.memory_space<vmem_shared>>)
    %add3A_88 = arith.constant 40 : i32
    %add3A_89 = arith.addi %mul3A_2, %add3A_88 : i32
    "tpu.region"() ({
      %run_scoped3A = tpu.sem_alloc : memref<!tpu.dma_semaphore, #tpu.memory_space<semaphore_mem>>
      %dma_start3A_171 = arith.constant 0 : i32
      %dma_start3A_172 = tpu.memref_slice %arg3[%add3A_89, %dma_start3A_171] : memref<2560x128xi32, #tpu.memory_space<hbm>> -> memref<40x128xi32, #tpu.memory_space<hbm>>
      %dma_start3A_173 = arith.constant 0 : i32
      %dma_start3A_174 = tpu.memref_slice %arg3[%add3A_89, %dma_start3A_173] : memref<2560x128xi32, #tpu.memory_space<hbm>> -> memref<40x128xi32, #tpu.memory_space<hbm>>
      tpu.enqueue_dma source(%dma_start3A_174 : memref<40x128xi32, #tpu.memory_space<hbm>>) target(%arg6 : memref<40x128xi32, #tpu.memory_space<vmem>>) target_semaphore(%run_scoped3A : memref<!tpu.dma_semaphore, #tpu.memory_space<semaphore_mem>>)
      %dma_wait3A_175 = arith.constant 0 : i32
      %dma_wait3A_176 = tpu.memref_slice %arg3[%add3A_89, %dma_wait3A_175] : memref<2560x128xi32, #tpu.memory_space<hbm>> -> memref<40x128xi32, #tpu.memory_space<hbm>>
      %dma_wait3A_177 = arith.constant 0 : i32
      %dma_wait3A_178 = tpu.memref_slice %arg3[%add3A_89, %dma_wait3A_177] : memref<2560x128xi32, #tpu.memory_space<hbm>> -> memref<40x128xi32, #tpu.memory_space<hbm>>
      tpu.wait_dma2 semaphore(%run_scoped3A : memref<!tpu.dma_semaphore, #tpu.memory_space<semaphore_mem>>) src(%dma_wait3A_178 : memref<40x128xi32, #tpu.memory_space<hbm>>) dst(%arg6 : memref<40x128xi32, #tpu.memory_space<vmem>>)
      tpu.yield
    }) : () -> ()
    %add3A_90 = arith.constant 40 : i32
    %add3A_91 = arith.addi %mul3A_2, %add3A_90 : i32
    "tpu.region"() ({
      %run_scoped3A = tpu.sem_alloc : memref<!tpu.dma_semaphore, #tpu.memory_space<semaphore_mem>>
      %dma_start3A_171 = arith.constant 0 : i32
      %dma_start3A_172 = tpu.memref_slice %arg4[%add3A_91, %dma_start3A_171] : memref<2560x128xi32, #tpu.memory_space<hbm>> -> memref<40x128xi32, #tpu.memory_space<hbm>>
      %dma_start3A_173 = arith.constant 0 : i32
      %dma_start3A_174 = tpu.memref_slice %arg4[%add3A_91, %dma_start3A_173] : memref<2560x128xi32, #tpu.memory_space<hbm>> -> memref<40x128xi32, #tpu.memory_space<hbm>>
      tpu.enqueue_dma source(%dma_start3A_174 : memref<40x128xi32, #tpu.memory_space<hbm>>) target(%arg7 : memref<40x128xi32, #tpu.memory_space<vmem>>) target_semaphore(%run_scoped3A : memref<!tpu.dma_semaphore, #tpu.memory_space<semaphore_mem>>)
      %dma_wait3A_175 = arith.constant 0 : i32
      %dma_wait3A_176 = tpu.memref_slice %arg4[%add3A_91, %dma_wait3A_175] : memref<2560x128xi32, #tpu.memory_space<hbm>> -> memref<40x128xi32, #tpu.memory_space<hbm>>
      %dma_wait3A_177 = arith.constant 0 : i32
      %dma_wait3A_178 = tpu.memref_slice %arg4[%add3A_91, %dma_wait3A_177] : memref<2560x128xi32, #tpu.memory_space<hbm>> -> memref<40x128xi32, #tpu.memory_space<hbm>>
      tpu.wait_dma2 semaphore(%run_scoped3A : memref<!tpu.dma_semaphore, #tpu.memory_space<semaphore_mem>>) src(%dma_wait3A_178 : memref<40x128xi32, #tpu.memory_space<hbm>>) dst(%arg7 : memref<40x128xi32, #tpu.memory_space<vmem>>)
      tpu.yield
    }) : () -> ()
    %dma_start3A_92 = arith.constant 0 : i32
    %dma_start3A_93 = arith.constant 0 : i32
    %dma_start3A_94 = tpu.memref_slice %arg6[%dma_start3A_92, %dma_start3A_93] : memref<40x128xi32, #tpu.memory_space<vmem>> -> memref<1x128xi32, #tpu.memory_space<vmem>>
    %dma_start3A_95 = tpu.memref_squeeze %dma_start3A_94 : memref<1x128xi32, #tpu.memory_space<vmem>> -> memref<128xi32, #tpu.memory_space<vmem>>
    %dma_start3A_96 = arith.constant 0 : i32
    %dma_start3A_97 = arith.constant 0 : i32
    %dma_start3A_98 = tpu.memref_slice %arg2[%dma_start3A_96, %dma_start3A_97] : memref<81920x128xf32, #tpu.memory_space<hbm>> -> memref<81920x128xf32, #tpu.memory_space<hbm>>
    tpu.enqueue_indirect_dma source(%dma_start3A_98 : memref<81920x128xf32, #tpu.memory_space<hbm>>) target(%arg8 : memref<128x128xf32, #tpu.memory_space<vmem>>) offsets(%dma_start3A_95 : memref<128xi32, #tpu.memory_space<vmem>>) semaphore(%arg11 : memref<!tpu.dma_semaphore, #tpu.memory_space<semaphore_mem>>)
    %dma_wait3A_99 = arith.constant 0 : i32
    %dma_wait3A_100 = arith.constant 0 : i32
    %dma_wait3A_101 = tpu.memref_slice %arg2[%dma_wait3A_99, %dma_wait3A_100] : memref<81920x128xf32, #tpu.memory_space<hbm>> -> memref<128x128xf32, #tpu.memory_space<hbm>>
    %dma_wait3A_102 = arith.constant 0 : i32
    %dma_wait3A_103 = arith.constant 0 : i32
    %dma_wait3A_104 = tpu.memref_slice %arg2[%dma_wait3A_102, %dma_wait3A_103] : memref<81920x128xf32, #tpu.memory_space<hbm>> -> memref<128x128xf32, #tpu.memory_space<hbm>>
    tpu.wait_dma2 semaphore(%arg11 : memref<!tpu.dma_semaphore, #tpu.memory_space<semaphore_mem>>) src(%dma_wait3A_104 : memref<128x128xf32, #tpu.memory_space<hbm>>) dst(%arg8 : memref<128x128xf32, #tpu.memory_space<vmem>>)
    %dma_start3A_105 = arith.constant 0 : i32
    %dma_start3A_106 = arith.constant 0 : i32
    %dma_start3A_107 = tpu.memref_slice %arg7[%dma_start3A_105, %dma_start3A_106] : memref<40x128xi32, #tpu.memory_space<vmem>> -> memref<1x128xi32, #tpu.memory_space<vmem>>
    %dma_start3A_108 = tpu.memref_squeeze %dma_start3A_107 : memref<1x128xi32, #tpu.memory_space<vmem>> -> memref<128xi32, #tpu.memory_space<vmem>>
    %dma_start3A_109 = arith.constant 0 : i32
    %dma_start3A_110 = arith.constant 0 : i32
    %dma_start3A_111 = tpu.memref_slice %arg10[%dma_start3A_109, %dma_start3A_110] : memref<10240x128xf32, #tpu.memory_space<vmem_shared>> -> memref<10240x128xf32, #tpu.memory_space<vmem_shared>>
    tpu.enqueue_indirect_dma source(%arg8 : memref<128x128xf32, #tpu.memory_space<vmem>>) target(%dma_start3A_111 : memref<10240x128xf32, #tpu.memory_space<vmem_shared>>) offsets(%dma_start3A_108 : memref<128xi32, #tpu.memory_space<vmem>>) semaphore(%arg13 : memref<!tpu.dma_semaphore, #tpu.memory_space<semaphore_mem>>) {add = true}
    %dma_start3A_112 = arith.constant 1 : i32
    %dma_start3A_113 = arith.constant 0 : i32
    %dma_start3A_114 = tpu.memref_slice %arg6[%dma_start3A_112, %dma_start3A_113] : memref<40x128xi32, #tpu.memory_space<vmem>> -> memref<1x128xi32, #tpu.memory_space<vmem>>
    %dma_start3A_115 = tpu.memref_squeeze %dma_start3A_114 : memref<1x128xi32, #tpu.memory_space<vmem>> -> memref<128xi32, #tpu.memory_space<vmem>>
    %dma_start3A_116 = arith.constant 0 : i32
    %dma_start3A_117 = arith.constant 0 : i32
    %dma_start3A_118 = tpu.memref_slice %arg2[%dma_start3A_116, %dma_start3A_117] : memref<81920x128xf32, #tpu.memory_space<hbm>> -> memref<81920x128xf32, #tpu.memory_space<hbm>>
    tpu.enqueue_indirect_dma source(%dma_start3A_118 : memref<81920x128xf32, #tpu.memory_space<hbm>>) target(%arg9 : memref<128x128xf32, #tpu.memory_space<vmem>>) offsets(%dma_start3A_115 : memref<128xi32, #tpu.memory_space<vmem>>) semaphore(%arg12 : memref<!tpu.dma_semaphore, #tpu.memory_space<semaphore_mem>>)
    %scan3A_119 = arith.constant 0 : i32
    %scan3A_120 = arith.constant 0 : i32
    %scan3A_121 = arith.constant 19 : i32
    %scan3A_122 = arith.addi %scan3A_120, %scan3A_121 : i32
    %scan3A_123 = arith.constant 1 : i32
    scf.for %scan3A_171 = %scan3A_120 to %scan3A_122 step %scan3A_123  : i32 {
      %mul3A_172 = arith.constant 2 : i32
      %mul3A_173 = arith.muli %mul3A_172, %scan3A_171 : i32
      %add3A_174 = arith.constant 1 : i32
      %add3A_175 = arith.addi %mul3A_173, %add3A_174 : i32
      %dma_wait3A_176 = arith.constant 0 : i32
      %dma_wait3A_177 = arith.constant 0 : i32
      %dma_wait3A_178 = tpu.memref_slice %arg2[%dma_wait3A_176, %dma_wait3A_177] : memref<81920x128xf32, #tpu.memory_space<hbm>> -> memref<128x128xf32, #tpu.memory_space<hbm>>
      %dma_wait3A_179 = arith.constant 0 : i32
      %dma_wait3A_180 = arith.constant 0 : i32
      %dma_wait3A_181 = tpu.memref_slice %arg2[%dma_wait3A_179, %dma_wait3A_180] : memref<81920x128xf32, #tpu.memory_space<hbm>> -> memref<128x128xf32, #tpu.memory_space<hbm>>
      tpu.wait_dma2 semaphore(%arg12 : memref<!tpu.dma_semaphore, #tpu.memory_space<semaphore_mem>>) src(%dma_wait3A_181 : memref<128x128xf32, #tpu.memory_space<hbm>>) dst(%arg9 : memref<128x128xf32, #tpu.memory_space<vmem>>)
      %dma_start3A_182 = arith.constant 0 : i32
      %dma_start3A_183 = tpu.memref_slice %arg7[%add3A_175, %dma_start3A_182] : memref<40x128xi32, #tpu.memory_space<vmem>> -> memref<1x128xi32, #tpu.memory_space<vmem>>
      %dma_start3A_184 = tpu.memref_squeeze %dma_start3A_183 : memref<1x128xi32, #tpu.memory_space<vmem>> -> memref<128xi32, #tpu.memory_space<vmem>>
      %dma_start3A_185 = arith.constant 0 : i32
      %dma_start3A_186 = arith.constant 0 : i32
      %dma_start3A_187 = tpu.memref_slice %arg10[%dma_start3A_185, %dma_start3A_186] : memref<10240x128xf32, #tpu.memory_space<vmem_shared>> -> memref<10240x128xf32, #tpu.memory_space<vmem_shared>>
      tpu.enqueue_indirect_dma source(%arg9 : memref<128x128xf32, #tpu.memory_space<vmem>>) target(%dma_start3A_187 : memref<10240x128xf32, #tpu.memory_space<vmem_shared>>) offsets(%dma_start3A_184 : memref<128xi32, #tpu.memory_space<vmem>>) semaphore(%arg14 : memref<!tpu.dma_semaphore, #tpu.memory_space<semaphore_mem>>) {add = true}
      %dma_wait3A_188 = arith.constant 0 : i32
      %dma_wait3A_189 = arith.constant 0 : i32
      %dma_wait3A_190 = tpu.memref_slice %arg10[%dma_wait3A_188, %dma_wait3A_189] : memref<10240x128xf32, #tpu.memory_space<vmem_shared>> -> memref<128x128xf32, #tpu.memory_space<vmem_shared>>
      %dma_wait3A_191 = arith.constant 0 : i32
      %dma_wait3A_192 = arith.constant 0 : i32
      %dma_wait3A_193 = tpu.memref_slice %arg10[%dma_wait3A_191, %dma_wait3A_192] : memref<10240x128xf32, #tpu.memory_space<vmem_shared>> -> memref<128x128xf32, #tpu.memory_space<vmem_shared>>
      tpu.wait_dma2 semaphore(%arg13 : memref<!tpu.dma_semaphore, #tpu.memory_space<semaphore_mem>>) src(%arg8 : memref<128x128xf32, #tpu.memory_space<vmem>>) dst(%dma_wait3A_193 : memref<128x128xf32, #tpu.memory_space<vmem_shared>>)
      %add3A_194 = arith.constant 1 : i32
      %add3A_195 = arith.addi %add3A_175, %add3A_194 : i32
      %dma_start3A_196 = arith.constant 0 : i32
      %dma_start3A_197 = tpu.memref_slice %arg6[%add3A_195, %dma_start3A_196] : memref<40x128xi32, #tpu.memory_space<vmem>> -> memref<1x128xi32, #tpu.memory_space<vmem>>
      %dma_start3A_198 = tpu.memref_squeeze %dma_start3A_197 : memref<1x128xi32, #tpu.memory_space<vmem>> -> memref<128xi32, #tpu.memory_space<vmem>>
      %dma_start3A_199 = arith.constant 0 : i32
      %dma_start3A_200 = arith.constant 0 : i32
      %dma_start3A_201 = tpu.memref_slice %arg2[%dma_start3A_199, %dma_start3A_200] : memref<81920x128xf32, #tpu.memory_space<hbm>> -> memref<81920x128xf32, #tpu.memory_space<hbm>>
      tpu.enqueue_indirect_dma source(%dma_start3A_201 : memref<81920x128xf32, #tpu.memory_space<hbm>>) target(%arg8 : memref<128x128xf32, #tpu.memory_space<vmem>>) offsets(%dma_start3A_198 : memref<128xi32, #tpu.memory_space<vmem>>) semaphore(%arg11 : memref<!tpu.dma_semaphore, #tpu.memory_space<semaphore_mem>>)
      %dma_wait3A_202 = arith.constant 0 : i32
      %dma_wait3A_203 = arith.constant 0 : i32
      %dma_wait3A_204 = tpu.memref_slice %arg2[%dma_wait3A_202, %dma_wait3A_203] : memref<81920x128xf32, #tpu.memory_space<hbm>> -> memref<128x128xf32, #tpu.memory_space<hbm>>
      %dma_wait3A_205 = arith.constant 0 : i32
      %dma_wait3A_206 = arith.constant 0 : i32
      %dma_wait3A_207 = tpu.memref_slice %arg2[%dma_wait3A_205, %dma_wait3A_206] : memref<81920x128xf32, #tpu.memory_space<hbm>> -> memref<128x128xf32, #tpu.memory_space<hbm>>
      tpu.wait_dma2 semaphore(%arg11 : memref<!tpu.dma_semaphore, #tpu.memory_space<semaphore_mem>>) src(%dma_wait3A_207 : memref<128x128xf32, #tpu.memory_space<hbm>>) dst(%arg8 : memref<128x128xf32, #tpu.memory_space<vmem>>)
      %add3A_208 = arith.constant 1 : i32
      %add3A_209 = arith.addi %add3A_175, %add3A_208 : i32
      %dma_start3A_210 = arith.constant 0 : i32
      %dma_start3A_211 = tpu.memref_slice %arg7[%add3A_209, %dma_start3A_210] : memref<40x128xi32, #tpu.memory_space<vmem>> -> memref<1x128xi32, #tpu.memory_space<vmem>>
      %dma_start3A_212 = tpu.memref_squeeze %dma_start3A_211 : memref<1x128xi32, #tpu.memory_space<vmem>> -> memref<128xi32, #tpu.memory_space<vmem>>
      %dma_start3A_213 = arith.constant 0 : i32
      %dma_start3A_214 = arith.constant 0 : i32
      %dma_start3A_215 = tpu.memref_slice %arg10[%dma_start3A_213, %dma_start3A_214] : memref<10240x128xf32, #tpu.memory_space<vmem_shared>> -> memref<10240x128xf32, #tpu.memory_space<vmem_shared>>
      tpu.enqueue_indirect_dma source(%arg8 : memref<128x128xf32, #tpu.memory_space<vmem>>) target(%dma_start3A_215 : memref<10240x128xf32, #tpu.memory_space<vmem_shared>>) offsets(%dma_start3A_212 : memref<128xi32, #tpu.memory_space<vmem>>) semaphore(%arg13 : memref<!tpu.dma_semaphore, #tpu.memory_space<semaphore_mem>>) {add = true}
      %dma_wait3A_216 = arith.constant 0 : i32
      %dma_wait3A_217 = arith.constant 0 : i32
      %dma_wait3A_218 = tpu.memref_slice %arg10[%dma_wait3A_216, %dma_wait3A_217] : memref<10240x128xf32, #tpu.memory_space<vmem_shared>> -> memref<128x128xf32, #tpu.memory_space<vmem_shared>>
      %dma_wait3A_219 = arith.constant 0 : i32
      %dma_wait3A_220 = arith.constant 0 : i32
      %dma_wait3A_221 = tpu.memref_slice %arg10[%dma_wait3A_219, %dma_wait3A_220] : memref<10240x128xf32, #tpu.memory_space<vmem_shared>> -> memref<128x128xf32, #tpu.memory_space<vmem_shared>>
      tpu.wait_dma2 semaphore(%arg14 : memref<!tpu.dma_semaphore, #tpu.memory_space<semaphore_mem>>) src(%arg9 : memref<128x128xf32, #tpu.memory_space<vmem>>) dst(%dma_wait3A_221 : memref<128x128xf32, #tpu.memory_space<vmem_shared>>)
      %add3A_222 = arith.constant 2 : i32
      %add3A_223 = arith.addi %add3A_175, %add3A_222 : i32
      %dma_start3A_224 = arith.constant 0 : i32
      %dma_start3A_225 = tpu.memref_slice %arg6[%add3A_223, %dma_start3A_224] : memref<40x128xi32, #tpu.memory_space<vmem>> -> memref<1x128xi32, #tpu.memory_space<vmem>>
      %dma_start3A_226 = tpu.memref_squeeze %dma_start3A_225 : memref<1x128xi32, #tpu.memory_space<vmem>> -> memref<128xi32, #tpu.memory_space<vmem>>
      %dma_start3A_227 = arith.constant 0 : i32
      %dma_start3A_228 = arith.constant 0 : i32
      %dma_start3A_229 = tpu.memref_slice %arg2[%dma_start3A_227, %dma_start3A_228] : memref<81920x128xf32, #tpu.memory_space<hbm>> -> memref<81920x128xf32, #tpu.memory_space<hbm>>
      tpu.enqueue_indirect_dma source(%dma_start3A_229 : memref<81920x128xf32, #tpu.memory_space<hbm>>) target(%arg9 : memref<128x128xf32, #tpu.memory_space<vmem>>) offsets(%dma_start3A_226 : memref<128xi32, #tpu.memory_space<vmem>>) semaphore(%arg12 : memref<!tpu.dma_semaphore, #tpu.memory_space<semaphore_mem>>)
    }
    %scan3A_124 = arith.constant 19 : i32
    %dma_wait3A_125 = arith.constant 0 : i32
    %dma_wait3A_126 = arith.constant 0 : i32
    %dma_wait3A_127 = tpu.memref_slice %arg2[%dma_wait3A_125, %dma_wait3A_126] : memref<81920x128xf32, #tpu.memory_space<hbm>> -> memref<128x128xf32, #tpu.memory_space<hbm>>
    %dma_wait3A_128 = arith.constant 0 : i32
    %dma_wait3A_129 = arith.constant 0 : i32
    %dma_wait3A_130 = tpu.memref_slice %arg2[%dma_wait3A_128, %dma_wait3A_129] : memref<81920x128xf32, #tpu.memory_space<hbm>> -> memref<128x128xf32, #tpu.memory_space<hbm>>
    tpu.wait_dma2 semaphore(%arg12 : memref<!tpu.dma_semaphore, #tpu.memory_space<semaphore_mem>>) src(%dma_wait3A_130 : memref<128x128xf32, #tpu.memory_space<hbm>>) dst(%arg9 : memref<128x128xf32, #tpu.memory_space<vmem>>)
    %dma_start3A_131 = arith.constant 39 : i32
    %dma_start3A_132 = arith.constant 0 : i32
    %dma_start3A_133 = tpu.memref_slice %arg7[%dma_start3A_131, %dma_start3A_132] : memref<40x128xi32, #tpu.memory_space<vmem>> -> memref<1x128xi32, #tpu.memory_space<vmem>>
    %dma_start3A_134 = tpu.memref_squeeze %dma_start3A_133 : memref<1x128xi32, #tpu.memory_space<vmem>> -> memref<128xi32, #tpu.memory_space<vmem>>
    %dma_start3A_135 = arith.constant 0 : i32
    %dma_start3A_136 = arith.constant 0 : i32
    %dma_start3A_137 = tpu.memref_slice %arg10[%dma_start3A_135, %dma_start3A_136] : memref<10240x128xf32, #tpu.memory_space<vmem_shared>> -> memref<10240x128xf32, #tpu.memory_space<vmem_shared>>
    tpu.enqueue_indirect_dma source(%arg9 : memref<128x128xf32, #tpu.memory_space<vmem>>) target(%dma_start3A_137 : memref<10240x128xf32, #tpu.memory_space<vmem_shared>>) offsets(%dma_start3A_134 : memref<128xi32, #tpu.memory_space<vmem>>) semaphore(%arg14 : memref<!tpu.dma_semaphore, #tpu.memory_space<semaphore_mem>>) {add = true}
    %dma_wait3A_138 = arith.constant 0 : i32
    %dma_wait3A_139 = arith.constant 0 : i32
    %dma_wait3A_140 = tpu.memref_slice %arg10[%dma_wait3A_138, %dma_wait3A_139] : memref<10240x128xf32, #tpu.memory_space<vmem_shared>> -> memref<128x128xf32, #tpu.memory_space<vmem_shared>>
    %dma_wait3A_141 = arith.constant 0 : i32
    %dma_wait3A_142 = arith.constant 0 : i32
    %dma_wait3A_143 = tpu.memref_slice %arg10[%dma_wait3A_141, %dma_wait3A_142] : memref<10240x128xf32, #tpu.memory_space<vmem_shared>> -> memref<128x128xf32, #tpu.memory_space<vmem_shared>>
    tpu.wait_dma2 semaphore(%arg13 : memref<!tpu.dma_semaphore, #tpu.memory_space<semaphore_mem>>) src(%arg8 : memref<128x128xf32, #tpu.memory_space<vmem>>) dst(%dma_wait3A_143 : memref<128x128xf32, #tpu.memory_space<vmem_shared>>)
    %dma_wait3A_144 = arith.constant 0 : i32
    %dma_wait3A_145 = arith.constant 0 : i32
    %dma_wait3A_146 = tpu.memref_slice %arg10[%dma_wait3A_144, %dma_wait3A_145] : memref<10240x128xf32, #tpu.memory_space<vmem_shared>> -> memref<128x128xf32, #tpu.memory_space<vmem_shared>>
    %dma_wait3A_147 = arith.constant 0 : i32
    %dma_wait3A_148 = arith.constant 0 : i32
    %dma_wait3A_149 = tpu.memref_slice %arg10[%dma_wait3A_147, %dma_wait3A_148] : memref<10240x128xf32, #tpu.memory_space<vmem_shared>> -> memref<128x128xf32, #tpu.memory_space<vmem_shared>>
    tpu.wait_dma2 semaphore(%arg14 : memref<!tpu.dma_semaphore, #tpu.memory_space<semaphore_mem>>) src(%arg9 : memref<128x128xf32, #tpu.memory_space<vmem>>) dst(%dma_wait3A_149 : memref<128x128xf32, #tpu.memory_space<vmem_shared>>)
    %barrier3A_150 = arith.constant 0 : index
    tpu.barrier barrier_id(%barrier3A_150)
    %mul3A_151 = arith.constant 640 : i32
    %mul3A_152 = arith.muli %arg1, %mul3A_151 : i32
    %add3A_153 = arith.constant 0 : i32
    %add3A_154 = arith.addi %mul3A_152, %add3A_153 : i32
    "tpu.region"() ({
      %run_scoped3A = tpu.sem_alloc : memref<!tpu.dma_semaphore, #tpu.memory_space<semaphore_mem>>
      %dma_start3A_171 = arith.constant 0 : i32
      %dma_start3A_172 = tpu.memref_slice %arg10[%add3A_154, %dma_start3A_171] : memref<10240x128xf32, #tpu.memory_space<vmem_shared>> -> memref<128x128xf32, #tpu.memory_space<vmem_shared>>
      %dma_start3A_173 = arith.constant 0 : i32
      %dma_start3A_174 = tpu.memref_slice %arg10[%add3A_154, %dma_start3A_173] : memref<10240x128xf32, #tpu.memory_space<vmem_shared>> -> memref<128x128xf32, #tpu.memory_space<vmem_shared>>
      tpu.enqueue_dma source(%dma_start3A_174 : memref<128x128xf32, #tpu.memory_space<vmem_shared>>) target(%arg8 : memref<128x128xf32, #tpu.memory_space<vmem>>) target_semaphore(%run_scoped3A : memref<!tpu.dma_semaphore, #tpu.memory_space<semaphore_mem>>)
      %dma_wait3A_175 = arith.constant 0 : i32
      %dma_wait3A_176 = tpu.memref_slice %arg10[%add3A_154, %dma_wait3A_175] : memref<10240x128xf32, #tpu.memory_space<vmem_shared>> -> memref<128x128xf32, #tpu.memory_space<vmem_shared>>
      %dma_wait3A_177 = arith.constant 0 : i32
      %dma_wait3A_178 = tpu.memref_slice %arg10[%add3A_154, %dma_wait3A_177] : memref<10240x128xf32, #tpu.memory_space<vmem_shared>> -> memref<128x128xf32, #tpu.memory_space<vmem_shared>>
      tpu.wait_dma2 semaphore(%run_scoped3A : memref<!tpu.dma_semaphore, #tpu.memory_space<semaphore_mem>>) src(%dma_wait3A_178 : memref<128x128xf32, #tpu.memory_space<vmem_shared>>) dst(%arg8 : memref<128x128xf32, #tpu.memory_space<vmem>>)
      tpu.yield
    }) : () -> ()
    "tpu.region"() ({
      %run_scoped3A = tpu.sem_alloc : memref<!tpu.dma_semaphore, #tpu.memory_space<semaphore_mem>>
      %dma_start3A_171 = arith.constant 0 : i32
      %dma_start3A_172 = tpu.memref_slice %arg5[%arg0, %add3A_154, %dma_start3A_171] : memref<2x10240x128xf32, #tpu.memory_space<hbm>> -> memref<1x128x128xf32, #tpu.memory_space<hbm>>
      %dma_start3A_173 = tpu.memref_squeeze %dma_start3A_172 : memref<1x128x128xf32, #tpu.memory_space<hbm>> -> memref<128x128xf32, #tpu.memory_space<hbm>>
      %dma_start3A_174 = arith.constant 0 : i32
      %dma_start3A_175 = tpu.memref_slice %arg5[%arg0, %add3A_154, %dma_start3A_174] : memref<2x10240x128xf32, #tpu.memory_space<hbm>> -> memref<1x128x128xf32, #tpu.memory_space<hbm>>
      %dma_start3A_176 = tpu.memref_squeeze %dma_start3A_175 : memref<1x128x128xf32, #tpu.memory_space<hbm>> -> memref<128x128xf32, #tpu.memory_space<hbm>>
      tpu.enqueue_dma source(%arg8 : memref<128x128xf32, #tpu.memory_space<vmem>>) target(%dma_start3A_176 : memref<128x128xf32, #tpu.memory_space<hbm>>) target_semaphore(%run_scoped3A : memref<!tpu.dma_semaphore, #tpu.memory_space<semaphore_mem>>)
      %dma_wait3A_177 = arith.constant 0 : i32
      %dma_wait3A_178 = tpu.memref_slice %arg5[%arg0, %add3A_154, %dma_wait3A_177] : memref<2x10240x128xf32, #tpu.memory_space<hbm>> -> memref<1x128x128xf32, #tpu.memory_space<hbm>>
      %dma_wait3A_179 = tpu.memref_squeeze %dma_wait3A_178 : memref<1x128x128xf32, #tpu.memory_space<hbm>> -> memref<128x128xf32, #tpu.memory_space<hbm>>
      %dma_wait3A_180 = arith.constant 0 : i32
      %dma_wait3A_181 = tpu.memref_slice %arg5[%arg0, %add3A_154, %dma_wait3A_180] : memref<2x10240x128xf32, #tpu.memory_space<hbm>> -> memref<1x128x128xf32, #tpu.memory_space<hbm>>
      %dma_wait3A_182 = tpu.memref_squeeze %dma_wait3A_181 : memref<1x128x128xf32, #tpu.memory_space<hbm>> -> memref<128x128xf32, #tpu.memory_space<hbm>>
      tpu.wait_dma2 semaphore(%run_scoped3A : memref<!tpu.dma_semaphore, #tpu.memory_space<semaphore_mem>>) src(%arg8 : memref<128x128xf32, #tpu.memory_space<vmem>>) dst(%dma_wait3A_182 : memref<128x128xf32, #tpu.memory_space<hbm>>)
      tpu.yield
    }) : () -> ()
    %mul3A_155 = arith.constant 640 : i32
    %mul3A_156 = arith.muli %arg1, %mul3A_155 : i32
    %add3A_157 = arith.constant 128 : i32
    %add3A_158 = arith.addi %mul3A_156, %add3A_157 : i32
    "tpu.region"() ({
      %run_scoped3A = tpu.sem_alloc : memref<!tpu.dma_semaphore, #tpu.memory_space<semaphore_mem>>
      %dma_start3A_171 = arith.constant 0 : i32
      %dma_start3A_172 = tpu.memref_slice %arg10[%add3A_158, %dma_start3A_171] : memref<10240x128xf32, #tpu.memory_space<vmem_shared>> -> memref<128x128xf32, #tpu.memory_space<vmem_shared>>
      %dma_start3A_173 = arith.constant 0 : i32
      %dma_start3A_174 = tpu.memref_slice %arg10[%add3A_158, %dma_start3A_173] : memref<10240x128xf32, #tpu.memory_space<vmem_shared>> -> memref<128x128xf32, #tpu.memory_space<vmem_shared>>
      tpu.enqueue_dma source(%dma_start3A_174 : memref<128x128xf32, #tpu.memory_space<vmem_shared>>) target(%arg8 : memref<128x128xf32, #tpu.memory_space<vmem>>) target_semaphore(%run_scoped3A : memref<!tpu.dma_semaphore, #tpu.memory_space<semaphore_mem>>)
      %dma_wait3A_175 = arith.constant 0 : i32
      %dma_wait3A_176 = tpu.memref_slice %arg10[%add3A_158, %dma_wait3A_175] : memref<10240x128xf32, #tpu.memory_space<vmem_shared>> -> memref<128x128xf32, #tpu.memory_space<vmem_shared>>
      %dma_wait3A_177 = arith.constant 0 : i32
      %dma_wait3A_178 = tpu.memref_slice %arg10[%add3A_158, %dma_wait3A_177] : memref<10240x128xf32, #tpu.memory_space<vmem_shared>> -> memref<128x128xf32, #tpu.memory_space<vmem_shared>>
      tpu.wait_dma2 semaphore(%run_scoped3A : memref<!tpu.dma_semaphore, #tpu.memory_space<semaphore_mem>>) src(%dma_wait3A_178 : memref<128x128xf32, #tpu.memory_space<vmem_shared>>) dst(%arg8 : memref<128x128xf32, #tpu.memory_space<vmem>>)
      tpu.yield
    }) : () -> ()
    "tpu.region"() ({
      %run_scoped3A = tpu.sem_alloc : memref<!tpu.dma_semaphore, #tpu.memory_space<semaphore_mem>>
      %dma_start3A_171 = arith.constant 0 : i32
      %dma_start3A_172 = tpu.memref_slice %arg5[%arg0, %add3A_158, %dma_start3A_171] : memref<2x10240x128xf32, #tpu.memory_space<hbm>> -> memref<1x128x128xf32, #tpu.memory_space<hbm>>
      %dma_start3A_173 = tpu.memref_squeeze %dma_start3A_172 : memref<1x128x128xf32, #tpu.memory_space<hbm>> -> memref<128x128xf32, #tpu.memory_space<hbm>>
      %dma_start3A_174 = arith.constant 0 : i32
      %dma_start3A_175 = tpu.memref_slice %arg5[%arg0, %add3A_158, %dma_start3A_174] : memref<2x10240x128xf32, #tpu.memory_space<hbm>> -> memref<1x128x128xf32, #tpu.memory_space<hbm>>
      %dma_start3A_176 = tpu.memref_squeeze %dma_start3A_175 : memref<1x128x128xf32, #tpu.memory_space<hbm>> -> memref<128x128xf32, #tpu.memory_space<hbm>>
      tpu.enqueue_dma source(%arg8 : memref<128x128xf32, #tpu.memory_space<vmem>>) target(%dma_start3A_176 : memref<128x128xf32, #tpu.memory_space<hbm>>) target_semaphore(%run_scoped3A : memref<!tpu.dma_semaphore, #tpu.memory_space<semaphore_mem>>)
      %dma_wait3A_177 = arith.constant 0 : i32
      %dma_wait3A_178 = tpu.memref_slice %arg5[%arg0, %add3A_158, %dma_wait3A_177] : memref<2x10240x128xf32, #tpu.memory_space<hbm>> -> memref<1x128x128xf32, #tpu.memory_space<hbm>>
      %dma_wait3A_179 = tpu.memref_squeeze %dma_wait3A_178 : memref<1x128x128xf32, #tpu.memory_space<hbm>> -> memref<128x128xf32, #tpu.memory_space<hbm>>
      %dma_wait3A_180 = arith.constant 0 : i32
      %dma_wait3A_181 = tpu.memref_slice %arg5[%arg0, %add3A_158, %dma_wait3A_180] : memref<2x10240x128xf32, #tpu.memory_space<hbm>> -> memref<1x128x128xf32, #tpu.memory_space<hbm>>
      %dma_wait3A_182 = tpu.memref_squeeze %dma_wait3A_181 : memref<1x128x128xf32, #tpu.memory_space<hbm>> -> memref<128x128xf32, #tpu.memory_space<hbm>>
      tpu.wait_dma2 semaphore(%run_scoped3A : memref<!tpu.dma_semaphore, #tpu.memory_space<semaphore_mem>>) src(%arg8 : memref<128x128xf32, #tpu.memory_space<vmem>>) dst(%dma_wait3A_182 : memref<128x128xf32, #tpu.memory_space<hbm>>)
      tpu.yield
    }) : () -> ()
    %mul3A_159 = arith.constant 640 : i32
    %mul3A_160 = arith.muli %arg1, %mul3A_159 : i32
    %add3A_161 = arith.constant 256 : i32
    %add3A_162 = arith.addi %mul3A_160, %add3A_161 : i32
    "tpu.region"() ({
      %run_scoped3A = tpu.sem_alloc : memref<!tpu.dma_semaphore, #tpu.memory_space<semaphore_mem>>
      %dma_start3A_171 = arith.constant 0 : i32
      %dma_start3A_172 = tpu.memref_slice %arg10[%add3A_162, %dma_start3A_171] : memref<10240x128xf32, #tpu.memory_space<vmem_shared>> -> memref<128x128xf32, #tpu.memory_space<vmem_shared>>
      %dma_start3A_173 = arith.constant 0 : i32
      %dma_start3A_174 = tpu.memref_slice %arg10[%add3A_162, %dma_start3A_173] : memref<10240x128xf32, #tpu.memory_space<vmem_shared>> -> memref<128x128xf32, #tpu.memory_space<vmem_shared>>
      tpu.enqueue_dma source(%dma_start3A_174 : memref<128x128xf32, #tpu.memory_space<vmem_shared>>) target(%arg8 : memref<128x128xf32, #tpu.memory_space<vmem>>) target_semaphore(%run_scoped3A : memref<!tpu.dma_semaphore, #tpu.memory_space<semaphore_mem>>)
      %dma_wait3A_175 = arith.constant 0 : i32
      %dma_wait3A_176 = tpu.memref_slice %arg10[%add3A_162, %dma_wait3A_175] : memref<10240x128xf32, #tpu.memory_space<vmem_shared>> -> memref<128x128xf32, #tpu.memory_space<vmem_shared>>
      %dma_wait3A_177 = arith.constant 0 : i32
      %dma_wait3A_178 = tpu.memref_slice %arg10[%add3A_162, %dma_wait3A_177] : memref<10240x128xf32, #tpu.memory_space<vmem_shared>> -> memref<128x128xf32, #tpu.memory_space<vmem_shared>>
      tpu.wait_dma2 semaphore(%run_scoped3A : memref<!tpu.dma_semaphore, #tpu.memory_space<semaphore_mem>>) src(%dma_wait3A_178 : memref<128x128xf32, #tpu.memory_space<vmem_shared>>) dst(%arg8 : memref<128x128xf32, #tpu.memory_space<vmem>>)
      tpu.yield
    }) : () -> ()
    "tpu.region"() ({
      %run_scoped3A = tpu.sem_alloc : memref<!tpu.dma_semaphore, #tpu.memory_space<semaphore_mem>>
      %dma_start3A_171 = arith.constant 0 : i32
      %dma_start3A_172 = tpu.memref_slice %arg5[%arg0, %add3A_162, %dma_start3A_171] : memref<2x10240x128xf32, #tpu.memory_space<hbm>> -> memref<1x128x128xf32, #tpu.memory_space<hbm>>
      %dma_start3A_173 = tpu.memref_squeeze %dma_start3A_172 : memref<1x128x128xf32, #tpu.memory_space<hbm>> -> memref<128x128xf32, #tpu.memory_space<hbm>>
      %dma_start3A_174 = arith.constant 0 : i32
      %dma_start3A_175 = tpu.memref_slice %arg5[%arg0, %add3A_162, %dma_start3A_174] : memref<2x10240x128xf32, #tpu.memory_space<hbm>> -> memref<1x128x128xf32, #tpu.memory_space<hbm>>
      %dma_start3A_176 = tpu.memref_squeeze %dma_start3A_175 : memref<1x128x128xf32, #tpu.memory_space<hbm>> -> memref<128x128xf32, #tpu.memory_space<hbm>>
      tpu.enqueue_dma source(%arg8 : memref<128x128xf32, #tpu.memory_space<vmem>>) target(%dma_start3A_176 : memref<128x128xf32, #tpu.memory_space<hbm>>) target_semaphore(%run_scoped3A : memref<!tpu.dma_semaphore, #tpu.memory_space<semaphore_mem>>)
      %dma_wait3A_177 = arith.constant 0 : i32
      %dma_wait3A_178 = tpu.memref_slice %arg5[%arg0, %add3A_162, %dma_wait3A_177] : memref<2x10240x128xf32, #tpu.memory_space<hbm>> -> memref<1x128x128xf32, #tpu.memory_space<hbm>>
      %dma_wait3A_179 = tpu.memref_squeeze %dma_wait3A_178 : memref<1x128x128xf32, #tpu.memory_space<hbm>> -> memref<128x128xf32, #tpu.memory_space<hbm>>
      %dma_wait3A_180 = arith.constant 0 : i32
      %dma_wait3A_181 = tpu.memref_slice %arg5[%arg0, %add3A_162, %dma_wait3A_180] : memref<2x10240x128xf32, #tpu.memory_space<hbm>> -> memref<1x128x128xf32, #tpu.memory_space<hbm>>
      %dma_wait3A_182 = tpu.memref_squeeze %dma_wait3A_181 : memref<1x128x128xf32, #tpu.memory_space<hbm>> -> memref<128x128xf32, #tpu.memory_space<hbm>>
      tpu.wait_dma2 semaphore(%run_scoped3A : memref<!tpu.dma_semaphore, #tpu.memory_space<semaphore_mem>>) src(%arg8 : memref<128x128xf32, #tpu.memory_space<vmem>>) dst(%dma_wait3A_182 : memref<128x128xf32, #tpu.memory_space<hbm>>)
      tpu.yield
    }) : () -> ()
    %mul3A_163 = arith.constant 640 : i32
    %mul3A_164 = arith.muli %arg1, %mul3A_163 : i32
    %add3A_165 = arith.constant 384 : i32
    %add3A_166 = arith.addi %mul3A_164, %add3A_165 : i32
    "tpu.region"() ({
      %run_scoped3A = tpu.sem_alloc : memref<!tpu.dma_semaphore, #tpu.memory_space<semaphore_mem>>
      %dma_start3A_171 = arith.constant 0 : i32
      %dma_start3A_172 = tpu.memref_slice %arg10[%add3A_166, %dma_start3A_171] : memref<10240x128xf32, #tpu.memory_space<vmem_shared>> -> memref<128x128xf32, #tpu.memory_space<vmem_shared>>
      %dma_start3A_173 = arith.constant 0 : i32
      %dma_start3A_174 = tpu.memref_slice %arg10[%add3A_166, %dma_start3A_173] : memref<10240x128xf32, #tpu.memory_space<vmem_shared>> -> memref<128x128xf32, #tpu.memory_space<vmem_shared>>
      tpu.enqueue_dma source(%dma_start3A_174 : memref<128x128xf32, #tpu.memory_space<vmem_shared>>) target(%arg8 : memref<128x128xf32, #tpu.memory_space<vmem>>) target_semaphore(%run_scoped3A : memref<!tpu.dma_semaphore, #tpu.memory_space<semaphore_mem>>)
      %dma_wait3A_175 = arith.constant 0 : i32
      %dma_wait3A_176 = tpu.memref_slice %arg10[%add3A_166, %dma_wait3A_175] : memref<10240x128xf32, #tpu.memory_space<vmem_shared>> -> memref<128x128xf32, #tpu.memory_space<vmem_shared>>
      %dma_wait3A_177 = arith.constant 0 : i32
      %dma_wait3A_178 = tpu.memref_slice %arg10[%add3A_166, %dma_wait3A_177] : memref<10240x128xf32, #tpu.memory_space<vmem_shared>> -> memref<128x128xf32, #tpu.memory_space<vmem_shared>>
      tpu.wait_dma2 semaphore(%run_scoped3A : memref<!tpu.dma_semaphore, #tpu.memory_space<semaphore_mem>>) src(%dma_wait3A_178 : memref<128x128xf32, #tpu.memory_space<vmem_shared>>) dst(%arg8 : memref<128x128xf32, #tpu.memory_space<vmem>>)
      tpu.yield
    }) : () -> ()
    "tpu.region"() ({
      %run_scoped3A = tpu.sem_alloc : memref<!tpu.dma_semaphore, #tpu.memory_space<semaphore_mem>>
      %dma_start3A_171 = arith.constant 0 : i32
      %dma_start3A_172 = tpu.memref_slice %arg5[%arg0, %add3A_166, %dma_start3A_171] : memref<2x10240x128xf32, #tpu.memory_space<hbm>> -> memref<1x128x128xf32, #tpu.memory_space<hbm>>
      %dma_start3A_173 = tpu.memref_squeeze %dma_start3A_172 : memref<1x128x128xf32, #tpu.memory_space<hbm>> -> memref<128x128xf32, #tpu.memory_space<hbm>>
      %dma_start3A_174 = arith.constant 0 : i32
      %dma_start3A_175 = tpu.memref_slice %arg5[%arg0, %add3A_166, %dma_start3A_174] : memref<2x10240x128xf32, #tpu.memory_space<hbm>> -> memref<1x128x128xf32, #tpu.memory_space<hbm>>
      %dma_start3A_176 = tpu.memref_squeeze %dma_start3A_175 : memref<1x128x128xf32, #tpu.memory_space<hbm>> -> memref<128x128xf32, #tpu.memory_space<hbm>>
      tpu.enqueue_dma source(%arg8 : memref<128x128xf32, #tpu.memory_space<vmem>>) target(%dma_start3A_176 : memref<128x128xf32, #tpu.memory_space<hbm>>) target_semaphore(%run_scoped3A : memref<!tpu.dma_semaphore, #tpu.memory_space<semaphore_mem>>)
      %dma_wait3A_177 = arith.constant 0 : i32
      %dma_wait3A_178 = tpu.memref_slice %arg5[%arg0, %add3A_166, %dma_wait3A_177] : memref<2x10240x128xf32, #tpu.memory_space<hbm>> -> memref<1x128x128xf32, #tpu.memory_space<hbm>>
      %dma_wait3A_179 = tpu.memref_squeeze %dma_wait3A_178 : memref<1x128x128xf32, #tpu.memory_space<hbm>> -> memref<128x128xf32, #tpu.memory_space<hbm>>
      %dma_wait3A_180 = arith.constant 0 : i32
      %dma_wait3A_181 = tpu.memref_slice %arg5[%arg0, %add3A_166, %dma_wait3A_180] : memref<2x10240x128xf32, #tpu.memory_space<hbm>> -> memref<1x128x128xf32, #tpu.memory_space<hbm>>
      %dma_wait3A_182 = tpu.memref_squeeze %dma_wait3A_181 : memref<1x128x128xf32, #tpu.memory_space<hbm>> -> memref<128x128xf32, #tpu.memory_space<hbm>>
      tpu.wait_dma2 semaphore(%run_scoped3A : memref<!tpu.dma_semaphore, #tpu.memory_space<semaphore_mem>>) src(%arg8 : memref<128x128xf32, #tpu.memory_space<vmem>>) dst(%dma_wait3A_182 : memref<128x128xf32, #tpu.memory_space<hbm>>)
      tpu.yield
    }) : () -> ()
    %mul3A_167 = arith.constant 640 : i32
    %mul3A_168 = arith.muli %arg1, %mul3A_167 : i32
    %add3A_169 = arith.constant 512 : i32
    %add3A_170 = arith.addi %mul3A_168, %add3A_169 : i32
    "tpu.region"() ({
      %run_scoped3A = tpu.sem_alloc : memref<!tpu.dma_semaphore, #tpu.memory_space<semaphore_mem>>
      %dma_start3A_171 = arith.constant 0 : i32
      %dma_start3A_172 = tpu.memref_slice %arg10[%add3A_170, %dma_start3A_171] : memref<10240x128xf32, #tpu.memory_space<vmem_shared>> -> memref<128x128xf32, #tpu.memory_space<vmem_shared>>
      %dma_start3A_173 = arith.constant 0 : i32
      %dma_start3A_174 = tpu.memref_slice %arg10[%add3A_170, %dma_start3A_173] : memref<10240x128xf32, #tpu.memory_space<vmem_shared>> -> memref<128x128xf32, #tpu.memory_space<vmem_shared>>
      tpu.enqueue_dma source(%dma_start3A_174 : memref<128x128xf32, #tpu.memory_space<vmem_shared>>) target(%arg8 : memref<128x128xf32, #tpu.memory_space<vmem>>) target_semaphore(%run_scoped3A : memref<!tpu.dma_semaphore, #tpu.memory_space<semaphore_mem>>)
      %dma_wait3A_175 = arith.constant 0 : i32
      %dma_wait3A_176 = tpu.memref_slice %arg10[%add3A_170, %dma_wait3A_175] : memref<10240x128xf32, #tpu.memory_space<vmem_shared>> -> memref<128x128xf32, #tpu.memory_space<vmem_shared>>
      %dma_wait3A_177 = arith.constant 0 : i32
      %dma_wait3A_178 = tpu.memref_slice %arg10[%add3A_170, %dma_wait3A_177] : memref<10240x128xf32, #tpu.memory_space<vmem_shared>> -> memref<128x128xf32, #tpu.memory_space<vmem_shared>>
      tpu.wait_dma2 semaphore(%run_scoped3A : memref<!tpu.dma_semaphore, #tpu.memory_space<semaphore_mem>>) src(%dma_wait3A_178 : memref<128x128xf32, #tpu.memory_space<vmem_shared>>) dst(%arg8 : memref<128x128xf32, #tpu.memory_space<vmem>>)
      tpu.yield
    }) : () -> ()
    "tpu.region"() ({
      %run_scoped3A = tpu.sem_alloc : memref<!tpu.dma_semaphore, #tpu.memory_space<semaphore_mem>>
      %dma_start3A_171 = arith.constant 0 : i32
      %dma_start3A_172 = tpu.memref_slice %arg5[%arg0, %add3A_170, %dma_start3A_171] : memref<2x10240x128xf32, #tpu.memory_space<hbm>> -> memref<1x128x128xf32, #tpu.memory_space<hbm>>
      %dma_start3A_173 = tpu.memref_squeeze %dma_start3A_172 : memref<1x128x128xf32, #tpu.memory_space<hbm>> -> memref<128x128xf32, #tpu.memory_space<hbm>>
      %dma_start3A_174 = arith.constant 0 : i32
      %dma_start3A_175 = tpu.memref_slice %arg5[%arg0, %add3A_170, %dma_start3A_174] : memref<2x10240x128xf32, #tpu.memory_space<hbm>> -> memref<1x128x128xf32, #tpu.memory_space<hbm>>
      %dma_start3A_176 = tpu.memref_squeeze %dma_start3A_175 : memref<1x128x128xf32, #tpu.memory_space<hbm>> -> memref<128x128xf32, #tpu.memory_space<hbm>>
      tpu.enqueue_dma source(%arg8 : memref<128x128xf32, #tpu.memory_space<vmem>>) target(%dma_start3A_176 : memref<128x128xf32, #tpu.memory_space<hbm>>) target_semaphore(%run_scoped3A : memref<!tpu.dma_semaphore, #tpu.memory_space<semaphore_mem>>)
      %dma_wait3A_177 = arith.constant 0 : i32
      %dma_wait3A_178 = tpu.memref_slice %arg5[%arg0, %add3A_170, %dma_wait3A_177] : memref<2x10240x128xf32, #tpu.memory_space<hbm>> -> memref<1x128x128xf32, #tpu.memory_space<hbm>>
      %dma_wait3A_179 = tpu.memref_squeeze %dma_wait3A_178 : memref<1x128x128xf32, #tpu.memory_space<hbm>> -> memref<128x128xf32, #tpu.memory_space<hbm>>
      %dma_wait3A_180 = arith.constant 0 : i32
      %dma_wait3A_181 = tpu.memref_slice %arg5[%arg0, %add3A_170, %dma_wait3A_180] : memref<2x10240x128xf32, #tpu.memory_space<hbm>> -> memref<1x128x128xf32, #tpu.memory_space<hbm>>
      %dma_wait3A_182 = tpu.memref_squeeze %dma_wait3A_181 : memref<1x128x128xf32, #tpu.memory_space<hbm>> -> memref<128x128xf32, #tpu.memory_space<hbm>>
      tpu.wait_dma2 semaphore(%run_scoped3A : memref<!tpu.dma_semaphore, #tpu.memory_space<semaphore_mem>>) src(%arg8 : memref<128x128xf32, #tpu.memory_space<vmem>>) dst(%dma_wait3A_182 : memref<128x128xf32, #tpu.memory_space<hbm>>)
      tpu.yield
    }) : () -> ()
    return
  }
}

module attributes {stable_mosaic.version = 14 : i64} {
  func.func @_mm_body(%arg0: i32, %arg1: i32, %arg2: memref<1024x128xf32, #tpu.memory_space<vmem>>, %arg3: memref<1x128x128xf32, #tpu.memory_space<vmem>>, %arg4: memref<1x1024x128xf32, #tpu.memory_space<vmem>>) attributes {dimension_semantics = [#tpu.dimension_semantics<arbitrary>, #tpu.dimension_semantics<arbitrary>], iteration_bounds = array<i64: 10, 8>, scalar_prefetch = 0 : i64, scratch_operands = 0 : i64, tpu.core_type = #tpu.core_type<tc>, window_params = [{transform_indices = @transform_0, window_bounds = array<i64: 1024, 128>}, {transform_indices = @transform_1, window_bounds = array<i64: 1, 128, 128>}, {transform_indices = @transform_2, window_bounds = array<i64: 1, 1024, 128>}]} {
    %get3A = arith.constant 0 : index
    %get3A_0 = arith.constant 0 : index
    %get3A_1 = vector.load %arg2[%get3A, %get3A_0] : memref<1024x128xf32, #tpu.memory_space<vmem>>, vector<1024x128xf32>
    %get3A_2 = arith.constant 0 : index
    %get3A_3 = arith.constant 0 : index
    %get3A_4 = arith.constant 0 : index
    %get3A_5 = vector.load %arg3[%get3A_2, %get3A_3, %get3A_4] : memref<1x128x128xf32, #tpu.memory_space<vmem>>, vector<1x128x128xf32>
    %get3A_6 = vector.shape_cast %get3A_5 : vector<1x128x128xf32> to vector<128x128xf32>
    %dot_general3A = arith.constant dense<0.000000e+00> : vector<1024x128xf32>
    %dot_general3A_7 = tpu.matmul %get3A_1, %get3A_6, %dot_general3A {dimension_numbers = #tpu.dot_dimension_numbers<[1], [0], [0], [1], [0, 0, 1, 1], [], []>, transpose_lhs_hint = false} : vector<1024x128xf32>, vector<128x128xf32>, vector<1024x128xf32> -> vector<1024x128xf32>
    %max3A = arith.constant 0.000000e+00 : f32
    %max3A_8 = vector.broadcast %max3A : f32 to vector<1024x128xf32>
    %max3A_9 = arith.maximumf %dot_general3A_7, %max3A_8 : vector<1024x128xf32>
    %swap3A = arith.constant 0 : index
    %swap3A_10 = arith.constant 0 : index
    %swap3A_11 = arith.constant 0 : index
    %swap3A_12 = vector.load %arg4[%swap3A, %swap3A_10, %swap3A_11] : memref<1x1024x128xf32, #tpu.memory_space<vmem>>, vector<1x1024x128xf32>
    %swap3A_13 = vector.shape_cast %swap3A_12 : vector<1x1024x128xf32> to vector<1024x128xf32>
    %swap3A_14 = vector.shape_cast %max3A_9 : vector<1024x128xf32> to vector<1x1024x128xf32>
    tpu.vector_store %arg4[%swap3A, %swap3A_10, %swap3A_11], %swap3A_14 {strides = array<i32>} : memref<1x1024x128xf32, #tpu.memory_space<vmem>>, vector<1x1024x128xf32>,
    return
  }
  func.func @transform_0(%arg0: i32, %arg1: i32) -> (i32, i32) {
    %c0_i32 = arith.constant 0 : i32
    %c0_i32_0 = arith.constant 0 : i32
    return %arg0, %c0_i32 : i32, i32
  }
  func.func @transform_1(%arg0: i32, %arg1: i32) -> (i32, i32, i32) {
    %c0_i32 = arith.constant 0 : i32
    %c0_i32_0 = arith.constant 0 : i32
    %c0_i32_1 = arith.constant 0 : i32
    return %arg1, %c0_i32, %c0_i32_0 : i32, i32, i32
  }
  func.func @transform_2(%arg0: i32, %arg1: i32) -> (i32, i32, i32) {
    %c0_i32 = arith.constant 0 : i32
    %c0_i32_0 = arith.constant 0 : i32
    return %arg1, %arg0, %c0_i32 : i32, i32, i32
  }
}

module attributes {stable_mosaic.version = 14 : i64} {
  func.func @_bn_body(%arg0: memref<2x10240x128xf32, #tpu.memory_space<vmem>>, %arg1: memref<1x128xf32, #tpu.memory_space<vmem>>, %arg2: memref<1x128xf32, #tpu.memory_space<vmem>>, %arg3: memref<10240x128xf32, #tpu.memory_space<vmem>>) attributes {dimension_semantics = [], scalar_prefetch = 0 : i64, scratch_operands = 0 : i64, tpu.core_type = #tpu.core_type<tc>} {
    %get3A = arith.constant 0 : index
    %get3A_0 = arith.constant 0 : index
    %get3A_1 = arith.constant 0 : index
    %get3A_2 = vector.load %arg0[%get3A, %get3A_0, %get3A_1] : memref<2x10240x128xf32, #tpu.memory_space<vmem>>, vector<1x10000x128xf32>
    %get3A_3 = vector.shape_cast %get3A_2 : vector<1x10000x128xf32> to vector<10000x128xf32>
    %get3A_4 = arith.constant 1 : index
    %get3A_5 = arith.constant 0 : index
    %get3A_6 = arith.constant 0 : index
    %get3A_7 = vector.load %arg0[%get3A_4, %get3A_5, %get3A_6] : memref<2x10240x128xf32, #tpu.memory_space<vmem>>, vector<1x10000x128xf32>
    %get3A_8 = vector.shape_cast %get3A_7 : vector<1x10000x128xf32> to vector<10000x128xf32>
    %add3A = arith.addf %get3A_3, %get3A_8 : vector<10000x128xf32>
    %reduce_sum3A = arith.constant dense<0.000000e+00> : vector<128xf32>
    %reduce_sum3A_9 = vector.multi_reduction <add>, %add3A, %reduce_sum3A [0] : vector<10000x128xf32> to vector<128xf32>
    %broadcast_in_dim3A = vector.shape_cast %reduce_sum3A_9 : vector<128xf32> to vector<1x128xf32>
    %div3A = arith.constant 1.000000e+04 : f32
    %div3A_10 = vector.broadcast %div3A : f32 to vector<1x128xf32>
    %div3A_11 = arith.divf %broadcast_in_dim3A, %div3A_10 : vector<1x128xf32>
    %sub3A = vector.broadcast %div3A_11 : vector<1x128xf32> to vector<10000x128xf32>
    %sub3A_12 = arith.subf %add3A, %sub3A : vector<10000x128xf32>
    %mul3A = arith.mulf %sub3A_12, %sub3A_12 : vector<10000x128xf32>
    %reduce_sum3A_13 = arith.constant dense<0.000000e+00> : vector<128xf32>
    %reduce_sum3A_14 = vector.multi_reduction <add>, %mul3A, %reduce_sum3A_13 [0] : vector<10000x128xf32> to vector<128xf32>
    %broadcast_in_dim3A_15 = vector.shape_cast %reduce_sum3A_14 : vector<128xf32> to vector<1x128xf32>
    %div3A_16 = arith.constant 1.000000e+04 : f32
    %div3A_17 = vector.broadcast %div3A_16 : f32 to vector<1x128xf32>
    %div3A_18 = arith.divf %broadcast_in_dim3A_15, %div3A_17 : vector<1x128xf32>
    %add3A_19 = arith.constant 9.99999974E-6 : f32
    %add3A_20 = vector.broadcast %add3A_19 : f32 to vector<1x128xf32>
    %add3A_21 = arith.addf %div3A_18, %add3A_20 : vector<1x128xf32>
    %rsqrt3A = math.rsqrt %add3A_21 : vector<1x128xf32>
    %mul3A_22 = vector.broadcast %rsqrt3A : vector<1x128xf32> to vector<10000x128xf32>
    %mul3A_23 = arith.mulf %sub3A_12, %mul3A_22 : vector<10000x128xf32>
    %get3A_24 = arith.constant 0 : index
    %get3A_25 = arith.constant 0 : index
    %get3A_26 = vector.load %arg1[%get3A_24, %get3A_25] : memref<1x128xf32, #tpu.memory_space<vmem>>, vector<1x128xf32>
    %mul3A_27 = vector.broadcast %get3A_26 : vector<1x128xf32> to vector<10000x128xf32>
    %mul3A_28 = arith.mulf %mul3A_23, %mul3A_27 : vector<10000x128xf32>
    %get3A_29 = arith.constant 0 : index
    %get3A_30 = arith.constant 0 : index
    %get3A_31 = vector.load %arg2[%get3A_29, %get3A_30] : memref<1x128xf32, #tpu.memory_space<vmem>>, vector<1x128xf32>
    %add3A_32 = vector.broadcast %get3A_31 : vector<1x128xf32> to vector<10000x128xf32>
    %add3A_33 = arith.addf %mul3A_28, %add3A_32 : vector<10000x128xf32>
    %max3A = arith.constant 0.000000e+00 : f32
    %max3A_34 = vector.broadcast %max3A : f32 to vector<10000x128xf32>
    %max3A_35 = arith.maximumf %add3A_33, %max3A_34 : vector<10000x128xf32>
    %swap3A = arith.constant 0 : index
    %swap3A_36 = arith.constant 0 : index
    %swap3A_37 = vector.load %arg3[%swap3A, %swap3A_36] : memref<10240x128xf32, #tpu.memory_space<vmem>>, vector<10000x128xf32>
    tpu.vector_store %arg3[%swap3A, %swap3A_36], %max3A_35 {strides = array<i32>} : memref<10240x128xf32, #tpu.memory_space<vmem>>, vector<10000x128xf32>,
    %broadcast_in_dim3A_38 = arith.constant 0.000000e+00 : f32
    %broadcast_in_dim3A_39 = vector.broadcast %broadcast_in_dim3A_38 : f32 to vector<240x128xf32>
    %swap3A_40 = arith.constant 10000 : index
    %swap3A_41 = arith.constant 0 : index
    %swap3A_42 = vector.load %arg3[%swap3A_40, %swap3A_41] : memref<10240x128xf32, #tpu.memory_space<vmem>>, vector<240x128xf32>
    tpu.vector_store %arg3[%swap3A_40, %swap3A_41], %broadcast_in_dim3A_39 {strides = array<i32>} : memref<10240x128xf32, #tpu.memory_space<vmem>>, vector<240x128xf32>,
    return
  }
}

module attributes {stable_mosaic.version = 14 : i64} {
  func.func @_mm_body(%arg0: i32, %arg1: i32, %arg2: memref<1024x192xf32, #tpu.memory_space<vmem>>, %arg3: memref<1x192x128xf32, #tpu.memory_space<vmem>>, %arg4: memref<1x1024x128xf32, #tpu.memory_space<vmem>>) attributes {dimension_semantics = [#tpu.dimension_semantics<arbitrary>, #tpu.dimension_semantics<arbitrary>], iteration_bounds = array<i64: 10, 8>, scalar_prefetch = 0 : i64, scratch_operands = 0 : i64, tpu.core_type = #tpu.core_type<tc>, window_params = [{transform_indices = @transform_0, window_bounds = array<i64: 1024, 192>}, {transform_indices = @transform_1, window_bounds = array<i64: 1, 192, 128>}, {transform_indices = @transform_2, window_bounds = array<i64: 1, 1024, 128>}]} {
    %get3A = arith.constant 0 : index
    %get3A_0 = arith.constant 0 : index
    %get3A_1 = vector.load %arg2[%get3A, %get3A_0] : memref<1024x192xf32, #tpu.memory_space<vmem>>, vector<1024x192xf32>
    %get3A_2 = arith.constant 0 : index
    %get3A_3 = arith.constant 0 : index
    %get3A_4 = arith.constant 0 : index
    %get3A_5 = vector.load %arg3[%get3A_2, %get3A_3, %get3A_4] : memref<1x192x128xf32, #tpu.memory_space<vmem>>, vector<1x192x128xf32>
    %get3A_6 = vector.shape_cast %get3A_5 : vector<1x192x128xf32> to vector<192x128xf32>
    %dot_general3A = arith.constant dense<0.000000e+00> : vector<1024x128xf32>
    %dot_general3A_7 = tpu.matmul %get3A_1, %get3A_6, %dot_general3A {dimension_numbers = #tpu.dot_dimension_numbers<[1], [0], [0], [1], [0, 0, 1, 1], [], []>, transpose_lhs_hint = false} : vector<1024x192xf32>, vector<192x128xf32>, vector<1024x128xf32> -> vector<1024x128xf32>
    %max3A = arith.constant 0.000000e+00 : f32
    %max3A_8 = vector.broadcast %max3A : f32 to vector<1024x128xf32>
    %max3A_9 = arith.maximumf %dot_general3A_7, %max3A_8 : vector<1024x128xf32>
    %swap3A = arith.constant 0 : index
    %swap3A_10 = arith.constant 0 : index
    %swap3A_11 = arith.constant 0 : index
    %swap3A_12 = vector.load %arg4[%swap3A, %swap3A_10, %swap3A_11] : memref<1x1024x128xf32, #tpu.memory_space<vmem>>, vector<1x1024x128xf32>
    %swap3A_13 = vector.shape_cast %swap3A_12 : vector<1x1024x128xf32> to vector<1024x128xf32>
    %swap3A_14 = vector.shape_cast %max3A_9 : vector<1024x128xf32> to vector<1x1024x128xf32>
    tpu.vector_store %arg4[%swap3A, %swap3A_10, %swap3A_11], %swap3A_14 {strides = array<i32>} : memref<1x1024x128xf32, #tpu.memory_space<vmem>>, vector<1x1024x128xf32>,
    return
  }
  func.func @transform_0(%arg0: i32, %arg1: i32) -> (i32, i32) {
    %c0_i32 = arith.constant 0 : i32
    %c0_i32_0 = arith.constant 0 : i32
    return %arg0, %c0_i32 : i32, i32
  }
  func.func @transform_1(%arg0: i32, %arg1: i32) -> (i32, i32, i32) {
    %c0_i32 = arith.constant 0 : i32
    %c0_i32_0 = arith.constant 0 : i32
    %c0_i32_1 = arith.constant 0 : i32
    return %arg1, %c0_i32, %c0_i32_0 : i32, i32, i32
  }
  func.func @transform_2(%arg0: i32, %arg1: i32) -> (i32, i32, i32) {
    %c0_i32 = arith.constant 0 : i32
    %c0_i32_0 = arith.constant 0 : i32
    return %arg1, %arg0, %c0_i32 : i32, i32, i32
  }
}

module attributes {stable_mosaic.version = 14 : i64} {
  func.func @_seg_body(%arg0: memref<1x10000xi32, #tpu.memory_space<vmem>>, %arg1: memref<10000x384xf32, #tpu.memory_space<vmem>>, %arg2: memref<16x384xf32, #tpu.memory_space<vmem>>) attributes {dimension_semantics = [], scalar_prefetch = 0 : i64, scratch_operands = 0 : i64, tpu.core_type = #tpu.core_type<tc>} {
    %get3A = arith.constant 0 : index
    %get3A_0 = arith.constant 0 : index
    %get3A_1 = vector.load %arg0[%get3A, %get3A_0] : memref<1x10000xi32, #tpu.memory_space<vmem>>, vector<1x10000xi32>
    %broadcast_in_dim3A = vector.shape_cast %get3A_1 : vector<1x10000xi32> to vector<1x10000xi32>
    %broadcast_in_dim3A_2 = vector.broadcast %broadcast_in_dim3A : vector<1x10000xi32> to vector<16x10000xi32>
    %iota3A = tpu.iota {dimensions = array<i32: 0>} : vector<16x10000xi32>
    %eq3A = arith.cmpi eq, %broadcast_in_dim3A_2, %iota3A : vector<16x10000xi32>
    %convert_element_type3A = arith.extui %eq3A : vector<16x10000xi1> to vector<16x10000xi32>
    %convert_element_type3A_3 = arith.sitofp %convert_element_type3A : vector<16x10000xi32> to vector<16x10000xf32>
    %get3A_4 = arith.constant 0 : index
    %get3A_5 = arith.constant 0 : index
    %get3A_6 = vector.load %arg1[%get3A_4, %get3A_5] : memref<10000x384xf32, #tpu.memory_space<vmem>>, vector<10000x384xf32>
    %dot_general3A = arith.constant dense<0.000000e+00> : vector<16x384xf32>
    %dot_general3A_7 = tpu.matmul %convert_element_type3A_3, %get3A_6, %dot_general3A {dimension_numbers = #tpu.dot_dimension_numbers<[1], [0], [0], [1], [0, 0, 1, 1], [], []>, transpose_lhs_hint = false} : vector<16x10000xf32>, vector<10000x384xf32>, vector<16x384xf32> -> vector<16x384xf32>
    %swap3A = arith.constant 0 : index
    %swap3A_8 = arith.constant 0 : index
    %swap3A_9 = vector.load %arg2[%swap3A, %swap3A_8] : memref<16x384xf32, #tpu.memory_space<vmem>>, vector<16x384xf32>
    tpu.vector_store %arg2[%swap3A, %swap3A_8], %dot_general3A_7 {strides = array<i32>} : memref<16x384xf32, #tpu.memory_space<vmem>>, vector<16x384xf32>,
    return
  }
}

</mosaic_0001>

<sc_bundles>
// kernel: kernel.12.cloned.1.call-start
scs
__scs_entry_jumppad:
0x0: {  	(pc) =	sbr.rel $0x88, $3  }
0x1: {  	(tag) =	ssettag $0x0;
	lr =	simm.s32 $0x1  }
0x2: {  	[smem:$0x3F94] =	sst lr;
	_ =	strace $0xD0000000  }
0x3: {  	_ = 	snop  }
0x4: {  	_ = 	snop  }
0x5: {  	_ = 	snop  }
0x6: {  	_ = 	snop  }
0x7: {  	_ = 	snop  }
__scs_overlays_trampoline_lowered:
0x8: {  	[smem:$0x3FA3] =	sst s0  }
0x9: {  	[smem:$0x3FA4] =	sst s1  }
0xa: {  	[smem:$0x3FA5] =	sst s2  }
0xb: {  	[smem:$0x3FA6] =	sst s3  }
0xc: {  	[smem:$0x3FA7] =	sst s4  }
0xd: {  	[smem:$0x3FA8] =	sst s5  }
0xe: {  	[smem:$0x3FA9] =	sst s6  }
0xf: {  	[smem:$0x3FAA] =	sst s7  }
0x10: {  	[smem:$0x3FAB] =	sst s8  }
0x11: {  	[smem:$0x3FAC] =	sst s9;
	s0 =	simm.s32 @!p0 $0x0  }
0x12: {  	s1 =	sld [smem:$0x3F92];
	s0 =	simm.s32 @p0 $0x1  }
0x13: {  	[smem:$0x3FAD] =	sst s0;
	s0 =	simm.s32 @!p1 $0x0  }
0x14: {  	s2 =	sld [smem:$0x3F91];
	s0 =	simm.s32 @p1 $0x1  }
0x15: {  	[smem:$0x3FAE] =	sst s0;
	s0 =	simm.s32 @!p2 $0x0  }
0x16: {  	s3 =	sld [smem:$0x3FDB];
	s0 =	simm.s32 @p2 $0x1  }
0x17: {  	s4 =	simm.s32 $0x1BF5;
	[smem:$0x3FB0] =	sst s0  }
0x18: {  	s0 =	sld [smem:$0x3F93];
	_ =	swait.ge [sflag:s4], $0x0  }
0x19: {  	s7 =	sld [smem:$0x3F94]  }
0x1a: {  	s8 =	sadd.s32 $0xFFFFE003, lr  }
0x1b: {  	s9 =	sadd.s32 $0xFFFFFEF7, lr;
	s5 =	simm.s32 $0xFFFFFFFF;
	p2 =	slt.u32 s8, $0xFFFFF086  }
0x1c: {  	p1 =	slt.u32 s9, $0xF7A;
	s5 =	simm.s32 @!p2 $0x0  }
0x1d: {  	s5 =	simm.s32 @p1 $0x1;
	p0 =	seq.s32 s7, s2  }
0x1e: {  	s7 =	smul.u32 @!p0 $0xF7A, s2;
	p2 =	seq.s32 @!p0 s5, $0x0  }
0x1f: {  	s9 =	smul.u32 $0xF7A, s1;
	s8 =	simm.s32 @!p0 $0x1BF5;
	p2 =	por !p2, p0  }
0x20: {  	[sflag:s8] =	ssyncset.s32 @!p0 $0xFFFFF086;
	s6 =	sadd.s32 @!p0 s3, s7;
	s7 =	simm.s32 @!p0 $0x108  }
0x21: {  	s3 =	sadd.s32 s3, s9;
	s6 =	sadd.s32 @!p0 $0x88, s6;
	s7 =	simm.s32 @p2 $0x1082  }
0x22: {  	[simem:s7], [sflag:s8] =	dma.local @!p0 [hbm:s6], $0xF7A  }
0x23: {  	s9 =	sor.u32 $0xD0000000, s2;
	s6 =	simm.s32 $0x108;
	_ =	swait.ge @!p0 [sflag:s8], $0x0  }
0x24: {  	s3 =	sadd.s32 $0x88, s3;
	s6 =	simm.s32 @!p1 $0x1082;
	[sflag:s4] =	ssyncset.s32 $0xFFFFF086  }
0x25: {  	[simem:s6], [sflag:s4] =	dma.local [hbm:s3], $0xF7A  }
0x26: {  	[smem:$0x3F94] =	sst s1;
	(tag) =	ssettag s2;
	_ =	strace s9  }
0x27: {  	s1 =	sld [smem:$0x3FA4]  }
0x28: {  	s2 =	sld [smem:$0x3FA5]  }
0x29: {  	s4 =	sld [smem:$0x3FA7]  }
0x2a: {  	p0 =	seq.s32 s5, $0x0;
	s5 =	sld [smem:$0x3FA8]  }
0x2b: {  	s6 =	sld [smem:$0x3FA9]  }
0x2c: {  	s7 =	sld [smem:$0x3FAA]  }
0x2d: {  	s3 =	simm.s32 $0x108;
	s8 =	sld [smem:$0x3FAB]  }
0x2e: {  	s3 =	simm.s32 @!p0 $0x1082;
	s9 =	sld [smem:$0x3FAC]  }
0x2f: {  	lr =	sadd.s32 s0, s3;
	s0 =	sld [smem:$0x3FA3]  }
0x30: {  	s3 =	sld [smem:$0x3FA6]  }
0x31: {  	[smem:$0x3FAF] =	sst s10  }
0x32: {  	s10 =	sld [smem:$0x3FAD];
	_ =	sdelay $0x3  }
0x33: {  	p0 =	seq.s32 s10, $0x1;
	s10 =	sld [smem:$0x3FAF];
	_ =	sdelay $0x3  }
0x34: {  	[smem:$0x3FAF] =	sst s10  }
0x35: {  	s10 =	sld [smem:$0x3FAE];
	_ =	sdelay $0x3  }
0x36: {  	p1 =	seq.s32 s10, $0x1;
	s10 =	sld [smem:$0x3FAF];
	_ =	sdelay $0x3  }
0x37: {  	[smem:$0x3FAF] =	sst s10  }
0x38: {  	s10 =	sld [smem:$0x3FB0]  }
0x39: {  	_ = 	snop;
	(pc) =	sbr.ind lr, $3  }
0x3a: {  	_ = 	snop  }
0x3b: {  	_ = 	snop  }
0x3c: {  	p2 =	seq.s32 s10, $0x1;
	s10 =	sld [smem:$0x3FAF]  }
0x3d: {  	_ =	shalt  }
0x3e: {  	_ =	shalt  }
0x3f: {  	_ =	shalt  }
0x40: {  	_ =	shalt  }
0x41: {  	_ =	shalt  }
0x42: {  	_ =	shalt  }
0x43: {  	_ =	shalt  }
0x44: {  	_ =	shalt  }
0x45: {  	_ =	shalt  }
0x46: {  	_ =	shalt  }
0x47: {  	_ =	shalt  }
0x48: {  	_ =	shalt  }
0x49: {  	_ =	shalt  }
0x4a: {  	_ =	shalt  }
0x4b: {  	_ =	shalt  }
0x4c: {  	_ =	shalt  }
0x4d: {  	_ =	shalt  }
0x4e: {  	_ =	shalt  }
0x4f: {  	_ =	shalt  }
0x50: {  	_ =	shalt  }
0x51: {  	_ =	shalt  }
0x52: {  	_ =	shalt  }
0x53: {  	_ =	shalt  }
0x54: {  	_ =	shalt  }
0x55: {  	_ =	shalt  }
0x56: {  	_ =	shalt  }
0x57: {  	_ =	shalt  }
0x58: {  	_ =	shalt  }
0x59: {  	_ =	shalt  }
0x5a: {  	_ =	shalt  }
0x5b: {  	_ =	shalt  }
0x5c: {  	_ =	shalt  }
0x5d: {  	_ =	shalt  }
0x5e: {  	_ =	shalt  }
0x5f: {  	_ =	shalt  }
0x60: {  	_ =	shalt  }
0x61: {  	_ =	shalt  }
0x62: {  	_ =	shalt  }
0x63: {  	_ =	shalt  }
0x64: {  	_ =	shalt  }
0x65: {  	_ =	shalt  }
0x66: {  	_ =	shalt  }
0x67: {  	_ =	shalt  }
0x68: {  	_ =	shalt  }
0x69: {  	_ =	shalt  }
0x6a: {  	_ =	shalt  }
0x6b: {  	_ =	shalt  }
0x6c: {  	_ =	shalt  }
0x6d: {  	_ =	shalt  }
0x6e: {  	_ =	shalt  }
0x6f: {  	_ =	shalt  }
0x70: {  	_ =	shalt  }
0x71: {  	_ =	shalt  }
0x72: {  	_ =	shalt  }
0x73: {  	_ =	shalt  }
0x74: {  	_ =	shalt  }
0x75: {  	_ =	shalt  }
0x76: {  	_ =	shalt  }
0x77: {  	_ =	shalt  }
0x78: {  	_ =	shalt  }
0x79: {  	_ =	shalt  }
0x7a: {  	_ =	shalt  }
0x7b: {  	_ =	shalt  }
0x7c: {  	_ =	shalt  }
0x7d: {  	_ =	shalt  }
0x7e: {  	_ =	shalt  }
0x7f: {  	_ =	shalt  }
0x80: {  	_ =	shalt  }
0x81: {  	_ =	shalt  }
0x82: {  	_ =	shalt  }
0x83: {  	_ =	shalt  }
0x84: {  	_ =	shalt  }
0x85: {  	_ =	shalt  }
0x86: {  	_ =	shalt  }
0x87: {  	_ =	shalt  }
.Lfunc_end0:
.L_simem_size_0:
called_computation_lowered:
.L_overlay_start_0:
0x88: {  	s2 =	sld [smem:$0x3FD9]  }
0x89: {  	s3 =	sld [smem:$0x3FFE];
	_ =	sdelay $0x1  }
0x8a: {  	s1 =	srdreg.scid  }
0x8b: {  	s0 =	sand.u32 $0x1, s1  }
0x8c: {  	s14 =	sshll.u32 s0, $0xA;
	s2 =	sadd.s32 s3, s2  }
0x8d: {  	s2 =	sadd.s32 s2, s14  }
0x8e: {  	[smem:$0x3FBB] =	sst s2  }
0x8f: {  	_ = 	snop  }
0x90: {  	s2 =	sld [smem:$0x3FD0];
	_ =	sdelay $0x2  }
0x91: {  	s15 =	simm.s32 $0xA;
	s4 =	simm.s32 $0x10  }
0x92: {  	[smem:s4], [sflag:s15] =	dma.local [hbm:s2], $0x1  }
0x93: {  	_ =	swait.eq [sflag:s15], $0x1  }
0x94: {  	[sflag:s15] =	ssyncset.done $0x0  }
0x95: {  	[sflag:s15] =	ssyncadd.s32 $0xFFFFFFFF  }
0x96: {  	s16 =	sld [smem:$0x10];
	(tm) =	ssettm $0x1  }
0x97: {  	s17 =	sld [smem:$0x3FFB];
	_ =	sdelay $0x3  }
0x98: {  	_ =	strace s17  }
0x99: {  	s3 =	sld [smem:$0x3FFC];
	_ =	sdelay $0x3  }
0x9a: {  	_ =	strace s3  }
0x9b: {  	s3 =	sld [smem:$0x3FFD];
	_ =	sdelay $0x3  }
0x9c: {  	_ =	strace s3  }
0x9d: {  	_ =	strace $0x8FFFFFFF  }
0x9e: {  	s18 =	sld [smem:$0x3FDB];
	_ =	sdelay $0x1  }
0x9f: {  	s19 =	simm.s32 $_scs_section_size  }
0xa0: {  	s5 =	simm.s32 $_size__tile_overlayer_lowered;
	s6 =	simm.s32 $_tile_overlayer_lowered  }
0xa1: {  	s22 =	simm.s32 $0x1BFF;
	s21 =	sshll.u32 s6, $0x1;
	s3 =	sadd.s32 s19, s18  }
0xa2: {  	s7 =	simm.s32 $0x0;
	s20 =	sshll.u32 s5, $0x1;
	s5 =	sadd.s32 s21, s3  }
0xa3: {  	[timem:s7], [sflag:s22] =	dma.local [hbm:s5], s20  }
0xa4: {  	_ =	swait.ge [sflag:s22], s20  }
0xa5: {  	s4 =	ssub.s32 $0x0, s20;
	[sflag:s22] =	ssyncset.done $0x0  }
0xa6: {  	[sflag:s22] =	ssyncadd.s32 s4;
	_ =	sdelay $0x1  }
0xa7: {  	s23 =	simm.s32 $0x1B8B  }
0xa8: {  	_ =	swait.ge [sflag:s23], $0x1  }
0xa9: {  	[sflag:s23] =	ssyncset.done $0x0  }
0xaa: {  	s25 =	simm.s32 $0x1B8E;
	s24 =	sld [smem:$0x3FFE];
	[sflag:s23] =	ssyncadd.s32 $0xFFFFFFFF  }
0xab: {  	s26 =	simm.s32 $execute0_lowered;
	[smem:$0x3FD2] =	sst s25  }
0xac: {  	s5 =	sshll.u32 s26, $0x1;
	_ =	strace $0x80000046;
	[dreg:$0x1] =	wrdreg $0xFFFFFFFF  }
0xad: {  	s28 =	simm.s32 $_size_execute0_lowered;
	s3 =	sadd.s32 s3, s5;
	[dreg:$0x0] =	wrdreg $0x0  }
0xae: {  	s5 =	sshll.u32 s28, $0x1;
	[dreg:$0x2] =	wrdreg s3  }
0xaf: {  	[dreg:$0x3] =	wrdreg s5  }
0xb0: {  	[dreg:$0x4] =	wrdreg $0xC0  }
0xb1: {  	_ =	task [dreg:s7], $0x5FFFF  }
0xb2: {  	[dreg:$0x1] =	wrdreg $0xFFFFFFFF  }
0xb3: {  	[dreg:$0x0] =	wrdreg $0x60  }
0xb4: {  	[dreg:$0x2] =	wrdreg s24  }
0xb5: {  	[dreg:$0x3] =	wrdreg s16  }
0xb6: {  	[dreg:$0x4] =	wrdreg $0xA8000  }
0xb7: {  	[dreg:$0x5] =	wrdreg $0x9  }
0xb8: {  	_ =	task.clear_ibuf [dreg:s7], $0x6FFFF;
	_ =	strace $0x90000046  }
0xb9: {  	s29 =	simm.s32 $0x9;
	_ =	strace $0x80000048  }
0xba: {  	_ =	swait.ge [sflag:s29], $0x1  }
0xbb: {  	[sflag:s29] =	ssyncadd.s32 $0xFFFFFFFF  }
0xbc: {  	_ =	strace $0x90000048  }
0xbd: {  	_ =	sfence  }
0xbe: {  	s30 =	sld [smem:$0x0];
	_ =	sdelay $0x2  }
0xbf: {  	s31 =	sshll.u32 s1, $0xD;
	s1 =	sshrl.u32 s1, $0x2  }
0xc0: {  	s3 =	sand.u32 $0x4000, s31;
	s1 =	sadd.s32 s1, s30  }
0xc1: {  	s0 =	sor.u32 s3, s0;
	s1 =	sshll.u32 s1, $0x11  }
0xc2: {  	s0 =	sor.u32 s1, s0  }
0xc3: {  	s0 =	sadd.s32 $0x8F2B, s0  }
0xc4: {  	[sflag:s0] =	ssyncadd.remote.s32 $0x1  }
0xc5: {  	_ =	sfence.sel $0xFFFF  }
0xc6: {  	[dreg:$0x0] =	wrdreg $0xFFFFFFFF;
	(pc) =	sbr.abs _section_cstart, $3  }
0xc7: {  	[dreg:$0x1] =	wrdreg $0xFFFFFFFF  }
0xc8: {  	_ =	task.clear_ibuf [dreg:s7], $0x2FFFF;
	_ =	strace $0x9FFFFFFF  }
0xc9: {  	(tm) =	ssettm $0x7FFFFFFF  }
tec
execute0_lowered:
.L_overlay_start_1:
0x0: {  	(tag) =	ssettag $0x1  }
0x1: {  	s0 =	rddreg [dreg:$0x0]  }
0x2: {  	s3 =	rddreg [dreg:$0x1]  }
0x3: {  	s1 =	rddreg [dreg:$0x2];
	s2 =	simm.s32 $0x0  }
0x4: {  	s5 =	srdreg.scid;
	s9 =	stileid.u32;
	s28 =	simm.s32 $0x3  }
0x5: {  	s29 =	simm.s32 $0x4;
	s30 =	simm.s32 $0x2780;
	s31 =	simm.s32 $0x0  }
0x6: {  	[smem:$0x7FF] =	sst s2;
	s4 =	sadd.s32 $0x17800, s0;
	s10 =	sadd.s32 $0xD800, s0  }
0x7: {  	s11 =	sand.u32 $0x1, s5;
	s0 =	sadd.s32 $0x3800, s0;
	s6 =	smul.u32 $0x50000, s9  }
0x8: {  	s12 =	smul.u32 $0x14000, s9;
	_ =	strace $0x80000047;
	s5 =	ssub.s32 $0x2, s11  }
0x9: {  	s8 =	sshll.u32 s11, $0x4;
	s20 =	smul.u32 $0x140000, s11;
	s7 =	sshrl.u32 s5, $0x1  }
0xa: {  	s8 =	sor.u32 s9, s8;
	s25 =	sshrl.u32 s6, $0x2;
	s13 =	sadd.s32 $0x4000, s12  }
0xb: {  	s16 =	sadd.s32 $0x8000, s12;
	s17 =	sadd.s32 $0xC000, s12;
	s18 =	sadd.s32 $0x10000, s12  }
0xc: {  	s19 =	ssub.s32 s5, s7;
	s5 =	sadd.s32 s25, s1;
	s14 =	smul.u32 $0x500, s8  }
0xd: {  	s6 =	sadd.s32 s13, s1;
	s7 =	sadd.s32 s16, s1;
	s15 =	smul.u32 $0x2800, s8  }
0xe: {  	s8 =	sadd.s32 s17, s1;
	s9 =	sadd.s32 s18, s1;
	s21 =	sadd.s32 s12, s20  }
0xf: {  	s13 =	sadd.s32 s20, s13;
	s24 =	sadd.s32 s20, s16;
	s25 =	sadd.s32 s20, s17  }
0x10: {  	s22 =	sshrl.u32 s21, $0x3;
	s23 =	sshrl.u32 s13, $0x3;
	s26 =	sadd.s32 s10, s14  }
0x11: {  	s19 =	smax.u32 s19, $0x1;
	s14 =	sadd.s32 s0, s14;
	[dreg:$0x4] =	wrdreg s26  }
0x12: {  	s21 =	simm.s32 $0x5;
	s15 =	sshrl.u32 s15, $0x3;
	[dreg:$0x5] =	wrdreg s14  }
0x13: {  	s14 =	sadd.s32 $0x280, s15;
	s15 =	sadd.s32 s3, s23;
	s26 =	sadd.s32 s20, s18  }
0x14: {  	s20 =	simm.s32 $0x2800;
	s23 =	simm.s32 $0x80;
	s12 =	sadd.s32 s10, s14  }
0x15: {  	s13 =	sadd.s32 s0, s14;
	s14 =	sadd.s32 s3, s22;
	s0 =	sshrl.u32 s24, $0x3  }
0x16: {  	s10 =	sshrl.u32 s25, $0x3;
	s18 =	sshrl.u32 s26, $0x3;
	s22 =	simm.s32 $0x1400  }
0x17: {  	s24 =	simm.s32 $0x1;
	s25 =	simm.s32 $0x6800;
	s26 =	simm.s32 $0x2  }
0x18: {  	v0 =	vimm.f32 $0.0e+00;
	s16 =	sadd.s32 s3, s0;
	s17 =	sadd.s32 s3, s10;
	s18 =	sadd.s32 s3, s18  }
.LBB2_1:
0x19: {  	s0 =	sand.u32 $0xFE00, s2  }
0x1a: {  	s3 =	sand.u32 $0x70, s2;
	s10 =	sshrl.u32 s0, $0x2  }
0x1b: {  	s0 =	simm.s32 $0x40;
	s10 =	sor.u32 s3, s10;
	s3 =	simm.s32 $0x0  }
.LBB2_2:
0x1c: {  	p0 =	sne.s32 s0, $0xFFC0  }
0x1d: {  	[tilespmem:s10+$0x2800] =	vst v0;
	s3 =	sadd.s32 $0x10, s3;
	s10 =	smov.u32 s0;
	s0 =	sadd.s32 $0x40, s0  }
.Ltmp0:
0x1e: {  	(pc) =	sbr.rel @p0 .LBB2_2-.Ltmp0, $4  }
0x1f: {  	_ = 	snop  }
0x20: {  	s10 =	sand.u32 $0xFE00, s10  }
0x21: {  	s11 =	sand.u32 $0x70, s3;
	s10 =	sshrl.u32 s10, $0x2  }
0x22: {  	s10 =	sor.u32 s11, s10  }
0x23: {  	[tilespmem:s10+$0x2800] =	vst v0  }
0x24: {  	[spmem:s5] =	stream.linear.scatter [tilespmem:s20], [sflag:$0x5], $0x4000, $0x38;
	[tilespmem:$0x1E800] =	vst v63  }
0x25: {  	_ =	swait.ge [sflag:s21], $0x4000  }
0x26: {  	[sflag:s21] =	ssyncset.done $0x0  }
0x27: {  	[sflag:s21] =	ssyncadd.s32 $0xFFFFC000  }
0x28: {  	[spmem:s6] =	stream.linear.scatter [tilespmem:s20], [sflag:$0x5], $0x4000, $0x38;
	[tilespmem:$0x1E800] =	vst v63  }
0x29: {  	_ =	swait.ge [sflag:s21], $0x4000  }
0x2a: {  	[sflag:s21] =	ssyncset.done $0x0  }
0x2b: {  	[sflag:s21] =	ssyncadd.s32 $0xFFFFC000  }
0x2c: {  	[spmem:s7] =	stream.linear.scatter [tilespmem:s20], [sflag:$0x5], $0x4000, $0x38;
	[tilespmem:$0x1E800] =	vst v63  }
0x2d: {  	_ =	swait.ge [sflag:s21], $0x4000  }
0x2e: {  	[sflag:s21] =	ssyncset.done $0x0  }
0x2f: {  	[sflag:s21] =	ssyncadd.s32 $0xFFFFC000  }
0x30: {  	[spmem:s8] =	stream.linear.scatter [tilespmem:s20], [sflag:$0x5], $0x4000, $0x38;
	[tilespmem:$0x1E800] =	vst v63  }
0x31: {  	_ =	swait.ge [sflag:s21], $0x4000  }
0x32: {  	[sflag:s21] =	ssyncset.done $0x0  }
0x33: {  	[sflag:s21] =	ssyncadd.s32 $0xFFFFC000  }
0x34: {  	[spmem:s9] =	stream.linear.scatter [tilespmem:s20], [sflag:$0x5], $0x4000, $0x38;
	[tilespmem:$0x1E800] =	vst v63  }
0x35: {  	_ =	swait.ge [sflag:s21], $0x4000  }
0x36: {  	[sflag:s21] =	ssyncset.done $0x0  }
0x37: {  	[sflag:s21] =	ssyncadd.s32 $0xFFFFC000  }
0x38: {  	[bflag:$0x0] =	sbarrier.arrive $0xFFFF  }
0x39: {  	s0 =	rddreg [dreg:$0x4]  }
0x3a: {  	[tilespmem:s2], [sflag:$0x5] =	stream.linear.gather [hbm4b:s0+s2], $0x1400, $0x38;
	[tilespmem:$0x1E800] =	vst v63  }
0x3b: {  	_ =	swait.ge [sflag:s21], $0x1400  }
0x3c: {  	[sflag:s21] =	ssyncset.done $0x0  }
0x3d: {  	s11 =	rddreg [dreg:$0x5];
	[sflag:s21] =	ssyncadd.s32 $0xFFFFEC00  }
0x3e: {  	[tilespmem:s22], [sflag:$0x5] =	stream.linear.gather [hbm4b:s11+s2], $0x1400, $0x38;
	[tilespmem:$0x1E800] =	vst v63  }
0x3f: {  	_ =	swait.ge [sflag:s21], $0x1400  }
0x40: {  	[sflag:s21] =	ssyncset.done $0x0  }
0x41: {  	[sflag:s21] =	ssyncadd.s32 $0xFFFFEC00  }
0x42: {  	[tilespmem:s20], [sflag:$0x1] =	stream.indirect.gather [hbm4b:s4+s23], $0x80, s2, s23, $0xb8;
	[tilespmem:$0x1E800] =	vst v63  }
0x43: {  	_ =	swait.ge [sflag:s24], $0x4000  }
0x44: {  	[sflag:s24] =	ssyncset.done $0x0  }
0x45: {  	[sflag:s24] =	ssyncadd.s32 $0xFFFFC000  }
0x46: {  	[spmem:s1] =	stream.indirect.scatter.add.f32 [tilespmem:s20], [sflag:$0x3], $0x80, s22, s23, $0xb8;
	[tilespmem:$0x1E800] =	vst v63  }
0x47: {  	_ = 	snop  }
0x48: {  	[tilespmem:s25], [sflag:$0x2] =	stream.indirect.gather [hbm4b:s4+s23], $0x80, s23, s23, $0xb8;
	[tilespmem:$0x1E800] =	vst v63  }
0x49: {  	_ =	swait.ge [sflag:s26], $0x4000  }
0x4a: {  	[sflag:s26] =	ssyncset.done $0x0  }
0x4b: {  	s3 =	simm.s32 $0x1480;
	[sflag:s26] =	ssyncadd.s32 $0xFFFFC000  }
0x4c: {  	[spmem:s1] =	stream.indirect.scatter.add.f32 [tilespmem:s25], [sflag:$0x4], $0x80, s3, s23, $0xb8;
	[tilespmem:$0x1E800] =	vst v63  }
0x4d: {  	_ =	swait.ge [sflag:s28], $0x4000  }
0x4e: {  	[sflag:s28] =	ssyncset.done $0x0  }
0x4f: {  	s10 =	simm.s32 $0x100;
	[sflag:s28] =	ssyncadd.s32 $0xFFFFC000  }
0x50: {  	[tilespmem:s20], [sflag:$0x1] =	stream.indirect.gather [hbm4b:s4+s23], $0x80, s10, s23, $0xb8;
	[tilespmem:$0x1E800] =	vst v63  }
0x51: {  	_ =	swait.ge [sflag:s24], $0x4000  }
0x52: {  	[sflag:s24] =	ssyncset.done $0x0  }
0x53: {  	s11 =	simm.s32 $0x1500;
	[sflag:s24] =	ssyncadd.s32 $0xFFFFC000  }
0x54: {  	[spmem:s1] =	stream.indirect.scatter.add.f32 [tilespmem:s20], [sflag:$0x3], $0x80, s11, s23, $0xb8;
	[tilespmem:$0x1E800] =	vst v63  }
0x55: {  	_ =	swait.ge [sflag:s29], $0x4000  }
0x56: {  	[sflag:s29] =	ssyncset.done $0x0  }
0x57: {  	s0 =	simm.s32 $0xFFFFB800;
	s3 =	simm.s32 $0x180;
	[sflag:s29] =	ssyncadd.s32 $0xFFFFC000  }
.LBB2_4:
0x58: {  	[tilespmem:s25], [sflag:$0x2] =	stream.indirect.gather [hbm4b:s4+s23], $0x80, s3, s23, $0xb8;
	[tilespmem:$0x1E800] =	vst v63  }
0x59: {  	s3 =	smov.u32 s0  }
0x5a: {  	p0 =	sne.s32 s0, $0xFFFFFC00;
	s0 =	sadd.s32 $0x400, s0;
	_ =	swait.ge [sflag:s26], $0x4000  }
0x5b: {  	s3 =	sshra.s32 s3, $0x2;
	[sflag:s26] =	ssyncset.done $0x0  }
0x5c: {  	s10 =	sadd.s32 $0x2780, s3;
	[sflag:s26] =	ssyncadd.s32 $0xFFFFC000  }
0x5d: {  	[spmem:s1] =	stream.indirect.scatter.add.f32 [tilespmem:s25], [sflag:$0x4], $0x80, s10, s23, $0xb8;
	[tilespmem:$0x1E800] =	vst v63  }
0x5e: {  	_ =	swait.ge [sflag:s28], $0x4000  }
0x5f: {  	[sflag:s28] =	ssyncset.done $0x0  }
0x60: {  	s10 =	sadd.s32 $0x1400, s3;
	[sflag:s28] =	ssyncadd.s32 $0xFFFFC000  }
0x61: {  	[tilespmem:s20], [sflag:$0x1] =	stream.indirect.gather [hbm4b:s4+s23], $0x80, s10, s23, $0xb8;
	[tilespmem:$0x1E800] =	vst v63  }
0x62: {  	_ =	swait.ge [sflag:s24], $0x4000  }
0x63: {  	[sflag:s24] =	ssyncset.done $0x0  }
.Ltmp1:
0x64: {  	s10 =	sadd.s32 $0x2800, s3;
	[sflag:s24] =	ssyncadd.s32 $0xFFFFC000;
	(pc) =	sbr.rel @p0 .LBB2_4-.Ltmp1, $4  }
0x65: {  	[spmem:s1] =	stream.indirect.scatter.add.f32 [tilespmem:s20], [sflag:$0x3], $0x80, s10, s23, $0xb8;
	[tilespmem:$0x1E800] =	vst v63  }
0x66: {  	_ =	swait.ge [sflag:s29], $0x4000  }
0x67: {  	[sflag:s29] =	ssyncset.done $0x0  }
0x68: {  	s3 =	sadd.s32 $0x1480, s3;
	[sflag:s29] =	ssyncadd.s32 $0xFFFFC000  }
0x69: {  	[tilespmem:s25], [sflag:$0x2] =	stream.indirect.gather [hbm4b:s4+s23], $0x80, s3, s23, $0xb8;
	[tilespmem:$0x1E800] =	vst v63  }
0x6a: {  	_ =	swait.ge [sflag:s26], $0x4000  }
0x6b: {  	[sflag:s26] =	ssyncset.done $0x0  }
0x6c: {  	[sflag:s26] =	ssyncadd.s32 $0xFFFFC000  }
0x6d: {  	[spmem:s1] =	stream.indirect.scatter.add.f32 [tilespmem:s25], [sflag:$0x4], $0x80, s30, s23, $0xb8;
	[tilespmem:$0x1E800] =	vst v63  }
0x6e: {  	_ =	swait.ge [sflag:s28], $0x4000  }
0x6f: {  	[sflag:s28] =	ssyncset.done $0x0  }
0x70: {  	[sflag:s28] =	ssyncadd.s32 $0xFFFFC000  }
0x71: {  	_ =	swait.ge [sflag:s29], $0x4000  }
0x72: {  	[sflag:s29] =	ssyncset.done $0x0  }
0x73: {  	[sflag:s29] =	ssyncadd.s32 $0xFFFFC000  }
0x74: {  	[tilespmem:s2], [sflag:$0x5] =	stream.linear.gather [hbm4b:s12+s2], $0x1400, $0x38;
	[tilespmem:$0x1E800] =	vst v63  }
0x75: {  	_ =	swait.ge [sflag:s21], $0x1400  }
0x76: {  	[sflag:s21] =	ssyncset.done $0x0  }
0x77: {  	[sflag:s21] =	ssyncadd.s32 $0xFFFFEC00  }
0x78: {  	[tilespmem:s22], [sflag:$0x5] =	stream.linear.gather [hbm4b:s13+s2], $0x1400, $0x38;
	[tilespmem:$0x1E800] =	vst v63  }
0x79: {  	_ =	swait.ge [sflag:s21], $0x1400  }
0x7a: {  	[sflag:s21] =	ssyncset.done $0x0  }
0x7b: {  	[sflag:s21] =	ssyncadd.s32 $0xFFFFEC00  }
0x7c: {  	[tilespmem:s20], [sflag:$0x1] =	stream.indirect.gather [hbm4b:s4+s23], $0x80, s2, s23, $0xb8;
	[tilespmem:$0x1E800] =	vst v63  }
0x7d: {  	_ =	swait.ge [sflag:s24], $0x4000  }
0x7e: {  	[sflag:s24] =	ssyncset.done $0x0  }
0x7f: {  	[sflag:s24] =	ssyncadd.s32 $0xFFFFC000  }
0x80: {  	[spmem:s1] =	stream.indirect.scatter.add.f32 [tilespmem:s20], [sflag:$0x3], $0x80, s22, s23, $0xb8;
	[tilespmem:$0x1E800] =	vst v63  }
0x81: {  	_ = 	snop  }
0x82: {  	[tilespmem:s25], [sflag:$0x2] =	stream.indirect.gather [hbm4b:s4+s23], $0x80, s23, s23, $0xb8;
	[tilespmem:$0x1E800] =	vst v63  }
0x83: {  	_ =	swait.ge [sflag:s26], $0x4000  }
0x84: {  	[sflag:s26] =	ssyncset.done $0x0  }
0x85: {  	s0 =	simm.s32 $0x1480;
	[sflag:s26] =	ssyncadd.s32 $0xFFFFC000  }
0x86: {  	[spmem:s1] =	stream.indirect.scatter.add.f32 [tilespmem:s25], [sflag:$0x4], $0x80, s0, s23, $0xb8;
	[tilespmem:$0x1E800] =	vst v63  }
0x87: {  	_ =	swait.ge [sflag:s28], $0x4000  }
0x88: {  	[sflag:s28] =	ssyncset.done $0x0  }
0x89: {  	s10 =	simm.s32 $0x100;
	[sflag:s28] =	ssyncadd.s32 $0xFFFFC000  }
0x8a: {  	[tilespmem:s20], [sflag:$0x1] =	stream.indirect.gather [hbm4b:s4+s23], $0x80, s10, s23, $0xb8;
	[tilespmem:$0x1E800] =	vst v63  }
0x8b: {  	_ =	swait.ge [sflag:s24], $0x4000  }
0x8c: {  	[sflag:s24] =	ssyncset.done $0x0  }
0x8d: {  	s11 =	simm.s32 $0x1500;
	[sflag:s24] =	ssyncadd.s32 $0xFFFFC000  }
0x8e: {  	[spmem:s1] =	stream.indirect.scatter.add.f32 [tilespmem:s20], [sflag:$0x3], $0x80, s11, s23, $0xb8;
	[tilespmem:$0x1E800] =	vst v63  }
0x8f: {  	_ =	swait.ge [sflag:s29], $0x4000  }
0x90: {  	[sflag:s29] =	ssyncset.done $0x0  }
0x91: {  	s3 =	simm.s32 $0x180;
	s0 =	simm.s32 $0xFFFFB800;
	[sflag:s29] =	ssyncadd.s32 $0xFFFFC000  }
.LBB2_6:
0x92: {  	[tilespmem:s25], [sflag:$0x2] =	stream.indirect.gather [hbm4b:s4+s23], $0x80, s3, s23, $0xb8;
	[tilespmem:$0x1E800] =	vst v63  }
0x93: {  	s3 =	smov.u32 s0  }
0x94: {  	p0 =	sne.s32 s0, $0xFFFFFC00;
	s0 =	sadd.s32 $0x400, s0;
	_ =	swait.ge [sflag:s26], $0x4000  }
0x95: {  	s3 =	sshra.s32 s3, $0x2;
	[sflag:s26] =	ssyncset.done $0x0  }
0x96: {  	s10 =	sadd.s32 $0x2780, s3;
	[sflag:s26] =	ssyncadd.s32 $0xFFFFC000  }
0x97: {  	[spmem:s1] =	stream.indirect.scatter.add.f32 [tilespmem:s25], [sflag:$0x4], $0x80, s10, s23, $0xb8;
	[tilespmem:$0x1E800] =	vst v63  }
0x98: {  	_ =	swait.ge [sflag:s28], $0x4000  }
0x99: {  	[sflag:s28] =	ssyncset.done $0x0  }
0x9a: {  	s10 =	sadd.s32 $0x1400, s3;
	[sflag:s28] =	ssyncadd.s32 $0xFFFFC000  }
0x9b: {  	[tilespmem:s20], [sflag:$0x1] =	stream.indirect.gather [hbm4b:s4+s23], $0x80, s10, s23, $0xb8;
	[tilespmem:$0x1E800] =	vst v63  }
0x9c: {  	_ =	swait.ge [sflag:s24], $0x4000  }
0x9d: {  	[sflag:s24] =	ssyncset.done $0x0  }
.Ltmp2:
0x9e: {  	s10 =	sadd.s32 $0x2800, s3;
	[sflag:s24] =	ssyncadd.s32 $0xFFFFC000;
	(pc) =	sbr.rel @p0 .LBB2_6-.Ltmp2, $4  }
0x9f: {  	[spmem:s1] =	stream.indirect.scatter.add.f32 [tilespmem:s20], [sflag:$0x3], $0x80, s10, s23, $0xb8;
	[tilespmem:$0x1E800] =	vst v63  }
0xa0: {  	_ =	swait.ge [sflag:s29], $0x4000  }
0xa1: {  	[sflag:s29] =	ssyncset.done $0x0  }
0xa2: {  	s3 =	sadd.s32 $0x1480, s3;
	[sflag:s29] =	ssyncadd.s32 $0xFFFFC000  }
0xa3: {  	[tilespmem:s25], [sflag:$0x2] =	stream.indirect.gather [hbm4b:s4+s23], $0x80, s3, s23, $0xb8;
	[tilespmem:$0x1E800] =	vst v63  }
0xa4: {  	_ =	swait.ge [sflag:s26], $0x4000  }
0xa5: {  	[sflag:s26] =	ssyncset.done $0x0  }
0xa6: {  	[sflag:s26] =	ssyncadd.s32 $0xFFFFC000  }
0xa7: {  	[spmem:s1] =	stream.indirect.scatter.add.f32 [tilespmem:s25], [sflag:$0x4], $0x80, s30, s23, $0xb8;
	[tilespmem:$0x1E800] =	vst v63  }
0xa8: {  	_ =	swait.ge [sflag:s28], $0x4000  }
0xa9: {  	[sflag:s28] =	ssyncset.done $0x0  }
0xaa: {  	[sflag:s28] =	ssyncadd.s32 $0xFFFFC000  }
0xab: {  	_ =	swait.ge [sflag:s29], $0x4000  }
0xac: {  	[sflag:s29] =	ssyncset.done $0x0  }
0xad: {  	[sflag:s29] =	ssyncadd.s32 $0xFFFFC000  }
0xae: {  	[bflag:$0x0] =	sbarrier.arrive $0xFFFF  }
0xaf: {  	[tilespmem:s20], [sflag:$0x5] =	stream.linear.gather [spmem:s5], $0x4000, $0x38;
	[tilespmem:$0x1E800] =	vst v63  }
0xb0: {  	_ =	swait.ge [sflag:s21], $0x4000  }
0xb1: {  	[sflag:s21] =	ssyncset.done $0x0  }
0xb2: {  	[sflag:s21] =	ssyncadd.s32 $0xFFFFC000  }
0xb3: {  	[hbm4b:s14+s2] =	stream.linear.scatter [tilespmem:s20], [sflag:$0x5], $0x4000, $0x38;
	[tilespmem:$0x1E800] =	vst v63  }
0xb4: {  	_ =	swait.ge [sflag:s21], $0x4000  }
0xb5: {  	[sflag:s21] =	ssyncset.done $0x0  }
0xb6: {  	[sflag:s21] =	ssyncadd.s32 $0xFFFFC000  }
0xb7: {  	[tilespmem:s20], [sflag:$0x5] =	stream.linear.gather [spmem:s6], $0x4000, $0x38;
	[tilespmem:$0x1E800] =	vst v63  }
0xb8: {  	_ =	swait.ge [sflag:s21], $0x4000  }
0xb9: {  	[sflag:s21] =	ssyncset.done $0x0  }
0xba: {  	[sflag:s21] =	ssyncadd.s32 $0xFFFFC000  }
0xbb: {  	[hbm4b:s15+s2] =	stream.linear.scatter [tilespmem:s20], [sflag:$0x5], $0x4000, $0x38;
	[tilespmem:$0x1E800] =	vst v63  }
0xbc: {  	_ =	swait.ge [sflag:s21], $0x4000  }
0xbd: {  	[sflag:s21] =	ssyncset.done $0x0  }
0xbe: {  	[sflag:s21] =	ssyncadd.s32 $0xFFFFC000  }
0xbf: {  	[tilespmem:s20], [sflag:$0x5] =	stream.linear.gather [spmem:s7], $0x4000, $0x38;
	[tilespmem:$0x1E800] =	vst v63  }
0xc0: {  	_ =	swait.ge [sflag:s21], $0x4000  }
0xc1: {  	[sflag:s21] =	ssyncset.done $0x0  }
0xc2: {  	[sflag:s21] =	ssyncadd.s32 $0xFFFFC000  }
0xc3: {  	[hbm4b:s16+s2] =	stream.linear.scatter [tilespmem:s20], [sflag:$0x5], $0x4000, $0x38;
	[tilespmem:$0x1E800] =	vst v63  }
0xc4: {  	_ =	swait.ge [sflag:s21], $0x4000  }
0xc5: {  	[sflag:s21] =	ssyncset.done $0x0  }
0xc6: {  	[sflag:s21] =	ssyncadd.s32 $0xFFFFC000  }
0xc7: {  	[tilespmem:s20], [sflag:$0x5] =	stream.linear.gather [spmem:s8], $0x4000, $0x38;
	[tilespmem:$0x1E800] =	vst v63  }
0xc8: {  	_ =	swait.ge [sflag:s21], $0x4000  }
0xc9: {  	[sflag:s21] =	ssyncset.done $0x0  }
0xca: {  	[sflag:s21] =	ssyncadd.s32 $0xFFFFC000  }
0xcb: {  	[hbm4b:s17+s2] =	stream.linear.scatter [tilespmem:s20], [sflag:$0x5], $0x4000, $0x38;
	[tilespmem:$0x1E800] =	vst v63  }
0xcc: {  	_ =	swait.ge [sflag:s21], $0x4000  }
0xcd: {  	[sflag:s21] =	ssyncset.done $0x0  }
0xce: {  	[sflag:s21] =	ssyncadd.s32 $0xFFFFC000  }
0xcf: {  	[tilespmem:s20], [sflag:$0x5] =	stream.linear.gather [spmem:s9], $0x4000, $0x38;
	[tilespmem:$0x1E800] =	vst v63  }
0xd0: {  	s31 =	sadd.s32 $0x1, s31;
	_ =	swait.ge [sflag:s21], $0x4000  }
0xd1: {  	p0 =	sne.s32 s31, s19;
	[sflag:s21] =	ssyncset.done $0x0  }
.Ltmp3:
0xd2: {  	[sflag:s21] =	ssyncadd.s32 $0xFFFFC000;
	(pc) =	sbr.rel @p0 .LBB2_1-.Ltmp3, $4  }
0xd3: {  	[hbm4b:s18+s2] =	stream.linear.scatter [tilespmem:s20], [sflag:$0x5], $0x4000, $0x38;
	[tilespmem:$0x1E800] =	vst v63  }
0xd4: {  	_ =	swait.ge [sflag:s21], $0x4000  }
0xd5: {  	[sflag:s21] =	ssyncset.done $0x0  }
0xd6: {  	[sflag:s21] =	ssyncadd.s32 $0xFFFFC000  }
0xd7: {  	_ =	sfence.sel $0x180000  }
0xd8: {  	[bflag:$0x0] =	sbarrier.arrive $0xFFFF  }
0xd9: {  	_ =	strace $0x90000047  }
0xda: {  	s0 =	stileid.u32;
	[bflag:$0x2] =	sbarrier.arrive $0xFFFF  }
0xdb: {  	p0 =	sne.s32 s0, $0x0;
	s0 =	rddreg [dreg:$0x3]  }
0xdc: {  	s0 =	sadd.s32 @!p0 $0x100000, s0  }
0xdd: {  	[sflag:s0] =	ssyncadd.tile.s32 @!p0 $0x1;
	_ =	shalt  }
.Lfunc_end2:
_tile_overlayer_lowered:
.L_overlay_start_2:
0xde: {  	(tag) =	ssettag $0x2  }
0xdf: {  	s0 =	rddreg [dreg:$0x0];
	s2 =	stileid.u32  }
0xe0: {  	s1 =	rddreg [dreg:$0x1];
	p0 =	sne.s32 s2, $0x0  }
0xe1: {  	s3 =	rddreg [dreg:$0x2];
	[bflag:$0x3] =	sbarrier.arrive $0xFFFF;
	s2 =	simm.s32 @!p0 $0x1C05  }
0xe2: {  	[timem:s3], [sflag:s2] =	dma.local @!p0 [hbm:s0], s1  }
0xe3: {  	s0 =	simm.s32 @!p0 $0x5  }
0xe4: {  	_ =	swait.ge @!p0 [sflag:s0], s1  }
0xe5: {  	s1 =	ssub.s32 @!p0 $0x0, s1;
	[sflag:s0] =	ssyncset.done @!p0 $0x0  }
0xe6: {  	[sflag:s0] =	ssyncadd.s32 @!p0 s1  }
0xe7: {  	[bflag:$0x3] =	sbarrier.arrive $0xFFFF  }
0xe8: {  	_ =	shalt  }

// kernel: kernel.15.cloned.1.call-start
scs
__scs_entry_jumppad:
0x0: {  	(pc) =	sbr.rel $0x88, $3  }
0x1: {  	(tag) =	ssettag $0x0;
	lr =	simm.s32 $0x1  }
0x2: {  	[smem:$0x3F94] =	sst lr;
	_ =	strace $0xD0000000  }
0x3: {  	_ = 	snop  }
0x4: {  	_ = 	snop  }
0x5: {  	_ = 	snop  }
0x6: {  	_ = 	snop  }
0x7: {  	_ = 	snop  }
__scs_overlays_trampoline_lowered:
0x8: {  	[smem:$0x3FA3] =	sst s0  }
0x9: {  	[smem:$0x3FA4] =	sst s1  }
0xa: {  	[smem:$0x3FA5] =	sst s2  }
0xb: {  	[smem:$0x3FA6] =	sst s3  }
0xc: {  	[smem:$0x3FA7] =	sst s4  }
0xd: {  	[smem:$0x3FA8] =	sst s5  }
0xe: {  	[smem:$0x3FA9] =	sst s6  }
0xf: {  	[smem:$0x3FAA] =	sst s7  }
0x10: {  	[smem:$0x3FAB] =	sst s8  }
0x11: {  	[smem:$0x3FAC] =	sst s9;
	s0 =	simm.s32 @!p0 $0x0  }
0x12: {  	s1 =	sld [smem:$0x3F92];
	s0 =	simm.s32 @p0 $0x1  }
0x13: {  	[smem:$0x3FAD] =	sst s0;
	s0 =	simm.s32 @!p1 $0x0  }
0x14: {  	s2 =	sld [smem:$0x3F91];
	s0 =	simm.s32 @p1 $0x1  }
0x15: {  	[smem:$0x3FAE] =	sst s0;
	s0 =	simm.s32 @!p2 $0x0  }
0x16: {  	s3 =	sld [smem:$0x3FDB];
	s0 =	simm.s32 @p2 $0x1  }
0x17: {  	s4 =	simm.s32 $0x1BF5;
	[smem:$0x3FB0] =	sst s0  }
0x18: {  	s0 =	sld [smem:$0x3F93];
	_ =	swait.ge [sflag:s4], $0x0  }
0x19: {  	s7 =	sld [smem:$0x3F94]  }
0x1a: {  	s8 =	sadd.s32 $0xFFFFE003, lr  }
0x1b: {  	s9 =	sadd.s32 $0xFFFFFEF7, lr;
	s5 =	simm.s32 $0xFFFFFFFF;
	p2 =	slt.u32 s8, $0xFFFFF086  }
0x1c: {  	p1 =	slt.u32 s9, $0xF7A;
	s5 =	simm.s32 @!p2 $0x0  }
0x1d: {  	s5 =	simm.s32 @p1 $0x1;
	p0 =	seq.s32 s7, s2  }
0x1e: {  	s7 =	smul.u32 @!p0 $0xF7A, s2;
	p2 =	seq.s32 @!p0 s5, $0x0  }
0x1f: {  	s9 =	smul.u32 $0xF7A, s1;
	s8 =	simm.s32 @!p0 $0x1BF5;
	p2 =	por !p2, p0  }
0x20: {  	[sflag:s8] =	ssyncset.s32 @!p0 $0xFFFFF086;
	s6 =	sadd.s32 @!p0 s3, s7;
	s7 =	simm.s32 @!p0 $0x108  }
0x21: {  	s3 =	sadd.s32 s3, s9;
	s6 =	sadd.s32 @!p0 $0x88, s6;
	s7 =	simm.s32 @p2 $0x1082  }
0x22: {  	[simem:s7], [sflag:s8] =	dma.local @!p0 [hbm:s6], $0xF7A  }
0x23: {  	s9 =	sor.u32 $0xD0000000, s2;
	s6 =	simm.s32 $0x108;
	_ =	swait.ge @!p0 [sflag:s8], $0x0  }
0x24: {  	s3 =	sadd.s32 $0x88, s3;
	s6 =	simm.s32 @!p1 $0x1082;
	[sflag:s4] =	ssyncset.s32 $0xFFFFF086  }
0x25: {  	[simem:s6], [sflag:s4] =	dma.local [hbm:s3], $0xF7A  }
0x26: {  	[smem:$0x3F94] =	sst s1;
	(tag) =	ssettag s2;
	_ =	strace s9  }
0x27: {  	s1 =	sld [smem:$0x3FA4]  }
0x28: {  	s2 =	sld [smem:$0x3FA5]  }
0x29: {  	s4 =	sld [smem:$0x3FA7]  }
0x2a: {  	p0 =	seq.s32 s5, $0x0;
	s5 =	sld [smem:$0x3FA8]  }
0x2b: {  	s6 =	sld [smem:$0x3FA9]  }
0x2c: {  	s7 =	sld [smem:$0x3FAA]  }
0x2d: {  	s3 =	simm.s32 $0x108;
	s8 =	sld [smem:$0x3FAB]  }
0x2e: {  	s3 =	simm.s32 @!p0 $0x1082;
	s9 =	sld [smem:$0x3FAC]  }
0x2f: {  	lr =	sadd.s32 s0, s3;
	s0 =	sld [smem:$0x3FA3]  }
0x30: {  	s3 =	sld [smem:$0x3FA6]  }
0x31: {  	[smem:$0x3FAF] =	sst s10  }
0x32: {  	s10 =	sld [smem:$0x3FAD];
	_ =	sdelay $0x3  }
0x33: {  	p0 =	seq.s32 s10, $0x1;
	s10 =	sld [smem:$0x3FAF];
	_ =	sdelay $0x3  }
0x34: {  	[smem:$0x3FAF] =	sst s10  }
0x35: {  	s10 =	sld [smem:$0x3FAE];
	_ =	sdelay $0x3  }
0x36: {  	p1 =	seq.s32 s10, $0x1;
	s10 =	sld [smem:$0x3FAF];
	_ =	sdelay $0x3  }
0x37: {  	[smem:$0x3FAF] =	sst s10  }
0x38: {  	s10 =	sld [smem:$0x3FB0]  }
0x39: {  	_ = 	snop;
	(pc) =	sbr.ind lr, $3  }
0x3a: {  	_ = 	snop  }
0x3b: {  	_ = 	snop  }
0x3c: {  	p2 =	seq.s32 s10, $0x1;
	s10 =	sld [smem:$0x3FAF]  }
0x3d: {  	_ =	shalt  }
0x3e: {  	_ =	shalt  }
0x3f: {  	_ =	shalt  }
0x40: {  	_ =	shalt  }
0x41: {  	_ =	shalt  }
0x42: {  	_ =	shalt  }
0x43: {  	_ =	shalt  }
0x44: {  	_ =	shalt  }
0x45: {  	_ =	shalt  }
0x46: {  	_ =	shalt  }
0x47: {  	_ =	shalt  }
0x48: {  	_ =	shalt  }
0x49: {  	_ =	shalt  }
0x4a: {  	_ =	shalt  }
0x4b: {  	_ =	shalt  }
0x4c: {  	_ =	shalt  }
0x4d: {  	_ =	shalt  }
0x4e: {  	_ =	shalt  }
0x4f: {  	_ =	shalt  }
0x50: {  	_ =	shalt  }
0x51: {  	_ =	shalt  }
0x52: {  	_ =	shalt  }
0x53: {  	_ =	shalt  }
0x54: {  	_ =	shalt  }
0x55: {  	_ =	shalt  }
0x56: {  	_ =	shalt  }
0x57: {  	_ =	shalt  }
0x58: {  	_ =	shalt  }
0x59: {  	_ =	shalt  }
0x5a: {  	_ =	shalt  }
0x5b: {  	_ =	shalt  }
0x5c: {  	_ =	shalt  }
0x5d: {  	_ =	shalt  }
0x5e: {  	_ =	shalt  }
0x5f: {  	_ =	shalt  }
0x60: {  	_ =	shalt  }
0x61: {  	_ =	shalt  }
0x62: {  	_ =	shalt  }
0x63: {  	_ =	shalt  }
0x64: {  	_ =	shalt  }
0x65: {  	_ =	shalt  }
0x66: {  	_ =	shalt  }
0x67: {  	_ =	shalt  }
0x68: {  	_ =	shalt  }
0x69: {  	_ =	shalt  }
0x6a: {  	_ =	shalt  }
0x6b: {  	_ =	shalt  }
0x6c: {  	_ =	shalt  }
0x6d: {  	_ =	shalt  }
0x6e: {  	_ =	shalt  }
0x6f: {  	_ =	shalt  }
0x70: {  	_ =	shalt  }
0x71: {  	_ =	shalt  }
0x72: {  	_ =	shalt  }
0x73: {  	_ =	shalt  }
0x74: {  	_ =	shalt  }
0x75: {  	_ =	shalt  }
0x76: {  	_ =	shalt  }
0x77: {  	_ =	shalt  }
0x78: {  	_ =	shalt  }
0x79: {  	_ =	shalt  }
0x7a: {  	_ =	shalt  }
0x7b: {  	_ =	shalt  }
0x7c: {  	_ =	shalt  }
0x7d: {  	_ =	shalt  }
0x7e: {  	_ =	shalt  }
0x7f: {  	_ =	shalt  }
0x80: {  	_ =	shalt  }
0x81: {  	_ =	shalt  }
0x82: {  	_ =	shalt  }
0x83: {  	_ =	shalt  }
0x84: {  	_ =	shalt  }
0x85: {  	_ =	shalt  }
0x86: {  	_ =	shalt  }
0x87: {  	_ =	shalt  }
.Lfunc_end0:
.L_simem_size_0:
called_computation.1_lowered:
.L_overlay_start_0:
0x88: {  	s2 =	sld [smem:$0x3FD9]  }
0x89: {  	s3 =	sld [smem:$0x3FFE];
	_ =	sdelay $0x1  }
0x8a: {  	s1 =	srdreg.scid  }
0x8b: {  	s0 =	sand.u32 $0x1, s1  }
0x8c: {  	s14 =	sshll.u32 s0, $0xA;
	s2 =	sadd.s32 s3, s2  }
0x8d: {  	s2 =	sadd.s32 s2, s14  }
0x8e: {  	[smem:$0x3FBB] =	sst s2  }
0x8f: {  	_ = 	snop  }
0x90: {  	s2 =	sld [smem:$0x3FD0];
	_ =	sdelay $0x2  }
0x91: {  	s15 =	simm.s32 $0xA;
	s4 =	simm.s32 $0x10  }
0x92: {  	[smem:s4], [sflag:s15] =	dma.local [hbm:s2], $0x1  }
0x93: {  	_ =	swait.eq [sflag:s15], $0x1  }
0x94: {  	[sflag:s15] =	ssyncset.done $0x0  }
0x95: {  	[sflag:s15] =	ssyncadd.s32 $0xFFFFFFFF  }
0x96: {  	s16 =	sld [smem:$0x10];
	(tm) =	ssettm $0x1  }
0x97: {  	s17 =	sld [smem:$0x3FFB];
	_ =	sdelay $0x3  }
0x98: {  	_ =	strace s17  }
0x99: {  	s3 =	sld [smem:$0x3FFC];
	_ =	sdelay $0x3  }
0x9a: {  	_ =	strace s3  }
0x9b: {  	s3 =	sld [smem:$0x3FFD];
	_ =	sdelay $0x3  }
0x9c: {  	_ =	strace s3  }
0x9d: {  	_ =	strace $0x8FFFFFFF  }
0x9e: {  	s18 =	sld [smem:$0x3FDB];
	_ =	sdelay $0x1  }
0x9f: {  	s19 =	simm.s32 $_scs_section_size  }
0xa0: {  	s5 =	simm.s32 $_size__tile_overlayer_lowered;
	s6 =	simm.s32 $_tile_overlayer_lowered  }
0xa1: {  	s22 =	simm.s32 $0x1BFF;
	s21 =	sshll.u32 s6, $0x1;
	s3 =	sadd.s32 s19, s18  }
0xa2: {  	s7 =	simm.s32 $0x0;
	s20 =	sshll.u32 s5, $0x1;
	s5 =	sadd.s32 s21, s3  }
0xa3: {  	[timem:s7], [sflag:s22] =	dma.local [hbm:s5], s20  }
0xa4: {  	_ =	swait.ge [sflag:s22], s20  }
0xa5: {  	s4 =	ssub.s32 $0x0, s20;
	[sflag:s22] =	ssyncset.done $0x0  }
0xa6: {  	[sflag:s22] =	ssyncadd.s32 s4;
	_ =	sdelay $0x1  }
0xa7: {  	s23 =	simm.s32 $0x1B8B  }
0xa8: {  	_ =	swait.ge [sflag:s23], $0x1  }
0xa9: {  	[sflag:s23] =	ssyncset.done $0x0  }
0xaa: {  	s25 =	simm.s32 $0x1B8E;
	s24 =	sld [smem:$0x3FFE];
	[sflag:s23] =	ssyncadd.s32 $0xFFFFFFFF  }
0xab: {  	s26 =	simm.s32 $execute0_lowered;
	[smem:$0x3FD2] =	sst s25  }
0xac: {  	s5 =	sshll.u32 s26, $0x1;
	_ =	strace $0x80000049;
	[dreg:$0x1] =	wrdreg $0xFFFFFFFF  }
0xad: {  	s28 =	simm.s32 $_size_execute0_lowered;
	s3 =	sadd.s32 s3, s5;
	[dreg:$0x0] =	wrdreg $0x0  }
0xae: {  	s5 =	sshll.u32 s28, $0x1;
	[dreg:$0x2] =	wrdreg s3  }
0xaf: {  	[dreg:$0x3] =	wrdreg s5  }
0xb0: {  	[dreg:$0x4] =	wrdreg $0xC0  }
0xb1: {  	_ =	task [dreg:s7], $0x5FFFF  }
0xb2: {  	[dreg:$0x1] =	wrdreg $0xFFFFFFFF  }
0xb3: {  	[dreg:$0x0] =	wrdreg $0x60  }
0xb4: {  	[dreg:$0x2] =	wrdreg s24  }
0xb5: {  	[dreg:$0x3] =	wrdreg s16  }
0xb6: {  	[dreg:$0x4] =	wrdreg $0xA8000  }
0xb7: {  	[dreg:$0x5] =	wrdreg $0x9  }
0xb8: {  	_ =	task.clear_ibuf [dreg:s7], $0x6FFFF;
	_ =	strace $0x90000049  }
0xb9: {  	s29 =	simm.s32 $0x9;
	_ =	strace $0x8000004B  }
0xba: {  	_ =	swait.ge [sflag:s29], $0x1  }
0xbb: {  	[sflag:s29] =	ssyncadd.s32 $0xFFFFFFFF  }
0xbc: {  	_ =	strace $0x9000004B  }
0xbd: {  	_ =	sfence  }
0xbe: {  	s30 =	sld [smem:$0x0];
	_ =	sdelay $0x2  }
0xbf: {  	s31 =	sshll.u32 s1, $0xD;
	s1 =	sshrl.u32 s1, $0x2  }
0xc0: {  	s3 =	sand.u32 $0x4000, s31;
	s1 =	sadd.s32 s1, s30  }
0xc1: {  	s0 =	sor.u32 s3, s0;
	s1 =	sshll.u32 s1, $0x11  }
0xc2: {  	s0 =	sor.u32 s1, s0  }
0xc3: {  	s0 =	sadd.s32 $0x8F2B, s0  }
0xc4: {  	[sflag:s0] =	ssyncadd.remote.s32 $0x1  }
0xc5: {  	_ =	sfence.sel $0xFFFF  }
0xc6: {  	[dreg:$0x0] =	wrdreg $0xFFFFFFFF;
	(pc) =	sbr.abs _section_cstart, $3  }
0xc7: {  	[dreg:$0x1] =	wrdreg $0xFFFFFFFF  }
0xc8: {  	_ =	task.clear_ibuf [dreg:s7], $0x2FFFF;
	_ =	strace $0x9FFFFFFF  }
0xc9: {  	(tm) =	ssettm $0x7FFFFFFF  }
tec
execute0_lowered:
.L_overlay_start_1:
0x0: {  	(tag) =	ssettag $0x1  }
0x1: {  	s0 =	rddreg [dreg:$0x0]  }
0x2: {  	s3 =	rddreg [dreg:$0x1]  }
0x3: {  	s1 =	rddreg [dreg:$0x2];
	s2 =	simm.s32 $0x0  }
0x4: {  	s5 =	srdreg.scid;
	s9 =	stileid.u32;
	s28 =	simm.s32 $0x3  }
0x5: {  	s29 =	simm.s32 $0x4;
	s30 =	simm.s32 $0x2780;
	s31 =	simm.s32 $0x0  }
0x6: {  	[smem:$0x7FF] =	sst s2;
	s4 =	sadd.s32 $0x3F800, s0;
	s10 =	sadd.s32 $0xD800, s0  }
0x7: {  	s11 =	sand.u32 $0x1, s5;
	s0 =	sadd.s32 $0x3800, s0;
	s6 =	smul.u32 $0x50000, s9  }
0x8: {  	s12 =	smul.u32 $0x14000, s9;
	_ =	strace $0x8000004A;
	s5 =	ssub.s32 $0x2, s11  }
0x9: {  	s8 =	sshll.u32 s11, $0x4;
	s20 =	smul.u32 $0x140000, s11;
	s7 =	sshrl.u32 s5, $0x1  }
0xa: {  	s8 =	sor.u32 s9, s8;
	s25 =	sshrl.u32 s6, $0x2;
	s13 =	sadd.s32 $0x4000, s12  }
0xb: {  	s16 =	sadd.s32 $0x8000, s12;
	s17 =	sadd.s32 $0xC000, s12;
	s18 =	sadd.s32 $0x10000, s12  }
0xc: {  	s19 =	ssub.s32 s5, s7;
	s5 =	sadd.s32 s25, s1;
	s14 =	smul.u32 $0x500, s8  }
0xd: {  	s6 =	sadd.s32 s13, s1;
	s7 =	sadd.s32 s16, s1;
	s15 =	smul.u32 $0x2800, s8  }
0xe: {  	s8 =	sadd.s32 s17, s1;
	s9 =	sadd.s32 s18, s1;
	s21 =	sadd.s32 s12, s20  }
0xf: {  	s13 =	sadd.s32 s20, s13;
	s24 =	sadd.s32 s20, s16;
	s25 =	sadd.s32 s20, s17  }
0x10: {  	s22 =	sshrl.u32 s21, $0x3;
	s23 =	sshrl.u32 s13, $0x3;
	s26 =	sadd.s32 s10, s14  }
0x11: {  	s19 =	smax.u32 s19, $0x1;
	s14 =	sadd.s32 s0, s14;
	[dreg:$0x4] =	wrdreg s26  }
0x12: {  	s21 =	simm.s32 $0x5;
	s15 =	sshrl.u32 s15, $0x3;
	[dreg:$0x5] =	wrdreg s14  }
0x13: {  	s14 =	sadd.s32 $0x280, s15;
	s15 =	sadd.s32 s3, s23;
	s26 =	sadd.s32 s20, s18  }
0x14: {  	s20 =	simm.s32 $0x2800;
	s23 =	simm.s32 $0x80;
	s12 =	sadd.s32 s10, s14  }
0x15: {  	s13 =	sadd.s32 s0, s14;
	s14 =	sadd.s32 s3, s22;
	s0 =	sshrl.u32 s24, $0x3  }
0x16: {  	s10 =	sshrl.u32 s25, $0x3;
	s18 =	sshrl.u32 s26, $0x3;
	s22 =	simm.s32 $0x1400  }
0x17: {  	s24 =	simm.s32 $0x1;
	s25 =	simm.s32 $0x6800;
	s26 =	simm.s32 $0x2  }
0x18: {  	v0 =	vimm.f32 $0.0e+00;
	s16 =	sadd.s32 s3, s0;
	s17 =	sadd.s32 s3, s10;
	s18 =	sadd.s32 s3, s18  }
.LBB2_1:
0x19: {  	s0 =	sand.u32 $0xFE00, s2  }
0x1a: {  	s3 =	sand.u32 $0x70, s2;
	s10 =	sshrl.u32 s0, $0x2  }
0x1b: {  	s0 =	simm.s32 $0x40;
	s10 =	sor.u32 s3, s10;
	s3 =	simm.s32 $0x0  }
.LBB2_2:
0x1c: {  	p0 =	sne.s32 s0, $0xFFC0  }
0x1d: {  	[tilespmem:s10+$0x2800] =	vst v0;
	s3 =	sadd.s32 $0x10, s3;
	s10 =	smov.u32 s0;
	s0 =	sadd.s32 $0x40, s0  }
.Ltmp0:
0x1e: {  	(pc) =	sbr.rel @p0 .LBB2_2-.Ltmp0, $4  }
0x1f: {  	_ = 	snop  }
0x20: {  	s10 =	sand.u32 $0xFE00, s10  }
0x21: {  	s11 =	sand.u32 $0x70, s3;
	s10 =	sshrl.u32 s10, $0x2  }
0x22: {  	s10 =	sor.u32 s11, s10  }
0x23: {  	[tilespmem:s10+$0x2800] =	vst v0  }
0x24: {  	[spmem:s5] =	stream.linear.scatter [tilespmem:s20], [sflag:$0x5], $0x4000, $0x38;
	[tilespmem:$0x1E800] =	vst v63  }
0x25: {  	_ =	swait.ge [sflag:s21], $0x4000  }
0x26: {  	[sflag:s21] =	ssyncset.done $0x0  }
0x27: {  	[sflag:s21] =	ssyncadd.s32 $0xFFFFC000  }
0x28: {  	[spmem:s6] =	stream.linear.scatter [tilespmem:s20], [sflag:$0x5], $0x4000, $0x38;
	[tilespmem:$0x1E800] =	vst v63  }
0x29: {  	_ =	swait.ge [sflag:s21], $0x4000  }
0x2a: {  	[sflag:s21] =	ssyncset.done $0x0  }
0x2b: {  	[sflag:s21] =	ssyncadd.s32 $0xFFFFC000  }
0x2c: {  	[spmem:s7] =	stream.linear.scatter [tilespmem:s20], [sflag:$0x5], $0x4000, $0x38;
	[tilespmem:$0x1E800] =	vst v63  }
0x2d: {  	_ =	swait.ge [sflag:s21], $0x4000  }
0x2e: {  	[sflag:s21] =	ssyncset.done $0x0  }
0x2f: {  	[sflag:s21] =	ssyncadd.s32 $0xFFFFC000  }
0x30: {  	[spmem:s8] =	stream.linear.scatter [tilespmem:s20], [sflag:$0x5], $0x4000, $0x38;
	[tilespmem:$0x1E800] =	vst v63  }
0x31: {  	_ =	swait.ge [sflag:s21], $0x4000  }
0x32: {  	[sflag:s21] =	ssyncset.done $0x0  }
0x33: {  	[sflag:s21] =	ssyncadd.s32 $0xFFFFC000  }
0x34: {  	[spmem:s9] =	stream.linear.scatter [tilespmem:s20], [sflag:$0x5], $0x4000, $0x38;
	[tilespmem:$0x1E800] =	vst v63  }
0x35: {  	_ =	swait.ge [sflag:s21], $0x4000  }
0x36: {  	[sflag:s21] =	ssyncset.done $0x0  }
0x37: {  	[sflag:s21] =	ssyncadd.s32 $0xFFFFC000  }
0x38: {  	[bflag:$0x0] =	sbarrier.arrive $0xFFFF  }
0x39: {  	s0 =	rddreg [dreg:$0x4]  }
0x3a: {  	[tilespmem:s2], [sflag:$0x5] =	stream.linear.gather [hbm4b:s0+s2], $0x1400, $0x38;
	[tilespmem:$0x1E800] =	vst v63  }
0x3b: {  	_ =	swait.ge [sflag:s21], $0x1400  }
0x3c: {  	[sflag:s21] =	ssyncset.done $0x0  }
0x3d: {  	s11 =	rddreg [dreg:$0x5];
	[sflag:s21] =	ssyncadd.s32 $0xFFFFEC00  }
0x3e: {  	[tilespmem:s22], [sflag:$0x5] =	stream.linear.gather [hbm4b:s11+s2], $0x1400, $0x38;
	[tilespmem:$0x1E800] =	vst v63  }
0x3f: {  	_ =	swait.ge [sflag:s21], $0x1400  }
0x40: {  	[sflag:s21] =	ssyncset.done $0x0  }
0x41: {  	[sflag:s21] =	ssyncadd.s32 $0xFFFFEC00  }
0x42: {  	[tilespmem:s20], [sflag:$0x1] =	stream.indirect.gather [hbm4b:s4+s23], $0x80, s2, s23, $0xb8;
	[tilespmem:$0x1E800] =	vst v63  }
0x43: {  	_ =	swait.ge [sflag:s24], $0x4000  }
0x44: {  	[sflag:s24] =	ssyncset.done $0x0  }
0x45: {  	[sflag:s24] =	ssyncadd.s32 $0xFFFFC000  }
0x46: {  	[spmem:s1] =	stream.indirect.scatter.add.f32 [tilespmem:s20], [sflag:$0x3], $0x80, s22, s23, $0xb8;
	[tilespmem:$0x1E800] =	vst v63  }
0x47: {  	_ = 	snop  }
0x48: {  	[tilespmem:s25], [sflag:$0x2] =	stream.indirect.gather [hbm4b:s4+s23], $0x80, s23, s23, $0xb8;
	[tilespmem:$0x1E800] =	vst v63  }
0x49: {  	_ =	swait.ge [sflag:s26], $0x4000  }
0x4a: {  	[sflag:s26] =	ssyncset.done $0x0  }
0x4b: {  	s3 =	simm.s32 $0x1480;
	[sflag:s26] =	ssyncadd.s32 $0xFFFFC000  }
0x4c: {  	[spmem:s1] =	stream.indirect.scatter.add.f32 [tilespmem:s25], [sflag:$0x4], $0x80, s3, s23, $0xb8;
	[tilespmem:$0x1E800] =	vst v63  }
0x4d: {  	_ =	swait.ge [sflag:s28], $0x4000  }
0x4e: {  	[sflag:s28] =	ssyncset.done $0x0  }
0x4f: {  	s10 =	simm.s32 $0x100;
	[sflag:s28] =	ssyncadd.s32 $0xFFFFC000  }
0x50: {  	[tilespmem:s20], [sflag:$0x1] =	stream.indirect.gather [hbm4b:s4+s23], $0x80, s10, s23, $0xb8;
	[tilespmem:$0x1E800] =	vst v63  }
0x51: {  	_ =	swait.ge [sflag:s24], $0x4000  }
0x52: {  	[sflag:s24] =	ssyncset.done $0x0  }
0x53: {  	s11 =	simm.s32 $0x1500;
	[sflag:s24] =	ssyncadd.s32 $0xFFFFC000  }
0x54: {  	[spmem:s1] =	stream.indirect.scatter.add.f32 [tilespmem:s20], [sflag:$0x3], $0x80, s11, s23, $0xb8;
	[tilespmem:$0x1E800] =	vst v63  }
0x55: {  	_ =	swait.ge [sflag:s29], $0x4000  }
0x56: {  	[sflag:s29] =	ssyncset.done $0x0  }
0x57: {  	s0 =	simm.s32 $0xFFFFB800;
	s3 =	simm.s32 $0x180;
	[sflag:s29] =	ssyncadd.s32 $0xFFFFC000  }
.LBB2_4:
0x58: {  	[tilespmem:s25], [sflag:$0x2] =	stream.indirect.gather [hbm4b:s4+s23], $0x80, s3, s23, $0xb8;
	[tilespmem:$0x1E800] =	vst v63  }
0x59: {  	s3 =	smov.u32 s0  }
0x5a: {  	p0 =	sne.s32 s0, $0xFFFFFC00;
	s0 =	sadd.s32 $0x400, s0;
	_ =	swait.ge [sflag:s26], $0x4000  }
0x5b: {  	s3 =	sshra.s32 s3, $0x2;
	[sflag:s26] =	ssyncset.done $0x0  }
0x5c: {  	s10 =	sadd.s32 $0x2780, s3;
	[sflag:s26] =	ssyncadd.s32 $0xFFFFC000  }
0x5d: {  	[spmem:s1] =	stream.indirect.scatter.add.f32 [tilespmem:s25], [sflag:$0x4], $0x80, s10, s23, $0xb8;
	[tilespmem:$0x1E800] =	vst v63  }
0x5e: {  	_ =	swait.ge [sflag:s28], $0x4000  }
0x5f: {  	[sflag:s28] =	ssyncset.done $0x0  }
0x60: {  	s10 =	sadd.s32 $0x1400, s3;
	[sflag:s28] =	ssyncadd.s32 $0xFFFFC000  }
0x61: {  	[tilespmem:s20], [sflag:$0x1] =	stream.indirect.gather [hbm4b:s4+s23], $0x80, s10, s23, $0xb8;
	[tilespmem:$0x1E800] =	vst v63  }
0x62: {  	_ =	swait.ge [sflag:s24], $0x4000  }
0x63: {  	[sflag:s24] =	ssyncset.done $0x0  }
.Ltmp1:
0x64: {  	s10 =	sadd.s32 $0x2800, s3;
	[sflag:s24] =	ssyncadd.s32 $0xFFFFC000;
	(pc) =	sbr.rel @p0 .LBB2_4-.Ltmp1, $4  }
0x65: {  	[spmem:s1] =	stream.indirect.scatter.add.f32 [tilespmem:s20], [sflag:$0x3], $0x80, s10, s23, $0xb8;
	[tilespmem:$0x1E800] =	vst v63  }
0x66: {  	_ =	swait.ge [sflag:s29], $0x4000  }
0x67: {  	[sflag:s29] =	ssyncset.done $0x0  }
0x68: {  	s3 =	sadd.s32 $0x1480, s3;
	[sflag:s29] =	ssyncadd.s32 $0xFFFFC000  }
0x69: {  	[tilespmem:s25], [sflag:$0x2] =	stream.indirect.gather [hbm4b:s4+s23], $0x80, s3, s23, $0xb8;
	[tilespmem:$0x1E800] =	vst v63  }
0x6a: {  	_ =	swait.ge [sflag:s26], $0x4000  }
0x6b: {  	[sflag:s26] =	ssyncset.done $0x0  }
0x6c: {  	[sflag:s26] =	ssyncadd.s32 $0xFFFFC000  }
0x6d: {  	[spmem:s1] =	stream.indirect.scatter.add.f32 [tilespmem:s25], [sflag:$0x4], $0x80, s30, s23, $0xb8;
	[tilespmem:$0x1E800] =	vst v63  }
0x6e: {  	_ =	swait.ge [sflag:s28], $0x4000  }
0x6f: {  	[sflag:s28] =	ssyncset.done $0x0  }
0x70: {  	[sflag:s28] =	ssyncadd.s32 $0xFFFFC000  }
0x71: {  	_ =	swait.ge [sflag:s29], $0x4000  }
0x72: {  	[sflag:s29] =	ssyncset.done $0x0  }
0x73: {  	[sflag:s29] =	ssyncadd.s32 $0xFFFFC000  }
0x74: {  	[tilespmem:s2], [sflag:$0x5] =	stream.linear.gather [hbm4b:s12+s2], $0x1400, $0x38;
	[tilespmem:$0x1E800] =	vst v63  }
0x75: {  	_ =	swait.ge [sflag:s21], $0x1400  }
0x76: {  	[sflag:s21] =	ssyncset.done $0x0  }
0x77: {  	[sflag:s21] =	ssyncadd.s32 $0xFFFFEC00  }
0x78: {  	[tilespmem:s22], [sflag:$0x5] =	stream.linear.gather [hbm4b:s13+s2], $0x1400, $0x38;
	[tilespmem:$0x1E800] =	vst v63  }
0x79: {  	_ =	swait.ge [sflag:s21], $0x1400  }
0x7a: {  	[sflag:s21] =	ssyncset.done $0x0  }
0x7b: {  	[sflag:s21] =	ssyncadd.s32 $0xFFFFEC00  }
0x7c: {  	[tilespmem:s20], [sflag:$0x1] =	stream.indirect.gather [hbm4b:s4+s23], $0x80, s2, s23, $0xb8;
	[tilespmem:$0x1E800] =	vst v63  }
0x7d: {  	_ =	swait.ge [sflag:s24], $0x4000  }
0x7e: {  	[sflag:s24] =	ssyncset.done $0x0  }
0x7f: {  	[sflag:s24] =	ssyncadd.s32 $0xFFFFC000  }
0x80: {  	[spmem:s1] =	stream.indirect.scatter.add.f32 [tilespmem:s20], [sflag:$0x3], $0x80, s22, s23, $0xb8;
	[tilespmem:$0x1E800] =	vst v63  }
0x81: {  	_ = 	snop  }
0x82: {  	[tilespmem:s25], [sflag:$0x2] =	stream.indirect.gather [hbm4b:s4+s23], $0x80, s23, s23, $0xb8;
	[tilespmem:$0x1E800] =	vst v63  }
0x83: {  	_ =	swait.ge [sflag:s26], $0x4000  }
0x84: {  	[sflag:s26] =	ssyncset.done $0x0  }
0x85: {  	s0 =	simm.s32 $0x1480;
	[sflag:s26] =	ssyncadd.s32 $0xFFFFC000  }
0x86: {  	[spmem:s1] =	stream.indirect.scatter.add.f32 [tilespmem:s25], [sflag:$0x4], $0x80, s0, s23, $0xb8;
	[tilespmem:$0x1E800] =	vst v63  }
0x87: {  	_ =	swait.ge [sflag:s28], $0x4000  }
0x88: {  	[sflag:s28] =	ssyncset.done $0x0  }
0x89: {  	s10 =	simm.s32 $0x100;
	[sflag:s28] =	ssyncadd.s32 $0xFFFFC000  }
0x8a: {  	[tilespmem:s20], [sflag:$0x1] =	stream.indirect.gather [hbm4b:s4+s23], $0x80, s10, s23, $0xb8;
	[tilespmem:$0x1E800] =	vst v63  }
0x8b: {  	_ =	swait.ge [sflag:s24], $0x4000  }
0x8c: {  	[sflag:s24] =	ssyncset.done $0x0  }
0x8d: {  	s11 =	simm.s32 $0x1500;
	[sflag:s24] =	ssyncadd.s32 $0xFFFFC000  }
0x8e: {  	[spmem:s1] =	stream.indirect.scatter.add.f32 [tilespmem:s20], [sflag:$0x3], $0x80, s11, s23, $0xb8;
	[tilespmem:$0x1E800] =	vst v63  }
0x8f: {  	_ =	swait.ge [sflag:s29], $0x4000  }
0x90: {  	[sflag:s29] =	ssyncset.done $0x0  }
0x91: {  	s3 =	simm.s32 $0x180;
	s0 =	simm.s32 $0xFFFFB800;
	[sflag:s29] =	ssyncadd.s32 $0xFFFFC000  }
.LBB2_6:
0x92: {  	[tilespmem:s25], [sflag:$0x2] =	stream.indirect.gather [hbm4b:s4+s23], $0x80, s3, s23, $0xb8;
	[tilespmem:$0x1E800] =	vst v63  }
0x93: {  	s3 =	smov.u32 s0  }
0x94: {  	p0 =	sne.s32 s0, $0xFFFFFC00;
	s0 =	sadd.s32 $0x400, s0;
	_ =	swait.ge [sflag:s26], $0x4000  }
0x95: {  	s3 =	sshra.s32 s3, $0x2;
	[sflag:s26] =	ssyncset.done $0x0  }
0x96: {  	s10 =	sadd.s32 $0x2780, s3;
	[sflag:s26] =	ssyncadd.s32 $0xFFFFC000  }
0x97: {  	[spmem:s1] =	stream.indirect.scatter.add.f32 [tilespmem:s25], [sflag:$0x4], $0x80, s10, s23, $0xb8;
	[tilespmem:$0x1E800] =	vst v63  }
0x98: {  	_ =	swait.ge [sflag:s28], $0x4000  }
0x99: {  	[sflag:s28] =	ssyncset.done $0x0  }
0x9a: {  	s10 =	sadd.s32 $0x1400, s3;
	[sflag:s28] =	ssyncadd.s32 $0xFFFFC000  }
0x9b: {  	[tilespmem:s20], [sflag:$0x1] =	stream.indirect.gather [hbm4b:s4+s23], $0x80, s10, s23, $0xb8;
	[tilespmem:$0x1E800] =	vst v63  }
0x9c: {  	_ =	swait.ge [sflag:s24], $0x4000  }
0x9d: {  	[sflag:s24] =	ssyncset.done $0x0  }
.Ltmp2:
0x9e: {  	s10 =	sadd.s32 $0x2800, s3;
	[sflag:s24] =	ssyncadd.s32 $0xFFFFC000;
	(pc) =	sbr.rel @p0 .LBB2_6-.Ltmp2, $4  }
0x9f: {  	[spmem:s1] =	stream.indirect.scatter.add.f32 [tilespmem:s20], [sflag:$0x3], $0x80, s10, s23, $0xb8;
	[tilespmem:$0x1E800] =	vst v63  }
0xa0: {  	_ =	swait.ge [sflag:s29], $0x4000  }
0xa1: {  	[sflag:s29] =	ssyncset.done $0x0  }
0xa2: {  	s3 =	sadd.s32 $0x1480, s3;
	[sflag:s29] =	ssyncadd.s32 $0xFFFFC000  }
0xa3: {  	[tilespmem:s25], [sflag:$0x2] =	stream.indirect.gather [hbm4b:s4+s23], $0x80, s3, s23, $0xb8;
	[tilespmem:$0x1E800] =	vst v63  }
0xa4: {  	_ =	swait.ge [sflag:s26], $0x4000  }
0xa5: {  	[sflag:s26] =	ssyncset.done $0x0  }
0xa6: {  	[sflag:s26] =	ssyncadd.s32 $0xFFFFC000  }
0xa7: {  	[spmem:s1] =	stream.indirect.scatter.add.f32 [tilespmem:s25], [sflag:$0x4], $0x80, s30, s23, $0xb8;
	[tilespmem:$0x1E800] =	vst v63  }
0xa8: {  	_ =	swait.ge [sflag:s28], $0x4000  }
0xa9: {  	[sflag:s28] =	ssyncset.done $0x0  }
0xaa: {  	[sflag:s28] =	ssyncadd.s32 $0xFFFFC000  }
0xab: {  	_ =	swait.ge [sflag:s29], $0x4000  }
0xac: {  	[sflag:s29] =	ssyncset.done $0x0  }
0xad: {  	[sflag:s29] =	ssyncadd.s32 $0xFFFFC000  }
0xae: {  	[bflag:$0x0] =	sbarrier.arrive $0xFFFF  }
0xaf: {  	[tilespmem:s20], [sflag:$0x5] =	stream.linear.gather [spmem:s5], $0x4000, $0x38;
	[tilespmem:$0x1E800] =	vst v63  }
0xb0: {  	_ =	swait.ge [sflag:s21], $0x4000  }
0xb1: {  	[sflag:s21] =	ssyncset.done $0x0  }
0xb2: {  	[sflag:s21] =	ssyncadd.s32 $0xFFFFC000  }
0xb3: {  	[hbm4b:s14+s2] =	stream.linear.scatter [tilespmem:s20], [sflag:$0x5], $0x4000, $0x38;
	[tilespmem:$0x1E800] =	vst v63  }
0xb4: {  	_ =	swait.ge [sflag:s21], $0x4000  }
0xb5: {  	[sflag:s21] =	ssyncset.done $0x0  }
0xb6: {  	[sflag:s21] =	ssyncadd.s32 $0xFFFFC000  }
0xb7: {  	[tilespmem:s20], [sflag:$0x5] =	stream.linear.gather [spmem:s6], $0x4000, $0x38;
	[tilespmem:$0x1E800] =	vst v63  }
0xb8: {  	_ =	swait.ge [sflag:s21], $0x4000  }
0xb9: {  	[sflag:s21] =	ssyncset.done $0x0  }
0xba: {  	[sflag:s21] =	ssyncadd.s32 $0xFFFFC000  }
0xbb: {  	[hbm4b:s15+s2] =	stream.linear.scatter [tilespmem:s20], [sflag:$0x5], $0x4000, $0x38;
	[tilespmem:$0x1E800] =	vst v63  }
0xbc: {  	_ =	swait.ge [sflag:s21], $0x4000  }
0xbd: {  	[sflag:s21] =	ssyncset.done $0x0  }
0xbe: {  	[sflag:s21] =	ssyncadd.s32 $0xFFFFC000  }
0xbf: {  	[tilespmem:s20], [sflag:$0x5] =	stream.linear.gather [spmem:s7], $0x4000, $0x38;
	[tilespmem:$0x1E800] =	vst v63  }
0xc0: {  	_ =	swait.ge [sflag:s21], $0x4000  }
0xc1: {  	[sflag:s21] =	ssyncset.done $0x0  }
0xc2: {  	[sflag:s21] =	ssyncadd.s32 $0xFFFFC000  }
0xc3: {  	[hbm4b:s16+s2] =	stream.linear.scatter [tilespmem:s20], [sflag:$0x5], $0x4000, $0x38;
	[tilespmem:$0x1E800] =	vst v63  }
0xc4: {  	_ =	swait.ge [sflag:s21], $0x4000  }
0xc5: {  	[sflag:s21] =	ssyncset.done $0x0  }
0xc6: {  	[sflag:s21] =	ssyncadd.s32 $0xFFFFC000  }
0xc7: {  	[tilespmem:s20], [sflag:$0x5] =	stream.linear.gather [spmem:s8], $0x4000, $0x38;
	[tilespmem:$0x1E800] =	vst v63  }
0xc8: {  	_ =	swait.ge [sflag:s21], $0x4000  }
0xc9: {  	[sflag:s21] =	ssyncset.done $0x0  }
0xca: {  	[sflag:s21] =	ssyncadd.s32 $0xFFFFC000  }
0xcb: {  	[hbm4b:s17+s2] =	stream.linear.scatter [tilespmem:s20], [sflag:$0x5], $0x4000, $0x38;
	[tilespmem:$0x1E800] =	vst v63  }
0xcc: {  	_ =	swait.ge [sflag:s21], $0x4000  }
0xcd: {  	[sflag:s21] =	ssyncset.done $0x0  }
0xce: {  	[sflag:s21] =	ssyncadd.s32 $0xFFFFC000  }
0xcf: {  	[tilespmem:s20], [sflag:$0x5] =	stream.linear.gather [spmem:s9], $0x4000, $0x38;
	[tilespmem:$0x1E800] =	vst v63  }
0xd0: {  	s31 =	sadd.s32 $0x1, s31;
	_ =	swait.ge [sflag:s21], $0x4000  }
0xd1: {  	p0 =	sne.s32 s31, s19;
	[sflag:s21] =	ssyncset.done $0x0  }
.Ltmp3:
0xd2: {  	[sflag:s21] =	ssyncadd.s32 $0xFFFFC000;
	(pc) =	sbr.rel @p0 .LBB2_1-.Ltmp3, $4  }
0xd3: {  	[hbm4b:s18+s2] =	stream.linear.scatter [tilespmem:s20], [sflag:$0x5], $0x4000, $0x38;
	[tilespmem:$0x1E800] =	vst v63  }
0xd4: {  	_ =	swait.ge [sflag:s21], $0x4000  }
0xd5: {  	[sflag:s21] =	ssyncset.done $0x0  }
0xd6: {  	[sflag:s21] =	ssyncadd.s32 $0xFFFFC000  }
0xd7: {  	_ =	sfence.sel $0x180000  }
0xd8: {  	[bflag:$0x0] =	sbarrier.arrive $0xFFFF  }
0xd9: {  	_ =	strace $0x9000004A  }
0xda: {  	s0 =	stileid.u32;
	[bflag:$0x2] =	sbarrier.arrive $0xFFFF  }
0xdb: {  	p0 =	sne.s32 s0, $0x0;
	s0 =	rddreg [dreg:$0x3]  }
0xdc: {  	s0 =	sadd.s32 @!p0 $0x100000, s0  }
0xdd: {  	[sflag:s0] =	ssyncadd.tile.s32 @!p0 $0x1;
	_ =	shalt  }
.Lfunc_end2:
_tile_overlayer_lowered:
.L_overlay_start_2:
0xde: {  	(tag) =	ssettag $0x2  }
0xdf: {  	s0 =	rddreg [dreg:$0x0];
	s2 =	stileid.u32  }
0xe0: {  	s1 =	rddreg [dreg:$0x1];
	p0 =	sne.s32 s2, $0x0  }
0xe1: {  	s3 =	rddreg [dreg:$0x2];
	[bflag:$0x3] =	sbarrier.arrive $0xFFFF;
	s2 =	simm.s32 @!p0 $0x1C05  }
0xe2: {  	[timem:s3], [sflag:s2] =	dma.local @!p0 [hbm:s0], s1  }
0xe3: {  	s0 =	simm.s32 @!p0 $0x5  }
0xe4: {  	_ =	swait.ge @!p0 [sflag:s0], s1  }
0xe5: {  	s1 =	ssub.s32 @!p0 $0x0, s1;
	[sflag:s0] =	ssyncset.done @!p0 $0x0  }
0xe6: {  	[sflag:s0] =	ssyncadd.s32 @!p0 s1  }
0xe7: {  	[bflag:$0x3] =	sbarrier.arrive $0xFFFF  }
0xe8: {  	_ =	shalt  }

// kernel: kernel.18.cloned.1.call-start
scs
__scs_entry_jumppad:
0x0: {  	(pc) =	sbr.rel $0x88, $3  }
0x1: {  	(tag) =	ssettag $0x0;
	lr =	simm.s32 $0x1  }
0x2: {  	[smem:$0x3F94] =	sst lr;
	_ =	strace $0xD0000000  }
0x3: {  	_ = 	snop  }
0x4: {  	_ = 	snop  }
0x5: {  	_ = 	snop  }
0x6: {  	_ = 	snop  }
0x7: {  	_ = 	snop  }
__scs_overlays_trampoline_lowered:
0x8: {  	[smem:$0x3FA3] =	sst s0  }
0x9: {  	[smem:$0x3FA4] =	sst s1  }
0xa: {  	[smem:$0x3FA5] =	sst s2  }
0xb: {  	[smem:$0x3FA6] =	sst s3  }
0xc: {  	[smem:$0x3FA7] =	sst s4  }
0xd: {  	[smem:$0x3FA8] =	sst s5  }
0xe: {  	[smem:$0x3FA9] =	sst s6  }
0xf: {  	[smem:$0x3FAA] =	sst s7  }
0x10: {  	[smem:$0x3FAB] =	sst s8  }
0x11: {  	[smem:$0x3FAC] =	sst s9;
	s0 =	simm.s32 @!p0 $0x0  }
0x12: {  	s1 =	sld [smem:$0x3F92];
	s0 =	simm.s32 @p0 $0x1  }
0x13: {  	[smem:$0x3FAD] =	sst s0;
	s0 =	simm.s32 @!p1 $0x0  }
0x14: {  	s2 =	sld [smem:$0x3F91];
	s0 =	simm.s32 @p1 $0x1  }
0x15: {  	[smem:$0x3FAE] =	sst s0;
	s0 =	simm.s32 @!p2 $0x0  }
0x16: {  	s3 =	sld [smem:$0x3FDB];
	s0 =	simm.s32 @p2 $0x1  }
0x17: {  	s4 =	simm.s32 $0x1BF5;
	[smem:$0x3FB0] =	sst s0  }
0x18: {  	s0 =	sld [smem:$0x3F93];
	_ =	swait.ge [sflag:s4], $0x0  }
0x19: {  	s7 =	sld [smem:$0x3F94]  }
0x1a: {  	s8 =	sadd.s32 $0xFFFFE003, lr  }
0x1b: {  	s9 =	sadd.s32 $0xFFFFFEF7, lr;
	s5 =	simm.s32 $0xFFFFFFFF;
	p2 =	slt.u32 s8, $0xFFFFF086  }
0x1c: {  	p1 =	slt.u32 s9, $0xF7A;
	s5 =	simm.s32 @!p2 $0x0  }
0x1d: {  	s5 =	simm.s32 @p1 $0x1;
	p0 =	seq.s32 s7, s2  }
0x1e: {  	s7 =	smul.u32 @!p0 $0xF7A, s2;
	p2 =	seq.s32 @!p0 s5, $0x0  }
0x1f: {  	s9 =	smul.u32 $0xF7A, s1;
	s8 =	simm.s32 @!p0 $0x1BF5;
	p2 =	por !p2, p0  }
0x20: {  	[sflag:s8] =	ssyncset.s32 @!p0 $0xFFFFF086;
	s6 =	sadd.s32 @!p0 s3, s7;
	s7 =	simm.s32 @!p0 $0x108  }
0x21: {  	s3 =	sadd.s32 s3, s9;
	s6 =	sadd.s32 @!p0 $0x88, s6;
	s7 =	simm.s32 @p2 $0x1082  }
0x22: {  	[simem:s7], [sflag:s8] =	dma.local @!p0 [hbm:s6], $0xF7A  }
0x23: {  	s9 =	sor.u32 $0xD0000000, s2;
	s6 =	simm.s32 $0x108;
	_ =	swait.ge @!p0 [sflag:s8], $0x0  }
0x24: {  	s3 =	sadd.s32 $0x88, s3;
	s6 =	simm.s32 @!p1 $0x1082;
	[sflag:s4] =	ssyncset.s32 $0xFFFFF086  }
0x25: {  	[simem:s6], [sflag:s4] =	dma.local [hbm:s3], $0xF7A  }
0x26: {  	[smem:$0x3F94] =	sst s1;
	(tag) =	ssettag s2;
	_ =	strace s9  }
0x27: {  	s1 =	sld [smem:$0x3FA4]  }
0x28: {  	s2 =	sld [smem:$0x3FA5]  }
0x29: {  	s4 =	sld [smem:$0x3FA7]  }
0x2a: {  	p0 =	seq.s32 s5, $0x0;
	s5 =	sld [smem:$0x3FA8]  }
0x2b: {  	s6 =	sld [smem:$0x3FA9]  }
0x2c: {  	s7 =	sld [smem:$0x3FAA]  }
0x2d: {  	s3 =	simm.s32 $0x108;
	s8 =	sld [smem:$0x3FAB]  }
0x2e: {  	s3 =	simm.s32 @!p0 $0x1082;
	s9 =	sld [smem:$0x3FAC]  }
0x2f: {  	lr =	sadd.s32 s0, s3;
	s0 =	sld [smem:$0x3FA3]  }
0x30: {  	s3 =	sld [smem:$0x3FA6]  }
0x31: {  	[smem:$0x3FAF] =	sst s10  }
0x32: {  	s10 =	sld [smem:$0x3FAD];
	_ =	sdelay $0x3  }
0x33: {  	p0 =	seq.s32 s10, $0x1;
	s10 =	sld [smem:$0x3FAF];
	_ =	sdelay $0x3  }
0x34: {  	[smem:$0x3FAF] =	sst s10  }
0x35: {  	s10 =	sld [smem:$0x3FAE];
	_ =	sdelay $0x3  }
0x36: {  	p1 =	seq.s32 s10, $0x1;
	s10 =	sld [smem:$0x3FAF];
	_ =	sdelay $0x3  }
0x37: {  	[smem:$0x3FAF] =	sst s10  }
0x38: {  	s10 =	sld [smem:$0x3FB0]  }
0x39: {  	_ = 	snop;
	(pc) =	sbr.ind lr, $3  }
0x3a: {  	_ = 	snop  }
0x3b: {  	_ = 	snop  }
0x3c: {  	p2 =	seq.s32 s10, $0x1;
	s10 =	sld [smem:$0x3FAF]  }
0x3d: {  	_ =	shalt  }
0x3e: {  	_ =	shalt  }
0x3f: {  	_ =	shalt  }
0x40: {  	_ =	shalt  }
0x41: {  	_ =	shalt  }
0x42: {  	_ =	shalt  }
0x43: {  	_ =	shalt  }
0x44: {  	_ =	shalt  }
0x45: {  	_ =	shalt  }
0x46: {  	_ =	shalt  }
0x47: {  	_ =	shalt  }
0x48: {  	_ =	shalt  }
0x49: {  	_ =	shalt  }
0x4a: {  	_ =	shalt  }
0x4b: {  	_ =	shalt  }
0x4c: {  	_ =	shalt  }
0x4d: {  	_ =	shalt  }
0x4e: {  	_ =	shalt  }
0x4f: {  	_ =	shalt  }
0x50: {  	_ =	shalt  }
0x51: {  	_ =	shalt  }
0x52: {  	_ =	shalt  }
0x53: {  	_ =	shalt  }
0x54: {  	_ =	shalt  }
0x55: {  	_ =	shalt  }
0x56: {  	_ =	shalt  }
0x57: {  	_ =	shalt  }
0x58: {  	_ =	shalt  }
0x59: {  	_ =	shalt  }
0x5a: {  	_ =	shalt  }
0x5b: {  	_ =	shalt  }
0x5c: {  	_ =	shalt  }
0x5d: {  	_ =	shalt  }
0x5e: {  	_ =	shalt  }
0x5f: {  	_ =	shalt  }
0x60: {  	_ =	shalt  }
0x61: {  	_ =	shalt  }
0x62: {  	_ =	shalt  }
0x63: {  	_ =	shalt  }
0x64: {  	_ =	shalt  }
0x65: {  	_ =	shalt  }
0x66: {  	_ =	shalt  }
0x67: {  	_ =	shalt  }
0x68: {  	_ =	shalt  }
0x69: {  	_ =	shalt  }
0x6a: {  	_ =	shalt  }
0x6b: {  	_ =	shalt  }
0x6c: {  	_ =	shalt  }
0x6d: {  	_ =	shalt  }
0x6e: {  	_ =	shalt  }
0x6f: {  	_ =	shalt  }
0x70: {  	_ =	shalt  }
0x71: {  	_ =	shalt  }
0x72: {  	_ =	shalt  }
0x73: {  	_ =	shalt  }
0x74: {  	_ =	shalt  }
0x75: {  	_ =	shalt  }
0x76: {  	_ =	shalt  }
0x77: {  	_ =	shalt  }
0x78: {  	_ =	shalt  }
0x79: {  	_ =	shalt  }
0x7a: {  	_ =	shalt  }
0x7b: {  	_ =	shalt  }
0x7c: {  	_ =	shalt  }
0x7d: {  	_ =	shalt  }
0x7e: {  	_ =	shalt  }
0x7f: {  	_ =	shalt  }
0x80: {  	_ =	shalt  }
0x81: {  	_ =	shalt  }
0x82: {  	_ =	shalt  }
0x83: {  	_ =	shalt  }
0x84: {  	_ =	shalt  }
0x85: {  	_ =	shalt  }
0x86: {  	_ =	shalt  }
0x87: {  	_ =	shalt  }
.Lfunc_end0:
.L_simem_size_0:
called_computation.2_lowered:
.L_overlay_start_0:
0x88: {  	s2 =	sld [smem:$0x3FD9]  }
0x89: {  	s3 =	sld [smem:$0x3FFE];
	_ =	sdelay $0x1  }
0x8a: {  	s1 =	srdreg.scid  }
0x8b: {  	s0 =	sand.u32 $0x1, s1  }
0x8c: {  	s14 =	sshll.u32 s0, $0xA;
	s2 =	sadd.s32 s3, s2  }
0x8d: {  	s2 =	sadd.s32 s2, s14  }
0x8e: {  	[smem:$0x3FBB] =	sst s2  }
0x8f: {  	_ = 	snop  }
0x90: {  	s2 =	sld [smem:$0x3FD0];
	_ =	sdelay $0x2  }
0x91: {  	s15 =	simm.s32 $0xA;
	s4 =	simm.s32 $0x10  }
0x92: {  	[smem:s4], [sflag:s15] =	dma.local [hbm:s2], $0x1  }
0x93: {  	_ =	swait.eq [sflag:s15], $0x1  }
0x94: {  	[sflag:s15] =	ssyncset.done $0x0  }
0x95: {  	[sflag:s15] =	ssyncadd.s32 $0xFFFFFFFF  }
0x96: {  	s16 =	sld [smem:$0x10];
	(tm) =	ssettm $0x1  }
0x97: {  	s17 =	sld [smem:$0x3FFB];
	_ =	sdelay $0x3  }
0x98: {  	_ =	strace s17  }
0x99: {  	s3 =	sld [smem:$0x3FFC];
	_ =	sdelay $0x3  }
0x9a: {  	_ =	strace s3  }
0x9b: {  	s3 =	sld [smem:$0x3FFD];
	_ =	sdelay $0x3  }
0x9c: {  	_ =	strace s3  }
0x9d: {  	_ =	strace $0x8FFFFFFF  }
0x9e: {  	s18 =	sld [smem:$0x3FDB];
	_ =	sdelay $0x1  }
0x9f: {  	s19 =	simm.s32 $_scs_section_size  }
0xa0: {  	s5 =	simm.s32 $_size__tile_overlayer_lowered;
	s6 =	simm.s32 $_tile_overlayer_lowered  }
0xa1: {  	s22 =	simm.s32 $0x1BFF;
	s21 =	sshll.u32 s6, $0x1;
	s3 =	sadd.s32 s19, s18  }
0xa2: {  	s7 =	simm.s32 $0x0;
	s20 =	sshll.u32 s5, $0x1;
	s5 =	sadd.s32 s21, s3  }
0xa3: {  	[timem:s7], [sflag:s22] =	dma.local [hbm:s5], s20  }
0xa4: {  	_ =	swait.ge [sflag:s22], s20  }
0xa5: {  	s4 =	ssub.s32 $0x0, s20;
	[sflag:s22] =	ssyncset.done $0x0  }
0xa6: {  	[sflag:s22] =	ssyncadd.s32 s4;
	_ =	sdelay $0x1  }
0xa7: {  	s23 =	simm.s32 $0x1B8B  }
0xa8: {  	_ =	swait.ge [sflag:s23], $0x1  }
0xa9: {  	[sflag:s23] =	ssyncset.done $0x0  }
0xaa: {  	s25 =	simm.s32 $0x1B8E;
	s24 =	sld [smem:$0x3FFE];
	[sflag:s23] =	ssyncadd.s32 $0xFFFFFFFF  }
0xab: {  	s26 =	simm.s32 $execute0_lowered;
	[smem:$0x3FD2] =	sst s25  }
0xac: {  	s5 =	sshll.u32 s26, $0x1;
	_ =	strace $0x8000004C;
	[dreg:$0x1] =	wrdreg $0xFFFFFFFF  }
0xad: {  	s28 =	simm.s32 $_size_execute0_lowered;
	s3 =	sadd.s32 s3, s5;
	[dreg:$0x0] =	wrdreg $0x0  }
0xae: {  	s5 =	sshll.u32 s28, $0x1;
	[dreg:$0x2] =	wrdreg s3  }
0xaf: {  	[dreg:$0x3] =	wrdreg s5  }
0xb0: {  	[dreg:$0x4] =	wrdreg $0xC0  }
0xb1: {  	_ =	task [dreg:s7], $0x5FFFF  }
0xb2: {  	[dreg:$0x1] =	wrdreg $0xFFFFFFFF  }
0xb3: {  	[dreg:$0x0] =	wrdreg $0x60  }
0xb4: {  	[dreg:$0x2] =	wrdreg s24  }
0xb5: {  	[dreg:$0x3] =	wrdreg s16  }
0xb6: {  	[dreg:$0x4] =	wrdreg $0xA8000  }
0xb7: {  	[dreg:$0x5] =	wrdreg $0x9  }
0xb8: {  	_ =	task.clear_ibuf [dreg:s7], $0x6FFFF;
	_ =	strace $0x9000004C  }
0xb9: {  	s29 =	simm.s32 $0x9;
	_ =	strace $0x8000004E  }
0xba: {  	_ =	swait.ge [sflag:s29], $0x1  }
0xbb: {  	[sflag:s29] =	ssyncadd.s32 $0xFFFFFFFF  }
0xbc: {  	_ =	strace $0x9000004E  }
0xbd: {  	_ =	sfence  }
0xbe: {  	s30 =	sld [smem:$0x0];
	_ =	sdelay $0x2  }
0xbf: {  	s31 =	sshll.u32 s1, $0xD;
	s1 =	sshrl.u32 s1, $0x2  }
0xc0: {  	s3 =	sand.u32 $0x4000, s31;
	s1 =	sadd.s32 s1, s30  }
0xc1: {  	s0 =	sor.u32 s3, s0;
	s1 =	sshll.u32 s1, $0x11  }
0xc2: {  	s0 =	sor.u32 s1, s0  }
0xc3: {  	s0 =	sadd.s32 $0x8F2B, s0  }
0xc4: {  	[sflag:s0] =	ssyncadd.remote.s32 $0x1  }
0xc5: {  	_ =	sfence.sel $0xFFFF  }
0xc6: {  	[dreg:$0x0] =	wrdreg $0xFFFFFFFF;
	(pc) =	sbr.abs _section_cstart, $3  }
0xc7: {  	[dreg:$0x1] =	wrdreg $0xFFFFFFFF  }
0xc8: {  	_ =	task.clear_ibuf [dreg:s7], $0x2FFFF;
	_ =	strace $0x9FFFFFFF  }
0xc9: {  	(tm) =	ssettm $0x7FFFFFFF  }
tec
execute0_lowered:
.L_overlay_start_1:
0x0: {  	(tag) =	ssettag $0x1  }
0x1: {  	s0 =	rddreg [dreg:$0x0]  }
0x2: {  	s3 =	rddreg [dreg:$0x1]  }
0x3: {  	s1 =	rddreg [dreg:$0x2];
	s2 =	simm.s32 $0x0  }
0x4: {  	s5 =	srdreg.scid;
	s9 =	stileid.u32;
	s28 =	simm.s32 $0x3  }
0x5: {  	s29 =	simm.s32 $0x4;
	s30 =	simm.s32 $0x2780;
	s31 =	simm.s32 $0x0  }
0x6: {  	[smem:$0x7FF] =	sst s2;
	s4 =	sadd.s32 $0x67800, s0;
	s10 =	sadd.s32 $0xD800, s0  }
0x7: {  	s11 =	sand.u32 $0x1, s5;
	s0 =	sadd.s32 $0x3800, s0;
	s6 =	smul.u32 $0x50000, s9  }
0x8: {  	s12 =	smul.u32 $0x14000, s9;
	_ =	strace $0x8000004D;
	s5 =	ssub.s32 $0x2, s11  }
0x9: {  	s8 =	sshll.u32 s11, $0x4;
	s20 =	smul.u32 $0x140000, s11;
	s7 =	sshrl.u32 s5, $0x1  }
0xa: {  	s8 =	sor.u32 s9, s8;
	s25 =	sshrl.u32 s6, $0x2;
	s13 =	sadd.s32 $0x4000, s12  }
0xb: {  	s16 =	sadd.s32 $0x8000, s12;
	s17 =	sadd.s32 $0xC000, s12;
	s18 =	sadd.s32 $0x10000, s12  }
0xc: {  	s19 =	ssub.s32 s5, s7;
	s5 =	sadd.s32 s25, s1;
	s14 =	smul.u32 $0x500, s8  }
0xd: {  	s6 =	sadd.s32 s13, s1;
	s7 =	sadd.s32 s16, s1;
	s15 =	smul.u32 $0x2800, s8  }
0xe: {  	s8 =	sadd.s32 s17, s1;
	s9 =	sadd.s32 s18, s1;
	s21 =	sadd.s32 s12, s20  }
0xf: {  	s13 =	sadd.s32 s20, s13;
	s24 =	sadd.s32 s20, s16;
	s25 =	sadd.s32 s20, s17  }
0x10: {  	s22 =	sshrl.u32 s21, $0x3;
	s23 =	sshrl.u32 s13, $0x3;
	s26 =	sadd.s32 s10, s14  }
0x11: {  	s19 =	smax.u32 s19, $0x1;
	s14 =	sadd.s32 s0, s14;
	[dreg:$0x4] =	wrdreg s26  }
0x12: {  	s21 =	simm.s32 $0x5;
	s15 =	sshrl.u32 s15, $0x3;
	[dreg:$0x5] =	wrdreg s14  }
0x13: {  	s14 =	sadd.s32 $0x280, s15;
	s15 =	sadd.s32 s3, s23;
	s26 =	sadd.s32 s20, s18  }
0x14: {  	s20 =	simm.s32 $0x2800;
	s23 =	simm.s32 $0x80;
	s12 =	sadd.s32 s10, s14  }
0x15: {  	s13 =	sadd.s32 s0, s14;
	s14 =	sadd.s32 s3, s22;
	s0 =	sshrl.u32 s24, $0x3  }
0x16: {  	s10 =	sshrl.u32 s25, $0x3;
	s18 =	sshrl.u32 s26, $0x3;
	s22 =	simm.s32 $0x1400  }
0x17: {  	s24 =	simm.s32 $0x1;
	s25 =	simm.s32 $0x6800;
	s26 =	simm.s32 $0x2  }
0x18: {  	v0 =	vimm.f32 $0.0e+00;
	s16 =	sadd.s32 s3, s0;
	s17 =	sadd.s32 s3, s10;
	s18 =	sadd.s32 s3, s18  }
.LBB2_1:
0x19: {  	s0 =	sand.u32 $0xFE00, s2  }
0x1a: {  	s3 =	sand.u32 $0x70, s2;
	s10 =	sshrl.u32 s0, $0x2  }
0x1b: {  	s0 =	simm.s32 $0x40;
	s10 =	sor.u32 s3, s10;
	s3 =	simm.s32 $0x0  }
.LBB2_2:
0x1c: {  	p0 =	sne.s32 s0, $0xFFC0  }
0x1d: {  	[tilespmem:s10+$0x2800] =	vst v0;
	s3 =	sadd.s32 $0x10, s3;
	s10 =	smov.u32 s0;
	s0 =	sadd.s32 $0x40, s0  }
.Ltmp0:
0x1e: {  	(pc) =	sbr.rel @p0 .LBB2_2-.Ltmp0, $4  }
0x1f: {  	_ = 	snop  }
0x20: {  	s10 =	sand.u32 $0xFE00, s10  }
0x21: {  	s11 =	sand.u32 $0x70, s3;
	s10 =	sshrl.u32 s10, $0x2  }
0x22: {  	s10 =	sor.u32 s11, s10  }
0x23: {  	[tilespmem:s10+$0x2800] =	vst v0  }
0x24: {  	[spmem:s5] =	stream.linear.scatter [tilespmem:s20], [sflag:$0x5], $0x4000, $0x38;
	[tilespmem:$0x1E800] =	vst v63  }
0x25: {  	_ =	swait.ge [sflag:s21], $0x4000  }
0x26: {  	[sflag:s21] =	ssyncset.done $0x0  }
0x27: {  	[sflag:s21] =	ssyncadd.s32 $0xFFFFC000  }
0x28: {  	[spmem:s6] =	stream.linear.scatter [tilespmem:s20], [sflag:$0x5], $0x4000, $0x38;
	[tilespmem:$0x1E800] =	vst v63  }
0x29: {  	_ =	swait.ge [sflag:s21], $0x4000  }
0x2a: {  	[sflag:s21] =	ssyncset.done $0x0  }
0x2b: {  	[sflag:s21] =	ssyncadd.s32 $0xFFFFC000  }
0x2c: {  	[spmem:s7] =	stream.linear.scatter [tilespmem:s20], [sflag:$0x5], $0x4000, $0x38;
	[tilespmem:$0x1E800] =	vst v63  }
0x2d: {  	_ =	swait.ge [sflag:s21], $0x4000  }
0x2e: {  	[sflag:s21] =	ssyncset.done $0x0  }
0x2f: {  	[sflag:s21] =	ssyncadd.s32 $0xFFFFC000  }
0x30: {  	[spmem:s8] =	stream.linear.scatter [tilespmem:s20], [sflag:$0x5], $0x4000, $0x38;
	[tilespmem:$0x1E800] =	vst v63  }
0x31: {  	_ =	swait.ge [sflag:s21], $0x4000  }
0x32: {  	[sflag:s21] =	ssyncset.done $0x0  }
0x33: {  	[sflag:s21] =	ssyncadd.s32 $0xFFFFC000  }
0x34: {  	[spmem:s9] =	stream.linear.scatter [tilespmem:s20], [sflag:$0x5], $0x4000, $0x38;
	[tilespmem:$0x1E800] =	vst v63  }
0x35: {  	_ =	swait.ge [sflag:s21], $0x4000  }
0x36: {  	[sflag:s21] =	ssyncset.done $0x0  }
0x37: {  	[sflag:s21] =	ssyncadd.s32 $0xFFFFC000  }
0x38: {  	[bflag:$0x0] =	sbarrier.arrive $0xFFFF  }
0x39: {  	s0 =	rddreg [dreg:$0x4]  }
0x3a: {  	[tilespmem:s2], [sflag:$0x5] =	stream.linear.gather [hbm4b:s0+s2], $0x1400, $0x38;
	[tilespmem:$0x1E800] =	vst v63  }
0x3b: {  	_ =	swait.ge [sflag:s21], $0x1400  }
0x3c: {  	[sflag:s21] =	ssyncset.done $0x0  }
0x3d: {  	s11 =	rddreg [dreg:$0x5];
	[sflag:s21] =	ssyncadd.s32 $0xFFFFEC00  }
0x3e: {  	[tilespmem:s22], [sflag:$0x5] =	stream.linear.gather [hbm4b:s11+s2], $0x1400, $0x38;
	[tilespmem:$0x1E800] =	vst v63  }
0x3f: {  	_ =	swait.ge [sflag:s21], $0x1400  }
0x40: {  	[sflag:s21] =	ssyncset.done $0x0  }
0x41: {  	[sflag:s21] =	ssyncadd.s32 $0xFFFFEC00  }
0x42: {  	[tilespmem:s20], [sflag:$0x1] =	stream.indirect.gather [hbm4b:s4+s23], $0x80, s2, s23, $0xb8;
	[tilespmem:$0x1E800] =	vst v63  }
0x43: {  	_ =	swait.ge [sflag:s24], $0x4000  }
0x44: {  	[sflag:s24] =	ssyncset.done $0x0  }
0x45: {  	[sflag:s24] =	ssyncadd.s32 $0xFFFFC000  }
0x46: {  	[spmem:s1] =	stream.indirect.scatter.add.f32 [tilespmem:s20], [sflag:$0x3], $0x80, s22, s23, $0xb8;
	[tilespmem:$0x1E800] =	vst v63  }
0x47: {  	_ = 	snop  }
0x48: {  	[tilespmem:s25], [sflag:$0x2] =	stream.indirect.gather [hbm4b:s4+s23], $0x80, s23, s23, $0xb8;
	[tilespmem:$0x1E800] =	vst v63  }
0x49: {  	_ =	swait.ge [sflag:s26], $0x4000  }
0x4a: {  	[sflag:s26] =	ssyncset.done $0x0  }
0x4b: {  	s3 =	simm.s32 $0x1480;
	[sflag:s26] =	ssyncadd.s32 $0xFFFFC000  }
0x4c: {  	[spmem:s1] =	stream.indirect.scatter.add.f32 [tilespmem:s25], [sflag:$0x4], $0x80, s3, s23, $0xb8;
	[tilespmem:$0x1E800] =	vst v63  }
0x4d: {  	_ =	swait.ge [sflag:s28], $0x4000  }
0x4e: {  	[sflag:s28] =	ssyncset.done $0x0  }
0x4f: {  	s10 =	simm.s32 $0x100;
	[sflag:s28] =	ssyncadd.s32 $0xFFFFC000  }
0x50: {  	[tilespmem:s20], [sflag:$0x1] =	stream.indirect.gather [hbm4b:s4+s23], $0x80, s10, s23, $0xb8;
	[tilespmem:$0x1E800] =	vst v63  }
0x51: {  	_ =	swait.ge [sflag:s24], $0x4000  }
0x52: {  	[sflag:s24] =	ssyncset.done $0x0  }
0x53: {  	s11 =	simm.s32 $0x1500;
	[sflag:s24] =	ssyncadd.s32 $0xFFFFC000  }
0x54: {  	[spmem:s1] =	stream.indirect.scatter.add.f32 [tilespmem:s20], [sflag:$0x3], $0x80, s11, s23, $0xb8;
	[tilespmem:$0x1E800] =	vst v63  }
0x55: {  	_ =	swait.ge [sflag:s29], $0x4000  }
0x56: {  	[sflag:s29] =	ssyncset.done $0x0  }
0x57: {  	s0 =	simm.s32 $0xFFFFB800;
	s3 =	simm.s32 $0x180;
	[sflag:s29] =	ssyncadd.s32 $0xFFFFC000  }
.LBB2_4:
0x58: {  	[tilespmem:s25], [sflag:$0x2] =	stream.indirect.gather [hbm4b:s4+s23], $0x80, s3, s23, $0xb8;
	[tilespmem:$0x1E800] =	vst v63  }
0x59: {  	s3 =	smov.u32 s0  }
0x5a: {  	p0 =	sne.s32 s0, $0xFFFFFC00;
	s0 =	sadd.s32 $0x400, s0;
	_ =	swait.ge [sflag:s26], $0x4000  }
0x5b: {  	s3 =	sshra.s32 s3, $0x2;
	[sflag:s26] =	ssyncset.done $0x0  }
0x5c: {  	s10 =	sadd.s32 $0x2780, s3;
	[sflag:s26] =	ssyncadd.s32 $0xFFFFC000  }
0x5d: {  	[spmem:s1] =	stream.indirect.scatter.add.f32 [tilespmem:s25], [sflag:$0x4], $0x80, s10, s23, $0xb8;
	[tilespmem:$0x1E800] =	vst v63  }
0x5e: {  	_ =	swait.ge [sflag:s28], $0x4000  }
0x5f: {  	[sflag:s28] =	ssyncset.done $0x0  }
0x60: {  	s10 =	sadd.s32 $0x1400, s3;
	[sflag:s28] =	ssyncadd.s32 $0xFFFFC000  }
0x61: {  	[tilespmem:s20], [sflag:$0x1] =	stream.indirect.gather [hbm4b:s4+s23], $0x80, s10, s23, $0xb8;
	[tilespmem:$0x1E800] =	vst v63  }
0x62: {  	_ =	swait.ge [sflag:s24], $0x4000  }
0x63: {  	[sflag:s24] =	ssyncset.done $0x0  }
.Ltmp1:
0x64: {  	s10 =	sadd.s32 $0x2800, s3;
	[sflag:s24] =	ssyncadd.s32 $0xFFFFC000;
	(pc) =	sbr.rel @p0 .LBB2_4-.Ltmp1, $4  }
0x65: {  	[spmem:s1] =	stream.indirect.scatter.add.f32 [tilespmem:s20], [sflag:$0x3], $0x80, s10, s23, $0xb8;
	[tilespmem:$0x1E800] =	vst v63  }
0x66: {  	_ =	swait.ge [sflag:s29], $0x4000  }
0x67: {  	[sflag:s29] =	ssyncset.done $0x0  }
0x68: {  	s3 =	sadd.s32 $0x1480, s3;
	[sflag:s29] =	ssyncadd.s32 $0xFFFFC000  }
0x69: {  	[tilespmem:s25], [sflag:$0x2] =	stream.indirect.gather [hbm4b:s4+s23], $0x80, s3, s23, $0xb8;
	[tilespmem:$0x1E800] =	vst v63  }
0x6a: {  	_ =	swait.ge [sflag:s26], $0x4000  }
0x6b: {  	[sflag:s26] =	ssyncset.done $0x0  }
0x6c: {  	[sflag:s26] =	ssyncadd.s32 $0xFFFFC000  }
0x6d: {  	[spmem:s1] =	stream.indirect.scatter.add.f32 [tilespmem:s25], [sflag:$0x4], $0x80, s30, s23, $0xb8;
	[tilespmem:$0x1E800] =	vst v63  }
0x6e: {  	_ =	swait.ge [sflag:s28], $0x4000  }
0x6f: {  	[sflag:s28] =	ssyncset.done $0x0  }
0x70: {  	[sflag:s28] =	ssyncadd.s32 $0xFFFFC000  }
0x71: {  	_ =	swait.ge [sflag:s29], $0x4000  }
0x72: {  	[sflag:s29] =	ssyncset.done $0x0  }
0x73: {  	[sflag:s29] =	ssyncadd.s32 $0xFFFFC000  }
0x74: {  	[tilespmem:s2], [sflag:$0x5] =	stream.linear.gather [hbm4b:s12+s2], $0x1400, $0x38;
	[tilespmem:$0x1E800] =	vst v63  }
0x75: {  	_ =	swait.ge [sflag:s21], $0x1400  }
0x76: {  	[sflag:s21] =	ssyncset.done $0x0  }
0x77: {  	[sflag:s21] =	ssyncadd.s32 $0xFFFFEC00  }
0x78: {  	[tilespmem:s22], [sflag:$0x5] =	stream.linear.gather [hbm4b:s13+s2], $0x1400, $0x38;
	[tilespmem:$0x1E800] =	vst v63  }
0x79: {  	_ =	swait.ge [sflag:s21], $0x1400  }
0x7a: {  	[sflag:s21] =	ssyncset.done $0x0  }
0x7b: {  	[sflag:s21] =	ssyncadd.s32 $0xFFFFEC00  }
0x7c: {  	[tilespmem:s20], [sflag:$0x1] =	stream.indirect.gather [hbm4b:s4+s23], $0x80, s2, s23, $0xb8;
	[tilespmem:$0x1E800] =	vst v63  }
0x7d: {  	_ =	swait.ge [sflag:s24], $0x4000  }
0x7e: {  	[sflag:s24] =	ssyncset.done $0x0  }
0x7f: {  	[sflag:s24] =	ssyncadd.s32 $0xFFFFC000  }
0x80: {  	[spmem:s1] =	stream.indirect.scatter.add.f32 [tilespmem:s20], [sflag:$0x3], $0x80, s22, s23, $0xb8;
	[tilespmem:$0x1E800] =	vst v63  }
0x81: {  	_ = 	snop  }
0x82: {  	[tilespmem:s25], [sflag:$0x2] =	stream.indirect.gather [hbm4b:s4+s23], $0x80, s23, s23, $0xb8;
	[tilespmem:$0x1E800] =	vst v63  }
0x83: {  	_ =	swait.ge [sflag:s26], $0x4000  }
0x84: {  	[sflag:s26] =	ssyncset.done $0x0  }
0x85: {  	s0 =	simm.s32 $0x1480;
	[sflag:s26] =	ssyncadd.s32 $0xFFFFC000  }
0x86: {  	[spmem:s1] =	stream.indirect.scatter.add.f32 [tilespmem:s25], [sflag:$0x4], $0x80, s0, s23, $0xb8;
	[tilespmem:$0x1E800] =	vst v63  }
0x87: {  	_ =	swait.ge [sflag:s28], $0x4000  }
0x88: {  	[sflag:s28] =	ssyncset.done $0x0  }
0x89: {  	s10 =	simm.s32 $0x100;
	[sflag:s28] =	ssyncadd.s32 $0xFFFFC000  }
0x8a: {  	[tilespmem:s20], [sflag:$0x1] =	stream.indirect.gather [hbm4b:s4+s23], $0x80, s10, s23, $0xb8;
	[tilespmem:$0x1E800] =	vst v63  }
0x8b: {  	_ =	swait.ge [sflag:s24], $0x4000  }
0x8c: {  	[sflag:s24] =	ssyncset.done $0x0  }
0x8d: {  	s11 =	simm.s32 $0x1500;
	[sflag:s24] =	ssyncadd.s32 $0xFFFFC000  }
0x8e: {  	[spmem:s1] =	stream.indirect.scatter.add.f32 [tilespmem:s20], [sflag:$0x3], $0x80, s11, s23, $0xb8;
	[tilespmem:$0x1E800] =	vst v63  }
0x8f: {  	_ =	swait.ge [sflag:s29], $0x4000  }
0x90: {  	[sflag:s29] =	ssyncset.done $0x0  }
0x91: {  	s3 =	simm.s32 $0x180;
	s0 =	simm.s32 $0xFFFFB800;
	[sflag:s29] =	ssyncadd.s32 $0xFFFFC000  }
.LBB2_6:
0x92: {  	[tilespmem:s25], [sflag:$0x2] =	stream.indirect.gather [hbm4b:s4+s23], $0x80, s3, s23, $0xb8;
	[tilespmem:$0x1E800] =	vst v63  }
0x93: {  	s3 =	smov.u32 s0  }
0x94: {  	p0 =	sne.s32 s0, $0xFFFFFC00;
	s0 =	sadd.s32 $0x400, s0;
	_ =	swait.ge [sflag:s26], $0x4000  }
0x95: {  	s3 =	sshra.s32 s3, $0x2;
	[sflag:s26] =	ssyncset.done $0x0  }
0x96: {  	s10 =	sadd.s32 $0x2780, s3;
	[sflag:s26] =	ssyncadd.s32 $0xFFFFC000  }
0x97: {  	[spmem:s1] =	stream.indirect.scatter.add.f32 [tilespmem:s25], [sflag:$0x4], $0x80, s10, s23, $0xb8;
	[tilespmem:$0x1E800] =	vst v63  }
0x98: {  	_ =	swait.ge [sflag:s28], $0x4000  }
0x99: {  	[sflag:s28] =	ssyncset.done $0x0  }
0x9a: {  	s10 =	sadd.s32 $0x1400, s3;
	[sflag:s28] =	ssyncadd.s32 $0xFFFFC000  }
0x9b: {  	[tilespmem:s20], [sflag:$0x1] =	stream.indirect.gather [hbm4b:s4+s23], $0x80, s10, s23, $0xb8;
	[tilespmem:$0x1E800] =	vst v63  }
0x9c: {  	_ =	swait.ge [sflag:s24], $0x4000  }
0x9d: {  	[sflag:s24] =	ssyncset.done $0x0  }
.Ltmp2:
0x9e: {  	s10 =	sadd.s32 $0x2800, s3;
	[sflag:s24] =	ssyncadd.s32 $0xFFFFC000;
	(pc) =	sbr.rel @p0 .LBB2_6-.Ltmp2, $4  }
0x9f: {  	[spmem:s1] =	stream.indirect.scatter.add.f32 [tilespmem:s20], [sflag:$0x3], $0x80, s10, s23, $0xb8;
	[tilespmem:$0x1E800] =	vst v63  }
0xa0: {  	_ =	swait.ge [sflag:s29], $0x4000  }
0xa1: {  	[sflag:s29] =	ssyncset.done $0x0  }
0xa2: {  	s3 =	sadd.s32 $0x1480, s3;
	[sflag:s29] =	ssyncadd.s32 $0xFFFFC000  }
0xa3: {  	[tilespmem:s25], [sflag:$0x2] =	stream.indirect.gather [hbm4b:s4+s23], $0x80, s3, s23, $0xb8;
	[tilespmem:$0x1E800] =	vst v63  }
0xa4: {  	_ =	swait.ge [sflag:s26], $0x4000  }
0xa5: {  	[sflag:s26] =	ssyncset.done $0x0  }
0xa6: {  	[sflag:s26] =	ssyncadd.s32 $0xFFFFC000  }
0xa7: {  	[spmem:s1] =	stream.indirect.scatter.add.f32 [tilespmem:s25], [sflag:$0x4], $0x80, s30, s23, $0xb8;
	[tilespmem:$0x1E800] =	vst v63  }
0xa8: {  	_ =	swait.ge [sflag:s28], $0x4000  }
0xa9: {  	[sflag:s28] =	ssyncset.done $0x0  }
0xaa: {  	[sflag:s28] =	ssyncadd.s32 $0xFFFFC000  }
0xab: {  	_ =	swait.ge [sflag:s29], $0x4000  }
0xac: {  	[sflag:s29] =	ssyncset.done $0x0  }
0xad: {  	[sflag:s29] =	ssyncadd.s32 $0xFFFFC000  }
0xae: {  	[bflag:$0x0] =	sbarrier.arrive $0xFFFF  }
0xaf: {  	[tilespmem:s20], [sflag:$0x5] =	stream.linear.gather [spmem:s5], $0x4000, $0x38;
	[tilespmem:$0x1E800] =	vst v63  }
0xb0: {  	_ =	swait.ge [sflag:s21], $0x4000  }
0xb1: {  	[sflag:s21] =	ssyncset.done $0x0  }
0xb2: {  	[sflag:s21] =	ssyncadd.s32 $0xFFFFC000  }
0xb3: {  	[hbm4b:s14+s2] =	stream.linear.scatter [tilespmem:s20], [sflag:$0x5], $0x4000, $0x38;
	[tilespmem:$0x1E800] =	vst v63  }
0xb4: {  	_ =	swait.ge [sflag:s21], $0x4000  }
0xb5: {  	[sflag:s21] =	ssyncset.done $0x0  }
0xb6: {  	[sflag:s21] =	ssyncadd.s32 $0xFFFFC000  }
0xb7: {  	[tilespmem:s20], [sflag:$0x5] =	stream.linear.gather [spmem:s6], $0x4000, $0x38;
	[tilespmem:$0x1E800] =	vst v63  }
0xb8: {  	_ =	swait.ge [sflag:s21], $0x4000  }
0xb9: {  	[sflag:s21] =	ssyncset.done $0x0  }
0xba: {  	[sflag:s21] =	ssyncadd.s32 $0xFFFFC000  }
0xbb: {  	[hbm4b:s15+s2] =	stream.linear.scatter [tilespmem:s20], [sflag:$0x5], $0x4000, $0x38;
	[tilespmem:$0x1E800] =	vst v63  }
0xbc: {  	_ =	swait.ge [sflag:s21], $0x4000  }
0xbd: {  	[sflag:s21] =	ssyncset.done $0x0  }
0xbe: {  	[sflag:s21] =	ssyncadd.s32 $0xFFFFC000  }
0xbf: {  	[tilespmem:s20], [sflag:$0x5] =	stream.linear.gather [spmem:s7], $0x4000, $0x38;
	[tilespmem:$0x1E800] =	vst v63  }
0xc0: {  	_ =	swait.ge [sflag:s21], $0x4000  }
0xc1: {  	[sflag:s21] =	ssyncset.done $0x0  }
0xc2: {  	[sflag:s21] =	ssyncadd.s32 $0xFFFFC000  }
0xc3: {  	[hbm4b:s16+s2] =	stream.linear.scatter [tilespmem:s20], [sflag:$0x5], $0x4000, $0x38;
	[tilespmem:$0x1E800] =	vst v63  }
0xc4: {  	_ =	swait.ge [sflag:s21], $0x4000  }
0xc5: {  	[sflag:s21] =	ssyncset.done $0x0  }
0xc6: {  	[sflag:s21] =	ssyncadd.s32 $0xFFFFC000  }
0xc7: {  	[tilespmem:s20], [sflag:$0x5] =	stream.linear.gather [spmem:s8], $0x4000, $0x38;
	[tilespmem:$0x1E800] =	vst v63  }
0xc8: {  	_ =	swait.ge [sflag:s21], $0x4000  }
0xc9: {  	[sflag:s21] =	ssyncset.done $0x0  }
0xca: {  	[sflag:s21] =	ssyncadd.s32 $0xFFFFC000  }
0xcb: {  	[hbm4b:s17+s2] =	stream.linear.scatter [tilespmem:s20], [sflag:$0x5], $0x4000, $0x38;
	[tilespmem:$0x1E800] =	vst v63  }
0xcc: {  	_ =	swait.ge [sflag:s21], $0x4000  }
0xcd: {  	[sflag:s21] =	ssyncset.done $0x0  }
0xce: {  	[sflag:s21] =	ssyncadd.s32 $0xFFFFC000  }
0xcf: {  	[tilespmem:s20], [sflag:$0x5] =	stream.linear.gather [spmem:s9], $0x4000, $0x38;
	[tilespmem:$0x1E800] =	vst v63  }
0xd0: {  	s31 =	sadd.s32 $0x1, s31;
	_ =	swait.ge [sflag:s21], $0x4000  }
0xd1: {  	p0 =	sne.s32 s31, s19;
	[sflag:s21] =	ssyncset.done $0x0  }
.Ltmp3:
0xd2: {  	[sflag:s21] =	ssyncadd.s32 $0xFFFFC000;
	(pc) =	sbr.rel @p0 .LBB2_1-.Ltmp3, $4  }
0xd3: {  	[hbm4b:s18+s2] =	stream.linear.scatter [tilespmem:s20], [sflag:$0x5], $0x4000, $0x38;
	[tilespmem:$0x1E800] =	vst v63  }
0xd4: {  	_ =	swait.ge [sflag:s21], $0x4000  }
0xd5: {  	[sflag:s21] =	ssyncset.done $0x0  }
0xd6: {  	[sflag:s21] =	ssyncadd.s32 $0xFFFFC000  }
0xd7: {  	_ =	sfence.sel $0x180000  }
0xd8: {  	[bflag:$0x0] =	sbarrier.arrive $0xFFFF  }
0xd9: {  	_ =	strace $0x9000004D  }
0xda: {  	s0 =	stileid.u32;
	[bflag:$0x2] =	sbarrier.arrive $0xFFFF  }
0xdb: {  	p0 =	sne.s32 s0, $0x0;
	s0 =	rddreg [dreg:$0x3]  }
0xdc: {  	s0 =	sadd.s32 @!p0 $0x100000, s0  }
0xdd: {  	[sflag:s0] =	ssyncadd.tile.s32 @!p0 $0x1;
	_ =	shalt  }
.Lfunc_end2:
_tile_overlayer_lowered:
.L_overlay_start_2:
0xde: {  	(tag) =	ssettag $0x2  }
0xdf: {  	s0 =	rddreg [dreg:$0x0];
	s2 =	stileid.u32  }
0xe0: {  	s1 =	rddreg [dreg:$0x1];
	p0 =	sne.s32 s2, $0x0  }
0xe1: {  	s3 =	rddreg [dreg:$0x2];
	[bflag:$0x3] =	sbarrier.arrive $0xFFFF;
	s2 =	simm.s32 @!p0 $0x1C05  }
0xe2: {  	[timem:s3], [sflag:s2] =	dma.local @!p0 [hbm:s0], s1  }
0xe3: {  	s0 =	simm.s32 @!p0 $0x5  }
0xe4: {  	_ =	swait.ge @!p0 [sflag:s0], s1  }
0xe5: {  	s1 =	ssub.s32 @!p0 $0x0, s1;
	[sflag:s0] =	ssyncset.done @!p0 $0x0  }
0xe6: {  	[sflag:s0] =	ssyncadd.s32 @!p0 s1  }
0xe7: {  	[bflag:$0x3] =	sbarrier.arrive $0xFFFF  }
0xe8: {  	_ =	shalt  }

</sc_bundles>
